<compile_context>
chip_gen: v7x
topology: tpu7x:2x2x1
jax: 0.10.2.dev20260603
libtpu: 0.0.44.dev20260713+nightly
codegen_flags: <defaults>
</compile_context>

<pallas_src>
import functools

import jax
import jax.numpy as jnp
from jax import lax
from jax.experimental import pallas as pl
from jax.experimental.pallas import tpu as pltpu
from jax.experimental.pallas import tpu_sc as plsc

_D = 64
_NB = 100000
_NA = 1024
_BUCKETS = 1024
_CAP = 256
_NC = 2
_NS = 16
_NW = _NC * _NS
_RPW = 3200
_NPAD = _RPW * _NW
_NGRP = _RPW // 16
_HSIZE = 1040
_CROWS = 160
_CHUNKS = _RPW // _CROWS


def _iota16():
    return lax.broadcasted_iota(jnp.int32, (16,), 0)


def _sc1_body(keys_hbm, h_out, lp_out, hist_out,
              keys_v, h_v, lp_v, hist_v, sbufp, sbufn):
    c = lax.axis_index("c")
    s = lax.axis_index("s")
    w = s * _NC + c
    base_row = w * _RPW
    pltpu.sync_copy(keys_hbm.at[pl.ds(base_row * 4, _RPW * 4)], keys_v)
    iota = _iota16()
    zero = jnp.zeros((16,), jnp.int32)

    def zb(i, carry):
        hist_v[pl.ds(i * 16, 16)] = zero
        return carry

    lax.fori_loop(0, _HSIZE // 16, zb, 0)

    def grp(g, carry):
        row0 = g * 16
        ridx = row0 + iota
        ridx4 = ridx * 4
        k = plsc.load_gather(keys_v, [ridx4])
        for col in (1, 2, 3):
            k = k + plsc.load_gather(keys_v, [ridx4 + col])
        h = jnp.bitwise_and(k, _BUCKETS - 1)
        h = jnp.where(base_row + ridx < _NB, h, _BUCKETS)
        h_v[pl.ds(row0, 16)] = h
        hs, lid = plsc.sort_key_val(h, iota)
        sbufp[pl.ds(0, 16)] = hs
        sbufp[pl.ds(1, 16)] = hs
        prev = sbufp[pl.ds(0, 16)]
        sbufn[pl.ds(1, 16)] = hs
        sbufn[pl.ds(0, 16)] = hs
        nxt = sbufn[pl.ds(1, 16)]
        is_start = (hs != prev) | (iota == 0)
        is_last = (hs != nxt) | (iota == 15)
        start_pos = plsc.cummax(jnp.where(is_start, iota, 0))
        rank = iota - start_pos
        cur = plsc.load_gather(hist_v, [hs])
        lp_sorted = cur + rank
        plsc.store_scatter(hist_v, [hs], lp_sorted + 1, mask=is_last)
        plsc.store_scatter(lp_v, [row0 + lid], lp_sorted)
        return carry

    lax.fori_loop(0, _NGRP, grp, 0)
    pltpu.sync_copy(h_v, h_out.at[w])
    pltpu.sync_copy(lp_v, lp_out.at[w])
    pltpu.sync_copy(hist_v, hist_out.at[w])


_HD = _D // 2
def _sc2_body(h_hbm, lp_hbm, base_hbm, emb_hbm, outa, outb,
              base_v, h_v, lp_v, ebuf, acc_v, tmp4_v, slab, sem):
    c = lax.axis_index("c")
    s = lax.axis_index("s")
    w = s * _NC + c
    base_row = w * _RPW
    pltpu.sync_copy(h_hbm.at[w], h_v)
    pltpu.sync_copy(lp_hbm.at[w], lp_v)
    pltpu.sync_copy(base_hbm.at[w], base_v)
    zf = jnp.zeros((16,), jnp.float32)

    def grp(g, carry):
        row0 = g * 16
        h = h_v[pl.ds(row0, 16)]
        lpv = lp_v[pl.ds(row0, 16)]
        b = plsc.load_gather(base_v, [h])
        h_v[pl.ds(row0, 16)] = jnp.where(b + lpv < _CAP, h, _BUCKETS)
        return carry

    lax.fori_loop(0, _NGRP, grp, 0)

    for half in range(2):
        def zacc(i, carry):
            acc_v[pl.ds(i * 16, 16)] = zf
            return carry

        lax.fori_loop(0, _HSIZE * _HD // 16, zacc, 0)

        nlive = jnp.maximum(
            jnp.minimum((_NB - base_row) // _CROWS, _CHUNKS), 0)

        def _start(j):
            off = lax.rem(j, 2) * (_CROWS * _D)
            pltpu.async_copy(
                emb_hbm.at[pl.ds((base_row + j * _CROWS) * _D, _CROWS * _D)],
                ebuf.at[pl.ds(off, _CROWS * _D)],
                sem)

        def _wait(j):
            off = lax.rem(j, 2) * (_CROWS * _D)
            pltpu.make_async_copy(
                emb_hbm.at[pl.ds((base_row + j * _CROWS) * _D, _CROWS * _D)],
                ebuf.at[pl.ds(off, _CROWS * _D)],
                sem).wait()

        @pl.when(nlive > 0)
        def _prime():
            _start(0)

        def chunk_body(j, carry):
            @pl.when(j + 1 < nlive)
            def _next():
                _start(j + 1)

            _wait(j)
            off = lax.rem(j, 2) * (_CROWS * _D)

            def grp_add(g, jj):
                tgt16 = h_v[pl.ds(jj * _CROWS + g * 16, 16)]
                for l in range(16):
                    a0 = tgt16[l] * _HD
                    e0 = off + (g * 16 + l) * _D + half * _HD
                    for col in range(_HD // 16):
                        acc_v[pl.ds(a0 + col * 16, 16)] = (
                            acc_v[pl.ds(a0 + col * 16, 16)]
                            + ebuf[pl.ds(e0 + col * 16, 16)])
                return jj

            lax.fori_loop(0, _CROWS // 16, grp_add, j)
            return carry

        lax.fori_loop(0, nlive, chunk_body, 0)

        @pl.when(s == _NS - 1)
        def _pub4():
            pltpu.sync_copy(acc_v.at[pl.ds(1020 * _HD, 4 * _HD)], slab)

        plsc.subcore_barrier()

        @pl.when(s == _NS - 2)
        def _fold():
            pltpu.sync_copy(slab, tmp4_v)

            def f4(i, carry):
                acc_v[pl.ds(1020 * _HD + i * 16, 16)] = (
                    acc_v[pl.ds(1020 * _HD + i * 16, 16)]
                    + tmp4_v[pl.ds(i * 16, 16)])
                return carry

            lax.fori_loop(0, 4 * _HD // 16, f4, 0)

        plsc.subcore_barrier()

        @pl.when(s < _NS - 1)
        def _outa():
            pltpu.sync_copy(acc_v.at[pl.ds(0, _NA * _HD)],
                            outa.at[half, c, s])

        @pl.when(s == _NS - 1)
        def _outb():
            pltpu.sync_copy(acc_v.at[pl.ds(0, 1020 * _HD)], outb.at[half, c])


def _prefix_kernel(hist_ref, out_ref):
    x = hist_ref[...].astype(jnp.float32)
    tri = (
        jax.lax.broadcasted_iota(jnp.int32, (_NW, _NW), 0)
        > jax.lax.broadcasted_iota(jnp.int32, (_NW, _NW), 1)
    ).astype(jnp.float32)
    out_ref[...] = jnp.dot(
        tri, x, preferred_element_type=jnp.float32).astype(jnp.int32)


def _mlp_kernel(ta_ref, ka_ref, pa_ref, pb_ref, hist_ref,
                w1_ref, b1_ref, w2_ref, b2_ref, out_ref):
    ha = jnp.sum(ka_ref[...], axis=1) % _BUCKETS
    iota_b = lax.broadcasted_iota(jnp.int32, (_NA, _BUCKETS), 1)
    oh = (ha[:, None] == iota_b).astype(jnp.float32)
    halves = []
    for h in range(2):
        sh = jnp.sum(jnp.sum(pa_ref[h], axis=0), axis=0)
        t15 = jnp.concatenate(
            [pb_ref[h, 0] + pb_ref[h, 1], jnp.zeros((4, _HD), jnp.float32)],
            axis=0)
        halves.append(sh + t15)
    bsum = jnp.concatenate(halves, axis=1)
    agg_sum = jnp.dot(oh, bsum, preferred_element_type=jnp.float32)
    hist_f = hist_ref[...][:, :_BUCKETS].astype(jnp.float32)
    cnt_b = jnp.sum(hist_f, axis=0, keepdims=True)
    cnt_a = lax.dot_general(
        oh, cnt_b, (((1,), (1,)), ((), ())),
        preferred_element_type=jnp.float32)
    scale = 1.0 / jnp.maximum(jnp.minimum(cnt_a, float(_CAP)), 1.0)
    agg = agg_sum * scale
    w1 = w1_ref[...]
    x = (
        jnp.dot(ta_ref[...], w1[:_D], preferred_element_type=jnp.float32)
        + jnp.dot(agg, w1[_D:], preferred_element_type=jnp.float32)
        + b1_ref[...]
    )
    x = jnp.maximum(x, 0.0)
    out_ref[...] = (
        jnp.dot(x, w2_ref[...], preferred_element_type=jnp.float32)
        + b2_ref[...]
    )


def kernel(table_a_emb, table_b_emb, keys_a, keys_b, W1, b1, W2, b2):
    mesh = plsc.VectorSubcoreMesh(core_axis_name="c", subcore_axis_name="s")

    sc_params = pltpu.CompilerParams(needs_layout_passes=False)
    sc1 = functools.partial(
        pl.kernel,
        mesh=mesh,
        compiler_params=sc_params,
        out_type=[
            jax.ShapeDtypeStruct((_NW, _RPW), jnp.int32),
            jax.ShapeDtypeStruct((_NW, _RPW), jnp.int32),
            jax.ShapeDtypeStruct((_NW, _HSIZE), jnp.int32),
        ],
        scratch_types=[
            pltpu.VMEM((_RPW * 4,), jnp.int32),
            pltpu.VMEM((_RPW,), jnp.int32),
            pltpu.VMEM((_RPW,), jnp.int32),
            pltpu.VMEM((_HSIZE,), jnp.int32),
            pltpu.VMEM((32,), jnp.int32),
            pltpu.VMEM((32,), jnp.int32),
        ],
    )(_sc1_body)

    keys_pad = jnp.pad(keys_b, ((0, _NPAD - _NB), (0, 0))).reshape(_NPAD * 4)
    h_all, lp_all, hist = sc1(keys_pad)

    base = pl.pallas_call(
        _prefix_kernel,
        out_shape=jax.ShapeDtypeStruct((_NW, _HSIZE), jnp.int32),
    )(hist)

    sc2 = functools.partial(
        pl.kernel,
        mesh=mesh,
        compiler_params=sc_params,
    out_type=[
            jax.ShapeDtypeStruct((2, _NC, _NS - 1, _NA * _HD), jnp.float32),
            jax.ShapeDtypeStruct((2, _NC, 1020 * _HD), jnp.float32),
        ],
        scratch_types=[
            pltpu.VMEM((_HSIZE,), jnp.int32),
            pltpu.VMEM((_RPW,), jnp.int32),
            pltpu.VMEM((_RPW,), jnp.int32),
            pltpu.VMEM((2 * _CROWS * _D,), jnp.float32),
            pltpu.VMEM((_HSIZE * _HD,), jnp.float32),
            pltpu.VMEM((4 * _HD,), jnp.float32),
            pltpu.VMEM_SHARED((4 * _HD,), jnp.float32),
            pltpu.SemaphoreType.DMA,
        ],
    )(_sc2_body)

    pa, pb = sc2(h_all, lp_all, base, table_b_emb.reshape(_NB * _D))
    pa = pa.reshape(2, _NC, _NS - 1, _NA, _HD)
    pb = pb.reshape(2, _NC, 1020, _HD)

    out = pl.pallas_call(
        _mlp_kernel,
        out_shape=jax.ShapeDtypeStruct((_NA, _D), jnp.float32),
    )(
        table_a_emb,
        keys_a,
        pa,
        pb,
        hist,
        W1,
        b1.reshape(1, -1),
        W2,
        b2.reshape(1, -1),
    )
    return out

# --- scband reference (transcript-rebuilt; emitter-appended) ---
"""Pipeline reference for scband-relationship-encoder-44341242364566 (READ-ONLY COPY).

The authoritative reference and input builder live on the scoring server;
editing this copy changes nothing except your own understanding.
"""

import jax, jax.numpy as jnp
import numpy as np

D_MODEL = 64
HASH_BUCKETS = 1024
MAX_MATCHES = 256
BATCH_A = 1024
BATCH_B = 100000
N_KEYS = 4


def setup_inputs(seed: int = 0) -> dict:
    key = jax.random.key(seed)
    k1, k2, k3, k4, k5, k6 = jax.random.split(key, 6)
    table_a_emb = jax.random.normal(k1, (BATCH_A, D_MODEL), dtype=jnp.float32)
    table_b_emb = jax.random.normal(k2, (BATCH_B, D_MODEL), dtype=jnp.float32)
    keys_a = jax.random.randint(k3, (BATCH_A, N_KEYS), 0, 100000, dtype=jnp.int32)
    keys_b = jax.random.randint(k4, (BATCH_B, N_KEYS), 0, 100000, dtype=jnp.int32)
    # SimpleMLP params: d_in = 2*d_model, d_hidden = 2*d_model, n_hidden_layers=1, d_out = d_model
    d_in = 2 * D_MODEL
    d_hid = 2 * D_MODEL
    W1 = jax.random.normal(k5, (d_in, d_hid), dtype=jnp.float32) / np.sqrt(d_in)
    b1 = jnp.zeros((d_hid,), dtype=jnp.float32)
    W2 = jax.random.normal(k6, (d_hid, D_MODEL), dtype=jnp.float32) / np.sqrt(d_hid)
    b2 = jnp.zeros((D_MODEL,), dtype=jnp.float32)
    return {
        "table_a_emb": table_a_emb,
        "table_b_emb": table_b_emb,
        "keys_a": keys_a,
        "keys_b": keys_b,
        "W1": W1,
        "b1": b1,
        "W2": W2,
        "b2": b2,
    }


def _hash_match(keys_a, keys_b):
    # KeyMatcher._hash_match, vectorized. For each row of a, find indices j in b
    # with the same hash bucket, ascending order, padded with -1 (fixed cap MAX_MATCHES).
    hash_a = jnp.sum(keys_a, axis=1) % HASH_BUCKETS
    hash_b = jnp.sum(keys_b, axis=1) % HASH_BUCKETS
    mask = hash_a[:, None] == hash_b[None, :]  # (Ba, Bb) bool -- large, memory-bound
    nb = hash_b.shape[0]
    # score so that top_k returns the SMALLEST matching indices first (matches torch.where order)
    score = jnp.where(mask, nb - jnp.arange(nb, dtype=jnp.int32)[None, :], 0)
    vals, idx = jax.lax.top_k(score, MAX_MATCHES)
    match_indices = jnp.where(vals > 0, idx, -1)
    return match_indices


def reference(table_a_emb, table_b_emb, keys_a, keys_b, W1, b1, W2, b2):
    # KeyMatcher (hash matching)
    match_indices = _hash_match(keys_a, keys_b)  # (Ba, MAX_MATCHES) int, -1 padded
    # OneToManyEncoder with mean aggregation, vectorized
    valid = match_indices >= 0
    safe_idx = jnp.where(valid, match_indices, 0)
    gathered = jnp.take(table_b_emb, safe_idx, axis=0)  # (Ba, M, D) gather -- memory-bound
    gathered = gathered * valid[..., None].astype(table_b_emb.dtype)
    cnt = jnp.sum(valid, axis=1).astype(table_b_emb.dtype)
    agg = jnp.sum(gathered, axis=1) / jnp.maximum(cnt, 1.0)[:, None]
    agg = jnp.where(cnt[:, None] > 0, agg, 0.0)  # zeros(d_model) when no match
    combined = jnp.concatenate([table_a_emb, agg], axis=-1)
    # SimpleMLP (eval mode, dropout=0): Linear -> ReLU -> Linear
    h = jax.nn.relu(combined @ W1 + b1)
    out = h @ W2 + b2
    return out

if __name__ == "__main__":
    import jax
    _d = setup_inputs()
    print(jax.jit(kernel)(*tuple(_d.values())))

</pallas_src>

<mosaic_0001>
#map = affine_map<(d0, d1) -> (0)>
#map1 = affine_map<(d0, d1) -> (0, 0)>
module attributes {stable_mosaic.version = 14 : i64} {
  func.func @_sc1_body(%arg0: i32, %arg1: i32, %arg2: memref<409600xi32, #tpu.memory_space<hbm>>, %arg3: memref<32x3200xi32, #tpu.memory_space<hbm>>, %arg4: memref<32x3200xi32, #tpu.memory_space<hbm>>, %arg5: memref<32x1040xi32, #tpu.memory_space<hbm>>, %arg6: memref<12800xi32, #tpu.memory_space<vmem>>, %arg7: memref<3200xi32, #tpu.memory_space<vmem>>, %arg8: memref<3200xi32, #tpu.memory_space<vmem>>, %arg9: memref<1040xi32, #tpu.memory_space<vmem>>, %arg10: memref<32xi32, #tpu.memory_space<vmem>>, %arg11: memref<32xi32, #tpu.memory_space<vmem>>) attributes {dimension_semantics = [#tpu.dimension_semantics<core_parallel>, #tpu.dimension_semantics<subcore_parallel>], iteration_bounds = array<i64: 2, 16>, scalar_prefetch = 0 : i64, scratch_operands = 6 : i64, tpu.core_type = #tpu.core_type<sc_vector_subcore>, window_params = [{transform_indices = #map}, {transform_indices = #map1}, {transform_indices = #map1}, {transform_indices = #map1}]} {
    %mul3A = arith.constant 2 : i32
    %mul3A_0 = arith.muli %arg1, %mul3A : i32
    %add3A = arith.addi %mul3A_0, %arg0 : i32
    %mul3A_1 = arith.constant 3200 : i32
    %mul3A_2 = arith.muli %add3A, %mul3A_1 : i32
    %mul3A_3 = arith.constant 4 : i32
    %mul3A_4 = arith.muli %mul3A_2, %mul3A_3 : i32
    "tpu.region"() ({
      %run_scoped3A = tpu.sem_alloc : memref<!tpu.dma_semaphore, #tpu.memory_space<semaphore_mem>>
      %dma_start3A = tpu.memref_slice %arg2[%mul3A_4] : memref<409600xi32, #tpu.memory_space<hbm>> -> memref<12800xi32, #tpu.memory_space<hbm>>
      %dma_start3A_17 = tpu.memref_slice %arg2[%mul3A_4] : memref<409600xi32, #tpu.memory_space<hbm>> -> memref<12800xi32, #tpu.memory_space<hbm>>
      tpu.enqueue_dma source(%dma_start3A_17 : memref<12800xi32, #tpu.memory_space<hbm>>) target(%arg6 : memref<12800xi32, #tpu.memory_space<vmem>>) target_semaphore(%run_scoped3A : memref<!tpu.dma_semaphore, #tpu.memory_space<semaphore_mem>>)
      %dma_wait3A = tpu.memref_slice %arg2[%mul3A_4] : memref<409600xi32, #tpu.memory_space<hbm>> -> memref<12800xi32, #tpu.memory_space<hbm>>
      %dma_wait3A_18 = tpu.memref_slice %arg2[%mul3A_4] : memref<409600xi32, #tpu.memory_space<hbm>> -> memref<12800xi32, #tpu.memory_space<hbm>>
      tpu.wait_dma2 semaphore(%run_scoped3A : memref<!tpu.dma_semaphore, #tpu.memory_space<semaphore_mem>>) src(%dma_wait3A_18 : memref<12800xi32, #tpu.memory_space<hbm>>) dst(%arg6 : memref<12800xi32, #tpu.memory_space<vmem>>)
      tpu.yield
    }) : () -> ()
    %iota3A = tpu.iota {dimensions = array<i32: 0>} : vector<16xi32>
    %broadcast_in_dim3A = arith.constant 0 : i32
    %broadcast_in_dim3A_5 = vector.broadcast %broadcast_in_dim3A : i32 to vector<16xi32>
    %scan3A = arith.constant 0 : i32
    %scan3A_6 = arith.constant 0 : i32
    %scan3A_7 = arith.constant 65 : i32
    %scan3A_8 = arith.addi %scan3A_6, %scan3A_7 : i32
    %scan3A_9 = arith.constant 1 : i32
    scf.for %scan3A_17 = %scan3A_6 to %scan3A_8 step %scan3A_9  : i32 {
      %mul3A_18 = arith.constant 16 : i32
      %mul3A_19 = arith.muli %scan3A_17, %mul3A_18 : i32
      %swap3A = arith.index_cast %mul3A_19 : i32 to index
      %swap3A_20 = tpu.vector_load %arg9[%swap3A] {strides = array<i32>} : memref<1040xi32, #tpu.memory_space<vmem>>, vector<16xi32>,
      tpu.vector_store %arg9[%swap3A], %broadcast_in_dim3A_5 {strides = array<i32>} : memref<1040xi32, #tpu.memory_space<vmem>>, vector<16xi32>,
    }
    %scan3A_10 = arith.constant 65 : i32
    %scan3A_11 = arith.constant 0 : i32
    %scan3A_12 = arith.constant 0 : i32
    %scan3A_13 = arith.constant 200 : i32
    %scan3A_14 = arith.addi %scan3A_12, %scan3A_13 : i32
    %scan3A_15 = arith.constant 1 : i32
    scf.for %scan3A_17 = %scan3A_12 to %scan3A_14 step %scan3A_15  : i32 {
      %mul3A_18 = arith.constant 16 : i32
      %mul3A_19 = arith.muli %scan3A_17, %mul3A_18 : i32
      %add3A_20 = vector.broadcast %mul3A_19 : i32 to vector<16xi32>
      %add3A_21 = arith.addi %add3A_20, %iota3A : vector<16xi32>
      %mul3A_22 = arith.constant 4 : i32
      %mul3A_23 = vector.broadcast %mul3A_22 : i32 to vector<16xi32>
      %mul3A_24 = arith.muli %add3A_21, %mul3A_23 : vector<16xi32>
      %gather3A = tpu.vector_load_idx %arg6[%mul3A_24] : memref<12800xi32, #tpu.memory_space<vmem>>[vector<16xi32>], vector<16xi32>,
      %add3A_25 = arith.constant 1 : i32
      %add3A_26 = vector.broadcast %add3A_25 : i32 to vector<16xi32>
      %add3A_27 = arith.addi %mul3A_24, %add3A_26 : vector<16xi32>
      %gather3A_28 = tpu.vector_load_idx %arg6[%add3A_27] : memref<12800xi32, #tpu.memory_space<vmem>>[vector<16xi32>], vector<16xi32>,
      %add3A_29 = arith.addi %gather3A, %gather3A_28 : vector<16xi32>
      %add3A_30 = arith.constant 2 : i32
      %add3A_31 = vector.broadcast %add3A_30 : i32 to vector<16xi32>
      %add3A_32 = arith.addi %mul3A_24, %add3A_31 : vector<16xi32>
      %gather3A_33 = tpu.vector_load_idx %arg6[%add3A_32] : memref<12800xi32, #tpu.memory_space<vmem>>[vector<16xi32>], vector<16xi32>,
      %add3A_34 = arith.addi %add3A_29, %gather3A_33 : vector<16xi32>
      %add3A_35 = arith.constant 3 : i32
      %add3A_36 = vector.broadcast %add3A_35 : i32 to vector<16xi32>
      %add3A_37 = arith.addi %mul3A_24, %add3A_36 : vector<16xi32>
      %gather3A_38 = tpu.vector_load_idx %arg6[%add3A_37] : memref<12800xi32, #tpu.memory_space<vmem>>[vector<16xi32>], vector<16xi32>,
      %add3A_39 = arith.addi %add3A_34, %gather3A_38 : vector<16xi32>
      %and3A = arith.constant 1023 : i32
      %and3A_40 = vector.broadcast %and3A : i32 to vector<16xi32>
      %and3A_41 = arith.andi %add3A_39, %and3A_40 : vector<16xi32>
      %add3A_42 = vector.broadcast %mul3A_2 : i32 to vector<16xi32>
      %add3A_43 = arith.addi %add3A_42, %add3A_21 : vector<16xi32>
      %lt3A = arith.constant 100000 : i32
      %lt3A_44 = vector.broadcast %lt3A : i32 to vector<16xi32>
      %lt3A_45 = arith.cmpi slt, %add3A_43, %lt3A_44 : vector<16xi32>
      %jit3A = arith.constant 1024 : i32
      %broadcast_in_dim3A_46 = vector.broadcast %jit3A : i32 to vector<16xi32>
      %select_n3A = arith.select %lt3A_45, %and3A_41, %broadcast_in_dim3A_46 : vector<16xi1>, vector<16xi32>
      %swap3A = arith.index_cast %mul3A_19 : i32 to index
      %swap3A_47 = tpu.vector_load %arg7[%swap3A] {strides = array<i32>} : memref<3200xi32, #tpu.memory_space<vmem>>, vector<16xi32>,
      tpu.vector_store %arg7[%swap3A], %select_n3A {strides = array<i32>} : memref<3200xi32, #tpu.memory_space<vmem>>, vector<16xi32>,
      %masked_sort3A = arith.constant dense<true> : vector<16xi1>
      %masked_sort3A_48 = arith.constant -2147483648 : i32
      %masked_sort3A_49 = vector.broadcast %masked_sort3A_48 : i32 to vector<16xi32>
      %masked_sort3A_50 = arith.xori %select_n3A, %masked_sort3A_49 : vector<16xi32>
      %masked_sort3A_51, %masked_sort3A_52, %masked_sort3A_53 = tpu.sort %masked_sort3A_50, %iota3A masked %masked_sort3A : (vector<16xi32>, vector<16xi32>, vector<16xi1>) -> (vector<16xi1>, vector<16xi32>, vector<16xi32>)
      %masked_sort3A_54 = arith.xori %masked_sort3A_52, %masked_sort3A_49 : vector<16xi32>
      %swap3A_55 = arith.constant 0 : index
      %swap3A_56 = tpu.vector_load %arg10[%swap3A_55] {strides = array<i32>} : memref<32xi32, #tpu.memory_space<vmem>>, vector<16xi32>,
      tpu.vector_store %arg10[%swap3A_55], %masked_sort3A_54 {strides = array<i32>} : memref<32xi32, #tpu.memory_space<vmem>>, vector<16xi32>,
      %swap3A_57 = arith.constant 1 : index
      %swap3A_58 = tpu.vector_load %arg10[%swap3A_57] {strides = array<i32>} : memref<32xi32, #tpu.memory_space<vmem>>, vector<16xi32>,
      tpu.vector_store %arg10[%swap3A_57], %masked_sort3A_54 {strides = array<i32>} : memref<32xi32, #tpu.memory_space<vmem>>, vector<16xi32>,
      %get3A = arith.constant 0 : index
      %get3A_59 = tpu.vector_load %arg10[%get3A] {strides = array<i32>} : memref<32xi32, #tpu.memory_space<vmem>>, vector<16xi32>,
      %swap3A_60 = arith.constant 1 : index
      %swap3A_61 = tpu.vector_load %arg11[%swap3A_60] {strides = array<i32>} : memref<32xi32, #tpu.memory_space<vmem>>, vector<16xi32>,
      tpu.vector_store %arg11[%swap3A_60], %masked_sort3A_54 {strides = array<i32>} : memref<32xi32, #tpu.memory_space<vmem>>, vector<16xi32>,
      %swap3A_62 = arith.constant 0 : index
      %swap3A_63 = tpu.vector_load %arg11[%swap3A_62] {strides = array<i32>} : memref<32xi32, #tpu.memory_space<vmem>>, vector<16xi32>,
      tpu.vector_store %arg11[%swap3A_62], %masked_sort3A_54 {strides = array<i32>} : memref<32xi32, #tpu.memory_space<vmem>>, vector<16xi32>,
      %get3A_64 = arith.constant 1 : index
      %get3A_65 = tpu.vector_load %arg11[%get3A_64] {strides = array<i32>} : memref<32xi32, #tpu.memory_space<vmem>>, vector<16xi32>,
      %ne3A = arith.cmpi ne, %masked_sort3A_54, %get3A_59 : vector<16xi32>
      %eq3A = arith.constant 0 : i32
      %eq3A_66 = vector.broadcast %eq3A : i32 to vector<16xi32>
      %eq3A_67 = arith.cmpi eq, %iota3A, %eq3A_66 : vector<16xi32>
      %or3A = arith.ori %ne3A, %eq3A_67 : vector<16xi1>
      %ne3A_68 = arith.cmpi ne, %masked_sort3A_54, %get3A_65 : vector<16xi32>
      %eq3A_69 = arith.constant 15 : i32
      %eq3A_70 = vector.broadcast %eq3A_69 : i32 to vector<16xi32>
      %eq3A_71 = arith.cmpi eq, %iota3A, %eq3A_70 : vector<16xi32>
      %or3A_72 = arith.ori %ne3A_68, %eq3A_71 : vector<16xi1>
      %jit3A_73 = arith.constant 0 : i32
      %broadcast_in_dim3A_74 = vector.broadcast %jit3A_73 : i32 to vector<16xi32>
      %select_n3A_75 = arith.select %or3A, %iota3A, %broadcast_in_dim3A_74 : vector<16xi1>, vector<16xi32>
      %broadcast_in_dim3A_76 = arith.constant true
      %broadcast_in_dim3A_77 = vector.broadcast %broadcast_in_dim3A_76 : i1 to vector<16xi1>
      %masked_cummax3A = arith.constant -2147483648 : i32
      %masked_cummax3A_78 = vector.broadcast %masked_cummax3A : i32 to vector<16xi32>
      %masked_cummax3A_79 = arith.xori %select_n3A_75, %masked_cummax3A_78 : vector<16xi32>
      %masked_cummax3A_80 = tpu.scan <max>, %masked_cummax3A_79 masked %broadcast_in_dim3A_77 : vector<16xi32>, vector<16xi1> -> vector<16xi32>
      %masked_cummax3A_81 = arith.xori %masked_cummax3A_80, %masked_cummax3A_78 : vector<16xi32>
      %sub3A = arith.subi %iota3A, %masked_cummax3A_81 : vector<16xi32>
      %gather3A_82 = tpu.vector_load_idx %arg9[%masked_sort3A_54] : memref<1040xi32, #tpu.memory_space<vmem>>[vector<16xi32>], vector<16xi32>,
      %add3A_83 = arith.addi %gather3A_82, %sub3A : vector<16xi32>
      %add3A_84 = arith.constant 1 : i32
      %add3A_85 = vector.broadcast %add3A_84 : i32 to vector<16xi32>
      %add3A_86 = arith.addi %add3A_83, %add3A_85 : vector<16xi32>
      tpu.vector_store_idx %arg9[%masked_sort3A_54], %add3A_86 masked %or3A_72 : memref<1040xi32, #tpu.memory_space<vmem>>[vector<16xi32>], vector<16xi32>, vector<16xi1>
      %add3A_87 = vector.broadcast %mul3A_19 : i32 to vector<16xi32>
      %add3A_88 = arith.addi %add3A_87, %masked_sort3A_53 : vector<16xi32>
      tpu.vector_store_idx %arg8[%add3A_88], %add3A_83 : memref<3200xi32, #tpu.memory_space<vmem>>[vector<16xi32>], vector<16xi32>,
    }
    %scan3A_16 = arith.constant 200 : i32
    "tpu.region"() ({
      %run_scoped3A = tpu.sem_alloc : memref<!tpu.dma_semaphore, #tpu.memory_space<semaphore_mem>>
      %dma_start3A = arith.constant 0 : i32
      %dma_start3A_17 = tpu.memref_slice %arg3[%add3A, %dma_start3A] : memref<32x3200xi32, #tpu.memory_space<hbm>> -> memref<1x3200xi32, #tpu.memory_space<hbm>>
      %dma_start3A_18 = tpu.memref_squeeze %dma_start3A_17 : memref<1x3200xi32, #tpu.memory_space<hbm>> -> memref<3200xi32, #tpu.memory_space<hbm>>
      %dma_start3A_19 = arith.constant 0 : i32
      %dma_start3A_20 = tpu.memref_slice %arg3[%add3A, %dma_start3A_19] : memref<32x3200xi32, #tpu.memory_space<hbm>> -> memref<1x3200xi32, #tpu.memory_space<hbm>>
      %dma_start3A_21 = tpu.memref_squeeze %dma_start3A_20 : memref<1x3200xi32, #tpu.memory_space<hbm>> -> memref<3200xi32, #tpu.memory_space<hbm>>
      tpu.enqueue_dma source(%arg7 : memref<3200xi32, #tpu.memory_space<vmem>>) target(%dma_start3A_21 : memref<3200xi32, #tpu.memory_space<hbm>>) target_semaphore(%run_scoped3A : memref<!tpu.dma_semaphore, #tpu.memory_space<semaphore_mem>>)
      %dma_wait3A = arith.constant 0 : i32
      %dma_wait3A_22 = tpu.memref_slice %arg3[%add3A, %dma_wait3A] : memref<32x3200xi32, #tpu.memory_space<hbm>> -> memref<1x3200xi32, #tpu.memory_space<hbm>>
      %dma_wait3A_23 = tpu.memref_squeeze %dma_wait3A_22 : memref<1x3200xi32, #tpu.memory_space<hbm>> -> memref<3200xi32, #tpu.memory_space<hbm>>
      %dma_wait3A_24 = arith.constant 0 : i32
      %dma_wait3A_25 = tpu.memref_slice %arg3[%add3A, %dma_wait3A_24] : memref<32x3200xi32, #tpu.memory_space<hbm>> -> memref<1x3200xi32, #tpu.memory_space<hbm>>
      %dma_wait3A_26 = tpu.memref_squeeze %dma_wait3A_25 : memref<1x3200xi32, #tpu.memory_space<hbm>> -> memref<3200xi32, #tpu.memory_space<hbm>>
      tpu.wait_dma2 semaphore(%run_scoped3A : memref<!tpu.dma_semaphore, #tpu.memory_space<semaphore_mem>>) src(%arg7 : memref<3200xi32, #tpu.memory_space<vmem>>) dst(%dma_wait3A_26 : memref<3200xi32, #tpu.memory_space<hbm>>)
      tpu.yield
    }) : () -> ()
    "tpu.region"() ({
      %run_scoped3A = tpu.sem_alloc : memref<!tpu.dma_semaphore, #tpu.memory_space<semaphore_mem>>
      %dma_start3A = arith.constant 0 : i32
      %dma_start3A_17 = tpu.memref_slice %arg4[%add3A, %dma_start3A] : memref<32x3200xi32, #tpu.memory_space<hbm>> -> memref<1x3200xi32, #tpu.memory_space<hbm>>
      %dma_start3A_18 = tpu.memref_squeeze %dma_start3A_17 : memref<1x3200xi32, #tpu.memory_space<hbm>> -> memref<3200xi32, #tpu.memory_space<hbm>>
      %dma_start3A_19 = arith.constant 0 : i32
      %dma_start3A_20 = tpu.memref_slice %arg4[%add3A, %dma_start3A_19] : memref<32x3200xi32, #tpu.memory_space<hbm>> -> memref<1x3200xi32, #tpu.memory_space<hbm>>
      %dma_start3A_21 = tpu.memref_squeeze %dma_start3A_20 : memref<1x3200xi32, #tpu.memory_space<hbm>> -> memref<3200xi32, #tpu.memory_space<hbm>>
      tpu.enqueue_dma source(%arg8 : memref<3200xi32, #tpu.memory_space<vmem>>) target(%dma_start3A_21 : memref<3200xi32, #tpu.memory_space<hbm>>) target_semaphore(%run_scoped3A : memref<!tpu.dma_semaphore, #tpu.memory_space<semaphore_mem>>)
      %dma_wait3A = arith.constant 0 : i32
      %dma_wait3A_22 = tpu.memref_slice %arg4[%add3A, %dma_wait3A] : memref<32x3200xi32, #tpu.memory_space<hbm>> -> memref<1x3200xi32, #tpu.memory_space<hbm>>
      %dma_wait3A_23 = tpu.memref_squeeze %dma_wait3A_22 : memref<1x3200xi32, #tpu.memory_space<hbm>> -> memref<3200xi32, #tpu.memory_space<hbm>>
      %dma_wait3A_24 = arith.constant 0 : i32
      %dma_wait3A_25 = tpu.memref_slice %arg4[%add3A, %dma_wait3A_24] : memref<32x3200xi32, #tpu.memory_space<hbm>> -> memref<1x3200xi32, #tpu.memory_space<hbm>>
      %dma_wait3A_26 = tpu.memref_squeeze %dma_wait3A_25 : memref<1x3200xi32, #tpu.memory_space<hbm>> -> memref<3200xi32, #tpu.memory_space<hbm>>
      tpu.wait_dma2 semaphore(%run_scoped3A : memref<!tpu.dma_semaphore, #tpu.memory_space<semaphore_mem>>) src(%arg8 : memref<3200xi32, #tpu.memory_space<vmem>>) dst(%dma_wait3A_26 : memref<3200xi32, #tpu.memory_space<hbm>>)
      tpu.yield
    }) : () -> ()
    "tpu.region"() ({
      %run_scoped3A = tpu.sem_alloc : memref<!tpu.dma_semaphore, #tpu.memory_space<semaphore_mem>>
      %dma_start3A = arith.constant 0 : i32
      %dma_start3A_17 = tpu.memref_slice %arg5[%add3A, %dma_start3A] : memref<32x1040xi32, #tpu.memory_space<hbm>> -> memref<1x1040xi32, #tpu.memory_space<hbm>>
      %dma_start3A_18 = tpu.memref_squeeze %dma_start3A_17 : memref<1x1040xi32, #tpu.memory_space<hbm>> -> memref<1040xi32, #tpu.memory_space<hbm>>
      %dma_start3A_19 = arith.constant 0 : i32
      %dma_start3A_20 = tpu.memref_slice %arg5[%add3A, %dma_start3A_19] : memref<32x1040xi32, #tpu.memory_space<hbm>> -> memref<1x1040xi32, #tpu.memory_space<hbm>>
      %dma_start3A_21 = tpu.memref_squeeze %dma_start3A_20 : memref<1x1040xi32, #tpu.memory_space<hbm>> -> memref<1040xi32, #tpu.memory_space<hbm>>
      tpu.enqueue_dma source(%arg9 : memref<1040xi32, #tpu.memory_space<vmem>>) target(%dma_start3A_21 : memref<1040xi32, #tpu.memory_space<hbm>>) target_semaphore(%run_scoped3A : memref<!tpu.dma_semaphore, #tpu.memory_space<semaphore_mem>>)
      %dma_wait3A = arith.constant 0 : i32
      %dma_wait3A_22 = tpu.memref_slice %arg5[%add3A, %dma_wait3A] : memref<32x1040xi32, #tpu.memory_space<hbm>> -> memref<1x1040xi32, #tpu.memory_space<hbm>>
      %dma_wait3A_23 = tpu.memref_squeeze %dma_wait3A_22 : memref<1x1040xi32, #tpu.memory_space<hbm>> -> memref<1040xi32, #tpu.memory_space<hbm>>
      %dma_wait3A_24 = arith.constant 0 : i32
      %dma_wait3A_25 = tpu.memref_slice %arg5[%add3A, %dma_wait3A_24] : memref<32x1040xi32, #tpu.memory_space<hbm>> -> memref<1x1040xi32, #tpu.memory_space<hbm>>
      %dma_wait3A_26 = tpu.memref_squeeze %dma_wait3A_25 : memref<1x1040xi32, #tpu.memory_space<hbm>> -> memref<1040xi32, #tpu.memory_space<hbm>>
      tpu.wait_dma2 semaphore(%run_scoped3A : memref<!tpu.dma_semaphore, #tpu.memory_space<semaphore_mem>>) src(%arg9 : memref<1040xi32, #tpu.memory_space<vmem>>) dst(%dma_wait3A_26 : memref<1040xi32, #tpu.memory_space<hbm>>)
      tpu.yield
    }) : () -> ()
    return
  }
}

#map = affine_map<(d0, d1) -> (0, 0)>
#map1 = affine_map<(d0, d1) -> (0)>
#map2 = affine_map<(d0, d1) -> (0, 0, 0, 0)>
#map3 = affine_map<(d0, d1) -> (0, 0, 0)>
module attributes {stable_mosaic.version = 14 : i64} {
  func.func @_sc2_body(%arg0: i32, %arg1: i32, %arg2: memref<32x3200xi32, #tpu.memory_space<hbm>>, %arg3: memref<32x3200xi32, #tpu.memory_space<hbm>>, %arg4: memref<32x1040xi32, #tpu.memory_space<hbm>>, %arg5: memref<6400000xf32, #tpu.memory_space<hbm>>, %arg6: memref<2x2x15x32768xf32, #tpu.memory_space<hbm>>, %arg7: memref<2x2x32640xf32, #tpu.memory_space<hbm>>, %arg8: memref<1040xi32, #tpu.memory_space<vmem>>, %arg9: memref<3200xi32, #tpu.memory_space<vmem>>, %arg10: memref<3200xi32, #tpu.memory_space<vmem>>, %arg11: memref<20480xf32, #tpu.memory_space<vmem>>, %arg12: memref<33280xf32, #tpu.memory_space<vmem>>, %arg13: memref<128xf32, #tpu.memory_space<vmem>>, %arg14: memref<128xf32, #tpu.memory_space<vmem_shared>>, %arg15: memref<!tpu.dma_semaphore, #tpu.memory_space<semaphore_mem>>) attributes {dimension_semantics = [#tpu.dimension_semantics<core_parallel>, #tpu.dimension_semantics<subcore_parallel>], iteration_bounds = array<i64: 2, 16>, scalar_prefetch = 0 : i64, scratch_operands = 8 : i64, tpu.core_type = #tpu.core_type<sc_vector_subcore>, window_params = [{transform_indices = #map}, {transform_indices = #map}, {transform_indices = #map}, {transform_indices = #map1}, {transform_indices = #map2}, {transform_indices = #map3}]} {
    %mul3A = arith.constant 2 : i32
    %mul3A_0 = arith.muli %arg1, %mul3A : i32
    %add3A = arith.addi %mul3A_0, %arg0 : i32
    %mul3A_1 = arith.constant 3200 : i32
    %mul3A_2 = arith.muli %add3A, %mul3A_1 : i32
    "tpu.region"() ({
      %run_scoped3A = tpu.sem_alloc : memref<!tpu.dma_semaphore, #tpu.memory_space<semaphore_mem>>
      %dma_start3A = arith.constant 0 : i32
      %dma_start3A_138 = tpu.memref_slice %arg2[%add3A, %dma_start3A] : memref<32x3200xi32, #tpu.memory_space<hbm>> -> memref<1x3200xi32, #tpu.memory_space<hbm>>
      %dma_start3A_139 = tpu.memref_squeeze %dma_start3A_138 : memref<1x3200xi32, #tpu.memory_space<hbm>> -> memref<3200xi32, #tpu.memory_space<hbm>>
      %dma_start3A_140 = arith.constant 0 : i32
      %dma_start3A_141 = tpu.memref_slice %arg2[%add3A, %dma_start3A_140] : memref<32x3200xi32, #tpu.memory_space<hbm>> -> memref<1x3200xi32, #tpu.memory_space<hbm>>
      %dma_start3A_142 = tpu.memref_squeeze %dma_start3A_141 : memref<1x3200xi32, #tpu.memory_space<hbm>> -> memref<3200xi32, #tpu.memory_space<hbm>>
      tpu.enqueue_dma source(%dma_start3A_142 : memref<3200xi32, #tpu.memory_space<hbm>>) target(%arg9 : memref<3200xi32, #tpu.memory_space<vmem>>) target_semaphore(%run_scoped3A : memref<!tpu.dma_semaphore, #tpu.memory_space<semaphore_mem>>)
      %dma_wait3A = arith.constant 0 : i32
      %dma_wait3A_143 = tpu.memref_slice %arg2[%add3A, %dma_wait3A] : memref<32x3200xi32, #tpu.memory_space<hbm>> -> memref<1x3200xi32, #tpu.memory_space<hbm>>
      %dma_wait3A_144 = tpu.memref_squeeze %dma_wait3A_143 : memref<1x3200xi32, #tpu.memory_space<hbm>> -> memref<3200xi32, #tpu.memory_space<hbm>>
      %dma_wait3A_145 = arith.constant 0 : i32
      %dma_wait3A_146 = tpu.memref_slice %arg2[%add3A, %dma_wait3A_145] : memref<32x3200xi32, #tpu.memory_space<hbm>> -> memref<1x3200xi32, #tpu.memory_space<hbm>>
      %dma_wait3A_147 = tpu.memref_squeeze %dma_wait3A_146 : memref<1x3200xi32, #tpu.memory_space<hbm>> -> memref<3200xi32, #tpu.memory_space<hbm>>
      tpu.wait_dma2 semaphore(%run_scoped3A : memref<!tpu.dma_semaphore, #tpu.memory_space<semaphore_mem>>) src(%dma_wait3A_147 : memref<3200xi32, #tpu.memory_space<hbm>>) dst(%arg9 : memref<3200xi32, #tpu.memory_space<vmem>>)
      tpu.yield
    }) : () -> ()
    "tpu.region"() ({
      %run_scoped3A = tpu.sem_alloc : memref<!tpu.dma_semaphore, #tpu.memory_space<semaphore_mem>>
      %dma_start3A = arith.constant 0 : i32
      %dma_start3A_138 = tpu.memref_slice %arg3[%add3A, %dma_start3A] : memref<32x3200xi32, #tpu.memory_space<hbm>> -> memref<1x3200xi32, #tpu.memory_space<hbm>>
      %dma_start3A_139 = tpu.memref_squeeze %dma_start3A_138 : memref<1x3200xi32, #tpu.memory_space<hbm>> -> memref<3200xi32, #tpu.memory_space<hbm>>
      %dma_start3A_140 = arith.constant 0 : i32
      %dma_start3A_141 = tpu.memref_slice %arg3[%add3A, %dma_start3A_140] : memref<32x3200xi32, #tpu.memory_space<hbm>> -> memref<1x3200xi32, #tpu.memory_space<hbm>>
      %dma_start3A_142 = tpu.memref_squeeze %dma_start3A_141 : memref<1x3200xi32, #tpu.memory_space<hbm>> -> memref<3200xi32, #tpu.memory_space<hbm>>
      tpu.enqueue_dma source(%dma_start3A_142 : memref<3200xi32, #tpu.memory_space<hbm>>) target(%arg10 : memref<3200xi32, #tpu.memory_space<vmem>>) target_semaphore(%run_scoped3A : memref<!tpu.dma_semaphore, #tpu.memory_space<semaphore_mem>>)
      %dma_wait3A = arith.constant 0 : i32
      %dma_wait3A_143 = tpu.memref_slice %arg3[%add3A, %dma_wait3A] : memref<32x3200xi32, #tpu.memory_space<hbm>> -> memref<1x3200xi32, #tpu.memory_space<hbm>>
      %dma_wait3A_144 = tpu.memref_squeeze %dma_wait3A_143 : memref<1x3200xi32, #tpu.memory_space<hbm>> -> memref<3200xi32, #tpu.memory_space<hbm>>
      %dma_wait3A_145 = arith.constant 0 : i32
      %dma_wait3A_146 = tpu.memref_slice %arg3[%add3A, %dma_wait3A_145] : memref<32x3200xi32, #tpu.memory_space<hbm>> -> memref<1x3200xi32, #tpu.memory_space<hbm>>
      %dma_wait3A_147 = tpu.memref_squeeze %dma_wait3A_146 : memref<1x3200xi32, #tpu.memory_space<hbm>> -> memref<3200xi32, #tpu.memory_space<hbm>>
      tpu.wait_dma2 semaphore(%run_scoped3A : memref<!tpu.dma_semaphore, #tpu.memory_space<semaphore_mem>>) src(%dma_wait3A_147 : memref<3200xi32, #tpu.memory_space<hbm>>) dst(%arg10 : memref<3200xi32, #tpu.memory_space<vmem>>)
      tpu.yield
    }) : () -> ()
    "tpu.region"() ({
      %run_scoped3A = tpu.sem_alloc : memref<!tpu.dma_semaphore, #tpu.memory_space<semaphore_mem>>
      %dma_start3A = arith.constant 0 : i32
      %dma_start3A_138 = tpu.memref_slice %arg4[%add3A, %dma_start3A] : memref<32x1040xi32, #tpu.memory_space<hbm>> -> memref<1x1040xi32, #tpu.memory_space<hbm>>
      %dma_start3A_139 = tpu.memref_squeeze %dma_start3A_138 : memref<1x1040xi32, #tpu.memory_space<hbm>> -> memref<1040xi32, #tpu.memory_space<hbm>>
      %dma_start3A_140 = arith.constant 0 : i32
      %dma_start3A_141 = tpu.memref_slice %arg4[%add3A, %dma_start3A_140] : memref<32x1040xi32, #tpu.memory_space<hbm>> -> memref<1x1040xi32, #tpu.memory_space<hbm>>
      %dma_start3A_142 = tpu.memref_squeeze %dma_start3A_141 : memref<1x1040xi32, #tpu.memory_space<hbm>> -> memref<1040xi32, #tpu.memory_space<hbm>>
      tpu.enqueue_dma source(%dma_start3A_142 : memref<1040xi32, #tpu.memory_space<hbm>>) target(%arg8 : memref<1040xi32, #tpu.memory_space<vmem>>) target_semaphore(%run_scoped3A : memref<!tpu.dma_semaphore, #tpu.memory_space<semaphore_mem>>)
      %dma_wait3A = arith.constant 0 : i32
      %dma_wait3A_143 = tpu.memref_slice %arg4[%add3A, %dma_wait3A] : memref<32x1040xi32, #tpu.memory_space<hbm>> -> memref<1x1040xi32, #tpu.memory_space<hbm>>
      %dma_wait3A_144 = tpu.memref_squeeze %dma_wait3A_143 : memref<1x1040xi32, #tpu.memory_space<hbm>> -> memref<1040xi32, #tpu.memory_space<hbm>>
      %dma_wait3A_145 = arith.constant 0 : i32
      %dma_wait3A_146 = tpu.memref_slice %arg4[%add3A, %dma_wait3A_145] : memref<32x1040xi32, #tpu.memory_space<hbm>> -> memref<1x1040xi32, #tpu.memory_space<hbm>>
      %dma_wait3A_147 = tpu.memref_squeeze %dma_wait3A_146 : memref<1x1040xi32, #tpu.memory_space<hbm>> -> memref<1040xi32, #tpu.memory_space<hbm>>
      tpu.wait_dma2 semaphore(%run_scoped3A : memref<!tpu.dma_semaphore, #tpu.memory_space<semaphore_mem>>) src(%dma_wait3A_147 : memref<1040xi32, #tpu.memory_space<hbm>>) dst(%arg8 : memref<1040xi32, #tpu.memory_space<vmem>>)
      tpu.yield
    }) : () -> ()
    %broadcast_in_dim3A = arith.constant 0.000000e+00 : f32
    %broadcast_in_dim3A_3 = vector.broadcast %broadcast_in_dim3A : f32 to vector<16xf32>
    %scan3A = arith.constant 0 : i32
    %scan3A_4 = arith.constant 0 : i32
    %scan3A_5 = arith.constant 200 : i32
    %scan3A_6 = arith.addi %scan3A_4, %scan3A_5 : i32
    %scan3A_7 = arith.constant 1 : i32
    scf.for %scan3A_138 = %scan3A_4 to %scan3A_6 step %scan3A_7  : i32 {
      %mul3A_139 = arith.constant 16 : i32
      %mul3A_140 = arith.muli %scan3A_138, %mul3A_139 : i32
      %get3A = arith.index_cast %mul3A_140 : i32 to index
      %get3A_141 = tpu.vector_load %arg9[%get3A] {strides = array<i32>} : memref<3200xi32, #tpu.memory_space<vmem>>, vector<16xi32>,
      %get3A_142 = arith.index_cast %mul3A_140 : i32 to index
      %get3A_143 = tpu.vector_load %arg10[%get3A_142] {strides = array<i32>} : memref<3200xi32, #tpu.memory_space<vmem>>, vector<16xi32>,
      %gather3A = tpu.vector_load_idx %arg8[%get3A_141] : memref<1040xi32, #tpu.memory_space<vmem>>[vector<16xi32>], vector<16xi32>,
      %add3A_144 = arith.addi %gather3A, %get3A_143 : vector<16xi32>
      %lt3A_145 = arith.constant 256 : i32
      %lt3A_146 = vector.broadcast %lt3A_145 : i32 to vector<16xi32>
      %lt3A_147 = arith.cmpi slt, %add3A_144, %lt3A_146 : vector<16xi32>
      %jit3A_148 = arith.constant 1024 : i32
      %broadcast_in_dim3A_149 = vector.broadcast %jit3A_148 : i32 to vector<16xi32>
      %select_n3A_150 = arith.select %lt3A_147, %get3A_141, %broadcast_in_dim3A_149 : vector<16xi1>, vector<16xi32>
      %swap3A = arith.index_cast %mul3A_140 : i32 to index
      %swap3A_151 = tpu.vector_load %arg9[%swap3A] {strides = array<i32>} : memref<3200xi32, #tpu.memory_space<vmem>>, vector<16xi32>,
      tpu.vector_store %arg9[%swap3A], %select_n3A_150 {strides = array<i32>} : memref<3200xi32, #tpu.memory_space<vmem>>, vector<16xi32>,
    }
    %scan3A_8 = arith.constant 200 : i32
    %scan3A_9 = arith.constant 0 : i32
    %scan3A_10 = arith.constant 0 : i32
    %scan3A_11 = arith.constant 2080 : i32
    %scan3A_12 = arith.addi %scan3A_10, %scan3A_11 : i32
    %scan3A_13 = arith.constant 1 : i32
    scf.for %scan3A_138 = %scan3A_10 to %scan3A_12 step %scan3A_13  : i32 {
      %mul3A_139 = arith.constant 16 : i32
      %mul3A_140 = arith.muli %scan3A_138, %mul3A_139 : i32
      %swap3A = arith.index_cast %mul3A_140 : i32 to index
      %swap3A_141 = tpu.vector_load %arg12[%swap3A] {strides = array<i32>} : memref<33280xf32, #tpu.memory_space<vmem>>, vector<16xf32>,
      tpu.vector_store %arg12[%swap3A], %broadcast_in_dim3A_3 {strides = array<i32>} : memref<33280xf32, #tpu.memory_space<vmem>>, vector<16xf32>,
    }
    %scan3A_14 = arith.constant 2080 : i32
    %sub3A = arith.constant 100000 : i32
    %sub3A_15 = arith.subi %sub3A, %mul3A_2 : i32
    %jit3A = arith.constant 160 : i32
    %div3A = arith.divsi %sub3A_15, %jit3A : i32
    %sign3A = arith.constant 0 : i32
    %sign3A_16 = arith.cmpi sgt, %sub3A_15, %sign3A : i32
    %sign3A_17 = arith.extui %sign3A_16 : i1 to i32
    %sign3A_18 = arith.constant 0 : i32
    %sign3A_19 = arith.cmpi slt, %sub3A_15, %sign3A_18 : i32
    %sign3A_20 = arith.extui %sign3A_19 : i1 to i32
    %sign3A_21 = arith.subi %sign3A_17, %sign3A_20 : i32
    %sign3A_22 = arith.constant 0 : i32
    %sign3A_23 = arith.cmpi sgt, %jit3A, %sign3A_22 : i32
    %sign3A_24 = arith.extui %sign3A_23 : i1 to i32
    %sign3A_25 = arith.constant 0 : i32
    %sign3A_26 = arith.cmpi slt, %jit3A, %sign3A_25 : i32
    %sign3A_27 = arith.extui %sign3A_26 : i1 to i32
    %sign3A_28 = arith.subi %sign3A_24, %sign3A_27 : i32
    %ne3A = arith.cmpi ne, %sign3A_21, %sign3A_28 : i32
    %rem3A = arith.remsi %sub3A_15, %jit3A : i32
    %ne3A_29 = arith.constant 0 : i32
    %ne3A_30 = arith.cmpi ne, %rem3A, %ne3A_29 : i32
    %and3A = arith.andi %ne3A, %ne3A_30 : i1
    %sub3A_31 = arith.constant 1 : i32
    %sub3A_32 = arith.subi %div3A, %sub3A_31 : i32
    %select_n3A = arith.select %and3A, %sub3A_32, %div3A : i32
    %min3A = arith.constant 20 : i32
    %min3A_33 = arith.minsi %select_n3A, %min3A : i32
    %max3A = arith.constant 0 : i32
    %max3A_34 = arith.maxsi %min3A_33, %max3A : i32
    %gt3A = arith.constant 0 : i32
    %gt3A_35 = arith.cmpi sgt, %max3A_34, %gt3A : i32
    %convert_element_type3A = arith.extui %gt3A_35 : i1 to i32
    %cond3A = arith.constant 0 : i32
    %cond3A_36 = arith.cmpi ne, %convert_element_type3A, %cond3A : i32
    scf.if %cond3A_36 {
      %rem3A_138 = arith.constant 0 : i32
      %rem3A_139 = arith.constant 2 : i32
      %rem3A_140 = arith.remsi %rem3A_138, %rem3A_139 : i32
      %mul3A_141 = arith.constant 10240 : i32
      %mul3A_142 = arith.muli %rem3A_140, %mul3A_141 : i32
      %add3A_143 = arith.constant 0 : i32
      %add3A_144 = arith.addi %mul3A_2, %add3A_143 : i32
      %mul3A_145 = arith.constant 64 : i32
      %mul3A_146 = arith.muli %add3A_144, %mul3A_145 : i32
      %dma_start3A = tpu.memref_slice %arg11[%mul3A_142] : memref<20480xf32, #tpu.memory_space<vmem>> -> memref<10240xf32, #tpu.memory_space<vmem>>
      %dma_start3A_147 = tpu.memref_slice %arg5[%mul3A_146] : memref<6400000xf32, #tpu.memory_space<hbm>> -> memref<10240xf32, #tpu.memory_space<hbm>>
      %dma_start3A_148 = tpu.memref_slice %arg11[%mul3A_142] : memref<20480xf32, #tpu.memory_space<vmem>> -> memref<10240xf32, #tpu.memory_space<vmem>>
      %dma_start3A_149 = tpu.memref_slice %arg5[%mul3A_146] : memref<6400000xf32, #tpu.memory_space<hbm>> -> memref<10240xf32, #tpu.memory_space<hbm>>
      tpu.enqueue_dma source(%dma_start3A_149 : memref<10240xf32, #tpu.memory_space<hbm>>) target(%dma_start3A_148 : memref<10240xf32, #tpu.memory_space<vmem>>) target_semaphore(%arg15 : memref<!tpu.dma_semaphore, #tpu.memory_space<semaphore_mem>>)
    } else {
    }
    %while3A = arith.constant 0 : i32
    %while3A_37 = arith.constant 0 : i32
    %while3A_38 = arith.subi %max3A_34, %while3A_37 : i32
    %while3A_39 = arith.addi %while3A_37, %while3A_38 : i32
    %while3A_40 = arith.constant 1 : i32
    %while3A_41 = arith.divsi %while3A_38, %while3A_40 : i32
    %while3A_42 = arith.muli %while3A_41, %while3A_40 : i32
    %while3A_43 = arith.addi %while3A_37, %while3A_42 : i32
    %while3A_44 = arith.constant 1 : i32
    scf.for %while3A_138 = %while3A_37 to %while3A_43 step %while3A_44  : i32 {
      %add3A_139 = arith.constant 1 : i32
      %add3A_140 = arith.addi %while3A_138, %add3A_139 : i32
      %lt3A_141 = arith.cmpi slt, %add3A_140, %max3A_34 : i32
      %convert_element_type3A_142 = arith.extui %lt3A_141 : i1 to i32
      %cond3A_143 = arith.constant 0 : i32
      %cond3A_144 = arith.cmpi ne, %convert_element_type3A_142, %cond3A_143 : i32
      scf.if %cond3A_144 {
        %add3A_166 = arith.constant 1 : i32
        %add3A_167 = arith.addi %while3A_138, %add3A_166 : i32
        %rem3A_168 = arith.constant 2 : i32
        %rem3A_169 = arith.remsi %add3A_167, %rem3A_168 : i32
        %mul3A_170 = arith.constant 10240 : i32
        %mul3A_171 = arith.muli %rem3A_169, %mul3A_170 : i32
        %mul3A_172 = arith.constant 160 : i32
        %mul3A_173 = arith.muli %add3A_167, %mul3A_172 : i32
        %add3A_174 = arith.addi %mul3A_2, %mul3A_173 : i32
        %mul3A_175 = arith.constant 64 : i32
        %mul3A_176 = arith.muli %add3A_174, %mul3A_175 : i32
        %dma_start3A = tpu.memref_slice %arg11[%mul3A_171] : memref<20480xf32, #tpu.memory_space<vmem>> -> memref<10240xf32, #tpu.memory_space<vmem>>
        %dma_start3A_177 = tpu.memref_slice %arg5[%mul3A_176] : memref<6400000xf32, #tpu.memory_space<hbm>> -> memref<10240xf32, #tpu.memory_space<hbm>>
        %dma_start3A_178 = tpu.memref_slice %arg11[%mul3A_171] : memref<20480xf32, #tpu.memory_space<vmem>> -> memref<10240xf32, #tpu.memory_space<vmem>>
        %dma_start3A_179 = tpu.memref_slice %arg5[%mul3A_176] : memref<6400000xf32, #tpu.memory_space<hbm>> -> memref<10240xf32, #tpu.memory_space<hbm>>
        tpu.enqueue_dma source(%dma_start3A_179 : memref<10240xf32, #tpu.memory_space<hbm>>) target(%dma_start3A_178 : memref<10240xf32, #tpu.memory_space<vmem>>) target_semaphore(%arg15 : memref<!tpu.dma_semaphore, #tpu.memory_space<semaphore_mem>>)
      } else {
      }
      %rem3A_145 = arith.constant 2 : i32
      %rem3A_146 = arith.remsi %while3A_138, %rem3A_145 : i32
      %mul3A_147 = arith.constant 10240 : i32
      %mul3A_148 = arith.muli %rem3A_146, %mul3A_147 : i32
      %mul3A_149 = arith.constant 160 : i32
      %mul3A_150 = arith.muli %while3A_138, %mul3A_149 : i32
      %add3A_151 = arith.addi %mul3A_2, %mul3A_150 : i32
      %mul3A_152 = arith.constant 64 : i32
      %mul3A_153 = arith.muli %add3A_151, %mul3A_152 : i32
      %dma_wait3A = tpu.memref_slice %arg11[%mul3A_148] : memref<20480xf32, #tpu.memory_space<vmem>> -> memref<10240xf32, #tpu.memory_space<vmem>>
      %dma_wait3A_154 = tpu.memref_slice %arg5[%mul3A_153] : memref<6400000xf32, #tpu.memory_space<hbm>> -> memref<10240xf32, #tpu.memory_space<hbm>>
      %dma_wait3A_155 = tpu.memref_slice %arg11[%mul3A_148] : memref<20480xf32, #tpu.memory_space<vmem>> -> memref<10240xf32, #tpu.memory_space<vmem>>
      %dma_wait3A_156 = tpu.memref_slice %arg5[%mul3A_153] : memref<6400000xf32, #tpu.memory_space<hbm>> -> memref<10240xf32, #tpu.memory_space<hbm>>
      tpu.wait_dma2 semaphore(%arg15 : memref<!tpu.dma_semaphore, #tpu.memory_space<semaphore_mem>>) src(%dma_wait3A_156 : memref<10240xf32, #tpu.memory_space<hbm>>) dst(%dma_wait3A_155 : memref<10240xf32, #tpu.memory_space<vmem>>)
      %rem3A_157 = arith.constant 2 : i32
      %rem3A_158 = arith.remsi %while3A_138, %rem3A_157 : i32
      %mul3A_159 = arith.constant 10240 : i32
      %mul3A_160 = arith.muli %rem3A_158, %mul3A_159 : i32
      %scan3A_161 = arith.constant 0 : i32
      %scan3A_162 = arith.constant 10 : i32
      %scan3A_163 = arith.addi %scan3A_161, %scan3A_162 : i32
      %scan3A_164 = arith.constant 1 : i32
      scf.for %scan3A_166 = %scan3A_161 to %scan3A_163 step %scan3A_164  : i32 {
        %mul3A_167 = arith.constant 160 : i32
        %mul3A_168 = arith.muli %while3A_138, %mul3A_167 : i32
        %mul3A_169 = arith.constant 16 : i32
        %mul3A_170 = arith.muli %scan3A_166, %mul3A_169 : i32
        %add3A_171 = arith.addi %mul3A_168, %mul3A_170 : i32
        %get3A = arith.index_cast %add3A_171 : i32 to index
        %get3A_172 = tpu.vector_load %arg9[%get3A] {strides = array<i32>} : memref<3200xi32, #tpu.memory_space<vmem>>, vector<16xi32>,
        %slice3A = vector.extract_strided_slice %get3A_172 {offsets = [0], sizes = [1], strides = [1]} : vector<16xi32> to vector<1xi32>
        %squeeze3A = vector.extract %slice3A[0] : i32 from vector<1xi32>
        %mul3A_173 = arith.constant 32 : i32
        %mul3A_174 = arith.muli %squeeze3A, %mul3A_173 : i32
        %mul3A_175 = arith.constant 16 : i32
        %mul3A_176 = arith.muli %scan3A_166, %mul3A_175 : i32
        %add3A_177 = arith.constant 0 : i32
        %add3A_178 = arith.addi %mul3A_176, %add3A_177 : i32
        %mul3A_179 = arith.constant 64 : i32
        %mul3A_180 = arith.muli %add3A_178, %mul3A_179 : i32
        %add3A_181 = arith.addi %mul3A_160, %mul3A_180 : i32
        %add3A_182 = arith.constant 0 : i32
        %add3A_183 = arith.addi %add3A_181, %add3A_182 : i32
        %add3A_184 = arith.constant 0 : i32
        %add3A_185 = arith.addi %mul3A_174, %add3A_184 : i32
        %get3A_186 = arith.index_cast %add3A_185 : i32 to index
        %get3A_187 = tpu.vector_load %arg12[%get3A_186] {strides = array<i32>} : memref<33280xf32, #tpu.memory_space<vmem>>, vector<16xf32>,
        %add3A_188 = arith.constant 0 : i32
        %add3A_189 = arith.addi %add3A_183, %add3A_188 : i32
        %get3A_190 = arith.index_cast %add3A_189 : i32 to index
        %get3A_191 = tpu.vector_load %arg11[%get3A_190] {strides = array<i32>} : memref<20480xf32, #tpu.memory_space<vmem>>, vector<16xf32>,
        %add3A_192 = arith.addf %get3A_187, %get3A_191 : vector<16xf32>
        %add3A_193 = arith.constant 0 : i32
        %add3A_194 = arith.addi %mul3A_174, %add3A_193 : i32
        %swap3A = arith.index_cast %add3A_194 : i32 to index
        %swap3A_195 = tpu.vector_load %arg12[%swap3A] {strides = array<i32>} : memref<33280xf32, #tpu.memory_space<vmem>>, vector<16xf32>,
        tpu.vector_store %arg12[%swap3A], %add3A_192 {strides = array<i32>} : memref<33280xf32, #tpu.memory_space<vmem>>, vector<16xf32>,
        %add3A_196 = arith.constant 16 : i32
        %add3A_197 = arith.addi %mul3A_174, %add3A_196 : i32
        %get3A_198 = arith.index_cast %add3A_197 : i32 to index
        %get3A_199 = tpu.vector_load %arg12[%get3A_198] {strides = array<i32>} : memref<33280xf32, #tpu.memory_space<vmem>>, vector<16xf32>,
        %add3A_200 = arith.constant 16 : i32
        %add3A_201 = arith.addi %add3A_183, %add3A_200 : i32
        %get3A_202 = arith.index_cast %add3A_201 : i32 to index
        %get3A_203 = tpu.vector_load %arg11[%get3A_202] {strides = array<i32>} : memref<20480xf32, #tpu.memory_space<vmem>>, vector<16xf32>,
        %add3A_204 = arith.addf %get3A_199, %get3A_203 : vector<16xf32>
        %add3A_205 = arith.constant 16 : i32
        %add3A_206 = arith.addi %mul3A_174, %add3A_205 : i32
        %swap3A_207 = arith.index_cast %add3A_206 : i32 to index
        %swap3A_208 = tpu.vector_load %arg12[%swap3A_207] {strides = array<i32>} : memref<33280xf32, #tpu.memory_space<vmem>>, vector<16xf32>,
        tpu.vector_store %arg12[%swap3A_207], %add3A_204 {strides = array<i32>} : memref<33280xf32, #tpu.memory_space<vmem>>, vector<16xf32>,
        %slice3A_209 = vector.extract_strided_slice %get3A_172 {offsets = [1], sizes = [1], strides = [1]} : vector<16xi32> to vector<1xi32>
        %squeeze3A_210 = vector.extract %slice3A_209[0] : i32 from vector<1xi32>
        %mul3A_211 = arith.constant 32 : i32
        %mul3A_212 = arith.muli %squeeze3A_210, %mul3A_211 : i32
        %mul3A_213 = arith.constant 16 : i32
        %mul3A_214 = arith.muli %scan3A_166, %mul3A_213 : i32
        %add3A_215 = arith.constant 1 : i32
        %add3A_216 = arith.addi %mul3A_214, %add3A_215 : i32
        %mul3A_217 = arith.constant 64 : i32
        %mul3A_218 = arith.muli %add3A_216, %mul3A_217 : i32
        %add3A_219 = arith.addi %mul3A_160, %mul3A_218 : i32
        %add3A_220 = arith.constant 0 : i32
        %add3A_221 = arith.addi %add3A_219, %add3A_220 : i32
        %add3A_222 = arith.constant 0 : i32
        %add3A_223 = arith.addi %mul3A_212, %add3A_222 : i32
        %get3A_224 = arith.index_cast %add3A_223 : i32 to index
        %get3A_225 = tpu.vector_load %arg12[%get3A_224] {strides = array<i32>} : memref<33280xf32, #tpu.memory_space<vmem>>, vector<16xf32>,
        %add3A_226 = arith.constant 0 : i32
        %add3A_227 = arith.addi %add3A_221, %add3A_226 : i32
        %get3A_228 = arith.index_cast %add3A_227 : i32 to index
        %get3A_229 = tpu.vector_load %arg11[%get3A_228] {strides = array<i32>} : memref<20480xf32, #tpu.memory_space<vmem>>, vector<16xf32>,
        %add3A_230 = arith.addf %get3A_225, %get3A_229 : vector<16xf32>
        %add3A_231 = arith.constant 0 : i32
        %add3A_232 = arith.addi %mul3A_212, %add3A_231 : i32
        %swap3A_233 = arith.index_cast %add3A_232 : i32 to index
        %swap3A_234 = tpu.vector_load %arg12[%swap3A_233] {strides = array<i32>} : memref<33280xf32, #tpu.memory_space<vmem>>, vector<16xf32>,
        tpu.vector_store %arg12[%swap3A_233], %add3A_230 {strides = array<i32>} : memref<33280xf32, #tpu.memory_space<vmem>>, vector<16xf32>,
        %add3A_235 = arith.constant 16 : i32
        %add3A_236 = arith.addi %mul3A_212, %add3A_235 : i32
        %get3A_237 = arith.index_cast %add3A_236 : i32 to index
        %get3A_238 = tpu.vector_load %arg12[%get3A_237] {strides = array<i32>} : memref<33280xf32, #tpu.memory_space<vmem>>, vector<16xf32>,
        %add3A_239 = arith.constant 16 : i32
        %add3A_240 = arith.addi %add3A_221, %add3A_239 : i32
        %get3A_241 = arith.index_cast %add3A_240 : i32 to index
        %get3A_242 = tpu.vector_load %arg11[%get3A_241] {strides = array<i32>} : memref<20480xf32, #tpu.memory_space<vmem>>, vector<16xf32>,
        %add3A_243 = arith.addf %get3A_238, %get3A_242 : vector<16xf32>
        %add3A_244 = arith.constant 16 : i32
        %add3A_245 = arith.addi %mul3A_212, %add3A_244 : i32
        %swap3A_246 = arith.index_cast %add3A_245 : i32 to index
        %swap3A_247 = tpu.vector_load %arg12[%swap3A_246] {strides = array<i32>} : memref<33280xf32, #tpu.memory_space<vmem>>, vector<16xf32>,
        tpu.vector_store %arg12[%swap3A_246], %add3A_243 {strides = array<i32>} : memref<33280xf32, #tpu.memory_space<vmem>>, vector<16xf32>,
        %slice3A_248 = vector.extract_strided_slice %get3A_172 {offsets = [2], sizes = [1], strides = [1]} : vector<16xi32> to vector<1xi32>
        %squeeze3A_249 = vector.extract %slice3A_248[0] : i32 from vector<1xi32>
        %mul3A_250 = arith.constant 32 : i32
        %mul3A_251 = arith.muli %squeeze3A_249, %mul3A_250 : i32
        %mul3A_252 = arith.constant 16 : i32
        %mul3A_253 = arith.muli %scan3A_166, %mul3A_252 : i32
        %add3A_254 = arith.constant 2 : i32
        %add3A_255 = arith.addi %mul3A_253, %add3A_254 : i32
        %mul3A_256 = arith.constant 64 : i32
        %mul3A_257 = arith.muli %add3A_255, %mul3A_256 : i32
        %add3A_258 = arith.addi %mul3A_160, %mul3A_257 : i32
        %add3A_259 = arith.constant 0 : i32
        %add3A_260 = arith.addi %add3A_258, %add3A_259 : i32
        %add3A_261 = arith.constant 0 : i32
        %add3A_262 = arith.addi %mul3A_251, %add3A_261 : i32
        %get3A_263 = arith.index_cast %add3A_262 : i32 to index
        %get3A_264 = tpu.vector_load %arg12[%get3A_263] {strides = array<i32>} : memref<33280xf32, #tpu.memory_space<vmem>>, vector<16xf32>,
        %add3A_265 = arith.constant 0 : i32
        %add3A_266 = arith.addi %add3A_260, %add3A_265 : i32
        %get3A_267 = arith.index_cast %add3A_266 : i32 to index
        %get3A_268 = tpu.vector_load %arg11[%get3A_267] {strides = array<i32>} : memref<20480xf32, #tpu.memory_space<vmem>>, vector<16xf32>,
        %add3A_269 = arith.addf %get3A_264, %get3A_268 : vector<16xf32>
        %add3A_270 = arith.constant 0 : i32
        %add3A_271 = arith.addi %mul3A_251, %add3A_270 : i32
        %swap3A_272 = arith.index_cast %add3A_271 : i32 to index
        %swap3A_273 = tpu.vector_load %arg12[%swap3A_272] {strides = array<i32>} : memref<33280xf32, #tpu.memory_space<vmem>>, vector<16xf32>,
        tpu.vector_store %arg12[%swap3A_272], %add3A_269 {strides = array<i32>} : memref<33280xf32, #tpu.memory_space<vmem>>, vector<16xf32>,
        %add3A_274 = arith.constant 16 : i32
        %add3A_275 = arith.addi %mul3A_251, %add3A_274 : i32
        %get3A_276 = arith.index_cast %add3A_275 : i32 to index
        %get3A_277 = tpu.vector_load %arg12[%get3A_276] {strides = array<i32>} : memref<33280xf32, #tpu.memory_space<vmem>>, vector<16xf32>,
        %add3A_278 = arith.constant 16 : i32
        %add3A_279 = arith.addi %add3A_260, %add3A_278 : i32
        %get3A_280 = arith.index_cast %add3A_279 : i32 to index
        %get3A_281 = tpu.vector_load %arg11[%get3A_280] {strides = array<i32>} : memref<20480xf32, #tpu.memory_space<vmem>>, vector<16xf32>,
        %add3A_282 = arith.addf %get3A_277, %get3A_281 : vector<16xf32>
        %add3A_283 = arith.constant 16 : i32
        %add3A_284 = arith.addi %mul3A_251, %add3A_283 : i32
        %swap3A_285 = arith.index_cast %add3A_284 : i32 to index
        %swap3A_286 = tpu.vector_load %arg12[%swap3A_285] {strides = array<i32>} : memref<33280xf32, #tpu.memory_space<vmem>>, vector<16xf32>,
        tpu.vector_store %arg12[%swap3A_285], %add3A_282 {strides = array<i32>} : memref<33280xf32, #tpu.memory_space<vmem>>, vector<16xf32>,
        %slice3A_287 = vector.extract_strided_slice %get3A_172 {offsets = [3], sizes = [1], strides = [1]} : vector<16xi32> to vector<1xi32>
        %squeeze3A_288 = vector.extract %slice3A_287[0] : i32 from vector<1xi32>
        %mul3A_289 = arith.constant 32 : i32
        %mul3A_290 = arith.muli %squeeze3A_288, %mul3A_289 : i32
        %mul3A_291 = arith.constant 16 : i32
        %mul3A_292 = arith.muli %scan3A_166, %mul3A_291 : i32
        %add3A_293 = arith.constant 3 : i32
        %add3A_294 = arith.addi %mul3A_292, %add3A_293 : i32
        %mul3A_295 = arith.constant 64 : i32
        %mul3A_296 = arith.muli %add3A_294, %mul3A_295 : i32
        %add3A_297 = arith.addi %mul3A_160, %mul3A_296 : i32
        %add3A_298 = arith.constant 0 : i32
        %add3A_299 = arith.addi %add3A_297, %add3A_298 : i32
        %add3A_300 = arith.constant 0 : i32
        %add3A_301 = arith.addi %mul3A_290, %add3A_300 : i32
        %get3A_302 = arith.index_cast %add3A_301 : i32 to index
        %get3A_303 = tpu.vector_load %arg12[%get3A_302] {strides = array<i32>} : memref<33280xf32, #tpu.memory_space<vmem>>, vector<16xf32>,
        %add3A_304 = arith.constant 0 : i32
        %add3A_305 = arith.addi %add3A_299, %add3A_304 : i32
        %get3A_306 = arith.index_cast %add3A_305 : i32 to index
        %get3A_307 = tpu.vector_load %arg11[%get3A_306] {strides = array<i32>} : memref<20480xf32, #tpu.memory_space<vmem>>, vector<16xf32>,
        %add3A_308 = arith.addf %get3A_303, %get3A_307 : vector<16xf32>
        %add3A_309 = arith.constant 0 : i32
        %add3A_310 = arith.addi %mul3A_290, %add3A_309 : i32
        %swap3A_311 = arith.index_cast %add3A_310 : i32 to index
        %swap3A_312 = tpu.vector_load %arg12[%swap3A_311] {strides = array<i32>} : memref<33280xf32, #tpu.memory_space<vmem>>, vector<16xf32>,
        tpu.vector_store %arg12[%swap3A_311], %add3A_308 {strides = array<i32>} : memref<33280xf32, #tpu.memory_space<vmem>>, vector<16xf32>,
        %add3A_313 = arith.constant 16 : i32
        %add3A_314 = arith.addi %mul3A_290, %add3A_313 : i32
        %get3A_315 = arith.index_cast %add3A_314 : i32 to index
        %get3A_316 = tpu.vector_load %arg12[%get3A_315] {strides = array<i32>} : memref<33280xf32, #tpu.memory_space<vmem>>, vector<16xf32>,
        %add3A_317 = arith.constant 16 : i32
        %add3A_318 = arith.addi %add3A_299, %add3A_317 : i32
        %get3A_319 = arith.index_cast %add3A_318 : i32 to index
        %get3A_320 = tpu.vector_load %arg11[%get3A_319] {strides = array<i32>} : memref<20480xf32, #tpu.memory_space<vmem>>, vector<16xf32>,
        %add3A_321 = arith.addf %get3A_316, %get3A_320 : vector<16xf32>
        %add3A_322 = arith.constant 16 : i32
        %add3A_323 = arith.addi %mul3A_290, %add3A_322 : i32
        %swap3A_324 = arith.index_cast %add3A_323 : i32 to index
        %swap3A_325 = tpu.vector_load %arg12[%swap3A_324] {strides = array<i32>} : memref<33280xf32, #tpu.memory_space<vmem>>, vector<16xf32>,
        tpu.vector_store %arg12[%swap3A_324], %add3A_321 {strides = array<i32>} : memref<33280xf32, #tpu.memory_space<vmem>>, vector<16xf32>,
        %slice3A_326 = vector.extract_strided_slice %get3A_172 {offsets = [4], sizes = [1], strides = [1]} : vector<16xi32> to vector<1xi32>
        %squeeze3A_327 = vector.extract %slice3A_326[0] : i32 from vector<1xi32>
        %mul3A_328 = arith.constant 32 : i32
        %mul3A_329 = arith.muli %squeeze3A_327, %mul3A_328 : i32
        %mul3A_330 = arith.constant 16 : i32
        %mul3A_331 = arith.muli %scan3A_166, %mul3A_330 : i32
        %add3A_332 = arith.constant 4 : i32
        %add3A_333 = arith.addi %mul3A_331, %add3A_332 : i32
        %mul3A_334 = arith.constant 64 : i32
        %mul3A_335 = arith.muli %add3A_333, %mul3A_334 : i32
        %add3A_336 = arith.addi %mul3A_160, %mul3A_335 : i32
        %add3A_337 = arith.constant 0 : i32
        %add3A_338 = arith.addi %add3A_336, %add3A_337 : i32
        %add3A_339 = arith.constant 0 : i32
        %add3A_340 = arith.addi %mul3A_329, %add3A_339 : i32
        %get3A_341 = arith.index_cast %add3A_340 : i32 to index
        %get3A_342 = tpu.vector_load %arg12[%get3A_341] {strides = array<i32>} : memref<33280xf32, #tpu.memory_space<vmem>>, vector<16xf32>,
        %add3A_343 = arith.constant 0 : i32
        %add3A_344 = arith.addi %add3A_338, %add3A_343 : i32
        %get3A_345 = arith.index_cast %add3A_344 : i32 to index
        %get3A_346 = tpu.vector_load %arg11[%get3A_345] {strides = array<i32>} : memref<20480xf32, #tpu.memory_space<vmem>>, vector<16xf32>,
        %add3A_347 = arith.addf %get3A_342, %get3A_346 : vector<16xf32>
        %add3A_348 = arith.constant 0 : i32
        %add3A_349 = arith.addi %mul3A_329, %add3A_348 : i32
        %swap3A_350 = arith.index_cast %add3A_349 : i32 to index
        %swap3A_351 = tpu.vector_load %arg12[%swap3A_350] {strides = array<i32>} : memref<33280xf32, #tpu.memory_space<vmem>>, vector<16xf32>,
        tpu.vector_store %arg12[%swap3A_350], %add3A_347 {strides = array<i32>} : memref<33280xf32, #tpu.memory_space<vmem>>, vector<16xf32>,
        %add3A_352 = arith.constant 16 : i32
        %add3A_353 = arith.addi %mul3A_329, %add3A_352 : i32
        %get3A_354 = arith.index_cast %add3A_353 : i32 to index
        %get3A_355 = tpu.vector_load %arg12[%get3A_354] {strides = array<i32>} : memref<33280xf32, #tpu.memory_space<vmem>>, vector<16xf32>,
        %add3A_356 = arith.constant 16 : i32
        %add3A_357 = arith.addi %add3A_338, %add3A_356 : i32
        %get3A_358 = arith.index_cast %add3A_357 : i32 to index
        %get3A_359 = tpu.vector_load %arg11[%get3A_358] {strides = array<i32>} : memref<20480xf32, #tpu.memory_space<vmem>>, vector<16xf32>,
        %add3A_360 = arith.addf %get3A_355, %get3A_359 : vector<16xf32>
        %add3A_361 = arith.constant 16 : i32
        %add3A_362 = arith.addi %mul3A_329, %add3A_361 : i32
        %swap3A_363 = arith.index_cast %add3A_362 : i32 to index
        %swap3A_364 = tpu.vector_load %arg12[%swap3A_363] {strides = array<i32>} : memref<33280xf32, #tpu.memory_space<vmem>>, vector<16xf32>,
        tpu.vector_store %arg12[%swap3A_363], %add3A_360 {strides = array<i32>} : memref<33280xf32, #tpu.memory_space<vmem>>, vector<16xf32>,
        %slice3A_365 = vector.extract_strided_slice %get3A_172 {offsets = [5], sizes = [1], strides = [1]} : vector<16xi32> to vector<1xi32>
        %squeeze3A_366 = vector.extract %slice3A_365[0] : i32 from vector<1xi32>
        %mul3A_367 = arith.constant 32 : i32
        %mul3A_368 = arith.muli %squeeze3A_366, %mul3A_367 : i32
        %mul3A_369 = arith.constant 16 : i32
        %mul3A_370 = arith.muli %scan3A_166, %mul3A_369 : i32
        %add3A_371 = arith.constant 5 : i32
        %add3A_372 = arith.addi %mul3A_370, %add3A_371 : i32
        %mul3A_373 = arith.constant 64 : i32
        %mul3A_374 = arith.muli %add3A_372, %mul3A_373 : i32
        %add3A_375 = arith.addi %mul3A_160, %mul3A_374 : i32
        %add3A_376 = arith.constant 0 : i32
        %add3A_377 = arith.addi %add3A_375, %add3A_376 : i32
        %add3A_378 = arith.constant 0 : i32
        %add3A_379 = arith.addi %mul3A_368, %add3A_378 : i32
        %get3A_380 = arith.index_cast %add3A_379 : i32 to index
        %get3A_381 = tpu.vector_load %arg12[%get3A_380] {strides = array<i32>} : memref<33280xf32, #tpu.memory_space<vmem>>, vector<16xf32>,
        %add3A_382 = arith.constant 0 : i32
        %add3A_383 = arith.addi %add3A_377, %add3A_382 : i32
        %get3A_384 = arith.index_cast %add3A_383 : i32 to index
        %get3A_385 = tpu.vector_load %arg11[%get3A_384] {strides = array<i32>} : memref<20480xf32, #tpu.memory_space<vmem>>, vector<16xf32>,
        %add3A_386 = arith.addf %get3A_381, %get3A_385 : vector<16xf32>
        %add3A_387 = arith.constant 0 : i32
        %add3A_388 = arith.addi %mul3A_368, %add3A_387 : i32
        %swap3A_389 = arith.index_cast %add3A_388 : i32 to index
        %swap3A_390 = tpu.vector_load %arg12[%swap3A_389] {strides = array<i32>} : memref<33280xf32, #tpu.memory_space<vmem>>, vector<16xf32>,
        tpu.vector_store %arg12[%swap3A_389], %add3A_386 {strides = array<i32>} : memref<33280xf32, #tpu.memory_space<vmem>>, vector<16xf32>,
        %add3A_391 = arith.constant 16 : i32
        %add3A_392 = arith.addi %mul3A_368, %add3A_391 : i32
        %get3A_393 = arith.index_cast %add3A_392 : i32 to index
        %get3A_394 = tpu.vector_load %arg12[%get3A_393] {strides = array<i32>} : memref<33280xf32, #tpu.memory_space<vmem>>, vector<16xf32>,
        %add3A_395 = arith.constant 16 : i32
        %add3A_396 = arith.addi %add3A_377, %add3A_395 : i32
        %get3A_397 = arith.index_cast %add3A_396 : i32 to index
        %get3A_398 = tpu.vector_load %arg11[%get3A_397] {strides = array<i32>} : memref<20480xf32, #tpu.memory_space<vmem>>, vector<16xf32>,
        %add3A_399 = arith.addf %get3A_394, %get3A_398 : vector<16xf32>
        %add3A_400 = arith.constant 16 : i32
        %add3A_401 = arith.addi %mul3A_368, %add3A_400 : i32
        %swap3A_402 = arith.index_cast %add3A_401 : i32 to index
        %swap3A_403 = tpu.vector_load %arg12[%swap3A_402] {strides = array<i32>} : memref<33280xf32, #tpu.memory_space<vmem>>, vector<16xf32>,
        tpu.vector_store %arg12[%swap3A_402], %add3A_399 {strides = array<i32>} : memref<33280xf32, #tpu.memory_space<vmem>>, vector<16xf32>,
        %slice3A_404 = vector.extract_strided_slice %get3A_172 {offsets = [6], sizes = [1], strides = [1]} : vector<16xi32> to vector<1xi32>
        %squeeze3A_405 = vector.extract %slice3A_404[0] : i32 from vector<1xi32>
        %mul3A_406 = arith.constant 32 : i32
        %mul3A_407 = arith.muli %squeeze3A_405, %mul3A_406 : i32
        %mul3A_408 = arith.constant 16 : i32
        %mul3A_409 = arith.muli %scan3A_166, %mul3A_408 : i32
        %add3A_410 = arith.constant 6 : i32
        %add3A_411 = arith.addi %mul3A_409, %add3A_410 : i32
        %mul3A_412 = arith.constant 64 : i32
        %mul3A_413 = arith.muli %add3A_411, %mul3A_412 : i32
        %add3A_414 = arith.addi %mul3A_160, %mul3A_413 : i32
        %add3A_415 = arith.constant 0 : i32
        %add3A_416 = arith.addi %add3A_414, %add3A_415 : i32
        %add3A_417 = arith.constant 0 : i32
        %add3A_418 = arith.addi %mul3A_407, %add3A_417 : i32
        %get3A_419 = arith.index_cast %add3A_418 : i32 to index
        %get3A_420 = tpu.vector_load %arg12[%get3A_419] {strides = array<i32>} : memref<33280xf32, #tpu.memory_space<vmem>>, vector<16xf32>,
        %add3A_421 = arith.constant 0 : i32
        %add3A_422 = arith.addi %add3A_416, %add3A_421 : i32
        %get3A_423 = arith.index_cast %add3A_422 : i32 to index
        %get3A_424 = tpu.vector_load %arg11[%get3A_423] {strides = array<i32>} : memref<20480xf32, #tpu.memory_space<vmem>>, vector<16xf32>,
        %add3A_425 = arith.addf %get3A_420, %get3A_424 : vector<16xf32>
        %add3A_426 = arith.constant 0 : i32
        %add3A_427 = arith.addi %mul3A_407, %add3A_426 : i32
        %swap3A_428 = arith.index_cast %add3A_427 : i32 to index
        %swap3A_429 = tpu.vector_load %arg12[%swap3A_428] {strides = array<i32>} : memref<33280xf32, #tpu.memory_space<vmem>>, vector<16xf32>,
        tpu.vector_store %arg12[%swap3A_428], %add3A_425 {strides = array<i32>} : memref<33280xf32, #tpu.memory_space<vmem>>, vector<16xf32>,
        %add3A_430 = arith.constant 16 : i32
        %add3A_431 = arith.addi %mul3A_407, %add3A_430 : i32
        %get3A_432 = arith.index_cast %add3A_431 : i32 to index
        %get3A_433 = tpu.vector_load %arg12[%get3A_432] {strides = array<i32>} : memref<33280xf32, #tpu.memory_space<vmem>>, vector<16xf32>,
        %add3A_434 = arith.constant 16 : i32
        %add3A_435 = arith.addi %add3A_416, %add3A_434 : i32
        %get3A_436 = arith.index_cast %add3A_435 : i32 to index
        %get3A_437 = tpu.vector_load %arg11[%get3A_436] {strides = array<i32>} : memref<20480xf32, #tpu.memory_space<vmem>>, vector<16xf32>,
        %add3A_438 = arith.addf %get3A_433, %get3A_437 : vector<16xf32>
        %add3A_439 = arith.constant 16 : i32
        %add3A_440 = arith.addi %mul3A_407, %add3A_439 : i32
        %swap3A_441 = arith.index_cast %add3A_440 : i32 to index
        %swap3A_442 = tpu.vector_load %arg12[%swap3A_441] {strides = array<i32>} : memref<33280xf32, #tpu.memory_space<vmem>>, vector<16xf32>,
        tpu.vector_store %arg12[%swap3A_441], %add3A_438 {strides = array<i32>} : memref<33280xf32, #tpu.memory_space<vmem>>, vector<16xf32>,
        %slice3A_443 = vector.extract_strided_slice %get3A_172 {offsets = [7], sizes = [1], strides = [1]} : vector<16xi32> to vector<1xi32>
        %squeeze3A_444 = vector.extract %slice3A_443[0] : i32 from vector<1xi32>
        %mul3A_445 = arith.constant 32 : i32
        %mul3A_446 = arith.muli %squeeze3A_444, %mul3A_445 : i32
        %mul3A_447 = arith.constant 16 : i32
        %mul3A_448 = arith.muli %scan3A_166, %mul3A_447 : i32
        %add3A_449 = arith.constant 7 : i32
        %add3A_450 = arith.addi %mul3A_448, %add3A_449 : i32
        %mul3A_451 = arith.constant 64 : i32
        %mul3A_452 = arith.muli %add3A_450, %mul3A_451 : i32
        %add3A_453 = arith.addi %mul3A_160, %mul3A_452 : i32
        %add3A_454 = arith.constant 0 : i32
        %add3A_455 = arith.addi %add3A_453, %add3A_454 : i32
        %add3A_456 = arith.constant 0 : i32
        %add3A_457 = arith.addi %mul3A_446, %add3A_456 : i32
        %get3A_458 = arith.index_cast %add3A_457 : i32 to index
        %get3A_459 = tpu.vector_load %arg12[%get3A_458] {strides = array<i32>} : memref<33280xf32, #tpu.memory_space<vmem>>, vector<16xf32>,
        %add3A_460 = arith.constant 0 : i32
        %add3A_461 = arith.addi %add3A_455, %add3A_460 : i32
        %get3A_462 = arith.index_cast %add3A_461 : i32 to index
        %get3A_463 = tpu.vector_load %arg11[%get3A_462] {strides = array<i32>} : memref<20480xf32, #tpu.memory_space<vmem>>, vector<16xf32>,
        %add3A_464 = arith.addf %get3A_459, %get3A_463 : vector<16xf32>
        %add3A_465 = arith.constant 0 : i32
        %add3A_466 = arith.addi %mul3A_446, %add3A_465 : i32
        %swap3A_467 = arith.index_cast %add3A_466 : i32 to index
        %swap3A_468 = tpu.vector_load %arg12[%swap3A_467] {strides = array<i32>} : memref<33280xf32, #tpu.memory_space<vmem>>, vector<16xf32>,
        tpu.vector_store %arg12[%swap3A_467], %add3A_464 {strides = array<i32>} : memref<33280xf32, #tpu.memory_space<vmem>>, vector<16xf32>,
        %add3A_469 = arith.constant 16 : i32
        %add3A_470 = arith.addi %mul3A_446, %add3A_469 : i32
        %get3A_471 = arith.index_cast %add3A_470 : i32 to index
        %get3A_472 = tpu.vector_load %arg12[%get3A_471] {strides = array<i32>} : memref<33280xf32, #tpu.memory_space<vmem>>, vector<16xf32>,
        %add3A_473 = arith.constant 16 : i32
        %add3A_474 = arith.addi %add3A_455, %add3A_473 : i32
        %get3A_475 = arith.index_cast %add3A_474 : i32 to index
        %get3A_476 = tpu.vector_load %arg11[%get3A_475] {strides = array<i32>} : memref<20480xf32, #tpu.memory_space<vmem>>, vector<16xf32>,
        %add3A_477 = arith.addf %get3A_472, %get3A_476 : vector<16xf32>
        %add3A_478 = arith.constant 16 : i32
        %add3A_479 = arith.addi %mul3A_446, %add3A_478 : i32
        %swap3A_480 = arith.index_cast %add3A_479 : i32 to index
        %swap3A_481 = tpu.vector_load %arg12[%swap3A_480] {strides = array<i32>} : memref<33280xf32, #tpu.memory_space<vmem>>, vector<16xf32>,
        tpu.vector_store %arg12[%swap3A_480], %add3A_477 {strides = array<i32>} : memref<33280xf32, #tpu.memory_space<vmem>>, vector<16xf32>,
        %slice3A_482 = vector.extract_strided_slice %get3A_172 {offsets = [8], sizes = [1], strides = [1]} : vector<16xi32> to vector<1xi32>
        %squeeze3A_483 = vector.extract %slice3A_482[0] : i32 from vector<1xi32>
        %mul3A_484 = arith.constant 32 : i32
        %mul3A_485 = arith.muli %squeeze3A_483, %mul3A_484 : i32
        %mul3A_486 = arith.constant 16 : i32
        %mul3A_487 = arith.muli %scan3A_166, %mul3A_486 : i32
        %add3A_488 = arith.constant 8 : i32
        %add3A_489 = arith.addi %mul3A_487, %add3A_488 : i32
        %mul3A_490 = arith.constant 64 : i32
        %mul3A_491 = arith.muli %add3A_489, %mul3A_490 : i32
        %add3A_492 = arith.addi %mul3A_160, %mul3A_491 : i32
        %add3A_493 = arith.constant 0 : i32
        %add3A_494 = arith.addi %add3A_492, %add3A_493 : i32
        %add3A_495 = arith.constant 0 : i32
        %add3A_496 = arith.addi %mul3A_485, %add3A_495 : i32
        %get3A_497 = arith.index_cast %add3A_496 : i32 to index
        %get3A_498 = tpu.vector_load %arg12[%get3A_497] {strides = array<i32>} : memref<33280xf32, #tpu.memory_space<vmem>>, vector<16xf32>,
        %add3A_499 = arith.constant 0 : i32
        %add3A_500 = arith.addi %add3A_494, %add3A_499 : i32
        %get3A_501 = arith.index_cast %add3A_500 : i32 to index
        %get3A_502 = tpu.vector_load %arg11[%get3A_501] {strides = array<i32>} : memref<20480xf32, #tpu.memory_space<vmem>>, vector<16xf32>,
        %add3A_503 = arith.addf %get3A_498, %get3A_502 : vector<16xf32>
        %add3A_504 = arith.constant 0 : i32
        %add3A_505 = arith.addi %mul3A_485, %add3A_504 : i32
        %swap3A_506 = arith.index_cast %add3A_505 : i32 to index
        %swap3A_507 = tpu.vector_load %arg12[%swap3A_506] {strides = array<i32>} : memref<33280xf32, #tpu.memory_space<vmem>>, vector<16xf32>,
        tpu.vector_store %arg12[%swap3A_506], %add3A_503 {strides = array<i32>} : memref<33280xf32, #tpu.memory_space<vmem>>, vector<16xf32>,
        %add3A_508 = arith.constant 16 : i32
        %add3A_509 = arith.addi %mul3A_485, %add3A_508 : i32
        %get3A_510 = arith.index_cast %add3A_509 : i32 to index
        %get3A_511 = tpu.vector_load %arg12[%get3A_510] {strides = array<i32>} : memref<33280xf32, #tpu.memory_space<vmem>>, vector<16xf32>,
        %add3A_512 = arith.constant 16 : i32
        %add3A_513 = arith.addi %add3A_494, %add3A_512 : i32
        %get3A_514 = arith.index_cast %add3A_513 : i32 to index
        %get3A_515 = tpu.vector_load %arg11[%get3A_514] {strides = array<i32>} : memref<20480xf32, #tpu.memory_space<vmem>>, vector<16xf32>,
        %add3A_516 = arith.addf %get3A_511, %get3A_515 : vector<16xf32>
        %add3A_517 = arith.constant 16 : i32
        %add3A_518 = arith.addi %mul3A_485, %add3A_517 : i32
        %swap3A_519 = arith.index_cast %add3A_518 : i32 to index
        %swap3A_520 = tpu.vector_load %arg12[%swap3A_519] {strides = array<i32>} : memref<33280xf32, #tpu.memory_space<vmem>>, vector<16xf32>,
        tpu.vector_store %arg12[%swap3A_519], %add3A_516 {strides = array<i32>} : memref<33280xf32, #tpu.memory_space<vmem>>, vector<16xf32>,
        %slice3A_521 = vector.extract_strided_slice %get3A_172 {offsets = [9], sizes = [1], strides = [1]} : vector<16xi32> to vector<1xi32>
        %squeeze3A_522 = vector.extract %slice3A_521[0] : i32 from vector<1xi32>
        %mul3A_523 = arith.constant 32 : i32
        %mul3A_524 = arith.muli %squeeze3A_522, %mul3A_523 : i32
        %mul3A_525 = arith.constant 16 : i32
        %mul3A_526 = arith.muli %scan3A_166, %mul3A_525 : i32
        %add3A_527 = arith.constant 9 : i32
        %add3A_528 = arith.addi %mul3A_526, %add3A_527 : i32
        %mul3A_529 = arith.constant 64 : i32
        %mul3A_530 = arith.muli %add3A_528, %mul3A_529 : i32
        %add3A_531 = arith.addi %mul3A_160, %mul3A_530 : i32
        %add3A_532 = arith.constant 0 : i32
        %add3A_533 = arith.addi %add3A_531, %add3A_532 : i32
        %add3A_534 = arith.constant 0 : i32
        %add3A_535 = arith.addi %mul3A_524, %add3A_534 : i32
        %get3A_536 = arith.index_cast %add3A_535 : i32 to index
        %get3A_537 = tpu.vector_load %arg12[%get3A_536] {strides = array<i32>} : memref<33280xf32, #tpu.memory_space<vmem>>, vector<16xf32>,
        %add3A_538 = arith.constant 0 : i32
        %add3A_539 = arith.addi %add3A_533, %add3A_538 : i32
        %get3A_540 = arith.index_cast %add3A_539 : i32 to index
        %get3A_541 = tpu.vector_load %arg11[%get3A_540] {strides = array<i32>} : memref<20480xf32, #tpu.memory_space<vmem>>, vector<16xf32>,
        %add3A_542 = arith.addf %get3A_537, %get3A_541 : vector<16xf32>
        %add3A_543 = arith.constant 0 : i32
        %add3A_544 = arith.addi %mul3A_524, %add3A_543 : i32
        %swap3A_545 = arith.index_cast %add3A_544 : i32 to index
        %swap3A_546 = tpu.vector_load %arg12[%swap3A_545] {strides = array<i32>} : memref<33280xf32, #tpu.memory_space<vmem>>, vector<16xf32>,
        tpu.vector_store %arg12[%swap3A_545], %add3A_542 {strides = array<i32>} : memref<33280xf32, #tpu.memory_space<vmem>>, vector<16xf32>,
        %add3A_547 = arith.constant 16 : i32
        %add3A_548 = arith.addi %mul3A_524, %add3A_547 : i32
        %get3A_549 = arith.index_cast %add3A_548 : i32 to index
        %get3A_550 = tpu.vector_load %arg12[%get3A_549] {strides = array<i32>} : memref<33280xf32, #tpu.memory_space<vmem>>, vector<16xf32>,
        %add3A_551 = arith.constant 16 : i32
        %add3A_552 = arith.addi %add3A_533, %add3A_551 : i32
        %get3A_553 = arith.index_cast %add3A_552 : i32 to index
        %get3A_554 = tpu.vector_load %arg11[%get3A_553] {strides = array<i32>} : memref<20480xf32, #tpu.memory_space<vmem>>, vector<16xf32>,
        %add3A_555 = arith.addf %get3A_550, %get3A_554 : vector<16xf32>
        %add3A_556 = arith.constant 16 : i32
        %add3A_557 = arith.addi %mul3A_524, %add3A_556 : i32
        %swap3A_558 = arith.index_cast %add3A_557 : i32 to index
        %swap3A_559 = tpu.vector_load %arg12[%swap3A_558] {strides = array<i32>} : memref<33280xf32, #tpu.memory_space<vmem>>, vector<16xf32>,
        tpu.vector_store %arg12[%swap3A_558], %add3A_555 {strides = array<i32>} : memref<33280xf32, #tpu.memory_space<vmem>>, vector<16xf32>,
        %slice3A_560 = vector.extract_strided_slice %get3A_172 {offsets = [10], sizes = [1], strides = [1]} : vector<16xi32> to vector<1xi32>
        %squeeze3A_561 = vector.extract %slice3A_560[0] : i32 from vector<1xi32>
        %mul3A_562 = arith.constant 32 : i32
        %mul3A_563 = arith.muli %squeeze3A_561, %mul3A_562 : i32
        %mul3A_564 = arith.constant 16 : i32
        %mul3A_565 = arith.muli %scan3A_166, %mul3A_564 : i32
        %add3A_566 = arith.constant 10 : i32
        %add3A_567 = arith.addi %mul3A_565, %add3A_566 : i32
        %mul3A_568 = arith.constant 64 : i32
        %mul3A_569 = arith.muli %add3A_567, %mul3A_568 : i32
        %add3A_570 = arith.addi %mul3A_160, %mul3A_569 : i32
        %add3A_571 = arith.constant 0 : i32
        %add3A_572 = arith.addi %add3A_570, %add3A_571 : i32
        %add3A_573 = arith.constant 0 : i32
        %add3A_574 = arith.addi %mul3A_563, %add3A_573 : i32
        %get3A_575 = arith.index_cast %add3A_574 : i32 to index
        %get3A_576 = tpu.vector_load %arg12[%get3A_575] {strides = array<i32>} : memref<33280xf32, #tpu.memory_space<vmem>>, vector<16xf32>,
        %add3A_577 = arith.constant 0 : i32
        %add3A_578 = arith.addi %add3A_572, %add3A_577 : i32
        %get3A_579 = arith.index_cast %add3A_578 : i32 to index
        %get3A_580 = tpu.vector_load %arg11[%get3A_579] {strides = array<i32>} : memref<20480xf32, #tpu.memory_space<vmem>>, vector<16xf32>,
        %add3A_581 = arith.addf %get3A_576, %get3A_580 : vector<16xf32>
        %add3A_582 = arith.constant 0 : i32
        %add3A_583 = arith.addi %mul3A_563, %add3A_582 : i32
        %swap3A_584 = arith.index_cast %add3A_583 : i32 to index
        %swap3A_585 = tpu.vector_load %arg12[%swap3A_584] {strides = array<i32>} : memref<33280xf32, #tpu.memory_space<vmem>>, vector<16xf32>,
        tpu.vector_store %arg12[%swap3A_584], %add3A_581 {strides = array<i32>} : memref<33280xf32, #tpu.memory_space<vmem>>, vector<16xf32>,
        %add3A_586 = arith.constant 16 : i32
        %add3A_587 = arith.addi %mul3A_563, %add3A_586 : i32
        %get3A_588 = arith.index_cast %add3A_587 : i32 to index
        %get3A_589 = tpu.vector_load %arg12[%get3A_588] {strides = array<i32>} : memref<33280xf32, #tpu.memory_space<vmem>>, vector<16xf32>,
        %add3A_590 = arith.constant 16 : i32
        %add3A_591 = arith.addi %add3A_572, %add3A_590 : i32
        %get3A_592 = arith.index_cast %add3A_591 : i32 to index
        %get3A_593 = tpu.vector_load %arg11[%get3A_592] {strides = array<i32>} : memref<20480xf32, #tpu.memory_space<vmem>>, vector<16xf32>,
        %add3A_594 = arith.addf %get3A_589, %get3A_593 : vector<16xf32>
        %add3A_595 = arith.constant 16 : i32
        %add3A_596 = arith.addi %mul3A_563, %add3A_595 : i32
        %swap3A_597 = arith.index_cast %add3A_596 : i32 to index
        %swap3A_598 = tpu.vector_load %arg12[%swap3A_597] {strides = array<i32>} : memref<33280xf32, #tpu.memory_space<vmem>>, vector<16xf32>,
        tpu.vector_store %arg12[%swap3A_597], %add3A_594 {strides = array<i32>} : memref<33280xf32, #tpu.memory_space<vmem>>, vector<16xf32>,
        %slice3A_599 = vector.extract_strided_slice %get3A_172 {offsets = [11], sizes = [1], strides = [1]} : vector<16xi32> to vector<1xi32>
        %squeeze3A_600 = vector.extract %slice3A_599[0] : i32 from vector<1xi32>
        %mul3A_601 = arith.constant 32 : i32
        %mul3A_602 = arith.muli %squeeze3A_600, %mul3A_601 : i32
        %mul3A_603 = arith.constant 16 : i32
        %mul3A_604 = arith.muli %scan3A_166, %mul3A_603 : i32
        %add3A_605 = arith.constant 11 : i32
        %add3A_606 = arith.addi %mul3A_604, %add3A_605 : i32
        %mul3A_607 = arith.constant 64 : i32
        %mul3A_608 = arith.muli %add3A_606, %mul3A_607 : i32
        %add3A_609 = arith.addi %mul3A_160, %mul3A_608 : i32
        %add3A_610 = arith.constant 0 : i32
        %add3A_611 = arith.addi %add3A_609, %add3A_610 : i32
        %add3A_612 = arith.constant 0 : i32
        %add3A_613 = arith.addi %mul3A_602, %add3A_612 : i32
        %get3A_614 = arith.index_cast %add3A_613 : i32 to index
        %get3A_615 = tpu.vector_load %arg12[%get3A_614] {strides = array<i32>} : memref<33280xf32, #tpu.memory_space<vmem>>, vector<16xf32>,
        %add3A_616 = arith.constant 0 : i32
        %add3A_617 = arith.addi %add3A_611, %add3A_616 : i32
        %get3A_618 = arith.index_cast %add3A_617 : i32 to index
        %get3A_619 = tpu.vector_load %arg11[%get3A_618] {strides = array<i32>} : memref<20480xf32, #tpu.memory_space<vmem>>, vector<16xf32>,
        %add3A_620 = arith.addf %get3A_615, %get3A_619 : vector<16xf32>
        %add3A_621 = arith.constant 0 : i32
        %add3A_622 = arith.addi %mul3A_602, %add3A_621 : i32
        %swap3A_623 = arith.index_cast %add3A_622 : i32 to index
        %swap3A_624 = tpu.vector_load %arg12[%swap3A_623] {strides = array<i32>} : memref<33280xf32, #tpu.memory_space<vmem>>, vector<16xf32>,
        tpu.vector_store %arg12[%swap3A_623], %add3A_620 {strides = array<i32>} : memref<33280xf32, #tpu.memory_space<vmem>>, vector<16xf32>,
        %add3A_625 = arith.constant 16 : i32
        %add3A_626 = arith.addi %mul3A_602, %add3A_625 : i32
        %get3A_627 = arith.index_cast %add3A_626 : i32 to index
        %get3A_628 = tpu.vector_load %arg12[%get3A_627] {strides = array<i32>} : memref<33280xf32, #tpu.memory_space<vmem>>, vector<16xf32>,
        %add3A_629 = arith.constant 16 : i32
        %add3A_630 = arith.addi %add3A_611, %add3A_629 : i32
        %get3A_631 = arith.index_cast %add3A_630 : i32 to index
        %get3A_632 = tpu.vector_load %arg11[%get3A_631] {strides = array<i32>} : memref<20480xf32, #tpu.memory_space<vmem>>, vector<16xf32>,
        %add3A_633 = arith.addf %get3A_628, %get3A_632 : vector<16xf32>
        %add3A_634 = arith.constant 16 : i32
        %add3A_635 = arith.addi %mul3A_602, %add3A_634 : i32
        %swap3A_636 = arith.index_cast %add3A_635 : i32 to index
        %swap3A_637 = tpu.vector_load %arg12[%swap3A_636] {strides = array<i32>} : memref<33280xf32, #tpu.memory_space<vmem>>, vector<16xf32>,
        tpu.vector_store %arg12[%swap3A_636], %add3A_633 {strides = array<i32>} : memref<33280xf32, #tpu.memory_space<vmem>>, vector<16xf32>,
        %slice3A_638 = vector.extract_strided_slice %get3A_172 {offsets = [12], sizes = [1], strides = [1]} : vector<16xi32> to vector<1xi32>
        %squeeze3A_639 = vector.extract %slice3A_638[0] : i32 from vector<1xi32>
        %mul3A_640 = arith.constant 32 : i32
        %mul3A_641 = arith.muli %squeeze3A_639, %mul3A_640 : i32
        %mul3A_642 = arith.constant 16 : i32
        %mul3A_643 = arith.muli %scan3A_166, %mul3A_642 : i32
        %add3A_644 = arith.constant 12 : i32
        %add3A_645 = arith.addi %mul3A_643, %add3A_644 : i32
        %mul3A_646 = arith.constant 64 : i32
        %mul3A_647 = arith.muli %add3A_645, %mul3A_646 : i32
        %add3A_648 = arith.addi %mul3A_160, %mul3A_647 : i32
        %add3A_649 = arith.constant 0 : i32
        %add3A_650 = arith.addi %add3A_648, %add3A_649 : i32
        %add3A_651 = arith.constant 0 : i32
        %add3A_652 = arith.addi %mul3A_641, %add3A_651 : i32
        %get3A_653 = arith.index_cast %add3A_652 : i32 to index
        %get3A_654 = tpu.vector_load %arg12[%get3A_653] {strides = array<i32>} : memref<33280xf32, #tpu.memory_space<vmem>>, vector<16xf32>,
        %add3A_655 = arith.constant 0 : i32
        %add3A_656 = arith.addi %add3A_650, %add3A_655 : i32
        %get3A_657 = arith.index_cast %add3A_656 : i32 to index
        %get3A_658 = tpu.vector_load %arg11[%get3A_657] {strides = array<i32>} : memref<20480xf32, #tpu.memory_space<vmem>>, vector<16xf32>,
        %add3A_659 = arith.addf %get3A_654, %get3A_658 : vector<16xf32>
        %add3A_660 = arith.constant 0 : i32
        %add3A_661 = arith.addi %mul3A_641, %add3A_660 : i32
        %swap3A_662 = arith.index_cast %add3A_661 : i32 to index
        %swap3A_663 = tpu.vector_load %arg12[%swap3A_662] {strides = array<i32>} : memref<33280xf32, #tpu.memory_space<vmem>>, vector<16xf32>,
        tpu.vector_store %arg12[%swap3A_662], %add3A_659 {strides = array<i32>} : memref<33280xf32, #tpu.memory_space<vmem>>, vector<16xf32>,
        %add3A_664 = arith.constant 16 : i32
        %add3A_665 = arith.addi %mul3A_641, %add3A_664 : i32
        %get3A_666 = arith.index_cast %add3A_665 : i32 to index
        %get3A_667 = tpu.vector_load %arg12[%get3A_666] {strides = array<i32>} : memref<33280xf32, #tpu.memory_space<vmem>>, vector<16xf32>,
        %add3A_668 = arith.constant 16 : i32
        %add3A_669 = arith.addi %add3A_650, %add3A_668 : i32
        %get3A_670 = arith.index_cast %add3A_669 : i32 to index
        %get3A_671 = tpu.vector_load %arg11[%get3A_670] {strides = array<i32>} : memref<20480xf32, #tpu.memory_space<vmem>>, vector<16xf32>,
        %add3A_672 = arith.addf %get3A_667, %get3A_671 : vector<16xf32>
        %add3A_673 = arith.constant 16 : i32
        %add3A_674 = arith.addi %mul3A_641, %add3A_673 : i32
        %swap3A_675 = arith.index_cast %add3A_674 : i32 to index
        %swap3A_676 = tpu.vector_load %arg12[%swap3A_675] {strides = array<i32>} : memref<33280xf32, #tpu.memory_space<vmem>>, vector<16xf32>,
        tpu.vector_store %arg12[%swap3A_675], %add3A_672 {strides = array<i32>} : memref<33280xf32, #tpu.memory_space<vmem>>, vector<16xf32>,
        %slice3A_677 = vector.extract_strided_slice %get3A_172 {offsets = [13], sizes = [1], strides = [1]} : vector<16xi32> to vector<1xi32>
        %squeeze3A_678 = vector.extract %slice3A_677[0] : i32 from vector<1xi32>
        %mul3A_679 = arith.constant 32 : i32
        %mul3A_680 = arith.muli %squeeze3A_678, %mul3A_679 : i32
        %mul3A_681 = arith.constant 16 : i32
        %mul3A_682 = arith.muli %scan3A_166, %mul3A_681 : i32
        %add3A_683 = arith.constant 13 : i32
        %add3A_684 = arith.addi %mul3A_682, %add3A_683 : i32
        %mul3A_685 = arith.constant 64 : i32
        %mul3A_686 = arith.muli %add3A_684, %mul3A_685 : i32
        %add3A_687 = arith.addi %mul3A_160, %mul3A_686 : i32
        %add3A_688 = arith.constant 0 : i32
        %add3A_689 = arith.addi %add3A_687, %add3A_688 : i32
        %add3A_690 = arith.constant 0 : i32
        %add3A_691 = arith.addi %mul3A_680, %add3A_690 : i32
        %get3A_692 = arith.index_cast %add3A_691 : i32 to index
        %get3A_693 = tpu.vector_load %arg12[%get3A_692] {strides = array<i32>} : memref<33280xf32, #tpu.memory_space<vmem>>, vector<16xf32>,
        %add3A_694 = arith.constant 0 : i32
        %add3A_695 = arith.addi %add3A_689, %add3A_694 : i32
        %get3A_696 = arith.index_cast %add3A_695 : i32 to index
        %get3A_697 = tpu.vector_load %arg11[%get3A_696] {strides = array<i32>} : memref<20480xf32, #tpu.memory_space<vmem>>, vector<16xf32>,
        %add3A_698 = arith.addf %get3A_693, %get3A_697 : vector<16xf32>
        %add3A_699 = arith.constant 0 : i32
        %add3A_700 = arith.addi %mul3A_680, %add3A_699 : i32
        %swap3A_701 = arith.index_cast %add3A_700 : i32 to index
        %swap3A_702 = tpu.vector_load %arg12[%swap3A_701] {strides = array<i32>} : memref<33280xf32, #tpu.memory_space<vmem>>, vector<16xf32>,
        tpu.vector_store %arg12[%swap3A_701], %add3A_698 {strides = array<i32>} : memref<33280xf32, #tpu.memory_space<vmem>>, vector<16xf32>,
        %add3A_703 = arith.constant 16 : i32
        %add3A_704 = arith.addi %mul3A_680, %add3A_703 : i32
        %get3A_705 = arith.index_cast %add3A_704 : i32 to index
        %get3A_706 = tpu.vector_load %arg12[%get3A_705] {strides = array<i32>} : memref<33280xf32, #tpu.memory_space<vmem>>, vector<16xf32>,
        %add3A_707 = arith.constant 16 : i32
        %add3A_708 = arith.addi %add3A_689, %add3A_707 : i32
        %get3A_709 = arith.index_cast %add3A_708 : i32 to index
        %get3A_710 = tpu.vector_load %arg11[%get3A_709] {strides = array<i32>} : memref<20480xf32, #tpu.memory_space<vmem>>, vector<16xf32>,
        %add3A_711 = arith.addf %get3A_706, %get3A_710 : vector<16xf32>
        %add3A_712 = arith.constant 16 : i32
        %add3A_713 = arith.addi %mul3A_680, %add3A_712 : i32
        %swap3A_714 = arith.index_cast %add3A_713 : i32 to index
        %swap3A_715 = tpu.vector_load %arg12[%swap3A_714] {strides = array<i32>} : memref<33280xf32, #tpu.memory_space<vmem>>, vector<16xf32>,
        tpu.vector_store %arg12[%swap3A_714], %add3A_711 {strides = array<i32>} : memref<33280xf32, #tpu.memory_space<vmem>>, vector<16xf32>,
        %slice3A_716 = vector.extract_strided_slice %get3A_172 {offsets = [14], sizes = [1], strides = [1]} : vector<16xi32> to vector<1xi32>
        %squeeze3A_717 = vector.extract %slice3A_716[0] : i32 from vector<1xi32>
        %mul3A_718 = arith.constant 32 : i32
        %mul3A_719 = arith.muli %squeeze3A_717, %mul3A_718 : i32
        %mul3A_720 = arith.constant 16 : i32
        %mul3A_721 = arith.muli %scan3A_166, %mul3A_720 : i32
        %add3A_722 = arith.constant 14 : i32
        %add3A_723 = arith.addi %mul3A_721, %add3A_722 : i32
        %mul3A_724 = arith.constant 64 : i32
        %mul3A_725 = arith.muli %add3A_723, %mul3A_724 : i32
        %add3A_726 = arith.addi %mul3A_160, %mul3A_725 : i32
        %add3A_727 = arith.constant 0 : i32
        %add3A_728 = arith.addi %add3A_726, %add3A_727 : i32
        %add3A_729 = arith.constant 0 : i32
        %add3A_730 = arith.addi %mul3A_719, %add3A_729 : i32
        %get3A_731 = arith.index_cast %add3A_730 : i32 to index
        %get3A_732 = tpu.vector_load %arg12[%get3A_731] {strides = array<i32>} : memref<33280xf32, #tpu.memory_space<vmem>>, vector<16xf32>,
        %add3A_733 = arith.constant 0 : i32
        %add3A_734 = arith.addi %add3A_728, %add3A_733 : i32
        %get3A_735 = arith.index_cast %add3A_734 : i32 to index
        %get3A_736 = tpu.vector_load %arg11[%get3A_735] {strides = array<i32>} : memref<20480xf32, #tpu.memory_space<vmem>>, vector<16xf32>,
        %add3A_737 = arith.addf %get3A_732, %get3A_736 : vector<16xf32>
        %add3A_738 = arith.constant 0 : i32
        %add3A_739 = arith.addi %mul3A_719, %add3A_738 : i32
        %swap3A_740 = arith.index_cast %add3A_739 : i32 to index
        %swap3A_741 = tpu.vector_load %arg12[%swap3A_740] {strides = array<i32>} : memref<33280xf32, #tpu.memory_space<vmem>>, vector<16xf32>,
        tpu.vector_store %arg12[%swap3A_740], %add3A_737 {strides = array<i32>} : memref<33280xf32, #tpu.memory_space<vmem>>, vector<16xf32>,
        %add3A_742 = arith.constant 16 : i32
        %add3A_743 = arith.addi %mul3A_719, %add3A_742 : i32
        %get3A_744 = arith.index_cast %add3A_743 : i32 to index
        %get3A_745 = tpu.vector_load %arg12[%get3A_744] {strides = array<i32>} : memref<33280xf32, #tpu.memory_space<vmem>>, vector<16xf32>,
        %add3A_746 = arith.constant 16 : i32
        %add3A_747 = arith.addi %add3A_728, %add3A_746 : i32
        %get3A_748 = arith.index_cast %add3A_747 : i32 to index
        %get3A_749 = tpu.vector_load %arg11[%get3A_748] {strides = array<i32>} : memref<20480xf32, #tpu.memory_space<vmem>>, vector<16xf32>,
        %add3A_750 = arith.addf %get3A_745, %get3A_749 : vector<16xf32>
        %add3A_751 = arith.constant 16 : i32
        %add3A_752 = arith.addi %mul3A_719, %add3A_751 : i32
        %swap3A_753 = arith.index_cast %add3A_752 : i32 to index
        %swap3A_754 = tpu.vector_load %arg12[%swap3A_753] {strides = array<i32>} : memref<33280xf32, #tpu.memory_space<vmem>>, vector<16xf32>,
        tpu.vector_store %arg12[%swap3A_753], %add3A_750 {strides = array<i32>} : memref<33280xf32, #tpu.memory_space<vmem>>, vector<16xf32>,
        %slice3A_755 = vector.extract_strided_slice %get3A_172 {offsets = [15], sizes = [1], strides = [1]} : vector<16xi32> to vector<1xi32>
        %squeeze3A_756 = vector.extract %slice3A_755[0] : i32 from vector<1xi32>
        %mul3A_757 = arith.constant 32 : i32
        %mul3A_758 = arith.muli %squeeze3A_756, %mul3A_757 : i32
        %mul3A_759 = arith.constant 16 : i32
        %mul3A_760 = arith.muli %scan3A_166, %mul3A_759 : i32
        %add3A_761 = arith.constant 15 : i32
        %add3A_762 = arith.addi %mul3A_760, %add3A_761 : i32
        %mul3A_763 = arith.constant 64 : i32
        %mul3A_764 = arith.muli %add3A_762, %mul3A_763 : i32
        %add3A_765 = arith.addi %mul3A_160, %mul3A_764 : i32
        %add3A_766 = arith.constant 0 : i32
        %add3A_767 = arith.addi %add3A_765, %add3A_766 : i32
        %add3A_768 = arith.constant 0 : i32
        %add3A_769 = arith.addi %mul3A_758, %add3A_768 : i32
        %get3A_770 = arith.index_cast %add3A_769 : i32 to index
        %get3A_771 = tpu.vector_load %arg12[%get3A_770] {strides = array<i32>} : memref<33280xf32, #tpu.memory_space<vmem>>, vector<16xf32>,
        %add3A_772 = arith.constant 0 : i32
        %add3A_773 = arith.addi %add3A_767, %add3A_772 : i32
        %get3A_774 = arith.index_cast %add3A_773 : i32 to index
        %get3A_775 = tpu.vector_load %arg11[%get3A_774] {strides = array<i32>} : memref<20480xf32, #tpu.memory_space<vmem>>, vector<16xf32>,
        %add3A_776 = arith.addf %get3A_771, %get3A_775 : vector<16xf32>
        %add3A_777 = arith.constant 0 : i32
        %add3A_778 = arith.addi %mul3A_758, %add3A_777 : i32
        %swap3A_779 = arith.index_cast %add3A_778 : i32 to index
        %swap3A_780 = tpu.vector_load %arg12[%swap3A_779] {strides = array<i32>} : memref<33280xf32, #tpu.memory_space<vmem>>, vector<16xf32>,
        tpu.vector_store %arg12[%swap3A_779], %add3A_776 {strides = array<i32>} : memref<33280xf32, #tpu.memory_space<vmem>>, vector<16xf32>,
        %add3A_781 = arith.constant 16 : i32
        %add3A_782 = arith.addi %mul3A_758, %add3A_781 : i32
        %get3A_783 = arith.index_cast %add3A_782 : i32 to index
        %get3A_784 = tpu.vector_load %arg12[%get3A_783] {strides = array<i32>} : memref<33280xf32, #tpu.memory_space<vmem>>, vector<16xf32>,
        %add3A_785 = arith.constant 16 : i32
        %add3A_786 = arith.addi %add3A_767, %add3A_785 : i32
        %get3A_787 = arith.index_cast %add3A_786 : i32 to index
        %get3A_788 = tpu.vector_load %arg11[%get3A_787] {strides = array<i32>} : memref<20480xf32, #tpu.memory_space<vmem>>, vector<16xf32>,
        %add3A_789 = arith.addf %get3A_784, %get3A_788 : vector<16xf32>
        %add3A_790 = arith.constant 16 : i32
        %add3A_791 = arith.addi %mul3A_758, %add3A_790 : i32
        %swap3A_792 = arith.index_cast %add3A_791 : i32 to index
        %swap3A_793 = tpu.vector_load %arg12[%swap3A_792] {strides = array<i32>} : memref<33280xf32, #tpu.memory_space<vmem>>, vector<16xf32>,
        tpu.vector_store %arg12[%swap3A_792], %add3A_789 {strides = array<i32>} : memref<33280xf32, #tpu.memory_space<vmem>>, vector<16xf32>,
      }
      %scan3A_165 = arith.constant 10 : i32
    }
    %while3A_45 = arith.constant 1 : i32
    scf.for %while3A_138 = %while3A_43 to %while3A_39 step %while3A_45  : i32 {
      %add3A_139 = arith.constant 1 : i32
      %add3A_140 = arith.addi %while3A_138, %add3A_139 : i32
      %lt3A_141 = arith.cmpi slt, %add3A_140, %max3A_34 : i32
      %convert_element_type3A_142 = arith.extui %lt3A_141 : i1 to i32
      %cond3A_143 = arith.constant 0 : i32
      %cond3A_144 = arith.cmpi ne, %convert_element_type3A_142, %cond3A_143 : i32
      scf.if %cond3A_144 {
        %add3A_166 = arith.constant 1 : i32
        %add3A_167 = arith.addi %while3A_138, %add3A_166 : i32
        %rem3A_168 = arith.constant 2 : i32
        %rem3A_169 = arith.remsi %add3A_167, %rem3A_168 : i32
        %mul3A_170 = arith.constant 10240 : i32
        %mul3A_171 = arith.muli %rem3A_169, %mul3A_170 : i32
        %mul3A_172 = arith.constant 160 : i32
        %mul3A_173 = arith.muli %add3A_167, %mul3A_172 : i32
        %add3A_174 = arith.addi %mul3A_2, %mul3A_173 : i32
        %mul3A_175 = arith.constant 64 : i32
        %mul3A_176 = arith.muli %add3A_174, %mul3A_175 : i32
        %dma_start3A = tpu.memref_slice %arg11[%mul3A_171] : memref<20480xf32, #tpu.memory_space<vmem>> -> memref<10240xf32, #tpu.memory_space<vmem>>
        %dma_start3A_177 = tpu.memref_slice %arg5[%mul3A_176] : memref<6400000xf32, #tpu.memory_space<hbm>> -> memref<10240xf32, #tpu.memory_space<hbm>>
        %dma_start3A_178 = tpu.memref_slice %arg11[%mul3A_171] : memref<20480xf32, #tpu.memory_space<vmem>> -> memref<10240xf32, #tpu.memory_space<vmem>>
        %dma_start3A_179 = tpu.memref_slice %arg5[%mul3A_176] : memref<6400000xf32, #tpu.memory_space<hbm>> -> memref<10240xf32, #tpu.memory_space<hbm>>
        tpu.enqueue_dma source(%dma_start3A_179 : memref<10240xf32, #tpu.memory_space<hbm>>) target(%dma_start3A_178 : memref<10240xf32, #tpu.memory_space<vmem>>) target_semaphore(%arg15 : memref<!tpu.dma_semaphore, #tpu.memory_space<semaphore_mem>>)
      } else {
      }
      %rem3A_145 = arith.constant 2 : i32
      %rem3A_146 = arith.remsi %while3A_138, %rem3A_145 : i32
      %mul3A_147 = arith.constant 10240 : i32
      %mul3A_148 = arith.muli %rem3A_146, %mul3A_147 : i32
      %mul3A_149 = arith.constant 160 : i32
      %mul3A_150 = arith.muli %while3A_138, %mul3A_149 : i32
      %add3A_151 = arith.addi %mul3A_2, %mul3A_150 : i32
      %mul3A_152 = arith.constant 64 : i32
      %mul3A_153 = arith.muli %add3A_151, %mul3A_152 : i32
      %dma_wait3A = tpu.memref_slice %arg11[%mul3A_148] : memref<20480xf32, #tpu.memory_space<vmem>> -> memref<10240xf32, #tpu.memory_space<vmem>>
      %dma_wait3A_154 = tpu.memref_slice %arg5[%mul3A_153] : memref<6400000xf32, #tpu.memory_space<hbm>> -> memref<10240xf32, #tpu.memory_space<hbm>>
      %dma_wait3A_155 = tpu.memref_slice %arg11[%mul3A_148] : memref<20480xf32, #tpu.memory_space<vmem>> -> memref<10240xf32, #tpu.memory_space<vmem>>
      %dma_wait3A_156 = tpu.memref_slice %arg5[%mul3A_153] : memref<6400000xf32, #tpu.memory_space<hbm>> -> memref<10240xf32, #tpu.memory_space<hbm>>
      tpu.wait_dma2 semaphore(%arg15 : memref<!tpu.dma_semaphore, #tpu.memory_space<semaphore_mem>>) src(%dma_wait3A_156 : memref<10240xf32, #tpu.memory_space<hbm>>) dst(%dma_wait3A_155 : memref<10240xf32, #tpu.memory_space<vmem>>)
      %rem3A_157 = arith.constant 2 : i32
      %rem3A_158 = arith.remsi %while3A_138, %rem3A_157 : i32
      %mul3A_159 = arith.constant 10240 : i32
      %mul3A_160 = arith.muli %rem3A_158, %mul3A_159 : i32
      %scan3A_161 = arith.constant 0 : i32
      %scan3A_162 = arith.constant 10 : i32
      %scan3A_163 = arith.addi %scan3A_161, %scan3A_162 : i32
      %scan3A_164 = arith.constant 1 : i32
      scf.for %scan3A_166 = %scan3A_161 to %scan3A_163 step %scan3A_164  : i32 {
        %mul3A_167 = arith.constant 160 : i32
        %mul3A_168 = arith.muli %while3A_138, %mul3A_167 : i32
        %mul3A_169 = arith.constant 16 : i32
        %mul3A_170 = arith.muli %scan3A_166, %mul3A_169 : i32
        %add3A_171 = arith.addi %mul3A_168, %mul3A_170 : i32
        %get3A = arith.index_cast %add3A_171 : i32 to index
        %get3A_172 = tpu.vector_load %arg9[%get3A] {strides = array<i32>} : memref<3200xi32, #tpu.memory_space<vmem>>, vector<16xi32>,
        %slice3A = vector.extract_strided_slice %get3A_172 {offsets = [0], sizes = [1], strides = [1]} : vector<16xi32> to vector<1xi32>
        %squeeze3A = vector.extract %slice3A[0] : i32 from vector<1xi32>
        %mul3A_173 = arith.constant 32 : i32
        %mul3A_174 = arith.muli %squeeze3A, %mul3A_173 : i32
        %mul3A_175 = arith.constant 16 : i32
        %mul3A_176 = arith.muli %scan3A_166, %mul3A_175 : i32
        %add3A_177 = arith.constant 0 : i32
        %add3A_178 = arith.addi %mul3A_176, %add3A_177 : i32
        %mul3A_179 = arith.constant 64 : i32
        %mul3A_180 = arith.muli %add3A_178, %mul3A_179 : i32
        %add3A_181 = arith.addi %mul3A_160, %mul3A_180 : i32
        %add3A_182 = arith.constant 0 : i32
        %add3A_183 = arith.addi %add3A_181, %add3A_182 : i32
        %add3A_184 = arith.constant 0 : i32
        %add3A_185 = arith.addi %mul3A_174, %add3A_184 : i32
        %get3A_186 = arith.index_cast %add3A_185 : i32 to index
        %get3A_187 = tpu.vector_load %arg12[%get3A_186] {strides = array<i32>} : memref<33280xf32, #tpu.memory_space<vmem>>, vector<16xf32>,
        %add3A_188 = arith.constant 0 : i32
        %add3A_189 = arith.addi %add3A_183, %add3A_188 : i32
        %get3A_190 = arith.index_cast %add3A_189 : i32 to index
        %get3A_191 = tpu.vector_load %arg11[%get3A_190] {strides = array<i32>} : memref<20480xf32, #tpu.memory_space<vmem>>, vector<16xf32>,
        %add3A_192 = arith.addf %get3A_187, %get3A_191 : vector<16xf32>
        %add3A_193 = arith.constant 0 : i32
        %add3A_194 = arith.addi %mul3A_174, %add3A_193 : i32
        %swap3A = arith.index_cast %add3A_194 : i32 to index
        %swap3A_195 = tpu.vector_load %arg12[%swap3A] {strides = array<i32>} : memref<33280xf32, #tpu.memory_space<vmem>>, vector<16xf32>,
        tpu.vector_store %arg12[%swap3A], %add3A_192 {strides = array<i32>} : memref<33280xf32, #tpu.memory_space<vmem>>, vector<16xf32>,
        %add3A_196 = arith.constant 16 : i32
        %add3A_197 = arith.addi %mul3A_174, %add3A_196 : i32
        %get3A_198 = arith.index_cast %add3A_197 : i32 to index
        %get3A_199 = tpu.vector_load %arg12[%get3A_198] {strides = array<i32>} : memref<33280xf32, #tpu.memory_space<vmem>>, vector<16xf32>,
        %add3A_200 = arith.constant 16 : i32
        %add3A_201 = arith.addi %add3A_183, %add3A_200 : i32
        %get3A_202 = arith.index_cast %add3A_201 : i32 to index
        %get3A_203 = tpu.vector_load %arg11[%get3A_202] {strides = array<i32>} : memref<20480xf32, #tpu.memory_space<vmem>>, vector<16xf32>,
        %add3A_204 = arith.addf %get3A_199, %get3A_203 : vector<16xf32>
        %add3A_205 = arith.constant 16 : i32
        %add3A_206 = arith.addi %mul3A_174, %add3A_205 : i32
        %swap3A_207 = arith.index_cast %add3A_206 : i32 to index
        %swap3A_208 = tpu.vector_load %arg12[%swap3A_207] {strides = array<i32>} : memref<33280xf32, #tpu.memory_space<vmem>>, vector<16xf32>,
        tpu.vector_store %arg12[%swap3A_207], %add3A_204 {strides = array<i32>} : memref<33280xf32, #tpu.memory_space<vmem>>, vector<16xf32>,
        %slice3A_209 = vector.extract_strided_slice %get3A_172 {offsets = [1], sizes = [1], strides = [1]} : vector<16xi32> to vector<1xi32>
        %squeeze3A_210 = vector.extract %slice3A_209[0] : i32 from vector<1xi32>
        %mul3A_211 = arith.constant 32 : i32
        %mul3A_212 = arith.muli %squeeze3A_210, %mul3A_211 : i32
        %mul3A_213 = arith.constant 16 : i32
        %mul3A_214 = arith.muli %scan3A_166, %mul3A_213 : i32
        %add3A_215 = arith.constant 1 : i32
        %add3A_216 = arith.addi %mul3A_214, %add3A_215 : i32
        %mul3A_217 = arith.constant 64 : i32
        %mul3A_218 = arith.muli %add3A_216, %mul3A_217 : i32
        %add3A_219 = arith.addi %mul3A_160, %mul3A_218 : i32
        %add3A_220 = arith.constant 0 : i32
        %add3A_221 = arith.addi %add3A_219, %add3A_220 : i32
        %add3A_222 = arith.constant 0 : i32
        %add3A_223 = arith.addi %mul3A_212, %add3A_222 : i32
        %get3A_224 = arith.index_cast %add3A_223 : i32 to index
        %get3A_225 = tpu.vector_load %arg12[%get3A_224] {strides = array<i32>} : memref<33280xf32, #tpu.memory_space<vmem>>, vector<16xf32>,
        %add3A_226 = arith.constant 0 : i32
        %add3A_227 = arith.addi %add3A_221, %add3A_226 : i32
        %get3A_228 = arith.index_cast %add3A_227 : i32 to index
        %get3A_229 = tpu.vector_load %arg11[%get3A_228] {strides = array<i32>} : memref<20480xf32, #tpu.memory_space<vmem>>, vector<16xf32>,
        %add3A_230 = arith.addf %get3A_225, %get3A_229 : vector<16xf32>
        %add3A_231 = arith.constant 0 : i32
        %add3A_232 = arith.addi %mul3A_212, %add3A_231 : i32
        %swap3A_233 = arith.index_cast %add3A_232 : i32 to index
        %swap3A_234 = tpu.vector_load %arg12[%swap3A_233] {strides = array<i32>} : memref<33280xf32, #tpu.memory_space<vmem>>, vector<16xf32>,
        tpu.vector_store %arg12[%swap3A_233], %add3A_230 {strides = array<i32>} : memref<33280xf32, #tpu.memory_space<vmem>>, vector<16xf32>,
        %add3A_235 = arith.constant 16 : i32
        %add3A_236 = arith.addi %mul3A_212, %add3A_235 : i32
        %get3A_237 = arith.index_cast %add3A_236 : i32 to index
        %get3A_238 = tpu.vector_load %arg12[%get3A_237] {strides = array<i32>} : memref<33280xf32, #tpu.memory_space<vmem>>, vector<16xf32>,
        %add3A_239 = arith.constant 16 : i32
        %add3A_240 = arith.addi %add3A_221, %add3A_239 : i32
        %get3A_241 = arith.index_cast %add3A_240 : i32 to index
        %get3A_242 = tpu.vector_load %arg11[%get3A_241] {strides = array<i32>} : memref<20480xf32, #tpu.memory_space<vmem>>, vector<16xf32>,
        %add3A_243 = arith.addf %get3A_238, %get3A_242 : vector<16xf32>
        %add3A_244 = arith.constant 16 : i32
        %add3A_245 = arith.addi %mul3A_212, %add3A_244 : i32
        %swap3A_246 = arith.index_cast %add3A_245 : i32 to index
        %swap3A_247 = tpu.vector_load %arg12[%swap3A_246] {strides = array<i32>} : memref<33280xf32, #tpu.memory_space<vmem>>, vector<16xf32>,
        tpu.vector_store %arg12[%swap3A_246], %add3A_243 {strides = array<i32>} : memref<33280xf32, #tpu.memory_space<vmem>>, vector<16xf32>,
        %slice3A_248 = vector.extract_strided_slice %get3A_172 {offsets = [2], sizes = [1], strides = [1]} : vector<16xi32> to vector<1xi32>
        %squeeze3A_249 = vector.extract %slice3A_248[0] : i32 from vector<1xi32>
        %mul3A_250 = arith.constant 32 : i32
        %mul3A_251 = arith.muli %squeeze3A_249, %mul3A_250 : i32
        %mul3A_252 = arith.constant 16 : i32
        %mul3A_253 = arith.muli %scan3A_166, %mul3A_252 : i32
        %add3A_254 = arith.constant 2 : i32
        %add3A_255 = arith.addi %mul3A_253, %add3A_254 : i32
        %mul3A_256 = arith.constant 64 : i32
        %mul3A_257 = arith.muli %add3A_255, %mul3A_256 : i32
        %add3A_258 = arith.addi %mul3A_160, %mul3A_257 : i32
        %add3A_259 = arith.constant 0 : i32
        %add3A_260 = arith.addi %add3A_258, %add3A_259 : i32
        %add3A_261 = arith.constant 0 : i32
        %add3A_262 = arith.addi %mul3A_251, %add3A_261 : i32
        %get3A_263 = arith.index_cast %add3A_262 : i32 to index
        %get3A_264 = tpu.vector_load %arg12[%get3A_263] {strides = array<i32>} : memref<33280xf32, #tpu.memory_space<vmem>>, vector<16xf32>,
        %add3A_265 = arith.constant 0 : i32
        %add3A_266 = arith.addi %add3A_260, %add3A_265 : i32
        %get3A_267 = arith.index_cast %add3A_266 : i32 to index
        %get3A_268 = tpu.vector_load %arg11[%get3A_267] {strides = array<i32>} : memref<20480xf32, #tpu.memory_space<vmem>>, vector<16xf32>,
        %add3A_269 = arith.addf %get3A_264, %get3A_268 : vector<16xf32>
        %add3A_270 = arith.constant 0 : i32
        %add3A_271 = arith.addi %mul3A_251, %add3A_270 : i32
        %swap3A_272 = arith.index_cast %add3A_271 : i32 to index
        %swap3A_273 = tpu.vector_load %arg12[%swap3A_272] {strides = array<i32>} : memref<33280xf32, #tpu.memory_space<vmem>>, vector<16xf32>,
        tpu.vector_store %arg12[%swap3A_272], %add3A_269 {strides = array<i32>} : memref<33280xf32, #tpu.memory_space<vmem>>, vector<16xf32>,
        %add3A_274 = arith.constant 16 : i32
        %add3A_275 = arith.addi %mul3A_251, %add3A_274 : i32
        %get3A_276 = arith.index_cast %add3A_275 : i32 to index
        %get3A_277 = tpu.vector_load %arg12[%get3A_276] {strides = array<i32>} : memref<33280xf32, #tpu.memory_space<vmem>>, vector<16xf32>,
        %add3A_278 = arith.constant 16 : i32
        %add3A_279 = arith.addi %add3A_260, %add3A_278 : i32
        %get3A_280 = arith.index_cast %add3A_279 : i32 to index
        %get3A_281 = tpu.vector_load %arg11[%get3A_280] {strides = array<i32>} : memref<20480xf32, #tpu.memory_space<vmem>>, vector<16xf32>,
        %add3A_282 = arith.addf %get3A_277, %get3A_281 : vector<16xf32>
        %add3A_283 = arith.constant 16 : i32
        %add3A_284 = arith.addi %mul3A_251, %add3A_283 : i32
        %swap3A_285 = arith.index_cast %add3A_284 : i32 to index
        %swap3A_286 = tpu.vector_load %arg12[%swap3A_285] {strides = array<i32>} : memref<33280xf32, #tpu.memory_space<vmem>>, vector<16xf32>,
        tpu.vector_store %arg12[%swap3A_285], %add3A_282 {strides = array<i32>} : memref<33280xf32, #tpu.memory_space<vmem>>, vector<16xf32>,
        %slice3A_287 = vector.extract_strided_slice %get3A_172 {offsets = [3], sizes = [1], strides = [1]} : vector<16xi32> to vector<1xi32>
        %squeeze3A_288 = vector.extract %slice3A_287[0] : i32 from vector<1xi32>
        %mul3A_289 = arith.constant 32 : i32
        %mul3A_290 = arith.muli %squeeze3A_288, %mul3A_289 : i32
        %mul3A_291 = arith.constant 16 : i32
        %mul3A_292 = arith.muli %scan3A_166, %mul3A_291 : i32
        %add3A_293 = arith.constant 3 : i32
        %add3A_294 = arith.addi %mul3A_292, %add3A_293 : i32
        %mul3A_295 = arith.constant 64 : i32
        %mul3A_296 = arith.muli %add3A_294, %mul3A_295 : i32
        %add3A_297 = arith.addi %mul3A_160, %mul3A_296 : i32
        %add3A_298 = arith.constant 0 : i32
        %add3A_299 = arith.addi %add3A_297, %add3A_298 : i32
        %add3A_300 = arith.constant 0 : i32
        %add3A_301 = arith.addi %mul3A_290, %add3A_300 : i32
        %get3A_302 = arith.index_cast %add3A_301 : i32 to index
        %get3A_303 = tpu.vector_load %arg12[%get3A_302] {strides = array<i32>} : memref<33280xf32, #tpu.memory_space<vmem>>, vector<16xf32>,
        %add3A_304 = arith.constant 0 : i32
        %add3A_305 = arith.addi %add3A_299, %add3A_304 : i32
        %get3A_306 = arith.index_cast %add3A_305 : i32 to index
        %get3A_307 = tpu.vector_load %arg11[%get3A_306] {strides = array<i32>} : memref<20480xf32, #tpu.memory_space<vmem>>, vector<16xf32>,
        %add3A_308 = arith.addf %get3A_303, %get3A_307 : vector<16xf32>
        %add3A_309 = arith.constant 0 : i32
        %add3A_310 = arith.addi %mul3A_290, %add3A_309 : i32
        %swap3A_311 = arith.index_cast %add3A_310 : i32 to index
        %swap3A_312 = tpu.vector_load %arg12[%swap3A_311] {strides = array<i32>} : memref<33280xf32, #tpu.memory_space<vmem>>, vector<16xf32>,
        tpu.vector_store %arg12[%swap3A_311], %add3A_308 {strides = array<i32>} : memref<33280xf32, #tpu.memory_space<vmem>>, vector<16xf32>,
        %add3A_313 = arith.constant 16 : i32
        %add3A_314 = arith.addi %mul3A_290, %add3A_313 : i32
        %get3A_315 = arith.index_cast %add3A_314 : i32 to index
        %get3A_316 = tpu.vector_load %arg12[%get3A_315] {strides = array<i32>} : memref<33280xf32, #tpu.memory_space<vmem>>, vector<16xf32>,
        %add3A_317 = arith.constant 16 : i32
        %add3A_318 = arith.addi %add3A_299, %add3A_317 : i32
        %get3A_319 = arith.index_cast %add3A_318 : i32 to index
        %get3A_320 = tpu.vector_load %arg11[%get3A_319] {strides = array<i32>} : memref<20480xf32, #tpu.memory_space<vmem>>, vector<16xf32>,
        %add3A_321 = arith.addf %get3A_316, %get3A_320 : vector<16xf32>
        %add3A_322 = arith.constant 16 : i32
        %add3A_323 = arith.addi %mul3A_290, %add3A_322 : i32
        %swap3A_324 = arith.index_cast %add3A_323 : i32 to index
        %swap3A_325 = tpu.vector_load %arg12[%swap3A_324] {strides = array<i32>} : memref<33280xf32, #tpu.memory_space<vmem>>, vector<16xf32>,
        tpu.vector_store %arg12[%swap3A_324], %add3A_321 {strides = array<i32>} : memref<33280xf32, #tpu.memory_space<vmem>>, vector<16xf32>,
        %slice3A_326 = vector.extract_strided_slice %get3A_172 {offsets = [4], sizes = [1], strides = [1]} : vector<16xi32> to vector<1xi32>
        %squeeze3A_327 = vector.extract %slice3A_326[0] : i32 from vector<1xi32>
        %mul3A_328 = arith.constant 32 : i32
        %mul3A_329 = arith.muli %squeeze3A_327, %mul3A_328 : i32
        %mul3A_330 = arith.constant 16 : i32
        %mul3A_331 = arith.muli %scan3A_166, %mul3A_330 : i32
        %add3A_332 = arith.constant 4 : i32
        %add3A_333 = arith.addi %mul3A_331, %add3A_332 : i32
        %mul3A_334 = arith.constant 64 : i32
        %mul3A_335 = arith.muli %add3A_333, %mul3A_334 : i32
        %add3A_336 = arith.addi %mul3A_160, %mul3A_335 : i32
        %add3A_337 = arith.constant 0 : i32
        %add3A_338 = arith.addi %add3A_336, %add3A_337 : i32
        %add3A_339 = arith.constant 0 : i32
        %add3A_340 = arith.addi %mul3A_329, %add3A_339 : i32
        %get3A_341 = arith.index_cast %add3A_340 : i32 to index
        %get3A_342 = tpu.vector_load %arg12[%get3A_341] {strides = array<i32>} : memref<33280xf32, #tpu.memory_space<vmem>>, vector<16xf32>,
        %add3A_343 = arith.constant 0 : i32
        %add3A_344 = arith.addi %add3A_338, %add3A_343 : i32
        %get3A_345 = arith.index_cast %add3A_344 : i32 to index
        %get3A_346 = tpu.vector_load %arg11[%get3A_345] {strides = array<i32>} : memref<20480xf32, #tpu.memory_space<vmem>>, vector<16xf32>,
        %add3A_347 = arith.addf %get3A_342, %get3A_346 : vector<16xf32>
        %add3A_348 = arith.constant 0 : i32
        %add3A_349 = arith.addi %mul3A_329, %add3A_348 : i32
        %swap3A_350 = arith.index_cast %add3A_349 : i32 to index
        %swap3A_351 = tpu.vector_load %arg12[%swap3A_350] {strides = array<i32>} : memref<33280xf32, #tpu.memory_space<vmem>>, vector<16xf32>,
        tpu.vector_store %arg12[%swap3A_350], %add3A_347 {strides = array<i32>} : memref<33280xf32, #tpu.memory_space<vmem>>, vector<16xf32>,
        %add3A_352 = arith.constant 16 : i32
        %add3A_353 = arith.addi %mul3A_329, %add3A_352 : i32
        %get3A_354 = arith.index_cast %add3A_353 : i32 to index
        %get3A_355 = tpu.vector_load %arg12[%get3A_354] {strides = array<i32>} : memref<33280xf32, #tpu.memory_space<vmem>>, vector<16xf32>,
        %add3A_356 = arith.constant 16 : i32
        %add3A_357 = arith.addi %add3A_338, %add3A_356 : i32
        %get3A_358 = arith.index_cast %add3A_357 : i32 to index
        %get3A_359 = tpu.vector_load %arg11[%get3A_358] {strides = array<i32>} : memref<20480xf32, #tpu.memory_space<vmem>>, vector<16xf32>,
        %add3A_360 = arith.addf %get3A_355, %get3A_359 : vector<16xf32>
        %add3A_361 = arith.constant 16 : i32
        %add3A_362 = arith.addi %mul3A_329, %add3A_361 : i32
        %swap3A_363 = arith.index_cast %add3A_362 : i32 to index
        %swap3A_364 = tpu.vector_load %arg12[%swap3A_363] {strides = array<i32>} : memref<33280xf32, #tpu.memory_space<vmem>>, vector<16xf32>,
        tpu.vector_store %arg12[%swap3A_363], %add3A_360 {strides = array<i32>} : memref<33280xf32, #tpu.memory_space<vmem>>, vector<16xf32>,
        %slice3A_365 = vector.extract_strided_slice %get3A_172 {offsets = [5], sizes = [1], strides = [1]} : vector<16xi32> to vector<1xi32>
        %squeeze3A_366 = vector.extract %slice3A_365[0] : i32 from vector<1xi32>
        %mul3A_367 = arith.constant 32 : i32
        %mul3A_368 = arith.muli %squeeze3A_366, %mul3A_367 : i32
        %mul3A_369 = arith.constant 16 : i32
        %mul3A_370 = arith.muli %scan3A_166, %mul3A_369 : i32
        %add3A_371 = arith.constant 5 : i32
        %add3A_372 = arith.addi %mul3A_370, %add3A_371 : i32
        %mul3A_373 = arith.constant 64 : i32
        %mul3A_374 = arith.muli %add3A_372, %mul3A_373 : i32
        %add3A_375 = arith.addi %mul3A_160, %mul3A_374 : i32
        %add3A_376 = arith.constant 0 : i32
        %add3A_377 = arith.addi %add3A_375, %add3A_376 : i32
        %add3A_378 = arith.constant 0 : i32
        %add3A_379 = arith.addi %mul3A_368, %add3A_378 : i32
        %get3A_380 = arith.index_cast %add3A_379 : i32 to index
        %get3A_381 = tpu.vector_load %arg12[%get3A_380] {strides = array<i32>} : memref<33280xf32, #tpu.memory_space<vmem>>, vector<16xf32>,
        %add3A_382 = arith.constant 0 : i32
        %add3A_383 = arith.addi %add3A_377, %add3A_382 : i32
        %get3A_384 = arith.index_cast %add3A_383 : i32 to index
        %get3A_385 = tpu.vector_load %arg11[%get3A_384] {strides = array<i32>} : memref<20480xf32, #tpu.memory_space<vmem>>, vector<16xf32>,
        %add3A_386 = arith.addf %get3A_381, %get3A_385 : vector<16xf32>
        %add3A_387 = arith.constant 0 : i32
        %add3A_388 = arith.addi %mul3A_368, %add3A_387 : i32
        %swap3A_389 = arith.index_cast %add3A_388 : i32 to index
        %swap3A_390 = tpu.vector_load %arg12[%swap3A_389] {strides = array<i32>} : memref<33280xf32, #tpu.memory_space<vmem>>, vector<16xf32>,
        tpu.vector_store %arg12[%swap3A_389], %add3A_386 {strides = array<i32>} : memref<33280xf32, #tpu.memory_space<vmem>>, vector<16xf32>,
        %add3A_391 = arith.constant 16 : i32
        %add3A_392 = arith.addi %mul3A_368, %add3A_391 : i32
        %get3A_393 = arith.index_cast %add3A_392 : i32 to index
        %get3A_394 = tpu.vector_load %arg12[%get3A_393] {strides = array<i32>} : memref<33280xf32, #tpu.memory_space<vmem>>, vector<16xf32>,
        %add3A_395 = arith.constant 16 : i32
        %add3A_396 = arith.addi %add3A_377, %add3A_395 : i32
        %get3A_397 = arith.index_cast %add3A_396 : i32 to index
        %get3A_398 = tpu.vector_load %arg11[%get3A_397] {strides = array<i32>} : memref<20480xf32, #tpu.memory_space<vmem>>, vector<16xf32>,
        %add3A_399 = arith.addf %get3A_394, %get3A_398 : vector<16xf32>
        %add3A_400 = arith.constant 16 : i32
        %add3A_401 = arith.addi %mul3A_368, %add3A_400 : i32
        %swap3A_402 = arith.index_cast %add3A_401 : i32 to index
        %swap3A_403 = tpu.vector_load %arg12[%swap3A_402] {strides = array<i32>} : memref<33280xf32, #tpu.memory_space<vmem>>, vector<16xf32>,
        tpu.vector_store %arg12[%swap3A_402], %add3A_399 {strides = array<i32>} : memref<33280xf32, #tpu.memory_space<vmem>>, vector<16xf32>,
        %slice3A_404 = vector.extract_strided_slice %get3A_172 {offsets = [6], sizes = [1], strides = [1]} : vector<16xi32> to vector<1xi32>
        %squeeze3A_405 = vector.extract %slice3A_404[0] : i32 from vector<1xi32>
        %mul3A_406 = arith.constant 32 : i32
        %mul3A_407 = arith.muli %squeeze3A_405, %mul3A_406 : i32
        %mul3A_408 = arith.constant 16 : i32
        %mul3A_409 = arith.muli %scan3A_166, %mul3A_408 : i32
        %add3A_410 = arith.constant 6 : i32
        %add3A_411 = arith.addi %mul3A_409, %add3A_410 : i32
        %mul3A_412 = arith.constant 64 : i32
        %mul3A_413 = arith.muli %add3A_411, %mul3A_412 : i32
        %add3A_414 = arith.addi %mul3A_160, %mul3A_413 : i32
        %add3A_415 = arith.constant 0 : i32
        %add3A_416 = arith.addi %add3A_414, %add3A_415 : i32
        %add3A_417 = arith.constant 0 : i32
        %add3A_418 = arith.addi %mul3A_407, %add3A_417 : i32
        %get3A_419 = arith.index_cast %add3A_418 : i32 to index
        %get3A_420 = tpu.vector_load %arg12[%get3A_419] {strides = array<i32>} : memref<33280xf32, #tpu.memory_space<vmem>>, vector<16xf32>,
        %add3A_421 = arith.constant 0 : i32
        %add3A_422 = arith.addi %add3A_416, %add3A_421 : i32
        %get3A_423 = arith.index_cast %add3A_422 : i32 to index
        %get3A_424 = tpu.vector_load %arg11[%get3A_423] {strides = array<i32>} : memref<20480xf32, #tpu.memory_space<vmem>>, vector<16xf32>,
        %add3A_425 = arith.addf %get3A_420, %get3A_424 : vector<16xf32>
        %add3A_426 = arith.constant 0 : i32
        %add3A_427 = arith.addi %mul3A_407, %add3A_426 : i32
        %swap3A_428 = arith.index_cast %add3A_427 : i32 to index
        %swap3A_429 = tpu.vector_load %arg12[%swap3A_428] {strides = array<i32>} : memref<33280xf32, #tpu.memory_space<vmem>>, vector<16xf32>,
        tpu.vector_store %arg12[%swap3A_428], %add3A_425 {strides = array<i32>} : memref<33280xf32, #tpu.memory_space<vmem>>, vector<16xf32>,
        %add3A_430 = arith.constant 16 : i32
        %add3A_431 = arith.addi %mul3A_407, %add3A_430 : i32
        %get3A_432 = arith.index_cast %add3A_431 : i32 to index
        %get3A_433 = tpu.vector_load %arg12[%get3A_432] {strides = array<i32>} : memref<33280xf32, #tpu.memory_space<vmem>>, vector<16xf32>,
        %add3A_434 = arith.constant 16 : i32
        %add3A_435 = arith.addi %add3A_416, %add3A_434 : i32
        %get3A_436 = arith.index_cast %add3A_435 : i32 to index
        %get3A_437 = tpu.vector_load %arg11[%get3A_436] {strides = array<i32>} : memref<20480xf32, #tpu.memory_space<vmem>>, vector<16xf32>,
        %add3A_438 = arith.addf %get3A_433, %get3A_437 : vector<16xf32>
        %add3A_439 = arith.constant 16 : i32
        %add3A_440 = arith.addi %mul3A_407, %add3A_439 : i32
        %swap3A_441 = arith.index_cast %add3A_440 : i32 to index
        %swap3A_442 = tpu.vector_load %arg12[%swap3A_441] {strides = array<i32>} : memref<33280xf32, #tpu.memory_space<vmem>>, vector<16xf32>,
        tpu.vector_store %arg12[%swap3A_441], %add3A_438 {strides = array<i32>} : memref<33280xf32, #tpu.memory_space<vmem>>, vector<16xf32>,
        %slice3A_443 = vector.extract_strided_slice %get3A_172 {offsets = [7], sizes = [1], strides = [1]} : vector<16xi32> to vector<1xi32>
        %squeeze3A_444 = vector.extract %slice3A_443[0] : i32 from vector<1xi32>
        %mul3A_445 = arith.constant 32 : i32
        %mul3A_446 = arith.muli %squeeze3A_444, %mul3A_445 : i32
        %mul3A_447 = arith.constant 16 : i32
        %mul3A_448 = arith.muli %scan3A_166, %mul3A_447 : i32
        %add3A_449 = arith.constant 7 : i32
        %add3A_450 = arith.addi %mul3A_448, %add3A_449 : i32
        %mul3A_451 = arith.constant 64 : i32
        %mul3A_452 = arith.muli %add3A_450, %mul3A_451 : i32
        %add3A_453 = arith.addi %mul3A_160, %mul3A_452 : i32
        %add3A_454 = arith.constant 0 : i32
        %add3A_455 = arith.addi %add3A_453, %add3A_454 : i32
        %add3A_456 = arith.constant 0 : i32
        %add3A_457 = arith.addi %mul3A_446, %add3A_456 : i32
        %get3A_458 = arith.index_cast %add3A_457 : i32 to index
        %get3A_459 = tpu.vector_load %arg12[%get3A_458] {strides = array<i32>} : memref<33280xf32, #tpu.memory_space<vmem>>, vector<16xf32>,
        %add3A_460 = arith.constant 0 : i32
        %add3A_461 = arith.addi %add3A_455, %add3A_460 : i32
        %get3A_462 = arith.index_cast %add3A_461 : i32 to index
        %get3A_463 = tpu.vector_load %arg11[%get3A_462] {strides = array<i32>} : memref<20480xf32, #tpu.memory_space<vmem>>, vector<16xf32>,
        %add3A_464 = arith.addf %get3A_459, %get3A_463 : vector<16xf32>
        %add3A_465 = arith.constant 0 : i32
        %add3A_466 = arith.addi %mul3A_446, %add3A_465 : i32
        %swap3A_467 = arith.index_cast %add3A_466 : i32 to index
        %swap3A_468 = tpu.vector_load %arg12[%swap3A_467] {strides = array<i32>} : memref<33280xf32, #tpu.memory_space<vmem>>, vector<16xf32>,
        tpu.vector_store %arg12[%swap3A_467], %add3A_464 {strides = array<i32>} : memref<33280xf32, #tpu.memory_space<vmem>>, vector<16xf32>,
        %add3A_469 = arith.constant 16 : i32
        %add3A_470 = arith.addi %mul3A_446, %add3A_469 : i32
        %get3A_471 = arith.index_cast %add3A_470 : i32 to index
        %get3A_472 = tpu.vector_load %arg12[%get3A_471] {strides = array<i32>} : memref<33280xf32, #tpu.memory_space<vmem>>, vector<16xf32>,
        %add3A_473 = arith.constant 16 : i32
        %add3A_474 = arith.addi %add3A_455, %add3A_473 : i32
        %get3A_475 = arith.index_cast %add3A_474 : i32 to index
        %get3A_476 = tpu.vector_load %arg11[%get3A_475] {strides = array<i32>} : memref<20480xf32, #tpu.memory_space<vmem>>, vector<16xf32>,
        %add3A_477 = arith.addf %get3A_472, %get3A_476 : vector<16xf32>
        %add3A_478 = arith.constant 16 : i32
        %add3A_479 = arith.addi %mul3A_446, %add3A_478 : i32
        %swap3A_480 = arith.index_cast %add3A_479 : i32 to index
        %swap3A_481 = tpu.vector_load %arg12[%swap3A_480] {strides = array<i32>} : memref<33280xf32, #tpu.memory_space<vmem>>, vector<16xf32>,
        tpu.vector_store %arg12[%swap3A_480], %add3A_477 {strides = array<i32>} : memref<33280xf32, #tpu.memory_space<vmem>>, vector<16xf32>,
        %slice3A_482 = vector.extract_strided_slice %get3A_172 {offsets = [8], sizes = [1], strides = [1]} : vector<16xi32> to vector<1xi32>
        %squeeze3A_483 = vector.extract %slice3A_482[0] : i32 from vector<1xi32>
        %mul3A_484 = arith.constant 32 : i32
        %mul3A_485 = arith.muli %squeeze3A_483, %mul3A_484 : i32
        %mul3A_486 = arith.constant 16 : i32
        %mul3A_487 = arith.muli %scan3A_166, %mul3A_486 : i32
        %add3A_488 = arith.constant 8 : i32
        %add3A_489 = arith.addi %mul3A_487, %add3A_488 : i32
        %mul3A_490 = arith.constant 64 : i32
        %mul3A_491 = arith.muli %add3A_489, %mul3A_490 : i32
        %add3A_492 = arith.addi %mul3A_160, %mul3A_491 : i32
        %add3A_493 = arith.constant 0 : i32
        %add3A_494 = arith.addi %add3A_492, %add3A_493 : i32
        %add3A_495 = arith.constant 0 : i32
        %add3A_496 = arith.addi %mul3A_485, %add3A_495 : i32
        %get3A_497 = arith.index_cast %add3A_496 : i32 to index
        %get3A_498 = tpu.vector_load %arg12[%get3A_497] {strides = array<i32>} : memref<33280xf32, #tpu.memory_space<vmem>>, vector<16xf32>,
        %add3A_499 = arith.constant 0 : i32
        %add3A_500 = arith.addi %add3A_494, %add3A_499 : i32
        %get3A_501 = arith.index_cast %add3A_500 : i32 to index
        %get3A_502 = tpu.vector_load %arg11[%get3A_501] {strides = array<i32>} : memref<20480xf32, #tpu.memory_space<vmem>>, vector<16xf32>,
        %add3A_503 = arith.addf %get3A_498, %get3A_502 : vector<16xf32>
        %add3A_504 = arith.constant 0 : i32
        %add3A_505 = arith.addi %mul3A_485, %add3A_504 : i32
        %swap3A_506 = arith.index_cast %add3A_505 : i32 to index
        %swap3A_507 = tpu.vector_load %arg12[%swap3A_506] {strides = array<i32>} : memref<33280xf32, #tpu.memory_space<vmem>>, vector<16xf32>,
        tpu.vector_store %arg12[%swap3A_506], %add3A_503 {strides = array<i32>} : memref<33280xf32, #tpu.memory_space<vmem>>, vector<16xf32>,
        %add3A_508 = arith.constant 16 : i32
        %add3A_509 = arith.addi %mul3A_485, %add3A_508 : i32
        %get3A_510 = arith.index_cast %add3A_509 : i32 to index
        %get3A_511 = tpu.vector_load %arg12[%get3A_510] {strides = array<i32>} : memref<33280xf32, #tpu.memory_space<vmem>>, vector<16xf32>,
        %add3A_512 = arith.constant 16 : i32
        %add3A_513 = arith.addi %add3A_494, %add3A_512 : i32
        %get3A_514 = arith.index_cast %add3A_513 : i32 to index
        %get3A_515 = tpu.vector_load %arg11[%get3A_514] {strides = array<i32>} : memref<20480xf32, #tpu.memory_space<vmem>>, vector<16xf32>,
        %add3A_516 = arith.addf %get3A_511, %get3A_515 : vector<16xf32>
        %add3A_517 = arith.constant 16 : i32
        %add3A_518 = arith.addi %mul3A_485, %add3A_517 : i32
        %swap3A_519 = arith.index_cast %add3A_518 : i32 to index
        %swap3A_520 = tpu.vector_load %arg12[%swap3A_519] {strides = array<i32>} : memref<33280xf32, #tpu.memory_space<vmem>>, vector<16xf32>,
        tpu.vector_store %arg12[%swap3A_519], %add3A_516 {strides = array<i32>} : memref<33280xf32, #tpu.memory_space<vmem>>, vector<16xf32>,
        %slice3A_521 = vector.extract_strided_slice %get3A_172 {offsets = [9], sizes = [1], strides = [1]} : vector<16xi32> to vector<1xi32>
        %squeeze3A_522 = vector.extract %slice3A_521[0] : i32 from vector<1xi32>
        %mul3A_523 = arith.constant 32 : i32
        %mul3A_524 = arith.muli %squeeze3A_522, %mul3A_523 : i32
        %mul3A_525 = arith.constant 16 : i32
        %mul3A_526 = arith.muli %scan3A_166, %mul3A_525 : i32
        %add3A_527 = arith.constant 9 : i32
        %add3A_528 = arith.addi %mul3A_526, %add3A_527 : i32
        %mul3A_529 = arith.constant 64 : i32
        %mul3A_530 = arith.muli %add3A_528, %mul3A_529 : i32
        %add3A_531 = arith.addi %mul3A_160, %mul3A_530 : i32
        %add3A_532 = arith.constant 0 : i32
        %add3A_533 = arith.addi %add3A_531, %add3A_532 : i32
        %add3A_534 = arith.constant 0 : i32
        %add3A_535 = arith.addi %mul3A_524, %add3A_534 : i32
        %get3A_536 = arith.index_cast %add3A_535 : i32 to index
        %get3A_537 = tpu.vector_load %arg12[%get3A_536] {strides = array<i32>} : memref<33280xf32, #tpu.memory_space<vmem>>, vector<16xf32>,
        %add3A_538 = arith.constant 0 : i32
        %add3A_539 = arith.addi %add3A_533, %add3A_538 : i32
        %get3A_540 = arith.index_cast %add3A_539 : i32 to index
        %get3A_541 = tpu.vector_load %arg11[%get3A_540] {strides = array<i32>} : memref<20480xf32, #tpu.memory_space<vmem>>, vector<16xf32>,
        %add3A_542 = arith.addf %get3A_537, %get3A_541 : vector<16xf32>
        %add3A_543 = arith.constant 0 : i32
        %add3A_544 = arith.addi %mul3A_524, %add3A_543 : i32
        %swap3A_545 = arith.index_cast %add3A_544 : i32 to index
        %swap3A_546 = tpu.vector_load %arg12[%swap3A_545] {strides = array<i32>} : memref<33280xf32, #tpu.memory_space<vmem>>, vector<16xf32>,
        tpu.vector_store %arg12[%swap3A_545], %add3A_542 {strides = array<i32>} : memref<33280xf32, #tpu.memory_space<vmem>>, vector<16xf32>,
        %add3A_547 = arith.constant 16 : i32
        %add3A_548 = arith.addi %mul3A_524, %add3A_547 : i32
        %get3A_549 = arith.index_cast %add3A_548 : i32 to index
        %get3A_550 = tpu.vector_load %arg12[%get3A_549] {strides = array<i32>} : memref<33280xf32, #tpu.memory_space<vmem>>, vector<16xf32>,
        %add3A_551 = arith.constant 16 : i32
        %add3A_552 = arith.addi %add3A_533, %add3A_551 : i32
        %get3A_553 = arith.index_cast %add3A_552 : i32 to index
        %get3A_554 = tpu.vector_load %arg11[%get3A_553] {strides = array<i32>} : memref<20480xf32, #tpu.memory_space<vmem>>, vector<16xf32>,
        %add3A_555 = arith.addf %get3A_550, %get3A_554 : vector<16xf32>
        %add3A_556 = arith.constant 16 : i32
        %add3A_557 = arith.addi %mul3A_524, %add3A_556 : i32
        %swap3A_558 = arith.index_cast %add3A_557 : i32 to index
        %swap3A_559 = tpu.vector_load %arg12[%swap3A_558] {strides = array<i32>} : memref<33280xf32, #tpu.memory_space<vmem>>, vector<16xf32>,
        tpu.vector_store %arg12[%swap3A_558], %add3A_555 {strides = array<i32>} : memref<33280xf32, #tpu.memory_space<vmem>>, vector<16xf32>,
        %slice3A_560 = vector.extract_strided_slice %get3A_172 {offsets = [10], sizes = [1], strides = [1]} : vector<16xi32> to vector<1xi32>
        %squeeze3A_561 = vector.extract %slice3A_560[0] : i32 from vector<1xi32>
        %mul3A_562 = arith.constant 32 : i32
        %mul3A_563 = arith.muli %squeeze3A_561, %mul3A_562 : i32
        %mul3A_564 = arith.constant 16 : i32
        %mul3A_565 = arith.muli %scan3A_166, %mul3A_564 : i32
        %add3A_566 = arith.constant 10 : i32
        %add3A_567 = arith.addi %mul3A_565, %add3A_566 : i32
        %mul3A_568 = arith.constant 64 : i32
        %mul3A_569 = arith.muli %add3A_567, %mul3A_568 : i32
        %add3A_570 = arith.addi %mul3A_160, %mul3A_569 : i32
        %add3A_571 = arith.constant 0 : i32
        %add3A_572 = arith.addi %add3A_570, %add3A_571 : i32
        %add3A_573 = arith.constant 0 : i32
        %add3A_574 = arith.addi %mul3A_563, %add3A_573 : i32
        %get3A_575 = arith.index_cast %add3A_574 : i32 to index
        %get3A_576 = tpu.vector_load %arg12[%get3A_575] {strides = array<i32>} : memref<33280xf32, #tpu.memory_space<vmem>>, vector<16xf32>,
        %add3A_577 = arith.constant 0 : i32
        %add3A_578 = arith.addi %add3A_572, %add3A_577 : i32
        %get3A_579 = arith.index_cast %add3A_578 : i32 to index
        %get3A_580 = tpu.vector_load %arg11[%get3A_579] {strides = array<i32>} : memref<20480xf32, #tpu.memory_space<vmem>>, vector<16xf32>,
        %add3A_581 = arith.addf %get3A_576, %get3A_580 : vector<16xf32>
        %add3A_582 = arith.constant 0 : i32
        %add3A_583 = arith.addi %mul3A_563, %add3A_582 : i32
        %swap3A_584 = arith.index_cast %add3A_583 : i32 to index
        %swap3A_585 = tpu.vector_load %arg12[%swap3A_584] {strides = array<i32>} : memref<33280xf32, #tpu.memory_space<vmem>>, vector<16xf32>,
        tpu.vector_store %arg12[%swap3A_584], %add3A_581 {strides = array<i32>} : memref<33280xf32, #tpu.memory_space<vmem>>, vector<16xf32>,
        %add3A_586 = arith.constant 16 : i32
        %add3A_587 = arith.addi %mul3A_563, %add3A_586 : i32
        %get3A_588 = arith.index_cast %add3A_587 : i32 to index
        %get3A_589 = tpu.vector_load %arg12[%get3A_588] {strides = array<i32>} : memref<33280xf32, #tpu.memory_space<vmem>>, vector<16xf32>,
        %add3A_590 = arith.constant 16 : i32
        %add3A_591 = arith.addi %add3A_572, %add3A_590 : i32
        %get3A_592 = arith.index_cast %add3A_591 : i32 to index
        %get3A_593 = tpu.vector_load %arg11[%get3A_592] {strides = array<i32>} : memref<20480xf32, #tpu.memory_space<vmem>>, vector<16xf32>,
        %add3A_594 = arith.addf %get3A_589, %get3A_593 : vector<16xf32>
        %add3A_595 = arith.constant 16 : i32
        %add3A_596 = arith.addi %mul3A_563, %add3A_595 : i32
        %swap3A_597 = arith.index_cast %add3A_596 : i32 to index
        %swap3A_598 = tpu.vector_load %arg12[%swap3A_597] {strides = array<i32>} : memref<33280xf32, #tpu.memory_space<vmem>>, vector<16xf32>,
        tpu.vector_store %arg12[%swap3A_597], %add3A_594 {strides = array<i32>} : memref<33280xf32, #tpu.memory_space<vmem>>, vector<16xf32>,
        %slice3A_599 = vector.extract_strided_slice %get3A_172 {offsets = [11], sizes = [1], strides = [1]} : vector<16xi32> to vector<1xi32>
        %squeeze3A_600 = vector.extract %slice3A_599[0] : i32 from vector<1xi32>
        %mul3A_601 = arith.constant 32 : i32
        %mul3A_602 = arith.muli %squeeze3A_600, %mul3A_601 : i32
        %mul3A_603 = arith.constant 16 : i32
        %mul3A_604 = arith.muli %scan3A_166, %mul3A_603 : i32
        %add3A_605 = arith.constant 11 : i32
        %add3A_606 = arith.addi %mul3A_604, %add3A_605 : i32
        %mul3A_607 = arith.constant 64 : i32
        %mul3A_608 = arith.muli %add3A_606, %mul3A_607 : i32
        %add3A_609 = arith.addi %mul3A_160, %mul3A_608 : i32
        %add3A_610 = arith.constant 0 : i32
        %add3A_611 = arith.addi %add3A_609, %add3A_610 : i32
        %add3A_612 = arith.constant 0 : i32
        %add3A_613 = arith.addi %mul3A_602, %add3A_612 : i32
        %get3A_614 = arith.index_cast %add3A_613 : i32 to index
        %get3A_615 = tpu.vector_load %arg12[%get3A_614] {strides = array<i32>} : memref<33280xf32, #tpu.memory_space<vmem>>, vector<16xf32>,
        %add3A_616 = arith.constant 0 : i32
        %add3A_617 = arith.addi %add3A_611, %add3A_616 : i32
        %get3A_618 = arith.index_cast %add3A_617 : i32 to index
        %get3A_619 = tpu.vector_load %arg11[%get3A_618] {strides = array<i32>} : memref<20480xf32, #tpu.memory_space<vmem>>, vector<16xf32>,
        %add3A_620 = arith.addf %get3A_615, %get3A_619 : vector<16xf32>
        %add3A_621 = arith.constant 0 : i32
        %add3A_622 = arith.addi %mul3A_602, %add3A_621 : i32
        %swap3A_623 = arith.index_cast %add3A_622 : i32 to index
        %swap3A_624 = tpu.vector_load %arg12[%swap3A_623] {strides = array<i32>} : memref<33280xf32, #tpu.memory_space<vmem>>, vector<16xf32>,
        tpu.vector_store %arg12[%swap3A_623], %add3A_620 {strides = array<i32>} : memref<33280xf32, #tpu.memory_space<vmem>>, vector<16xf32>,
        %add3A_625 = arith.constant 16 : i32
        %add3A_626 = arith.addi %mul3A_602, %add3A_625 : i32
        %get3A_627 = arith.index_cast %add3A_626 : i32 to index
        %get3A_628 = tpu.vector_load %arg12[%get3A_627] {strides = array<i32>} : memref<33280xf32, #tpu.memory_space<vmem>>, vector<16xf32>,
        %add3A_629 = arith.constant 16 : i32
        %add3A_630 = arith.addi %add3A_611, %add3A_629 : i32
        %get3A_631 = arith.index_cast %add3A_630 : i32 to index
        %get3A_632 = tpu.vector_load %arg11[%get3A_631] {strides = array<i32>} : memref<20480xf32, #tpu.memory_space<vmem>>, vector<16xf32>,
        %add3A_633 = arith.addf %get3A_628, %get3A_632 : vector<16xf32>
        %add3A_634 = arith.constant 16 : i32
        %add3A_635 = arith.addi %mul3A_602, %add3A_634 : i32
        %swap3A_636 = arith.index_cast %add3A_635 : i32 to index
        %swap3A_637 = tpu.vector_load %arg12[%swap3A_636] {strides = array<i32>} : memref<33280xf32, #tpu.memory_space<vmem>>, vector<16xf32>,
        tpu.vector_store %arg12[%swap3A_636], %add3A_633 {strides = array<i32>} : memref<33280xf32, #tpu.memory_space<vmem>>, vector<16xf32>,
        %slice3A_638 = vector.extract_strided_slice %get3A_172 {offsets = [12], sizes = [1], strides = [1]} : vector<16xi32> to vector<1xi32>
        %squeeze3A_639 = vector.extract %slice3A_638[0] : i32 from vector<1xi32>
        %mul3A_640 = arith.constant 32 : i32
        %mul3A_641 = arith.muli %squeeze3A_639, %mul3A_640 : i32
        %mul3A_642 = arith.constant 16 : i32
        %mul3A_643 = arith.muli %scan3A_166, %mul3A_642 : i32
        %add3A_644 = arith.constant 12 : i32
        %add3A_645 = arith.addi %mul3A_643, %add3A_644 : i32
        %mul3A_646 = arith.constant 64 : i32
        %mul3A_647 = arith.muli %add3A_645, %mul3A_646 : i32
        %add3A_648 = arith.addi %mul3A_160, %mul3A_647 : i32
        %add3A_649 = arith.constant 0 : i32
        %add3A_650 = arith.addi %add3A_648, %add3A_649 : i32
        %add3A_651 = arith.constant 0 : i32
        %add3A_652 = arith.addi %mul3A_641, %add3A_651 : i32
        %get3A_653 = arith.index_cast %add3A_652 : i32 to index
        %get3A_654 = tpu.vector_load %arg12[%get3A_653] {strides = array<i32>} : memref<33280xf32, #tpu.memory_space<vmem>>, vector<16xf32>,
        %add3A_655 = arith.constant 0 : i32
        %add3A_656 = arith.addi %add3A_650, %add3A_655 : i32
        %get3A_657 = arith.index_cast %add3A_656 : i32 to index
        %get3A_658 = tpu.vector_load %arg11[%get3A_657] {strides = array<i32>} : memref<20480xf32, #tpu.memory_space<vmem>>, vector<16xf32>,
        %add3A_659 = arith.addf %get3A_654, %get3A_658 : vector<16xf32>
        %add3A_660 = arith.constant 0 : i32
        %add3A_661 = arith.addi %mul3A_641, %add3A_660 : i32
        %swap3A_662 = arith.index_cast %add3A_661 : i32 to index
        %swap3A_663 = tpu.vector_load %arg12[%swap3A_662] {strides = array<i32>} : memref<33280xf32, #tpu.memory_space<vmem>>, vector<16xf32>,
        tpu.vector_store %arg12[%swap3A_662], %add3A_659 {strides = array<i32>} : memref<33280xf32, #tpu.memory_space<vmem>>, vector<16xf32>,
        %add3A_664 = arith.constant 16 : i32
        %add3A_665 = arith.addi %mul3A_641, %add3A_664 : i32
        %get3A_666 = arith.index_cast %add3A_665 : i32 to index
        %get3A_667 = tpu.vector_load %arg12[%get3A_666] {strides = array<i32>} : memref<33280xf32, #tpu.memory_space<vmem>>, vector<16xf32>,
        %add3A_668 = arith.constant 16 : i32
        %add3A_669 = arith.addi %add3A_650, %add3A_668 : i32
        %get3A_670 = arith.index_cast %add3A_669 : i32 to index
        %get3A_671 = tpu.vector_load %arg11[%get3A_670] {strides = array<i32>} : memref<20480xf32, #tpu.memory_space<vmem>>, vector<16xf32>,
        %add3A_672 = arith.addf %get3A_667, %get3A_671 : vector<16xf32>
        %add3A_673 = arith.constant 16 : i32
        %add3A_674 = arith.addi %mul3A_641, %add3A_673 : i32
        %swap3A_675 = arith.index_cast %add3A_674 : i32 to index
        %swap3A_676 = tpu.vector_load %arg12[%swap3A_675] {strides = array<i32>} : memref<33280xf32, #tpu.memory_space<vmem>>, vector<16xf32>,
        tpu.vector_store %arg12[%swap3A_675], %add3A_672 {strides = array<i32>} : memref<33280xf32, #tpu.memory_space<vmem>>, vector<16xf32>,
        %slice3A_677 = vector.extract_strided_slice %get3A_172 {offsets = [13], sizes = [1], strides = [1]} : vector<16xi32> to vector<1xi32>
        %squeeze3A_678 = vector.extract %slice3A_677[0] : i32 from vector<1xi32>
        %mul3A_679 = arith.constant 32 : i32
        %mul3A_680 = arith.muli %squeeze3A_678, %mul3A_679 : i32
        %mul3A_681 = arith.constant 16 : i32
        %mul3A_682 = arith.muli %scan3A_166, %mul3A_681 : i32
        %add3A_683 = arith.constant 13 : i32
        %add3A_684 = arith.addi %mul3A_682, %add3A_683 : i32
        %mul3A_685 = arith.constant 64 : i32
        %mul3A_686 = arith.muli %add3A_684, %mul3A_685 : i32
        %add3A_687 = arith.addi %mul3A_160, %mul3A_686 : i32
        %add3A_688 = arith.constant 0 : i32
        %add3A_689 = arith.addi %add3A_687, %add3A_688 : i32
        %add3A_690 = arith.constant 0 : i32
        %add3A_691 = arith.addi %mul3A_680, %add3A_690 : i32
        %get3A_692 = arith.index_cast %add3A_691 : i32 to index
        %get3A_693 = tpu.vector_load %arg12[%get3A_692] {strides = array<i32>} : memref<33280xf32, #tpu.memory_space<vmem>>, vector<16xf32>,
        %add3A_694 = arith.constant 0 : i32
        %add3A_695 = arith.addi %add3A_689, %add3A_694 : i32
        %get3A_696 = arith.index_cast %add3A_695 : i32 to index
        %get3A_697 = tpu.vector_load %arg11[%get3A_696] {strides = array<i32>} : memref<20480xf32, #tpu.memory_space<vmem>>, vector<16xf32>,
        %add3A_698 = arith.addf %get3A_693, %get3A_697 : vector<16xf32>
        %add3A_699 = arith.constant 0 : i32
        %add3A_700 = arith.addi %mul3A_680, %add3A_699 : i32
        %swap3A_701 = arith.index_cast %add3A_700 : i32 to index
        %swap3A_702 = tpu.vector_load %arg12[%swap3A_701] {strides = array<i32>} : memref<33280xf32, #tpu.memory_space<vmem>>, vector<16xf32>,
        tpu.vector_store %arg12[%swap3A_701], %add3A_698 {strides = array<i32>} : memref<33280xf32, #tpu.memory_space<vmem>>, vector<16xf32>,
        %add3A_703 = arith.constant 16 : i32
        %add3A_704 = arith.addi %mul3A_680, %add3A_703 : i32
        %get3A_705 = arith.index_cast %add3A_704 : i32 to index
        %get3A_706 = tpu.vector_load %arg12[%get3A_705] {strides = array<i32>} : memref<33280xf32, #tpu.memory_space<vmem>>, vector<16xf32>,
        %add3A_707 = arith.constant 16 : i32
        %add3A_708 = arith.addi %add3A_689, %add3A_707 : i32
        %get3A_709 = arith.index_cast %add3A_708 : i32 to index
        %get3A_710 = tpu.vector_load %arg11[%get3A_709] {strides = array<i32>} : memref<20480xf32, #tpu.memory_space<vmem>>, vector<16xf32>,
        %add3A_711 = arith.addf %get3A_706, %get3A_710 : vector<16xf32>
        %add3A_712 = arith.constant 16 : i32
        %add3A_713 = arith.addi %mul3A_680, %add3A_712 : i32
        %swap3A_714 = arith.index_cast %add3A_713 : i32 to index
        %swap3A_715 = tpu.vector_load %arg12[%swap3A_714] {strides = array<i32>} : memref<33280xf32, #tpu.memory_space<vmem>>, vector<16xf32>,
        tpu.vector_store %arg12[%swap3A_714], %add3A_711 {strides = array<i32>} : memref<33280xf32, #tpu.memory_space<vmem>>, vector<16xf32>,
        %slice3A_716 = vector.extract_strided_slice %get3A_172 {offsets = [14], sizes = [1], strides = [1]} : vector<16xi32> to vector<1xi32>
        %squeeze3A_717 = vector.extract %slice3A_716[0] : i32 from vector<1xi32>
        %mul3A_718 = arith.constant 32 : i32
        %mul3A_719 = arith.muli %squeeze3A_717, %mul3A_718 : i32
        %mul3A_720 = arith.constant 16 : i32
        %mul3A_721 = arith.muli %scan3A_166, %mul3A_720 : i32
        %add3A_722 = arith.constant 14 : i32
        %add3A_723 = arith.addi %mul3A_721, %add3A_722 : i32
        %mul3A_724 = arith.constant 64 : i32
        %mul3A_725 = arith.muli %add3A_723, %mul3A_724 : i32
        %add3A_726 = arith.addi %mul3A_160, %mul3A_725 : i32
        %add3A_727 = arith.constant 0 : i32
        %add3A_728 = arith.addi %add3A_726, %add3A_727 : i32
        %add3A_729 = arith.constant 0 : i32
        %add3A_730 = arith.addi %mul3A_719, %add3A_729 : i32
        %get3A_731 = arith.index_cast %add3A_730 : i32 to index
        %get3A_732 = tpu.vector_load %arg12[%get3A_731] {strides = array<i32>} : memref<33280xf32, #tpu.memory_space<vmem>>, vector<16xf32>,
        %add3A_733 = arith.constant 0 : i32
        %add3A_734 = arith.addi %add3A_728, %add3A_733 : i32
        %get3A_735 = arith.index_cast %add3A_734 : i32 to index
        %get3A_736 = tpu.vector_load %arg11[%get3A_735] {strides = array<i32>} : memref<20480xf32, #tpu.memory_space<vmem>>, vector<16xf32>,
        %add3A_737 = arith.addf %get3A_732, %get3A_736 : vector<16xf32>
        %add3A_738 = arith.constant 0 : i32
        %add3A_739 = arith.addi %mul3A_719, %add3A_738 : i32
        %swap3A_740 = arith.index_cast %add3A_739 : i32 to index
        %swap3A_741 = tpu.vector_load %arg12[%swap3A_740] {strides = array<i32>} : memref<33280xf32, #tpu.memory_space<vmem>>, vector<16xf32>,
        tpu.vector_store %arg12[%swap3A_740], %add3A_737 {strides = array<i32>} : memref<33280xf32, #tpu.memory_space<vmem>>, vector<16xf32>,
        %add3A_742 = arith.constant 16 : i32
        %add3A_743 = arith.addi %mul3A_719, %add3A_742 : i32
        %get3A_744 = arith.index_cast %add3A_743 : i32 to index
        %get3A_745 = tpu.vector_load %arg12[%get3A_744] {strides = array<i32>} : memref<33280xf32, #tpu.memory_space<vmem>>, vector<16xf32>,
        %add3A_746 = arith.constant 16 : i32
        %add3A_747 = arith.addi %add3A_728, %add3A_746 : i32
        %get3A_748 = arith.index_cast %add3A_747 : i32 to index
        %get3A_749 = tpu.vector_load %arg11[%get3A_748] {strides = array<i32>} : memref<20480xf32, #tpu.memory_space<vmem>>, vector<16xf32>,
        %add3A_750 = arith.addf %get3A_745, %get3A_749 : vector<16xf32>
        %add3A_751 = arith.constant 16 : i32
        %add3A_752 = arith.addi %mul3A_719, %add3A_751 : i32
        %swap3A_753 = arith.index_cast %add3A_752 : i32 to index
        %swap3A_754 = tpu.vector_load %arg12[%swap3A_753] {strides = array<i32>} : memref<33280xf32, #tpu.memory_space<vmem>>, vector<16xf32>,
        tpu.vector_store %arg12[%swap3A_753], %add3A_750 {strides = array<i32>} : memref<33280xf32, #tpu.memory_space<vmem>>, vector<16xf32>,
        %slice3A_755 = vector.extract_strided_slice %get3A_172 {offsets = [15], sizes = [1], strides = [1]} : vector<16xi32> to vector<1xi32>
        %squeeze3A_756 = vector.extract %slice3A_755[0] : i32 from vector<1xi32>
        %mul3A_757 = arith.constant 32 : i32
        %mul3A_758 = arith.muli %squeeze3A_756, %mul3A_757 : i32
        %mul3A_759 = arith.constant 16 : i32
        %mul3A_760 = arith.muli %scan3A_166, %mul3A_759 : i32
        %add3A_761 = arith.constant 15 : i32
        %add3A_762 = arith.addi %mul3A_760, %add3A_761 : i32
        %mul3A_763 = arith.constant 64 : i32
        %mul3A_764 = arith.muli %add3A_762, %mul3A_763 : i32
        %add3A_765 = arith.addi %mul3A_160, %mul3A_764 : i32
        %add3A_766 = arith.constant 0 : i32
        %add3A_767 = arith.addi %add3A_765, %add3A_766 : i32
        %add3A_768 = arith.constant 0 : i32
        %add3A_769 = arith.addi %mul3A_758, %add3A_768 : i32
        %get3A_770 = arith.index_cast %add3A_769 : i32 to index
        %get3A_771 = tpu.vector_load %arg12[%get3A_770] {strides = array<i32>} : memref<33280xf32, #tpu.memory_space<vmem>>, vector<16xf32>,
        %add3A_772 = arith.constant 0 : i32
        %add3A_773 = arith.addi %add3A_767, %add3A_772 : i32
        %get3A_774 = arith.index_cast %add3A_773 : i32 to index
        %get3A_775 = tpu.vector_load %arg11[%get3A_774] {strides = array<i32>} : memref<20480xf32, #tpu.memory_space<vmem>>, vector<16xf32>,
        %add3A_776 = arith.addf %get3A_771, %get3A_775 : vector<16xf32>
        %add3A_777 = arith.constant 0 : i32
        %add3A_778 = arith.addi %mul3A_758, %add3A_777 : i32
        %swap3A_779 = arith.index_cast %add3A_778 : i32 to index
        %swap3A_780 = tpu.vector_load %arg12[%swap3A_779] {strides = array<i32>} : memref<33280xf32, #tpu.memory_space<vmem>>, vector<16xf32>,
        tpu.vector_store %arg12[%swap3A_779], %add3A_776 {strides = array<i32>} : memref<33280xf32, #tpu.memory_space<vmem>>, vector<16xf32>,
        %add3A_781 = arith.constant 16 : i32
        %add3A_782 = arith.addi %mul3A_758, %add3A_781 : i32
        %get3A_783 = arith.index_cast %add3A_782 : i32 to index
        %get3A_784 = tpu.vector_load %arg12[%get3A_783] {strides = array<i32>} : memref<33280xf32, #tpu.memory_space<vmem>>, vector<16xf32>,
        %add3A_785 = arith.constant 16 : i32
        %add3A_786 = arith.addi %add3A_767, %add3A_785 : i32
        %get3A_787 = arith.index_cast %add3A_786 : i32 to index
        %get3A_788 = tpu.vector_load %arg11[%get3A_787] {strides = array<i32>} : memref<20480xf32, #tpu.memory_space<vmem>>, vector<16xf32>,
        %add3A_789 = arith.addf %get3A_784, %get3A_788 : vector<16xf32>
        %add3A_790 = arith.constant 16 : i32
        %add3A_791 = arith.addi %mul3A_758, %add3A_790 : i32
        %swap3A_792 = arith.index_cast %add3A_791 : i32 to index
        %swap3A_793 = tpu.vector_load %arg12[%swap3A_792] {strides = array<i32>} : memref<33280xf32, #tpu.memory_space<vmem>>, vector<16xf32>,
        tpu.vector_store %arg12[%swap3A_792], %add3A_789 {strides = array<i32>} : memref<33280xf32, #tpu.memory_space<vmem>>, vector<16xf32>,
      }
      %scan3A_165 = arith.constant 10 : i32
    }
    %eq3A = arith.constant 15 : i32
    %eq3A_46 = arith.cmpi eq, %arg1, %eq3A : i32
    %convert_element_type3A_47 = arith.extui %eq3A_46 : i1 to i32
    %cond3A_48 = arith.constant 0 : i32
    %cond3A_49 = arith.cmpi ne, %convert_element_type3A_47, %cond3A_48 : i32
    scf.if %cond3A_49 {
      "tpu.region"() ({
        %run_scoped3A = tpu.sem_alloc : memref<!tpu.dma_semaphore, #tpu.memory_space<semaphore_mem>>
        %dma_start3A = arith.constant 32640 : i32
        %dma_start3A_138 = tpu.memref_slice %arg12[%dma_start3A] : memref<33280xf32, #tpu.memory_space<vmem>> -> memref<128xf32, #tpu.memory_space<vmem>>
        %dma_start3A_139 = arith.constant 32640 : i32
        %dma_start3A_140 = tpu.memref_slice %arg12[%dma_start3A_139] : memref<33280xf32, #tpu.memory_space<vmem>> -> memref<128xf32, #tpu.memory_space<vmem>>
        tpu.enqueue_dma source(%dma_start3A_140 : memref<128xf32, #tpu.memory_space<vmem>>) target(%arg14 : memref<128xf32, #tpu.memory_space<vmem_shared>>) target_semaphore(%run_scoped3A : memref<!tpu.dma_semaphore, #tpu.memory_space<semaphore_mem>>)
        %dma_wait3A = arith.constant 32640 : i32
        %dma_wait3A_141 = tpu.memref_slice %arg12[%dma_wait3A] : memref<33280xf32, #tpu.memory_space<vmem>> -> memref<128xf32, #tpu.memory_space<vmem>>
        %dma_wait3A_142 = arith.constant 32640 : i32
        %dma_wait3A_143 = tpu.memref_slice %arg12[%dma_wait3A_142] : memref<33280xf32, #tpu.memory_space<vmem>> -> memref<128xf32, #tpu.memory_space<vmem>>
        tpu.wait_dma2 semaphore(%run_scoped3A : memref<!tpu.dma_semaphore, #tpu.memory_space<semaphore_mem>>) src(%dma_wait3A_143 : memref<128xf32, #tpu.memory_space<vmem>>) dst(%arg14 : memref<128xf32, #tpu.memory_space<vmem_shared>>)
        tpu.yield
      }) : () -> ()
    } else {
    }
    %barrier3A = arith.constant 0 : index
    tpu.barrier barrier_id(%barrier3A)
    %eq3A_50 = arith.constant 14 : i32
    %eq3A_51 = arith.cmpi eq, %arg1, %eq3A_50 : i32
    %convert_element_type3A_52 = arith.extui %eq3A_51 : i1 to i32
    %cond3A_53 = arith.constant 0 : i32
    %cond3A_54 = arith.cmpi ne, %convert_element_type3A_52, %cond3A_53 : i32
    scf.if %cond3A_54 {
      "tpu.region"() ({
        %run_scoped3A = tpu.sem_alloc : memref<!tpu.dma_semaphore, #tpu.memory_space<semaphore_mem>>
        tpu.enqueue_dma source(%arg14 : memref<128xf32, #tpu.memory_space<vmem_shared>>) target(%arg13 : memref<128xf32, #tpu.memory_space<vmem>>) target_semaphore(%run_scoped3A : memref<!tpu.dma_semaphore, #tpu.memory_space<semaphore_mem>>)
        tpu.wait_dma2 semaphore(%run_scoped3A : memref<!tpu.dma_semaphore, #tpu.memory_space<semaphore_mem>>) src(%arg14 : memref<128xf32, #tpu.memory_space<vmem_shared>>) dst(%arg13 : memref<128xf32, #tpu.memory_space<vmem>>)
        tpu.yield
      }) : () -> ()
      %scan3A_138 = arith.constant 0 : i32
      %scan3A_139 = arith.constant 0 : i32
      %scan3A_140 = arith.constant 8 : i32
      %scan3A_141 = arith.addi %scan3A_139, %scan3A_140 : i32
      %scan3A_142 = arith.constant 1 : i32
      scf.for %scan3A_144 = %scan3A_139 to %scan3A_141 step %scan3A_142  : i32 {
        %mul3A_145 = arith.constant 16 : i32
        %mul3A_146 = arith.muli %scan3A_144, %mul3A_145 : i32
        %add3A_147 = arith.constant 32640 : i32
        %add3A_148 = arith.addi %add3A_147, %mul3A_146 : i32
        %get3A = arith.index_cast %add3A_148 : i32 to index
        %get3A_149 = tpu.vector_load %arg12[%get3A] {strides = array<i32>} : memref<33280xf32, #tpu.memory_space<vmem>>, vector<16xf32>,
        %mul3A_150 = arith.constant 16 : i32
        %mul3A_151 = arith.muli %scan3A_144, %mul3A_150 : i32
        %get3A_152 = arith.index_cast %mul3A_151 : i32 to index
        %get3A_153 = tpu.vector_load %arg13[%get3A_152] {strides = array<i32>} : memref<128xf32, #tpu.memory_space<vmem>>, vector<16xf32>,
        %add3A_154 = arith.addf %get3A_149, %get3A_153 : vector<16xf32>
        %mul3A_155 = arith.constant 16 : i32
        %mul3A_156 = arith.muli %scan3A_144, %mul3A_155 : i32
        %add3A_157 = arith.constant 32640 : i32
        %add3A_158 = arith.addi %add3A_157, %mul3A_156 : i32
        %swap3A = arith.index_cast %add3A_158 : i32 to index
        %swap3A_159 = tpu.vector_load %arg12[%swap3A] {strides = array<i32>} : memref<33280xf32, #tpu.memory_space<vmem>>, vector<16xf32>,
        tpu.vector_store %arg12[%swap3A], %add3A_154 {strides = array<i32>} : memref<33280xf32, #tpu.memory_space<vmem>>, vector<16xf32>,
      }
      %scan3A_143 = arith.constant 8 : i32
    } else {
    }
    %barrier3A_55 = arith.constant 0 : index
    tpu.barrier barrier_id(%barrier3A_55)
    %lt3A = arith.constant 15 : i32
    %lt3A_56 = arith.cmpi slt, %arg1, %lt3A : i32
    %convert_element_type3A_57 = arith.extui %lt3A_56 : i1 to i32
    %cond3A_58 = arith.constant 0 : i32
    %cond3A_59 = arith.cmpi ne, %convert_element_type3A_57, %cond3A_58 : i32
    scf.if %cond3A_59 {
      %run_scoped3A = arith.constant 0 : i32
      "tpu.region"() ({
        %run_scoped3A_138 = tpu.sem_alloc : memref<!tpu.dma_semaphore, #tpu.memory_space<semaphore_mem>>
        %dma_start3A = arith.constant 0 : i32
        %dma_start3A_139 = tpu.memref_slice %arg12[%dma_start3A] : memref<33280xf32, #tpu.memory_space<vmem>> -> memref<32768xf32, #tpu.memory_space<vmem>>
        %dma_start3A_140 = arith.constant 0 : i32
        %dma_start3A_141 = tpu.memref_slice %arg6[%run_scoped3A, %arg0, %arg1, %dma_start3A_140] : memref<2x2x15x32768xf32, #tpu.memory_space<hbm>> -> memref<1x1x1x32768xf32, #tpu.memory_space<hbm>>
        %dma_start3A_142 = tpu.memref_squeeze %dma_start3A_141 : memref<1x1x1x32768xf32, #tpu.memory_space<hbm>> -> memref<32768xf32, #tpu.memory_space<hbm>>
        %dma_start3A_143 = arith.constant 0 : i32
        %dma_start3A_144 = tpu.memref_slice %arg6[%run_scoped3A, %arg0, %arg1, %dma_start3A_143] : memref<2x2x15x32768xf32, #tpu.memory_space<hbm>> -> memref<1x1x1x32768xf32, #tpu.memory_space<hbm>>
        %dma_start3A_145 = tpu.memref_squeeze %dma_start3A_144 : memref<1x1x1x32768xf32, #tpu.memory_space<hbm>> -> memref<32768xf32, #tpu.memory_space<hbm>>
        %dma_start3A_146 = arith.constant 0 : i32
        %dma_start3A_147 = tpu.memref_slice %arg12[%dma_start3A_146] : memref<33280xf32, #tpu.memory_space<vmem>> -> memref<32768xf32, #tpu.memory_space<vmem>>
        tpu.enqueue_dma source(%dma_start3A_147 : memref<32768xf32, #tpu.memory_space<vmem>>) target(%dma_start3A_145 : memref<32768xf32, #tpu.memory_space<hbm>>) target_semaphore(%run_scoped3A_138 : memref<!tpu.dma_semaphore, #tpu.memory_space<semaphore_mem>>)
        %dma_wait3A = arith.constant 0 : i32
        %dma_wait3A_148 = tpu.memref_slice %arg12[%dma_wait3A] : memref<33280xf32, #tpu.memory_space<vmem>> -> memref<32768xf32, #tpu.memory_space<vmem>>
        %dma_wait3A_149 = arith.constant 0 : i32
        %dma_wait3A_150 = tpu.memref_slice %arg6[%run_scoped3A, %arg0, %arg1, %dma_wait3A_149] : memref<2x2x15x32768xf32, #tpu.memory_space<hbm>> -> memref<1x1x1x32768xf32, #tpu.memory_space<hbm>>
        %dma_wait3A_151 = tpu.memref_squeeze %dma_wait3A_150 : memref<1x1x1x32768xf32, #tpu.memory_space<hbm>> -> memref<32768xf32, #tpu.memory_space<hbm>>
        %dma_wait3A_152 = arith.constant 0 : i32
        %dma_wait3A_153 = tpu.memref_slice %arg6[%run_scoped3A, %arg0, %arg1, %dma_wait3A_152] : memref<2x2x15x32768xf32, #tpu.memory_space<hbm>> -> memref<1x1x1x32768xf32, #tpu.memory_space<hbm>>
        %dma_wait3A_154 = tpu.memref_squeeze %dma_wait3A_153 : memref<1x1x1x32768xf32, #tpu.memory_space<hbm>> -> memref<32768xf32, #tpu.memory_space<hbm>>
        %dma_wait3A_155 = arith.constant 0 : i32
        %dma_wait3A_156 = tpu.memref_slice %arg12[%dma_wait3A_155] : memref<33280xf32, #tpu.memory_space<vmem>> -> memref<32768xf32, #tpu.memory_space<vmem>>
        tpu.wait_dma2 semaphore(%run_scoped3A_138 : memref<!tpu.dma_semaphore, #tpu.memory_space<semaphore_mem>>) src(%dma_wait3A_156 : memref<32768xf32, #tpu.memory_space<vmem>>) dst(%dma_wait3A_154 : memref<32768xf32, #tpu.memory_space<hbm>>)
        tpu.yield
      }) : () -> ()
    } else {
    }
    %eq3A_60 = arith.constant 15 : i32
    %eq3A_61 = arith.cmpi eq, %arg1, %eq3A_60 : i32
    %convert_element_type3A_62 = arith.extui %eq3A_61 : i1 to i32
    %cond3A_63 = arith.constant 0 : i32
    %cond3A_64 = arith.cmpi ne, %convert_element_type3A_62, %cond3A_63 : i32
    scf.if %cond3A_64 {
      %run_scoped3A = arith.constant 0 : i32
      "tpu.region"() ({
        %run_scoped3A_138 = tpu.sem_alloc : memref<!tpu.dma_semaphore, #tpu.memory_space<semaphore_mem>>
        %dma_start3A = arith.constant 0 : i32
        %dma_start3A_139 = tpu.memref_slice %arg12[%dma_start3A] : memref<33280xf32, #tpu.memory_space<vmem>> -> memref<32640xf32, #tpu.memory_space<vmem>>
        %dma_start3A_140 = arith.constant 0 : i32
        %dma_start3A_141 = tpu.memref_slice %arg7[%run_scoped3A, %arg0, %dma_start3A_140] : memref<2x2x32640xf32, #tpu.memory_space<hbm>> -> memref<1x1x32640xf32, #tpu.memory_space<hbm>>
        %dma_start3A_142 = tpu.memref_squeeze %dma_start3A_141 : memref<1x1x32640xf32, #tpu.memory_space<hbm>> -> memref<32640xf32, #tpu.memory_space<hbm>>
        %dma_start3A_143 = arith.constant 0 : i32
        %dma_start3A_144 = tpu.memref_slice %arg7[%run_scoped3A, %arg0, %dma_start3A_143] : memref<2x2x32640xf32, #tpu.memory_space<hbm>> -> memref<1x1x32640xf32, #tpu.memory_space<hbm>>
        %dma_start3A_145 = tpu.memref_squeeze %dma_start3A_144 : memref<1x1x32640xf32, #tpu.memory_space<hbm>> -> memref<32640xf32, #tpu.memory_space<hbm>>
        %dma_start3A_146 = arith.constant 0 : i32
        %dma_start3A_147 = tpu.memref_slice %arg12[%dma_start3A_146] : memref<33280xf32, #tpu.memory_space<vmem>> -> memref<32640xf32, #tpu.memory_space<vmem>>
        tpu.enqueue_dma source(%dma_start3A_147 : memref<32640xf32, #tpu.memory_space<vmem>>) target(%dma_start3A_145 : memref<32640xf32, #tpu.memory_space<hbm>>) target_semaphore(%run_scoped3A_138 : memref<!tpu.dma_semaphore, #tpu.memory_space<semaphore_mem>>)
        %dma_wait3A = arith.constant 0 : i32
        %dma_wait3A_148 = tpu.memref_slice %arg12[%dma_wait3A] : memref<33280xf32, #tpu.memory_space<vmem>> -> memref<32640xf32, #tpu.memory_space<vmem>>
        %dma_wait3A_149 = arith.constant 0 : i32
        %dma_wait3A_150 = tpu.memref_slice %arg7[%run_scoped3A, %arg0, %dma_wait3A_149] : memref<2x2x32640xf32, #tpu.memory_space<hbm>> -> memref<1x1x32640xf32, #tpu.memory_space<hbm>>
        %dma_wait3A_151 = tpu.memref_squeeze %dma_wait3A_150 : memref<1x1x32640xf32, #tpu.memory_space<hbm>> -> memref<32640xf32, #tpu.memory_space<hbm>>
        %dma_wait3A_152 = arith.constant 0 : i32
        %dma_wait3A_153 = tpu.memref_slice %arg7[%run_scoped3A, %arg0, %dma_wait3A_152] : memref<2x2x32640xf32, #tpu.memory_space<hbm>> -> memref<1x1x32640xf32, #tpu.memory_space<hbm>>
        %dma_wait3A_154 = tpu.memref_squeeze %dma_wait3A_153 : memref<1x1x32640xf32, #tpu.memory_space<hbm>> -> memref<32640xf32, #tpu.memory_space<hbm>>
        %dma_wait3A_155 = arith.constant 0 : i32
        %dma_wait3A_156 = tpu.memref_slice %arg12[%dma_wait3A_155] : memref<33280xf32, #tpu.memory_space<vmem>> -> memref<32640xf32, #tpu.memory_space<vmem>>
        tpu.wait_dma2 semaphore(%run_scoped3A_138 : memref<!tpu.dma_semaphore, #tpu.memory_space<semaphore_mem>>) src(%dma_wait3A_156 : memref<32640xf32, #tpu.memory_space<vmem>>) dst(%dma_wait3A_154 : memref<32640xf32, #tpu.memory_space<hbm>>)
        tpu.yield
      }) : () -> ()
    } else {
    }
    %scan3A_65 = arith.constant 0 : i32
    %scan3A_66 = arith.constant 0 : i32
    %scan3A_67 = arith.constant 2080 : i32
    %scan3A_68 = arith.addi %scan3A_66, %scan3A_67 : i32
    %scan3A_69 = arith.constant 1 : i32
    scf.for %scan3A_138 = %scan3A_66 to %scan3A_68 step %scan3A_69  : i32 {
      %mul3A_139 = arith.constant 16 : i32
      %mul3A_140 = arith.muli %scan3A_138, %mul3A_139 : i32
      %swap3A = arith.index_cast %mul3A_140 : i32 to index
      %swap3A_141 = tpu.vector_load %arg12[%swap3A] {strides = array<i32>} : memref<33280xf32, #tpu.memory_space<vmem>>, vector<16xf32>,
      tpu.vector_store %arg12[%swap3A], %broadcast_in_dim3A_3 {strides = array<i32>} : memref<33280xf32, #tpu.memory_space<vmem>>, vector<16xf32>,
    }
    %scan3A_70 = arith.constant 2080 : i32
    %sub3A_71 = arith.constant 100000 : i32
    %sub3A_72 = arith.subi %sub3A_71, %mul3A_2 : i32
    %jit3A_73 = arith.constant 160 : i32
    %div3A_74 = arith.divsi %sub3A_72, %jit3A_73 : i32
    %sign3A_75 = arith.constant 0 : i32
    %sign3A_76 = arith.cmpi sgt, %sub3A_72, %sign3A_75 : i32
    %sign3A_77 = arith.extui %sign3A_76 : i1 to i32
    %sign3A_78 = arith.constant 0 : i32
    %sign3A_79 = arith.cmpi slt, %sub3A_72, %sign3A_78 : i32
    %sign3A_80 = arith.extui %sign3A_79 : i1 to i32
    %sign3A_81 = arith.subi %sign3A_77, %sign3A_80 : i32
    %sign3A_82 = arith.constant 0 : i32
    %sign3A_83 = arith.cmpi sgt, %jit3A_73, %sign3A_82 : i32
    %sign3A_84 = arith.extui %sign3A_83 : i1 to i32
    %sign3A_85 = arith.constant 0 : i32
    %sign3A_86 = arith.cmpi slt, %jit3A_73, %sign3A_85 : i32
    %sign3A_87 = arith.extui %sign3A_86 : i1 to i32
    %sign3A_88 = arith.subi %sign3A_84, %sign3A_87 : i32
    %ne3A_89 = arith.cmpi ne, %sign3A_81, %sign3A_88 : i32
    %rem3A_90 = arith.remsi %sub3A_72, %jit3A_73 : i32
    %ne3A_91 = arith.constant 0 : i32
    %ne3A_92 = arith.cmpi ne, %rem3A_90, %ne3A_91 : i32
    %and3A_93 = arith.andi %ne3A_89, %ne3A_92 : i1
    %sub3A_94 = arith.constant 1 : i32
    %sub3A_95 = arith.subi %div3A_74, %sub3A_94 : i32
    %select_n3A_96 = arith.select %and3A_93, %sub3A_95, %div3A_74 : i32
    %min3A_97 = arith.constant 20 : i32
    %min3A_98 = arith.minsi %select_n3A_96, %min3A_97 : i32
    %max3A_99 = arith.constant 0 : i32
    %max3A_100 = arith.maxsi %min3A_98, %max3A_99 : i32
    %gt3A_101 = arith.constant 0 : i32
    %gt3A_102 = arith.cmpi sgt, %max3A_100, %gt3A_101 : i32
    %convert_element_type3A_103 = arith.extui %gt3A_102 : i1 to i32
    %cond3A_104 = arith.constant 0 : i32
    %cond3A_105 = arith.cmpi ne, %convert_element_type3A_103, %cond3A_104 : i32
    scf.if %cond3A_105 {
      %rem3A_138 = arith.constant 0 : i32
      %rem3A_139 = arith.constant 2 : i32
      %rem3A_140 = arith.remsi %rem3A_138, %rem3A_139 : i32
      %mul3A_141 = arith.constant 10240 : i32
      %mul3A_142 = arith.muli %rem3A_140, %mul3A_141 : i32
      %add3A_143 = arith.constant 0 : i32
      %add3A_144 = arith.addi %mul3A_2, %add3A_143 : i32
      %mul3A_145 = arith.constant 64 : i32
      %mul3A_146 = arith.muli %add3A_144, %mul3A_145 : i32
      %dma_start3A = tpu.memref_slice %arg11[%mul3A_142] : memref<20480xf32, #tpu.memory_space<vmem>> -> memref<10240xf32, #tpu.memory_space<vmem>>
      %dma_start3A_147 = tpu.memref_slice %arg5[%mul3A_146] : memref<6400000xf32, #tpu.memory_space<hbm>> -> memref<10240xf32, #tpu.memory_space<hbm>>
      %dma_start3A_148 = tpu.memref_slice %arg11[%mul3A_142] : memref<20480xf32, #tpu.memory_space<vmem>> -> memref<10240xf32, #tpu.memory_space<vmem>>
      %dma_start3A_149 = tpu.memref_slice %arg5[%mul3A_146] : memref<6400000xf32, #tpu.memory_space<hbm>> -> memref<10240xf32, #tpu.memory_space<hbm>>
      tpu.enqueue_dma source(%dma_start3A_149 : memref<10240xf32, #tpu.memory_space<hbm>>) target(%dma_start3A_148 : memref<10240xf32, #tpu.memory_space<vmem>>) target_semaphore(%arg15 : memref<!tpu.dma_semaphore, #tpu.memory_space<semaphore_mem>>)
    } else {
    }
    %while3A_106 = arith.constant 0 : i32
    %while3A_107 = arith.constant 0 : i32
    %while3A_108 = arith.subi %max3A_100, %while3A_107 : i32
    %while3A_109 = arith.addi %while3A_107, %while3A_108 : i32
    %while3A_110 = arith.constant 1 : i32
    %while3A_111 = arith.divsi %while3A_108, %while3A_110 : i32
    %while3A_112 = arith.muli %while3A_111, %while3A_110 : i32
    %while3A_113 = arith.addi %while3A_107, %while3A_112 : i32
    %while3A_114 = arith.constant 1 : i32
    scf.for %while3A_138 = %while3A_107 to %while3A_113 step %while3A_114  : i32 {
      %add3A_139 = arith.constant 1 : i32
      %add3A_140 = arith.addi %while3A_138, %add3A_139 : i32
      %lt3A_141 = arith.cmpi slt, %add3A_140, %max3A_100 : i32
      %convert_element_type3A_142 = arith.extui %lt3A_141 : i1 to i32
      %cond3A_143 = arith.constant 0 : i32
      %cond3A_144 = arith.cmpi ne, %convert_element_type3A_142, %cond3A_143 : i32
      scf.if %cond3A_144 {
        %add3A_166 = arith.constant 1 : i32
        %add3A_167 = arith.addi %while3A_138, %add3A_166 : i32
        %rem3A_168 = arith.constant 2 : i32
        %rem3A_169 = arith.remsi %add3A_167, %rem3A_168 : i32
        %mul3A_170 = arith.constant 10240 : i32
        %mul3A_171 = arith.muli %rem3A_169, %mul3A_170 : i32
        %mul3A_172 = arith.constant 160 : i32
        %mul3A_173 = arith.muli %add3A_167, %mul3A_172 : i32
        %add3A_174 = arith.addi %mul3A_2, %mul3A_173 : i32
        %mul3A_175 = arith.constant 64 : i32
        %mul3A_176 = arith.muli %add3A_174, %mul3A_175 : i32
        %dma_start3A = tpu.memref_slice %arg11[%mul3A_171] : memref<20480xf32, #tpu.memory_space<vmem>> -> memref<10240xf32, #tpu.memory_space<vmem>>
        %dma_start3A_177 = tpu.memref_slice %arg5[%mul3A_176] : memref<6400000xf32, #tpu.memory_space<hbm>> -> memref<10240xf32, #tpu.memory_space<hbm>>
        %dma_start3A_178 = tpu.memref_slice %arg11[%mul3A_171] : memref<20480xf32, #tpu.memory_space<vmem>> -> memref<10240xf32, #tpu.memory_space<vmem>>
        %dma_start3A_179 = tpu.memref_slice %arg5[%mul3A_176] : memref<6400000xf32, #tpu.memory_space<hbm>> -> memref<10240xf32, #tpu.memory_space<hbm>>
        tpu.enqueue_dma source(%dma_start3A_179 : memref<10240xf32, #tpu.memory_space<hbm>>) target(%dma_start3A_178 : memref<10240xf32, #tpu.memory_space<vmem>>) target_semaphore(%arg15 : memref<!tpu.dma_semaphore, #tpu.memory_space<semaphore_mem>>)
      } else {
      }
      %rem3A_145 = arith.constant 2 : i32
      %rem3A_146 = arith.remsi %while3A_138, %rem3A_145 : i32
      %mul3A_147 = arith.constant 10240 : i32
      %mul3A_148 = arith.muli %rem3A_146, %mul3A_147 : i32
      %mul3A_149 = arith.constant 160 : i32
      %mul3A_150 = arith.muli %while3A_138, %mul3A_149 : i32
      %add3A_151 = arith.addi %mul3A_2, %mul3A_150 : i32
      %mul3A_152 = arith.constant 64 : i32
      %mul3A_153 = arith.muli %add3A_151, %mul3A_152 : i32
      %dma_wait3A = tpu.memref_slice %arg11[%mul3A_148] : memref<20480xf32, #tpu.memory_space<vmem>> -> memref<10240xf32, #tpu.memory_space<vmem>>
      %dma_wait3A_154 = tpu.memref_slice %arg5[%mul3A_153] : memref<6400000xf32, #tpu.memory_space<hbm>> -> memref<10240xf32, #tpu.memory_space<hbm>>
      %dma_wait3A_155 = tpu.memref_slice %arg11[%mul3A_148] : memref<20480xf32, #tpu.memory_space<vmem>> -> memref<10240xf32, #tpu.memory_space<vmem>>
      %dma_wait3A_156 = tpu.memref_slice %arg5[%mul3A_153] : memref<6400000xf32, #tpu.memory_space<hbm>> -> memref<10240xf32, #tpu.memory_space<hbm>>
      tpu.wait_dma2 semaphore(%arg15 : memref<!tpu.dma_semaphore, #tpu.memory_space<semaphore_mem>>) src(%dma_wait3A_156 : memref<10240xf32, #tpu.memory_space<hbm>>) dst(%dma_wait3A_155 : memref<10240xf32, #tpu.memory_space<vmem>>)
      %rem3A_157 = arith.constant 2 : i32
      %rem3A_158 = arith.remsi %while3A_138, %rem3A_157 : i32
      %mul3A_159 = arith.constant 10240 : i32
      %mul3A_160 = arith.muli %rem3A_158, %mul3A_159 : i32
      %scan3A_161 = arith.constant 0 : i32
      %scan3A_162 = arith.constant 10 : i32
      %scan3A_163 = arith.addi %scan3A_161, %scan3A_162 : i32
      %scan3A_164 = arith.constant 1 : i32
      scf.for %scan3A_166 = %scan3A_161 to %scan3A_163 step %scan3A_164  : i32 {
        %mul3A_167 = arith.constant 160 : i32
        %mul3A_168 = arith.muli %while3A_138, %mul3A_167 : i32
        %mul3A_169 = arith.constant 16 : i32
        %mul3A_170 = arith.muli %scan3A_166, %mul3A_169 : i32
        %add3A_171 = arith.addi %mul3A_168, %mul3A_170 : i32
        %get3A = arith.index_cast %add3A_171 : i32 to index
        %get3A_172 = tpu.vector_load %arg9[%get3A] {strides = array<i32>} : memref<3200xi32, #tpu.memory_space<vmem>>, vector<16xi32>,
        %slice3A = vector.extract_strided_slice %get3A_172 {offsets = [0], sizes = [1], strides = [1]} : vector<16xi32> to vector<1xi32>
        %squeeze3A = vector.extract %slice3A[0] : i32 from vector<1xi32>
        %mul3A_173 = arith.constant 32 : i32
        %mul3A_174 = arith.muli %squeeze3A, %mul3A_173 : i32
        %mul3A_175 = arith.constant 16 : i32
        %mul3A_176 = arith.muli %scan3A_166, %mul3A_175 : i32
        %add3A_177 = arith.constant 0 : i32
        %add3A_178 = arith.addi %mul3A_176, %add3A_177 : i32
        %mul3A_179 = arith.constant 64 : i32
        %mul3A_180 = arith.muli %add3A_178, %mul3A_179 : i32
        %add3A_181 = arith.addi %mul3A_160, %mul3A_180 : i32
        %add3A_182 = arith.constant 32 : i32
        %add3A_183 = arith.addi %add3A_181, %add3A_182 : i32
        %add3A_184 = arith.constant 0 : i32
        %add3A_185 = arith.addi %mul3A_174, %add3A_184 : i32
        %get3A_186 = arith.index_cast %add3A_185 : i32 to index
        %get3A_187 = tpu.vector_load %arg12[%get3A_186] {strides = array<i32>} : memref<33280xf32, #tpu.memory_space<vmem>>, vector<16xf32>,
        %add3A_188 = arith.constant 0 : i32
        %add3A_189 = arith.addi %add3A_183, %add3A_188 : i32
        %get3A_190 = arith.index_cast %add3A_189 : i32 to index
        %get3A_191 = tpu.vector_load %arg11[%get3A_190] {strides = array<i32>} : memref<20480xf32, #tpu.memory_space<vmem>>, vector<16xf32>,
        %add3A_192 = arith.addf %get3A_187, %get3A_191 : vector<16xf32>
        %add3A_193 = arith.constant 0 : i32
        %add3A_194 = arith.addi %mul3A_174, %add3A_193 : i32
        %swap3A = arith.index_cast %add3A_194 : i32 to index
        %swap3A_195 = tpu.vector_load %arg12[%swap3A] {strides = array<i32>} : memref<33280xf32, #tpu.memory_space<vmem>>, vector<16xf32>,
        tpu.vector_store %arg12[%swap3A], %add3A_192 {strides = array<i32>} : memref<33280xf32, #tpu.memory_space<vmem>>, vector<16xf32>,
        %add3A_196 = arith.constant 16 : i32
        %add3A_197 = arith.addi %mul3A_174, %add3A_196 : i32
        %get3A_198 = arith.index_cast %add3A_197 : i32 to index
        %get3A_199 = tpu.vector_load %arg12[%get3A_198] {strides = array<i32>} : memref<33280xf32, #tpu.memory_space<vmem>>, vector<16xf32>,
        %add3A_200 = arith.constant 16 : i32
        %add3A_201 = arith.addi %add3A_183, %add3A_200 : i32
        %get3A_202 = arith.index_cast %add3A_201 : i32 to index
        %get3A_203 = tpu.vector_load %arg11[%get3A_202] {strides = array<i32>} : memref<20480xf32, #tpu.memory_space<vmem>>, vector<16xf32>,
        %add3A_204 = arith.addf %get3A_199, %get3A_203 : vector<16xf32>
        %add3A_205 = arith.constant 16 : i32
        %add3A_206 = arith.addi %mul3A_174, %add3A_205 : i32
        %swap3A_207 = arith.index_cast %add3A_206 : i32 to index
        %swap3A_208 = tpu.vector_load %arg12[%swap3A_207] {strides = array<i32>} : memref<33280xf32, #tpu.memory_space<vmem>>, vector<16xf32>,
        tpu.vector_store %arg12[%swap3A_207], %add3A_204 {strides = array<i32>} : memref<33280xf32, #tpu.memory_space<vmem>>, vector<16xf32>,
        %slice3A_209 = vector.extract_strided_slice %get3A_172 {offsets = [1], sizes = [1], strides = [1]} : vector<16xi32> to vector<1xi32>
        %squeeze3A_210 = vector.extract %slice3A_209[0] : i32 from vector<1xi32>
        %mul3A_211 = arith.constant 32 : i32
        %mul3A_212 = arith.muli %squeeze3A_210, %mul3A_211 : i32
        %mul3A_213 = arith.constant 16 : i32
        %mul3A_214 = arith.muli %scan3A_166, %mul3A_213 : i32
        %add3A_215 = arith.constant 1 : i32
        %add3A_216 = arith.addi %mul3A_214, %add3A_215 : i32
        %mul3A_217 = arith.constant 64 : i32
        %mul3A_218 = arith.muli %add3A_216, %mul3A_217 : i32
        %add3A_219 = arith.addi %mul3A_160, %mul3A_218 : i32
        %add3A_220 = arith.constant 32 : i32
        %add3A_221 = arith.addi %add3A_219, %add3A_220 : i32
        %add3A_222 = arith.constant 0 : i32
        %add3A_223 = arith.addi %mul3A_212, %add3A_222 : i32
        %get3A_224 = arith.index_cast %add3A_223 : i32 to index
        %get3A_225 = tpu.vector_load %arg12[%get3A_224] {strides = array<i32>} : memref<33280xf32, #tpu.memory_space<vmem>>, vector<16xf32>,
        %add3A_226 = arith.constant 0 : i32
        %add3A_227 = arith.addi %add3A_221, %add3A_226 : i32
        %get3A_228 = arith.index_cast %add3A_227 : i32 to index
        %get3A_229 = tpu.vector_load %arg11[%get3A_228] {strides = array<i32>} : memref<20480xf32, #tpu.memory_space<vmem>>, vector<16xf32>,
        %add3A_230 = arith.addf %get3A_225, %get3A_229 : vector<16xf32>
        %add3A_231 = arith.constant 0 : i32
        %add3A_232 = arith.addi %mul3A_212, %add3A_231 : i32
        %swap3A_233 = arith.index_cast %add3A_232 : i32 to index
        %swap3A_234 = tpu.vector_load %arg12[%swap3A_233] {strides = array<i32>} : memref<33280xf32, #tpu.memory_space<vmem>>, vector<16xf32>,
        tpu.vector_store %arg12[%swap3A_233], %add3A_230 {strides = array<i32>} : memref<33280xf32, #tpu.memory_space<vmem>>, vector<16xf32>,
        %add3A_235 = arith.constant 16 : i32
        %add3A_236 = arith.addi %mul3A_212, %add3A_235 : i32
        %get3A_237 = arith.index_cast %add3A_236 : i32 to index
        %get3A_238 = tpu.vector_load %arg12[%get3A_237] {strides = array<i32>} : memref<33280xf32, #tpu.memory_space<vmem>>, vector<16xf32>,
        %add3A_239 = arith.constant 16 : i32
        %add3A_240 = arith.addi %add3A_221, %add3A_239 : i32
        %get3A_241 = arith.index_cast %add3A_240 : i32 to index
        %get3A_242 = tpu.vector_load %arg11[%get3A_241] {strides = array<i32>} : memref<20480xf32, #tpu.memory_space<vmem>>, vector<16xf32>,
        %add3A_243 = arith.addf %get3A_238, %get3A_242 : vector<16xf32>
        %add3A_244 = arith.constant 16 : i32
        %add3A_245 = arith.addi %mul3A_212, %add3A_244 : i32
        %swap3A_246 = arith.index_cast %add3A_245 : i32 to index
        %swap3A_247 = tpu.vector_load %arg12[%swap3A_246] {strides = array<i32>} : memref<33280xf32, #tpu.memory_space<vmem>>, vector<16xf32>,
        tpu.vector_store %arg12[%swap3A_246], %add3A_243 {strides = array<i32>} : memref<33280xf32, #tpu.memory_space<vmem>>, vector<16xf32>,
        %slice3A_248 = vector.extract_strided_slice %get3A_172 {offsets = [2], sizes = [1], strides = [1]} : vector<16xi32> to vector<1xi32>
        %squeeze3A_249 = vector.extract %slice3A_248[0] : i32 from vector<1xi32>
        %mul3A_250 = arith.constant 32 : i32
        %mul3A_251 = arith.muli %squeeze3A_249, %mul3A_250 : i32
        %mul3A_252 = arith.constant 16 : i32
        %mul3A_253 = arith.muli %scan3A_166, %mul3A_252 : i32
        %add3A_254 = arith.constant 2 : i32
        %add3A_255 = arith.addi %mul3A_253, %add3A_254 : i32
        %mul3A_256 = arith.constant 64 : i32
        %mul3A_257 = arith.muli %add3A_255, %mul3A_256 : i32
        %add3A_258 = arith.addi %mul3A_160, %mul3A_257 : i32
        %add3A_259 = arith.constant 32 : i32
        %add3A_260 = arith.addi %add3A_258, %add3A_259 : i32
        %add3A_261 = arith.constant 0 : i32
        %add3A_262 = arith.addi %mul3A_251, %add3A_261 : i32
        %get3A_263 = arith.index_cast %add3A_262 : i32 to index
        %get3A_264 = tpu.vector_load %arg12[%get3A_263] {strides = array<i32>} : memref<33280xf32, #tpu.memory_space<vmem>>, vector<16xf32>,
        %add3A_265 = arith.constant 0 : i32
        %add3A_266 = arith.addi %add3A_260, %add3A_265 : i32
        %get3A_267 = arith.index_cast %add3A_266 : i32 to index
        %get3A_268 = tpu.vector_load %arg11[%get3A_267] {strides = array<i32>} : memref<20480xf32, #tpu.memory_space<vmem>>, vector<16xf32>,
        %add3A_269 = arith.addf %get3A_264, %get3A_268 : vector<16xf32>
        %add3A_270 = arith.constant 0 : i32
        %add3A_271 = arith.addi %mul3A_251, %add3A_270 : i32
        %swap3A_272 = arith.index_cast %add3A_271 : i32 to index
        %swap3A_273 = tpu.vector_load %arg12[%swap3A_272] {strides = array<i32>} : memref<33280xf32, #tpu.memory_space<vmem>>, vector<16xf32>,
        tpu.vector_store %arg12[%swap3A_272], %add3A_269 {strides = array<i32>} : memref<33280xf32, #tpu.memory_space<vmem>>, vector<16xf32>,
        %add3A_274 = arith.constant 16 : i32
        %add3A_275 = arith.addi %mul3A_251, %add3A_274 : i32
        %get3A_276 = arith.index_cast %add3A_275 : i32 to index
        %get3A_277 = tpu.vector_load %arg12[%get3A_276] {strides = array<i32>} : memref<33280xf32, #tpu.memory_space<vmem>>, vector<16xf32>,
        %add3A_278 = arith.constant 16 : i32
        %add3A_279 = arith.addi %add3A_260, %add3A_278 : i32
        %get3A_280 = arith.index_cast %add3A_279 : i32 to index
        %get3A_281 = tpu.vector_load %arg11[%get3A_280] {strides = array<i32>} : memref<20480xf32, #tpu.memory_space<vmem>>, vector<16xf32>,
        %add3A_282 = arith.addf %get3A_277, %get3A_281 : vector<16xf32>
        %add3A_283 = arith.constant 16 : i32
        %add3A_284 = arith.addi %mul3A_251, %add3A_283 : i32
        %swap3A_285 = arith.index_cast %add3A_284 : i32 to index
        %swap3A_286 = tpu.vector_load %arg12[%swap3A_285] {strides = array<i32>} : memref<33280xf32, #tpu.memory_space<vmem>>, vector<16xf32>,
        tpu.vector_store %arg12[%swap3A_285], %add3A_282 {strides = array<i32>} : memref<33280xf32, #tpu.memory_space<vmem>>, vector<16xf32>,
        %slice3A_287 = vector.extract_strided_slice %get3A_172 {offsets = [3], sizes = [1], strides = [1]} : vector<16xi32> to vector<1xi32>
        %squeeze3A_288 = vector.extract %slice3A_287[0] : i32 from vector<1xi32>
        %mul3A_289 = arith.constant 32 : i32
        %mul3A_290 = arith.muli %squeeze3A_288, %mul3A_289 : i32
        %mul3A_291 = arith.constant 16 : i32
        %mul3A_292 = arith.muli %scan3A_166, %mul3A_291 : i32
        %add3A_293 = arith.constant 3 : i32
        %add3A_294 = arith.addi %mul3A_292, %add3A_293 : i32
        %mul3A_295 = arith.constant 64 : i32
        %mul3A_296 = arith.muli %add3A_294, %mul3A_295 : i32
        %add3A_297 = arith.addi %mul3A_160, %mul3A_296 : i32
        %add3A_298 = arith.constant 32 : i32
        %add3A_299 = arith.addi %add3A_297, %add3A_298 : i32
        %add3A_300 = arith.constant 0 : i32
        %add3A_301 = arith.addi %mul3A_290, %add3A_300 : i32
        %get3A_302 = arith.index_cast %add3A_301 : i32 to index
        %get3A_303 = tpu.vector_load %arg12[%get3A_302] {strides = array<i32>} : memref<33280xf32, #tpu.memory_space<vmem>>, vector<16xf32>,
        %add3A_304 = arith.constant 0 : i32
        %add3A_305 = arith.addi %add3A_299, %add3A_304 : i32
        %get3A_306 = arith.index_cast %add3A_305 : i32 to index
        %get3A_307 = tpu.vector_load %arg11[%get3A_306] {strides = array<i32>} : memref<20480xf32, #tpu.memory_space<vmem>>, vector<16xf32>,
        %add3A_308 = arith.addf %get3A_303, %get3A_307 : vector<16xf32>
        %add3A_309 = arith.constant 0 : i32
        %add3A_310 = arith.addi %mul3A_290, %add3A_309 : i32
        %swap3A_311 = arith.index_cast %add3A_310 : i32 to index
        %swap3A_312 = tpu.vector_load %arg12[%swap3A_311] {strides = array<i32>} : memref<33280xf32, #tpu.memory_space<vmem>>, vector<16xf32>,
        tpu.vector_store %arg12[%swap3A_311], %add3A_308 {strides = array<i32>} : memref<33280xf32, #tpu.memory_space<vmem>>, vector<16xf32>,
        %add3A_313 = arith.constant 16 : i32
        %add3A_314 = arith.addi %mul3A_290, %add3A_313 : i32
        %get3A_315 = arith.index_cast %add3A_314 : i32 to index
        %get3A_316 = tpu.vector_load %arg12[%get3A_315] {strides = array<i32>} : memref<33280xf32, #tpu.memory_space<vmem>>, vector<16xf32>,
        %add3A_317 = arith.constant 16 : i32
        %add3A_318 = arith.addi %add3A_299, %add3A_317 : i32
        %get3A_319 = arith.index_cast %add3A_318 : i32 to index
        %get3A_320 = tpu.vector_load %arg11[%get3A_319] {strides = array<i32>} : memref<20480xf32, #tpu.memory_space<vmem>>, vector<16xf32>,
        %add3A_321 = arith.addf %get3A_316, %get3A_320 : vector<16xf32>
        %add3A_322 = arith.constant 16 : i32
        %add3A_323 = arith.addi %mul3A_290, %add3A_322 : i32
        %swap3A_324 = arith.index_cast %add3A_323 : i32 to index
        %swap3A_325 = tpu.vector_load %arg12[%swap3A_324] {strides = array<i32>} : memref<33280xf32, #tpu.memory_space<vmem>>, vector<16xf32>,
        tpu.vector_store %arg12[%swap3A_324], %add3A_321 {strides = array<i32>} : memref<33280xf32, #tpu.memory_space<vmem>>, vector<16xf32>,
        %slice3A_326 = vector.extract_strided_slice %get3A_172 {offsets = [4], sizes = [1], strides = [1]} : vector<16xi32> to vector<1xi32>
        %squeeze3A_327 = vector.extract %slice3A_326[0] : i32 from vector<1xi32>
        %mul3A_328 = arith.constant 32 : i32
        %mul3A_329 = arith.muli %squeeze3A_327, %mul3A_328 : i32
        %mul3A_330 = arith.constant 16 : i32
        %mul3A_331 = arith.muli %scan3A_166, %mul3A_330 : i32
        %add3A_332 = arith.constant 4 : i32
        %add3A_333 = arith.addi %mul3A_331, %add3A_332 : i32
        %mul3A_334 = arith.constant 64 : i32
        %mul3A_335 = arith.muli %add3A_333, %mul3A_334 : i32
        %add3A_336 = arith.addi %mul3A_160, %mul3A_335 : i32
        %add3A_337 = arith.constant 32 : i32
        %add3A_338 = arith.addi %add3A_336, %add3A_337 : i32
        %add3A_339 = arith.constant 0 : i32
        %add3A_340 = arith.addi %mul3A_329, %add3A_339 : i32
        %get3A_341 = arith.index_cast %add3A_340 : i32 to index
        %get3A_342 = tpu.vector_load %arg12[%get3A_341] {strides = array<i32>} : memref<33280xf32, #tpu.memory_space<vmem>>, vector<16xf32>,
        %add3A_343 = arith.constant 0 : i32
        %add3A_344 = arith.addi %add3A_338, %add3A_343 : i32
        %get3A_345 = arith.index_cast %add3A_344 : i32 to index
        %get3A_346 = tpu.vector_load %arg11[%get3A_345] {strides = array<i32>} : memref<20480xf32, #tpu.memory_space<vmem>>, vector<16xf32>,
        %add3A_347 = arith.addf %get3A_342, %get3A_346 : vector<16xf32>
        %add3A_348 = arith.constant 0 : i32
        %add3A_349 = arith.addi %mul3A_329, %add3A_348 : i32
        %swap3A_350 = arith.index_cast %add3A_349 : i32 to index
        %swap3A_351 = tpu.vector_load %arg12[%swap3A_350] {strides = array<i32>} : memref<33280xf32, #tpu.memory_space<vmem>>, vector<16xf32>,
        tpu.vector_store %arg12[%swap3A_350], %add3A_347 {strides = array<i32>} : memref<33280xf32, #tpu.memory_space<vmem>>, vector<16xf32>,
        %add3A_352 = arith.constant 16 : i32
        %add3A_353 = arith.addi %mul3A_329, %add3A_352 : i32
        %get3A_354 = arith.index_cast %add3A_353 : i32 to index
        %get3A_355 = tpu.vector_load %arg12[%get3A_354] {strides = array<i32>} : memref<33280xf32, #tpu.memory_space<vmem>>, vector<16xf32>,
        %add3A_356 = arith.constant 16 : i32
        %add3A_357 = arith.addi %add3A_338, %add3A_356 : i32
        %get3A_358 = arith.index_cast %add3A_357 : i32 to index
        %get3A_359 = tpu.vector_load %arg11[%get3A_358] {strides = array<i32>} : memref<20480xf32, #tpu.memory_space<vmem>>, vector<16xf32>,
        %add3A_360 = arith.addf %get3A_355, %get3A_359 : vector<16xf32>
        %add3A_361 = arith.constant 16 : i32
        %add3A_362 = arith.addi %mul3A_329, %add3A_361 : i32
        %swap3A_363 = arith.index_cast %add3A_362 : i32 to index
        %swap3A_364 = tpu.vector_load %arg12[%swap3A_363] {strides = array<i32>} : memref<33280xf32, #tpu.memory_space<vmem>>, vector<16xf32>,
        tpu.vector_store %arg12[%swap3A_363], %add3A_360 {strides = array<i32>} : memref<33280xf32, #tpu.memory_space<vmem>>, vector<16xf32>,
        %slice3A_365 = vector.extract_strided_slice %get3A_172 {offsets = [5], sizes = [1], strides = [1]} : vector<16xi32> to vector<1xi32>
        %squeeze3A_366 = vector.extract %slice3A_365[0] : i32 from vector<1xi32>
        %mul3A_367 = arith.constant 32 : i32
        %mul3A_368 = arith.muli %squeeze3A_366, %mul3A_367 : i32
        %mul3A_369 = arith.constant 16 : i32
        %mul3A_370 = arith.muli %scan3A_166, %mul3A_369 : i32
        %add3A_371 = arith.constant 5 : i32
        %add3A_372 = arith.addi %mul3A_370, %add3A_371 : i32
        %mul3A_373 = arith.constant 64 : i32
        %mul3A_374 = arith.muli %add3A_372, %mul3A_373 : i32
        %add3A_375 = arith.addi %mul3A_160, %mul3A_374 : i32
        %add3A_376 = arith.constant 32 : i32
        %add3A_377 = arith.addi %add3A_375, %add3A_376 : i32
        %add3A_378 = arith.constant 0 : i32
        %add3A_379 = arith.addi %mul3A_368, %add3A_378 : i32
        %get3A_380 = arith.index_cast %add3A_379 : i32 to index
        %get3A_381 = tpu.vector_load %arg12[%get3A_380] {strides = array<i32>} : memref<33280xf32, #tpu.memory_space<vmem>>, vector<16xf32>,
        %add3A_382 = arith.constant 0 : i32
        %add3A_383 = arith.addi %add3A_377, %add3A_382 : i32
        %get3A_384 = arith.index_cast %add3A_383 : i32 to index
        %get3A_385 = tpu.vector_load %arg11[%get3A_384] {strides = array<i32>} : memref<20480xf32, #tpu.memory_space<vmem>>, vector<16xf32>,
        %add3A_386 = arith.addf %get3A_381, %get3A_385 : vector<16xf32>
        %add3A_387 = arith.constant 0 : i32
        %add3A_388 = arith.addi %mul3A_368, %add3A_387 : i32
        %swap3A_389 = arith.index_cast %add3A_388 : i32 to index
        %swap3A_390 = tpu.vector_load %arg12[%swap3A_389] {strides = array<i32>} : memref<33280xf32, #tpu.memory_space<vmem>>, vector<16xf32>,
        tpu.vector_store %arg12[%swap3A_389], %add3A_386 {strides = array<i32>} : memref<33280xf32, #tpu.memory_space<vmem>>, vector<16xf32>,
        %add3A_391 = arith.constant 16 : i32
        %add3A_392 = arith.addi %mul3A_368, %add3A_391 : i32
        %get3A_393 = arith.index_cast %add3A_392 : i32 to index
        %get3A_394 = tpu.vector_load %arg12[%get3A_393] {strides = array<i32>} : memref<33280xf32, #tpu.memory_space<vmem>>, vector<16xf32>,
        %add3A_395 = arith.constant 16 : i32
        %add3A_396 = arith.addi %add3A_377, %add3A_395 : i32
        %get3A_397 = arith.index_cast %add3A_396 : i32 to index
        %get3A_398 = tpu.vector_load %arg11[%get3A_397] {strides = array<i32>} : memref<20480xf32, #tpu.memory_space<vmem>>, vector<16xf32>,
        %add3A_399 = arith.addf %get3A_394, %get3A_398 : vector<16xf32>
        %add3A_400 = arith.constant 16 : i32
        %add3A_401 = arith.addi %mul3A_368, %add3A_400 : i32
        %swap3A_402 = arith.index_cast %add3A_401 : i32 to index
        %swap3A_403 = tpu.vector_load %arg12[%swap3A_402] {strides = array<i32>} : memref<33280xf32, #tpu.memory_space<vmem>>, vector<16xf32>,
        tpu.vector_store %arg12[%swap3A_402], %add3A_399 {strides = array<i32>} : memref<33280xf32, #tpu.memory_space<vmem>>, vector<16xf32>,
        %slice3A_404 = vector.extract_strided_slice %get3A_172 {offsets = [6], sizes = [1], strides = [1]} : vector<16xi32> to vector<1xi32>
        %squeeze3A_405 = vector.extract %slice3A_404[0] : i32 from vector<1xi32>
        %mul3A_406 = arith.constant 32 : i32
        %mul3A_407 = arith.muli %squeeze3A_405, %mul3A_406 : i32
        %mul3A_408 = arith.constant 16 : i32
        %mul3A_409 = arith.muli %scan3A_166, %mul3A_408 : i32
        %add3A_410 = arith.constant 6 : i32
        %add3A_411 = arith.addi %mul3A_409, %add3A_410 : i32
        %mul3A_412 = arith.constant 64 : i32
        %mul3A_413 = arith.muli %add3A_411, %mul3A_412 : i32
        %add3A_414 = arith.addi %mul3A_160, %mul3A_413 : i32
        %add3A_415 = arith.constant 32 : i32
        %add3A_416 = arith.addi %add3A_414, %add3A_415 : i32
        %add3A_417 = arith.constant 0 : i32
        %add3A_418 = arith.addi %mul3A_407, %add3A_417 : i32
        %get3A_419 = arith.index_cast %add3A_418 : i32 to index
        %get3A_420 = tpu.vector_load %arg12[%get3A_419] {strides = array<i32>} : memref<33280xf32, #tpu.memory_space<vmem>>, vector<16xf32>,
        %add3A_421 = arith.constant 0 : i32
        %add3A_422 = arith.addi %add3A_416, %add3A_421 : i32
        %get3A_423 = arith.index_cast %add3A_422 : i32 to index
        %get3A_424 = tpu.vector_load %arg11[%get3A_423] {strides = array<i32>} : memref<20480xf32, #tpu.memory_space<vmem>>, vector<16xf32>,
        %add3A_425 = arith.addf %get3A_420, %get3A_424 : vector<16xf32>
        %add3A_426 = arith.constant 0 : i32
        %add3A_427 = arith.addi %mul3A_407, %add3A_426 : i32
        %swap3A_428 = arith.index_cast %add3A_427 : i32 to index
        %swap3A_429 = tpu.vector_load %arg12[%swap3A_428] {strides = array<i32>} : memref<33280xf32, #tpu.memory_space<vmem>>, vector<16xf32>,
        tpu.vector_store %arg12[%swap3A_428], %add3A_425 {strides = array<i32>} : memref<33280xf32, #tpu.memory_space<vmem>>, vector<16xf32>,
        %add3A_430 = arith.constant 16 : i32
        %add3A_431 = arith.addi %mul3A_407, %add3A_430 : i32
        %get3A_432 = arith.index_cast %add3A_431 : i32 to index
        %get3A_433 = tpu.vector_load %arg12[%get3A_432] {strides = array<i32>} : memref<33280xf32, #tpu.memory_space<vmem>>, vector<16xf32>,
        %add3A_434 = arith.constant 16 : i32
        %add3A_435 = arith.addi %add3A_416, %add3A_434 : i32
        %get3A_436 = arith.index_cast %add3A_435 : i32 to index
        %get3A_437 = tpu.vector_load %arg11[%get3A_436] {strides = array<i32>} : memref<20480xf32, #tpu.memory_space<vmem>>, vector<16xf32>,
        %add3A_438 = arith.addf %get3A_433, %get3A_437 : vector<16xf32>
        %add3A_439 = arith.constant 16 : i32
        %add3A_440 = arith.addi %mul3A_407, %add3A_439 : i32
        %swap3A_441 = arith.index_cast %add3A_440 : i32 to index
        %swap3A_442 = tpu.vector_load %arg12[%swap3A_441] {strides = array<i32>} : memref<33280xf32, #tpu.memory_space<vmem>>, vector<16xf32>,
        tpu.vector_store %arg12[%swap3A_441], %add3A_438 {strides = array<i32>} : memref<33280xf32, #tpu.memory_space<vmem>>, vector<16xf32>,
        %slice3A_443 = vector.extract_strided_slice %get3A_172 {offsets = [7], sizes = [1], strides = [1]} : vector<16xi32> to vector<1xi32>
        %squeeze3A_444 = vector.extract %slice3A_443[0] : i32 from vector<1xi32>
        %mul3A_445 = arith.constant 32 : i32
        %mul3A_446 = arith.muli %squeeze3A_444, %mul3A_445 : i32
        %mul3A_447 = arith.constant 16 : i32
        %mul3A_448 = arith.muli %scan3A_166, %mul3A_447 : i32
        %add3A_449 = arith.constant 7 : i32
        %add3A_450 = arith.addi %mul3A_448, %add3A_449 : i32
        %mul3A_451 = arith.constant 64 : i32
        %mul3A_452 = arith.muli %add3A_450, %mul3A_451 : i32
        %add3A_453 = arith.addi %mul3A_160, %mul3A_452 : i32
        %add3A_454 = arith.constant 32 : i32
        %add3A_455 = arith.addi %add3A_453, %add3A_454 : i32
        %add3A_456 = arith.constant 0 : i32
        %add3A_457 = arith.addi %mul3A_446, %add3A_456 : i32
        %get3A_458 = arith.index_cast %add3A_457 : i32 to index
        %get3A_459 = tpu.vector_load %arg12[%get3A_458] {strides = array<i32>} : memref<33280xf32, #tpu.memory_space<vmem>>, vector<16xf32>,
        %add3A_460 = arith.constant 0 : i32
        %add3A_461 = arith.addi %add3A_455, %add3A_460 : i32
        %get3A_462 = arith.index_cast %add3A_461 : i32 to index
        %get3A_463 = tpu.vector_load %arg11[%get3A_462] {strides = array<i32>} : memref<20480xf32, #tpu.memory_space<vmem>>, vector<16xf32>,
        %add3A_464 = arith.addf %get3A_459, %get3A_463 : vector<16xf32>
        %add3A_465 = arith.constant 0 : i32
        %add3A_466 = arith.addi %mul3A_446, %add3A_465 : i32
        %swap3A_467 = arith.index_cast %add3A_466 : i32 to index
        %swap3A_468 = tpu.vector_load %arg12[%swap3A_467] {strides = array<i32>} : memref<33280xf32, #tpu.memory_space<vmem>>, vector<16xf32>,
        tpu.vector_store %arg12[%swap3A_467], %add3A_464 {strides = array<i32>} : memref<33280xf32, #tpu.memory_space<vmem>>, vector<16xf32>,
        %add3A_469 = arith.constant 16 : i32
        %add3A_470 = arith.addi %mul3A_446, %add3A_469 : i32
        %get3A_471 = arith.index_cast %add3A_470 : i32 to index
        %get3A_472 = tpu.vector_load %arg12[%get3A_471] {strides = array<i32>} : memref<33280xf32, #tpu.memory_space<vmem>>, vector<16xf32>,
        %add3A_473 = arith.constant 16 : i32
        %add3A_474 = arith.addi %add3A_455, %add3A_473 : i32
        %get3A_475 = arith.index_cast %add3A_474 : i32 to index
        %get3A_476 = tpu.vector_load %arg11[%get3A_475] {strides = array<i32>} : memref<20480xf32, #tpu.memory_space<vmem>>, vector<16xf32>,
        %add3A_477 = arith.addf %get3A_472, %get3A_476 : vector<16xf32>
        %add3A_478 = arith.constant 16 : i32
        %add3A_479 = arith.addi %mul3A_446, %add3A_478 : i32
        %swap3A_480 = arith.index_cast %add3A_479 : i32 to index
        %swap3A_481 = tpu.vector_load %arg12[%swap3A_480] {strides = array<i32>} : memref<33280xf32, #tpu.memory_space<vmem>>, vector<16xf32>,
        tpu.vector_store %arg12[%swap3A_480], %add3A_477 {strides = array<i32>} : memref<33280xf32, #tpu.memory_space<vmem>>, vector<16xf32>,
        %slice3A_482 = vector.extract_strided_slice %get3A_172 {offsets = [8], sizes = [1], strides = [1]} : vector<16xi32> to vector<1xi32>
        %squeeze3A_483 = vector.extract %slice3A_482[0] : i32 from vector<1xi32>
        %mul3A_484 = arith.constant 32 : i32
        %mul3A_485 = arith.muli %squeeze3A_483, %mul3A_484 : i32
        %mul3A_486 = arith.constant 16 : i32
        %mul3A_487 = arith.muli %scan3A_166, %mul3A_486 : i32
        %add3A_488 = arith.constant 8 : i32
        %add3A_489 = arith.addi %mul3A_487, %add3A_488 : i32
        %mul3A_490 = arith.constant 64 : i32
        %mul3A_491 = arith.muli %add3A_489, %mul3A_490 : i32
        %add3A_492 = arith.addi %mul3A_160, %mul3A_491 : i32
        %add3A_493 = arith.constant 32 : i32
        %add3A_494 = arith.addi %add3A_492, %add3A_493 : i32
        %add3A_495 = arith.constant 0 : i32
        %add3A_496 = arith.addi %mul3A_485, %add3A_495 : i32
        %get3A_497 = arith.index_cast %add3A_496 : i32 to index
        %get3A_498 = tpu.vector_load %arg12[%get3A_497] {strides = array<i32>} : memref<33280xf32, #tpu.memory_space<vmem>>, vector<16xf32>,
        %add3A_499 = arith.constant 0 : i32
        %add3A_500 = arith.addi %add3A_494, %add3A_499 : i32
        %get3A_501 = arith.index_cast %add3A_500 : i32 to index
        %get3A_502 = tpu.vector_load %arg11[%get3A_501] {strides = array<i32>} : memref<20480xf32, #tpu.memory_space<vmem>>, vector<16xf32>,
        %add3A_503 = arith.addf %get3A_498, %get3A_502 : vector<16xf32>
        %add3A_504 = arith.constant 0 : i32
        %add3A_505 = arith.addi %mul3A_485, %add3A_504 : i32
        %swap3A_506 = arith.index_cast %add3A_505 : i32 to index
        %swap3A_507 = tpu.vector_load %arg12[%swap3A_506] {strides = array<i32>} : memref<33280xf32, #tpu.memory_space<vmem>>, vector<16xf32>,
        tpu.vector_store %arg12[%swap3A_506], %add3A_503 {strides = array<i32>} : memref<33280xf32, #tpu.memory_space<vmem>>, vector<16xf32>,
        %add3A_508 = arith.constant 16 : i32
        %add3A_509 = arith.addi %mul3A_485, %add3A_508 : i32
        %get3A_510 = arith.index_cast %add3A_509 : i32 to index
        %get3A_511 = tpu.vector_load %arg12[%get3A_510] {strides = array<i32>} : memref<33280xf32, #tpu.memory_space<vmem>>, vector<16xf32>,
        %add3A_512 = arith.constant 16 : i32
        %add3A_513 = arith.addi %add3A_494, %add3A_512 : i32
        %get3A_514 = arith.index_cast %add3A_513 : i32 to index
        %get3A_515 = tpu.vector_load %arg11[%get3A_514] {strides = array<i32>} : memref<20480xf32, #tpu.memory_space<vmem>>, vector<16xf32>,
        %add3A_516 = arith.addf %get3A_511, %get3A_515 : vector<16xf32>
        %add3A_517 = arith.constant 16 : i32
        %add3A_518 = arith.addi %mul3A_485, %add3A_517 : i32
        %swap3A_519 = arith.index_cast %add3A_518 : i32 to index
        %swap3A_520 = tpu.vector_load %arg12[%swap3A_519] {strides = array<i32>} : memref<33280xf32, #tpu.memory_space<vmem>>, vector<16xf32>,
        tpu.vector_store %arg12[%swap3A_519], %add3A_516 {strides = array<i32>} : memref<33280xf32, #tpu.memory_space<vmem>>, vector<16xf32>,
        %slice3A_521 = vector.extract_strided_slice %get3A_172 {offsets = [9], sizes = [1], strides = [1]} : vector<16xi32> to vector<1xi32>
        %squeeze3A_522 = vector.extract %slice3A_521[0] : i32 from vector<1xi32>
        %mul3A_523 = arith.constant 32 : i32
        %mul3A_524 = arith.muli %squeeze3A_522, %mul3A_523 : i32
        %mul3A_525 = arith.constant 16 : i32
        %mul3A_526 = arith.muli %scan3A_166, %mul3A_525 : i32
        %add3A_527 = arith.constant 9 : i32
        %add3A_528 = arith.addi %mul3A_526, %add3A_527 : i32
        %mul3A_529 = arith.constant 64 : i32
        %mul3A_530 = arith.muli %add3A_528, %mul3A_529 : i32
        %add3A_531 = arith.addi %mul3A_160, %mul3A_530 : i32
        %add3A_532 = arith.constant 32 : i32
        %add3A_533 = arith.addi %add3A_531, %add3A_532 : i32
        %add3A_534 = arith.constant 0 : i32
        %add3A_535 = arith.addi %mul3A_524, %add3A_534 : i32
        %get3A_536 = arith.index_cast %add3A_535 : i32 to index
        %get3A_537 = tpu.vector_load %arg12[%get3A_536] {strides = array<i32>} : memref<33280xf32, #tpu.memory_space<vmem>>, vector<16xf32>,
        %add3A_538 = arith.constant 0 : i32
        %add3A_539 = arith.addi %add3A_533, %add3A_538 : i32
        %get3A_540 = arith.index_cast %add3A_539 : i32 to index
        %get3A_541 = tpu.vector_load %arg11[%get3A_540] {strides = array<i32>} : memref<20480xf32, #tpu.memory_space<vmem>>, vector<16xf32>,
        %add3A_542 = arith.addf %get3A_537, %get3A_541 : vector<16xf32>
        %add3A_543 = arith.constant 0 : i32
        %add3A_544 = arith.addi %mul3A_524, %add3A_543 : i32
        %swap3A_545 = arith.index_cast %add3A_544 : i32 to index
        %swap3A_546 = tpu.vector_load %arg12[%swap3A_545] {strides = array<i32>} : memref<33280xf32, #tpu.memory_space<vmem>>, vector<16xf32>,
        tpu.vector_store %arg12[%swap3A_545], %add3A_542 {strides = array<i32>} : memref<33280xf32, #tpu.memory_space<vmem>>, vector<16xf32>,
        %add3A_547 = arith.constant 16 : i32
        %add3A_548 = arith.addi %mul3A_524, %add3A_547 : i32
        %get3A_549 = arith.index_cast %add3A_548 : i32 to index
        %get3A_550 = tpu.vector_load %arg12[%get3A_549] {strides = array<i32>} : memref<33280xf32, #tpu.memory_space<vmem>>, vector<16xf32>,
        %add3A_551 = arith.constant 16 : i32
        %add3A_552 = arith.addi %add3A_533, %add3A_551 : i32
        %get3A_553 = arith.index_cast %add3A_552 : i32 to index
        %get3A_554 = tpu.vector_load %arg11[%get3A_553] {strides = array<i32>} : memref<20480xf32, #tpu.memory_space<vmem>>, vector<16xf32>,
        %add3A_555 = arith.addf %get3A_550, %get3A_554 : vector<16xf32>
        %add3A_556 = arith.constant 16 : i32
        %add3A_557 = arith.addi %mul3A_524, %add3A_556 : i32
        %swap3A_558 = arith.index_cast %add3A_557 : i32 to index
        %swap3A_559 = tpu.vector_load %arg12[%swap3A_558] {strides = array<i32>} : memref<33280xf32, #tpu.memory_space<vmem>>, vector<16xf32>,
        tpu.vector_store %arg12[%swap3A_558], %add3A_555 {strides = array<i32>} : memref<33280xf32, #tpu.memory_space<vmem>>, vector<16xf32>,
        %slice3A_560 = vector.extract_strided_slice %get3A_172 {offsets = [10], sizes = [1], strides = [1]} : vector<16xi32> to vector<1xi32>
        %squeeze3A_561 = vector.extract %slice3A_560[0] : i32 from vector<1xi32>
        %mul3A_562 = arith.constant 32 : i32
        %mul3A_563 = arith.muli %squeeze3A_561, %mul3A_562 : i32
        %mul3A_564 = arith.constant 16 : i32
        %mul3A_565 = arith.muli %scan3A_166, %mul3A_564 : i32
        %add3A_566 = arith.constant 10 : i32
        %add3A_567 = arith.addi %mul3A_565, %add3A_566 : i32
        %mul3A_568 = arith.constant 64 : i32
        %mul3A_569 = arith.muli %add3A_567, %mul3A_568 : i32
        %add3A_570 = arith.addi %mul3A_160, %mul3A_569 : i32
        %add3A_571 = arith.constant 32 : i32
        %add3A_572 = arith.addi %add3A_570, %add3A_571 : i32
        %add3A_573 = arith.constant 0 : i32
        %add3A_574 = arith.addi %mul3A_563, %add3A_573 : i32
        %get3A_575 = arith.index_cast %add3A_574 : i32 to index
        %get3A_576 = tpu.vector_load %arg12[%get3A_575] {strides = array<i32>} : memref<33280xf32, #tpu.memory_space<vmem>>, vector<16xf32>,
        %add3A_577 = arith.constant 0 : i32
        %add3A_578 = arith.addi %add3A_572, %add3A_577 : i32
        %get3A_579 = arith.index_cast %add3A_578 : i32 to index
        %get3A_580 = tpu.vector_load %arg11[%get3A_579] {strides = array<i32>} : memref<20480xf32, #tpu.memory_space<vmem>>, vector<16xf32>,
        %add3A_581 = arith.addf %get3A_576, %get3A_580 : vector<16xf32>
        %add3A_582 = arith.constant 0 : i32
        %add3A_583 = arith.addi %mul3A_563, %add3A_582 : i32
        %swap3A_584 = arith.index_cast %add3A_583 : i32 to index
        %swap3A_585 = tpu.vector_load %arg12[%swap3A_584] {strides = array<i32>} : memref<33280xf32, #tpu.memory_space<vmem>>, vector<16xf32>,
        tpu.vector_store %arg12[%swap3A_584], %add3A_581 {strides = array<i32>} : memref<33280xf32, #tpu.memory_space<vmem>>, vector<16xf32>,
        %add3A_586 = arith.constant 16 : i32
        %add3A_587 = arith.addi %mul3A_563, %add3A_586 : i32
        %get3A_588 = arith.index_cast %add3A_587 : i32 to index
        %get3A_589 = tpu.vector_load %arg12[%get3A_588] {strides = array<i32>} : memref<33280xf32, #tpu.memory_space<vmem>>, vector<16xf32>,
        %add3A_590 = arith.constant 16 : i32
        %add3A_591 = arith.addi %add3A_572, %add3A_590 : i32
        %get3A_592 = arith.index_cast %add3A_591 : i32 to index
        %get3A_593 = tpu.vector_load %arg11[%get3A_592] {strides = array<i32>} : memref<20480xf32, #tpu.memory_space<vmem>>, vector<16xf32>,
        %add3A_594 = arith.addf %get3A_589, %get3A_593 : vector<16xf32>
        %add3A_595 = arith.constant 16 : i32
        %add3A_596 = arith.addi %mul3A_563, %add3A_595 : i32
        %swap3A_597 = arith.index_cast %add3A_596 : i32 to index
        %swap3A_598 = tpu.vector_load %arg12[%swap3A_597] {strides = array<i32>} : memref<33280xf32, #tpu.memory_space<vmem>>, vector<16xf32>,
        tpu.vector_store %arg12[%swap3A_597], %add3A_594 {strides = array<i32>} : memref<33280xf32, #tpu.memory_space<vmem>>, vector<16xf32>,
        %slice3A_599 = vector.extract_strided_slice %get3A_172 {offsets = [11], sizes = [1], strides = [1]} : vector<16xi32> to vector<1xi32>
        %squeeze3A_600 = vector.extract %slice3A_599[0] : i32 from vector<1xi32>
        %mul3A_601 = arith.constant 32 : i32
        %mul3A_602 = arith.muli %squeeze3A_600, %mul3A_601 : i32
        %mul3A_603 = arith.constant 16 : i32
        %mul3A_604 = arith.muli %scan3A_166, %mul3A_603 : i32
        %add3A_605 = arith.constant 11 : i32
        %add3A_606 = arith.addi %mul3A_604, %add3A_605 : i32
        %mul3A_607 = arith.constant 64 : i32
        %mul3A_608 = arith.muli %add3A_606, %mul3A_607 : i32
        %add3A_609 = arith.addi %mul3A_160, %mul3A_608 : i32
        %add3A_610 = arith.constant 32 : i32
        %add3A_611 = arith.addi %add3A_609, %add3A_610 : i32
        %add3A_612 = arith.constant 0 : i32
        %add3A_613 = arith.addi %mul3A_602, %add3A_612 : i32
        %get3A_614 = arith.index_cast %add3A_613 : i32 to index
        %get3A_615 = tpu.vector_load %arg12[%get3A_614] {strides = array<i32>} : memref<33280xf32, #tpu.memory_space<vmem>>, vector<16xf32>,
        %add3A_616 = arith.constant 0 : i32
        %add3A_617 = arith.addi %add3A_611, %add3A_616 : i32
        %get3A_618 = arith.index_cast %add3A_617 : i32 to index
        %get3A_619 = tpu.vector_load %arg11[%get3A_618] {strides = array<i32>} : memref<20480xf32, #tpu.memory_space<vmem>>, vector<16xf32>,
        %add3A_620 = arith.addf %get3A_615, %get3A_619 : vector<16xf32>
        %add3A_621 = arith.constant 0 : i32
        %add3A_622 = arith.addi %mul3A_602, %add3A_621 : i32
        %swap3A_623 = arith.index_cast %add3A_622 : i32 to index
        %swap3A_624 = tpu.vector_load %arg12[%swap3A_623] {strides = array<i32>} : memref<33280xf32, #tpu.memory_space<vmem>>, vector<16xf32>,
        tpu.vector_store %arg12[%swap3A_623], %add3A_620 {strides = array<i32>} : memref<33280xf32, #tpu.memory_space<vmem>>, vector<16xf32>,
        %add3A_625 = arith.constant 16 : i32
        %add3A_626 = arith.addi %mul3A_602, %add3A_625 : i32
        %get3A_627 = arith.index_cast %add3A_626 : i32 to index
        %get3A_628 = tpu.vector_load %arg12[%get3A_627] {strides = array<i32>} : memref<33280xf32, #tpu.memory_space<vmem>>, vector<16xf32>,
        %add3A_629 = arith.constant 16 : i32
        %add3A_630 = arith.addi %add3A_611, %add3A_629 : i32
        %get3A_631 = arith.index_cast %add3A_630 : i32 to index
        %get3A_632 = tpu.vector_load %arg11[%get3A_631] {strides = array<i32>} : memref<20480xf32, #tpu.memory_space<vmem>>, vector<16xf32>,
        %add3A_633 = arith.addf %get3A_628, %get3A_632 : vector<16xf32>
        %add3A_634 = arith.constant 16 : i32
        %add3A_635 = arith.addi %mul3A_602, %add3A_634 : i32
        %swap3A_636 = arith.index_cast %add3A_635 : i32 to index
        %swap3A_637 = tpu.vector_load %arg12[%swap3A_636] {strides = array<i32>} : memref<33280xf32, #tpu.memory_space<vmem>>, vector<16xf32>,
        tpu.vector_store %arg12[%swap3A_636], %add3A_633 {strides = array<i32>} : memref<33280xf32, #tpu.memory_space<vmem>>, vector<16xf32>,
        %slice3A_638 = vector.extract_strided_slice %get3A_172 {offsets = [12], sizes = [1], strides = [1]} : vector<16xi32> to vector<1xi32>
        %squeeze3A_639 = vector.extract %slice3A_638[0] : i32 from vector<1xi32>
        %mul3A_640 = arith.constant 32 : i32
        %mul3A_641 = arith.muli %squeeze3A_639, %mul3A_640 : i32
        %mul3A_642 = arith.constant 16 : i32
        %mul3A_643 = arith.muli %scan3A_166, %mul3A_642 : i32
        %add3A_644 = arith.constant 12 : i32
        %add3A_645 = arith.addi %mul3A_643, %add3A_644 : i32
        %mul3A_646 = arith.constant 64 : i32
        %mul3A_647 = arith.muli %add3A_645, %mul3A_646 : i32
        %add3A_648 = arith.addi %mul3A_160, %mul3A_647 : i32
        %add3A_649 = arith.constant 32 : i32
        %add3A_650 = arith.addi %add3A_648, %add3A_649 : i32
        %add3A_651 = arith.constant 0 : i32
        %add3A_652 = arith.addi %mul3A_641, %add3A_651 : i32
        %get3A_653 = arith.index_cast %add3A_652 : i32 to index
        %get3A_654 = tpu.vector_load %arg12[%get3A_653] {strides = array<i32>} : memref<33280xf32, #tpu.memory_space<vmem>>, vector<16xf32>,
        %add3A_655 = arith.constant 0 : i32
        %add3A_656 = arith.addi %add3A_650, %add3A_655 : i32
        %get3A_657 = arith.index_cast %add3A_656 : i32 to index
        %get3A_658 = tpu.vector_load %arg11[%get3A_657] {strides = array<i32>} : memref<20480xf32, #tpu.memory_space<vmem>>, vector<16xf32>,
        %add3A_659 = arith.addf %get3A_654, %get3A_658 : vector<16xf32>
        %add3A_660 = arith.constant 0 : i32
        %add3A_661 = arith.addi %mul3A_641, %add3A_660 : i32
        %swap3A_662 = arith.index_cast %add3A_661 : i32 to index
        %swap3A_663 = tpu.vector_load %arg12[%swap3A_662] {strides = array<i32>} : memref<33280xf32, #tpu.memory_space<vmem>>, vector<16xf32>,
        tpu.vector_store %arg12[%swap3A_662], %add3A_659 {strides = array<i32>} : memref<33280xf32, #tpu.memory_space<vmem>>, vector<16xf32>,
        %add3A_664 = arith.constant 16 : i32
        %add3A_665 = arith.addi %mul3A_641, %add3A_664 : i32
        %get3A_666 = arith.index_cast %add3A_665 : i32 to index
        %get3A_667 = tpu.vector_load %arg12[%get3A_666] {strides = array<i32>} : memref<33280xf32, #tpu.memory_space<vmem>>, vector<16xf32>,
        %add3A_668 = arith.constant 16 : i32
        %add3A_669 = arith.addi %add3A_650, %add3A_668 : i32
        %get3A_670 = arith.index_cast %add3A_669 : i32 to index
        %get3A_671 = tpu.vector_load %arg11[%get3A_670] {strides = array<i32>} : memref<20480xf32, #tpu.memory_space<vmem>>, vector<16xf32>,
        %add3A_672 = arith.addf %get3A_667, %get3A_671 : vector<16xf32>
        %add3A_673 = arith.constant 16 : i32
        %add3A_674 = arith.addi %mul3A_641, %add3A_673 : i32
        %swap3A_675 = arith.index_cast %add3A_674 : i32 to index
        %swap3A_676 = tpu.vector_load %arg12[%swap3A_675] {strides = array<i32>} : memref<33280xf32, #tpu.memory_space<vmem>>, vector<16xf32>,
        tpu.vector_store %arg12[%swap3A_675], %add3A_672 {strides = array<i32>} : memref<33280xf32, #tpu.memory_space<vmem>>, vector<16xf32>,
        %slice3A_677 = vector.extract_strided_slice %get3A_172 {offsets = [13], sizes = [1], strides = [1]} : vector<16xi32> to vector<1xi32>
        %squeeze3A_678 = vector.extract %slice3A_677[0] : i32 from vector<1xi32>
        %mul3A_679 = arith.constant 32 : i32
        %mul3A_680 = arith.muli %squeeze3A_678, %mul3A_679 : i32
        %mul3A_681 = arith.constant 16 : i32
        %mul3A_682 = arith.muli %scan3A_166, %mul3A_681 : i32
        %add3A_683 = arith.constant 13 : i32
        %add3A_684 = arith.addi %mul3A_682, %add3A_683 : i32
        %mul3A_685 = arith.constant 64 : i32
        %mul3A_686 = arith.muli %add3A_684, %mul3A_685 : i32
        %add3A_687 = arith.addi %mul3A_160, %mul3A_686 : i32
        %add3A_688 = arith.constant 32 : i32
        %add3A_689 = arith.addi %add3A_687, %add3A_688 : i32
        %add3A_690 = arith.constant 0 : i32
        %add3A_691 = arith.addi %mul3A_680, %add3A_690 : i32
        %get3A_692 = arith.index_cast %add3A_691 : i32 to index
        %get3A_693 = tpu.vector_load %arg12[%get3A_692] {strides = array<i32>} : memref<33280xf32, #tpu.memory_space<vmem>>, vector<16xf32>,
        %add3A_694 = arith.constant 0 : i32
        %add3A_695 = arith.addi %add3A_689, %add3A_694 : i32
        %get3A_696 = arith.index_cast %add3A_695 : i32 to index
        %get3A_697 = tpu.vector_load %arg11[%get3A_696] {strides = array<i32>} : memref<20480xf32, #tpu.memory_space<vmem>>, vector<16xf32>,
        %add3A_698 = arith.addf %get3A_693, %get3A_697 : vector<16xf32>
        %add3A_699 = arith.constant 0 : i32
        %add3A_700 = arith.addi %mul3A_680, %add3A_699 : i32
        %swap3A_701 = arith.index_cast %add3A_700 : i32 to index
        %swap3A_702 = tpu.vector_load %arg12[%swap3A_701] {strides = array<i32>} : memref<33280xf32, #tpu.memory_space<vmem>>, vector<16xf32>,
        tpu.vector_store %arg12[%swap3A_701], %add3A_698 {strides = array<i32>} : memref<33280xf32, #tpu.memory_space<vmem>>, vector<16xf32>,
        %add3A_703 = arith.constant 16 : i32
        %add3A_704 = arith.addi %mul3A_680, %add3A_703 : i32
        %get3A_705 = arith.index_cast %add3A_704 : i32 to index
        %get3A_706 = tpu.vector_load %arg12[%get3A_705] {strides = array<i32>} : memref<33280xf32, #tpu.memory_space<vmem>>, vector<16xf32>,
        %add3A_707 = arith.constant 16 : i32
        %add3A_708 = arith.addi %add3A_689, %add3A_707 : i32
        %get3A_709 = arith.index_cast %add3A_708 : i32 to index
        %get3A_710 = tpu.vector_load %arg11[%get3A_709] {strides = array<i32>} : memref<20480xf32, #tpu.memory_space<vmem>>, vector<16xf32>,
        %add3A_711 = arith.addf %get3A_706, %get3A_710 : vector<16xf32>
        %add3A_712 = arith.constant 16 : i32
        %add3A_713 = arith.addi %mul3A_680, %add3A_712 : i32
        %swap3A_714 = arith.index_cast %add3A_713 : i32 to index
        %swap3A_715 = tpu.vector_load %arg12[%swap3A_714] {strides = array<i32>} : memref<33280xf32, #tpu.memory_space<vmem>>, vector<16xf32>,
        tpu.vector_store %arg12[%swap3A_714], %add3A_711 {strides = array<i32>} : memref<33280xf32, #tpu.memory_space<vmem>>, vector<16xf32>,
        %slice3A_716 = vector.extract_strided_slice %get3A_172 {offsets = [14], sizes = [1], strides = [1]} : vector<16xi32> to vector<1xi32>
        %squeeze3A_717 = vector.extract %slice3A_716[0] : i32 from vector<1xi32>
        %mul3A_718 = arith.constant 32 : i32
        %mul3A_719 = arith.muli %squeeze3A_717, %mul3A_718 : i32
        %mul3A_720 = arith.constant 16 : i32
        %mul3A_721 = arith.muli %scan3A_166, %mul3A_720 : i32
        %add3A_722 = arith.constant 14 : i32
        %add3A_723 = arith.addi %mul3A_721, %add3A_722 : i32
        %mul3A_724 = arith.constant 64 : i32
        %mul3A_725 = arith.muli %add3A_723, %mul3A_724 : i32
        %add3A_726 = arith.addi %mul3A_160, %mul3A_725 : i32
        %add3A_727 = arith.constant 32 : i32
        %add3A_728 = arith.addi %add3A_726, %add3A_727 : i32
        %add3A_729 = arith.constant 0 : i32
        %add3A_730 = arith.addi %mul3A_719, %add3A_729 : i32
        %get3A_731 = arith.index_cast %add3A_730 : i32 to index
        %get3A_732 = tpu.vector_load %arg12[%get3A_731] {strides = array<i32>} : memref<33280xf32, #tpu.memory_space<vmem>>, vector<16xf32>,
        %add3A_733 = arith.constant 0 : i32
        %add3A_734 = arith.addi %add3A_728, %add3A_733 : i32
        %get3A_735 = arith.index_cast %add3A_734 : i32 to index
        %get3A_736 = tpu.vector_load %arg11[%get3A_735] {strides = array<i32>} : memref<20480xf32, #tpu.memory_space<vmem>>, vector<16xf32>,
        %add3A_737 = arith.addf %get3A_732, %get3A_736 : vector<16xf32>
        %add3A_738 = arith.constant 0 : i32
        %add3A_739 = arith.addi %mul3A_719, %add3A_738 : i32
        %swap3A_740 = arith.index_cast %add3A_739 : i32 to index
        %swap3A_741 = tpu.vector_load %arg12[%swap3A_740] {strides = array<i32>} : memref<33280xf32, #tpu.memory_space<vmem>>, vector<16xf32>,
        tpu.vector_store %arg12[%swap3A_740], %add3A_737 {strides = array<i32>} : memref<33280xf32, #tpu.memory_space<vmem>>, vector<16xf32>,
        %add3A_742 = arith.constant 16 : i32
        %add3A_743 = arith.addi %mul3A_719, %add3A_742 : i32
        %get3A_744 = arith.index_cast %add3A_743 : i32 to index
        %get3A_745 = tpu.vector_load %arg12[%get3A_744] {strides = array<i32>} : memref<33280xf32, #tpu.memory_space<vmem>>, vector<16xf32>,
        %add3A_746 = arith.constant 16 : i32
        %add3A_747 = arith.addi %add3A_728, %add3A_746 : i32
        %get3A_748 = arith.index_cast %add3A_747 : i32 to index
        %get3A_749 = tpu.vector_load %arg11[%get3A_748] {strides = array<i32>} : memref<20480xf32, #tpu.memory_space<vmem>>, vector<16xf32>,
        %add3A_750 = arith.addf %get3A_745, %get3A_749 : vector<16xf32>
        %add3A_751 = arith.constant 16 : i32
        %add3A_752 = arith.addi %mul3A_719, %add3A_751 : i32
        %swap3A_753 = arith.index_cast %add3A_752 : i32 to index
        %swap3A_754 = tpu.vector_load %arg12[%swap3A_753] {strides = array<i32>} : memref<33280xf32, #tpu.memory_space<vmem>>, vector<16xf32>,
        tpu.vector_store %arg12[%swap3A_753], %add3A_750 {strides = array<i32>} : memref<33280xf32, #tpu.memory_space<vmem>>, vector<16xf32>,
        %slice3A_755 = vector.extract_strided_slice %get3A_172 {offsets = [15], sizes = [1], strides = [1]} : vector<16xi32> to vector<1xi32>
        %squeeze3A_756 = vector.extract %slice3A_755[0] : i32 from vector<1xi32>
        %mul3A_757 = arith.constant 32 : i32
        %mul3A_758 = arith.muli %squeeze3A_756, %mul3A_757 : i32
        %mul3A_759 = arith.constant 16 : i32
        %mul3A_760 = arith.muli %scan3A_166, %mul3A_759 : i32
        %add3A_761 = arith.constant 15 : i32
        %add3A_762 = arith.addi %mul3A_760, %add3A_761 : i32
        %mul3A_763 = arith.constant 64 : i32
        %mul3A_764 = arith.muli %add3A_762, %mul3A_763 : i32
        %add3A_765 = arith.addi %mul3A_160, %mul3A_764 : i32
        %add3A_766 = arith.constant 32 : i32
        %add3A_767 = arith.addi %add3A_765, %add3A_766 : i32
        %add3A_768 = arith.constant 0 : i32
        %add3A_769 = arith.addi %mul3A_758, %add3A_768 : i32
        %get3A_770 = arith.index_cast %add3A_769 : i32 to index
        %get3A_771 = tpu.vector_load %arg12[%get3A_770] {strides = array<i32>} : memref<33280xf32, #tpu.memory_space<vmem>>, vector<16xf32>,
        %add3A_772 = arith.constant 0 : i32
        %add3A_773 = arith.addi %add3A_767, %add3A_772 : i32
        %get3A_774 = arith.index_cast %add3A_773 : i32 to index
        %get3A_775 = tpu.vector_load %arg11[%get3A_774] {strides = array<i32>} : memref<20480xf32, #tpu.memory_space<vmem>>, vector<16xf32>,
        %add3A_776 = arith.addf %get3A_771, %get3A_775 : vector<16xf32>
        %add3A_777 = arith.constant 0 : i32
        %add3A_778 = arith.addi %mul3A_758, %add3A_777 : i32
        %swap3A_779 = arith.index_cast %add3A_778 : i32 to index
        %swap3A_780 = tpu.vector_load %arg12[%swap3A_779] {strides = array<i32>} : memref<33280xf32, #tpu.memory_space<vmem>>, vector<16xf32>,
        tpu.vector_store %arg12[%swap3A_779], %add3A_776 {strides = array<i32>} : memref<33280xf32, #tpu.memory_space<vmem>>, vector<16xf32>,
        %add3A_781 = arith.constant 16 : i32
        %add3A_782 = arith.addi %mul3A_758, %add3A_781 : i32
        %get3A_783 = arith.index_cast %add3A_782 : i32 to index
        %get3A_784 = tpu.vector_load %arg12[%get3A_783] {strides = array<i32>} : memref<33280xf32, #tpu.memory_space<vmem>>, vector<16xf32>,
        %add3A_785 = arith.constant 16 : i32
        %add3A_786 = arith.addi %add3A_767, %add3A_785 : i32
        %get3A_787 = arith.index_cast %add3A_786 : i32 to index
        %get3A_788 = tpu.vector_load %arg11[%get3A_787] {strides = array<i32>} : memref<20480xf32, #tpu.memory_space<vmem>>, vector<16xf32>,
        %add3A_789 = arith.addf %get3A_784, %get3A_788 : vector<16xf32>
        %add3A_790 = arith.constant 16 : i32
        %add3A_791 = arith.addi %mul3A_758, %add3A_790 : i32
        %swap3A_792 = arith.index_cast %add3A_791 : i32 to index
        %swap3A_793 = tpu.vector_load %arg12[%swap3A_792] {strides = array<i32>} : memref<33280xf32, #tpu.memory_space<vmem>>, vector<16xf32>,
        tpu.vector_store %arg12[%swap3A_792], %add3A_789 {strides = array<i32>} : memref<33280xf32, #tpu.memory_space<vmem>>, vector<16xf32>,
      }
      %scan3A_165 = arith.constant 10 : i32
    }
    %while3A_115 = arith.constant 1 : i32
    scf.for %while3A_138 = %while3A_113 to %while3A_109 step %while3A_115  : i32 {
      %add3A_139 = arith.constant 1 : i32
      %add3A_140 = arith.addi %while3A_138, %add3A_139 : i32
      %lt3A_141 = arith.cmpi slt, %add3A_140, %max3A_100 : i32
      %convert_element_type3A_142 = arith.extui %lt3A_141 : i1 to i32
      %cond3A_143 = arith.constant 0 : i32
      %cond3A_144 = arith.cmpi ne, %convert_element_type3A_142, %cond3A_143 : i32
      scf.if %cond3A_144 {
        %add3A_166 = arith.constant 1 : i32
        %add3A_167 = arith.addi %while3A_138, %add3A_166 : i32
        %rem3A_168 = arith.constant 2 : i32
        %rem3A_169 = arith.remsi %add3A_167, %rem3A_168 : i32
        %mul3A_170 = arith.constant 10240 : i32
        %mul3A_171 = arith.muli %rem3A_169, %mul3A_170 : i32
        %mul3A_172 = arith.constant 160 : i32
        %mul3A_173 = arith.muli %add3A_167, %mul3A_172 : i32
        %add3A_174 = arith.addi %mul3A_2, %mul3A_173 : i32
        %mul3A_175 = arith.constant 64 : i32
        %mul3A_176 = arith.muli %add3A_174, %mul3A_175 : i32
        %dma_start3A = tpu.memref_slice %arg11[%mul3A_171] : memref<20480xf32, #tpu.memory_space<vmem>> -> memref<10240xf32, #tpu.memory_space<vmem>>
        %dma_start3A_177 = tpu.memref_slice %arg5[%mul3A_176] : memref<6400000xf32, #tpu.memory_space<hbm>> -> memref<10240xf32, #tpu.memory_space<hbm>>
        %dma_start3A_178 = tpu.memref_slice %arg11[%mul3A_171] : memref<20480xf32, #tpu.memory_space<vmem>> -> memref<10240xf32, #tpu.memory_space<vmem>>
        %dma_start3A_179 = tpu.memref_slice %arg5[%mul3A_176] : memref<6400000xf32, #tpu.memory_space<hbm>> -> memref<10240xf32, #tpu.memory_space<hbm>>
        tpu.enqueue_dma source(%dma_start3A_179 : memref<10240xf32, #tpu.memory_space<hbm>>) target(%dma_start3A_178 : memref<10240xf32, #tpu.memory_space<vmem>>) target_semaphore(%arg15 : memref<!tpu.dma_semaphore, #tpu.memory_space<semaphore_mem>>)
      } else {
      }
      %rem3A_145 = arith.constant 2 : i32
      %rem3A_146 = arith.remsi %while3A_138, %rem3A_145 : i32
      %mul3A_147 = arith.constant 10240 : i32
      %mul3A_148 = arith.muli %rem3A_146, %mul3A_147 : i32
      %mul3A_149 = arith.constant 160 : i32
      %mul3A_150 = arith.muli %while3A_138, %mul3A_149 : i32
      %add3A_151 = arith.addi %mul3A_2, %mul3A_150 : i32
      %mul3A_152 = arith.constant 64 : i32
      %mul3A_153 = arith.muli %add3A_151, %mul3A_152 : i32
      %dma_wait3A = tpu.memref_slice %arg11[%mul3A_148] : memref<20480xf32, #tpu.memory_space<vmem>> -> memref<10240xf32, #tpu.memory_space<vmem>>
      %dma_wait3A_154 = tpu.memref_slice %arg5[%mul3A_153] : memref<6400000xf32, #tpu.memory_space<hbm>> -> memref<10240xf32, #tpu.memory_space<hbm>>
      %dma_wait3A_155 = tpu.memref_slice %arg11[%mul3A_148] : memref<20480xf32, #tpu.memory_space<vmem>> -> memref<10240xf32, #tpu.memory_space<vmem>>
      %dma_wait3A_156 = tpu.memref_slice %arg5[%mul3A_153] : memref<6400000xf32, #tpu.memory_space<hbm>> -> memref<10240xf32, #tpu.memory_space<hbm>>
      tpu.wait_dma2 semaphore(%arg15 : memref<!tpu.dma_semaphore, #tpu.memory_space<semaphore_mem>>) src(%dma_wait3A_156 : memref<10240xf32, #tpu.memory_space<hbm>>) dst(%dma_wait3A_155 : memref<10240xf32, #tpu.memory_space<vmem>>)
      %rem3A_157 = arith.constant 2 : i32
      %rem3A_158 = arith.remsi %while3A_138, %rem3A_157 : i32
      %mul3A_159 = arith.constant 10240 : i32
      %mul3A_160 = arith.muli %rem3A_158, %mul3A_159 : i32
      %scan3A_161 = arith.constant 0 : i32
      %scan3A_162 = arith.constant 10 : i32
      %scan3A_163 = arith.addi %scan3A_161, %scan3A_162 : i32
      %scan3A_164 = arith.constant 1 : i32
      scf.for %scan3A_166 = %scan3A_161 to %scan3A_163 step %scan3A_164  : i32 {
        %mul3A_167 = arith.constant 160 : i32
        %mul3A_168 = arith.muli %while3A_138, %mul3A_167 : i32
        %mul3A_169 = arith.constant 16 : i32
        %mul3A_170 = arith.muli %scan3A_166, %mul3A_169 : i32
        %add3A_171 = arith.addi %mul3A_168, %mul3A_170 : i32
        %get3A = arith.index_cast %add3A_171 : i32 to index
        %get3A_172 = tpu.vector_load %arg9[%get3A] {strides = array<i32>} : memref<3200xi32, #tpu.memory_space<vmem>>, vector<16xi32>,
        %slice3A = vector.extract_strided_slice %get3A_172 {offsets = [0], sizes = [1], strides = [1]} : vector<16xi32> to vector<1xi32>
        %squeeze3A = vector.extract %slice3A[0] : i32 from vector<1xi32>
        %mul3A_173 = arith.constant 32 : i32
        %mul3A_174 = arith.muli %squeeze3A, %mul3A_173 : i32
        %mul3A_175 = arith.constant 16 : i32
        %mul3A_176 = arith.muli %scan3A_166, %mul3A_175 : i32
        %add3A_177 = arith.constant 0 : i32
        %add3A_178 = arith.addi %mul3A_176, %add3A_177 : i32
        %mul3A_179 = arith.constant 64 : i32
        %mul3A_180 = arith.muli %add3A_178, %mul3A_179 : i32
        %add3A_181 = arith.addi %mul3A_160, %mul3A_180 : i32
        %add3A_182 = arith.constant 32 : i32
        %add3A_183 = arith.addi %add3A_181, %add3A_182 : i32
        %add3A_184 = arith.constant 0 : i32
        %add3A_185 = arith.addi %mul3A_174, %add3A_184 : i32
        %get3A_186 = arith.index_cast %add3A_185 : i32 to index
        %get3A_187 = tpu.vector_load %arg12[%get3A_186] {strides = array<i32>} : memref<33280xf32, #tpu.memory_space<vmem>>, vector<16xf32>,
        %add3A_188 = arith.constant 0 : i32
        %add3A_189 = arith.addi %add3A_183, %add3A_188 : i32
        %get3A_190 = arith.index_cast %add3A_189 : i32 to index
        %get3A_191 = tpu.vector_load %arg11[%get3A_190] {strides = array<i32>} : memref<20480xf32, #tpu.memory_space<vmem>>, vector<16xf32>,
        %add3A_192 = arith.addf %get3A_187, %get3A_191 : vector<16xf32>
        %add3A_193 = arith.constant 0 : i32
        %add3A_194 = arith.addi %mul3A_174, %add3A_193 : i32
        %swap3A = arith.index_cast %add3A_194 : i32 to index
        %swap3A_195 = tpu.vector_load %arg12[%swap3A] {strides = array<i32>} : memref<33280xf32, #tpu.memory_space<vmem>>, vector<16xf32>,
        tpu.vector_store %arg12[%swap3A], %add3A_192 {strides = array<i32>} : memref<33280xf32, #tpu.memory_space<vmem>>, vector<16xf32>,
        %add3A_196 = arith.constant 16 : i32
        %add3A_197 = arith.addi %mul3A_174, %add3A_196 : i32
        %get3A_198 = arith.index_cast %add3A_197 : i32 to index
        %get3A_199 = tpu.vector_load %arg12[%get3A_198] {strides = array<i32>} : memref<33280xf32, #tpu.memory_space<vmem>>, vector<16xf32>,
        %add3A_200 = arith.constant 16 : i32
        %add3A_201 = arith.addi %add3A_183, %add3A_200 : i32
        %get3A_202 = arith.index_cast %add3A_201 : i32 to index
        %get3A_203 = tpu.vector_load %arg11[%get3A_202] {strides = array<i32>} : memref<20480xf32, #tpu.memory_space<vmem>>, vector<16xf32>,
        %add3A_204 = arith.addf %get3A_199, %get3A_203 : vector<16xf32>
        %add3A_205 = arith.constant 16 : i32
        %add3A_206 = arith.addi %mul3A_174, %add3A_205 : i32
        %swap3A_207 = arith.index_cast %add3A_206 : i32 to index
        %swap3A_208 = tpu.vector_load %arg12[%swap3A_207] {strides = array<i32>} : memref<33280xf32, #tpu.memory_space<vmem>>, vector<16xf32>,
        tpu.vector_store %arg12[%swap3A_207], %add3A_204 {strides = array<i32>} : memref<33280xf32, #tpu.memory_space<vmem>>, vector<16xf32>,
        %slice3A_209 = vector.extract_strided_slice %get3A_172 {offsets = [1], sizes = [1], strides = [1]} : vector<16xi32> to vector<1xi32>
        %squeeze3A_210 = vector.extract %slice3A_209[0] : i32 from vector<1xi32>
        %mul3A_211 = arith.constant 32 : i32
        %mul3A_212 = arith.muli %squeeze3A_210, %mul3A_211 : i32
        %mul3A_213 = arith.constant 16 : i32
        %mul3A_214 = arith.muli %scan3A_166, %mul3A_213 : i32
        %add3A_215 = arith.constant 1 : i32
        %add3A_216 = arith.addi %mul3A_214, %add3A_215 : i32
        %mul3A_217 = arith.constant 64 : i32
        %mul3A_218 = arith.muli %add3A_216, %mul3A_217 : i32
        %add3A_219 = arith.addi %mul3A_160, %mul3A_218 : i32
        %add3A_220 = arith.constant 32 : i32
        %add3A_221 = arith.addi %add3A_219, %add3A_220 : i32
        %add3A_222 = arith.constant 0 : i32
        %add3A_223 = arith.addi %mul3A_212, %add3A_222 : i32
        %get3A_224 = arith.index_cast %add3A_223 : i32 to index
        %get3A_225 = tpu.vector_load %arg12[%get3A_224] {strides = array<i32>} : memref<33280xf32, #tpu.memory_space<vmem>>, vector<16xf32>,
        %add3A_226 = arith.constant 0 : i32
        %add3A_227 = arith.addi %add3A_221, %add3A_226 : i32
        %get3A_228 = arith.index_cast %add3A_227 : i32 to index
        %get3A_229 = tpu.vector_load %arg11[%get3A_228] {strides = array<i32>} : memref<20480xf32, #tpu.memory_space<vmem>>, vector<16xf32>,
        %add3A_230 = arith.addf %get3A_225, %get3A_229 : vector<16xf32>
        %add3A_231 = arith.constant 0 : i32
        %add3A_232 = arith.addi %mul3A_212, %add3A_231 : i32
        %swap3A_233 = arith.index_cast %add3A_232 : i32 to index
        %swap3A_234 = tpu.vector_load %arg12[%swap3A_233] {strides = array<i32>} : memref<33280xf32, #tpu.memory_space<vmem>>, vector<16xf32>,
        tpu.vector_store %arg12[%swap3A_233], %add3A_230 {strides = array<i32>} : memref<33280xf32, #tpu.memory_space<vmem>>, vector<16xf32>,
        %add3A_235 = arith.constant 16 : i32
        %add3A_236 = arith.addi %mul3A_212, %add3A_235 : i32
        %get3A_237 = arith.index_cast %add3A_236 : i32 to index
        %get3A_238 = tpu.vector_load %arg12[%get3A_237] {strides = array<i32>} : memref<33280xf32, #tpu.memory_space<vmem>>, vector<16xf32>,
        %add3A_239 = arith.constant 16 : i32
        %add3A_240 = arith.addi %add3A_221, %add3A_239 : i32
        %get3A_241 = arith.index_cast %add3A_240 : i32 to index
        %get3A_242 = tpu.vector_load %arg11[%get3A_241] {strides = array<i32>} : memref<20480xf32, #tpu.memory_space<vmem>>, vector<16xf32>,
        %add3A_243 = arith.addf %get3A_238, %get3A_242 : vector<16xf32>
        %add3A_244 = arith.constant 16 : i32
        %add3A_245 = arith.addi %mul3A_212, %add3A_244 : i32
        %swap3A_246 = arith.index_cast %add3A_245 : i32 to index
        %swap3A_247 = tpu.vector_load %arg12[%swap3A_246] {strides = array<i32>} : memref<33280xf32, #tpu.memory_space<vmem>>, vector<16xf32>,
        tpu.vector_store %arg12[%swap3A_246], %add3A_243 {strides = array<i32>} : memref<33280xf32, #tpu.memory_space<vmem>>, vector<16xf32>,
        %slice3A_248 = vector.extract_strided_slice %get3A_172 {offsets = [2], sizes = [1], strides = [1]} : vector<16xi32> to vector<1xi32>
        %squeeze3A_249 = vector.extract %slice3A_248[0] : i32 from vector<1xi32>
        %mul3A_250 = arith.constant 32 : i32
        %mul3A_251 = arith.muli %squeeze3A_249, %mul3A_250 : i32
        %mul3A_252 = arith.constant 16 : i32
        %mul3A_253 = arith.muli %scan3A_166, %mul3A_252 : i32
        %add3A_254 = arith.constant 2 : i32
        %add3A_255 = arith.addi %mul3A_253, %add3A_254 : i32
        %mul3A_256 = arith.constant 64 : i32
        %mul3A_257 = arith.muli %add3A_255, %mul3A_256 : i32
        %add3A_258 = arith.addi %mul3A_160, %mul3A_257 : i32
        %add3A_259 = arith.constant 32 : i32
        %add3A_260 = arith.addi %add3A_258, %add3A_259 : i32
        %add3A_261 = arith.constant 0 : i32
        %add3A_262 = arith.addi %mul3A_251, %add3A_261 : i32
        %get3A_263 = arith.index_cast %add3A_262 : i32 to index
        %get3A_264 = tpu.vector_load %arg12[%get3A_263] {strides = array<i32>} : memref<33280xf32, #tpu.memory_space<vmem>>, vector<16xf32>,
        %add3A_265 = arith.constant 0 : i32
        %add3A_266 = arith.addi %add3A_260, %add3A_265 : i32
        %get3A_267 = arith.index_cast %add3A_266 : i32 to index
        %get3A_268 = tpu.vector_load %arg11[%get3A_267] {strides = array<i32>} : memref<20480xf32, #tpu.memory_space<vmem>>, vector<16xf32>,
        %add3A_269 = arith.addf %get3A_264, %get3A_268 : vector<16xf32>
        %add3A_270 = arith.constant 0 : i32
        %add3A_271 = arith.addi %mul3A_251, %add3A_270 : i32
        %swap3A_272 = arith.index_cast %add3A_271 : i32 to index
        %swap3A_273 = tpu.vector_load %arg12[%swap3A_272] {strides = array<i32>} : memref<33280xf32, #tpu.memory_space<vmem>>, vector<16xf32>,
        tpu.vector_store %arg12[%swap3A_272], %add3A_269 {strides = array<i32>} : memref<33280xf32, #tpu.memory_space<vmem>>, vector<16xf32>,
        %add3A_274 = arith.constant 16 : i32
        %add3A_275 = arith.addi %mul3A_251, %add3A_274 : i32
        %get3A_276 = arith.index_cast %add3A_275 : i32 to index
        %get3A_277 = tpu.vector_load %arg12[%get3A_276] {strides = array<i32>} : memref<33280xf32, #tpu.memory_space<vmem>>, vector<16xf32>,
        %add3A_278 = arith.constant 16 : i32
        %add3A_279 = arith.addi %add3A_260, %add3A_278 : i32
        %get3A_280 = arith.index_cast %add3A_279 : i32 to index
        %get3A_281 = tpu.vector_load %arg11[%get3A_280] {strides = array<i32>} : memref<20480xf32, #tpu.memory_space<vmem>>, vector<16xf32>,
        %add3A_282 = arith.addf %get3A_277, %get3A_281 : vector<16xf32>
        %add3A_283 = arith.constant 16 : i32
        %add3A_284 = arith.addi %mul3A_251, %add3A_283 : i32
        %swap3A_285 = arith.index_cast %add3A_284 : i32 to index
        %swap3A_286 = tpu.vector_load %arg12[%swap3A_285] {strides = array<i32>} : memref<33280xf32, #tpu.memory_space<vmem>>, vector<16xf32>,
        tpu.vector_store %arg12[%swap3A_285], %add3A_282 {strides = array<i32>} : memref<33280xf32, #tpu.memory_space<vmem>>, vector<16xf32>,
        %slice3A_287 = vector.extract_strided_slice %get3A_172 {offsets = [3], sizes = [1], strides = [1]} : vector<16xi32> to vector<1xi32>
        %squeeze3A_288 = vector.extract %slice3A_287[0] : i32 from vector<1xi32>
        %mul3A_289 = arith.constant 32 : i32
        %mul3A_290 = arith.muli %squeeze3A_288, %mul3A_289 : i32
        %mul3A_291 = arith.constant 16 : i32
        %mul3A_292 = arith.muli %scan3A_166, %mul3A_291 : i32
        %add3A_293 = arith.constant 3 : i32
        %add3A_294 = arith.addi %mul3A_292, %add3A_293 : i32
        %mul3A_295 = arith.constant 64 : i32
        %mul3A_296 = arith.muli %add3A_294, %mul3A_295 : i32
        %add3A_297 = arith.addi %mul3A_160, %mul3A_296 : i32
        %add3A_298 = arith.constant 32 : i32
        %add3A_299 = arith.addi %add3A_297, %add3A_298 : i32
        %add3A_300 = arith.constant 0 : i32
        %add3A_301 = arith.addi %mul3A_290, %add3A_300 : i32
        %get3A_302 = arith.index_cast %add3A_301 : i32 to index
        %get3A_303 = tpu.vector_load %arg12[%get3A_302] {strides = array<i32>} : memref<33280xf32, #tpu.memory_space<vmem>>, vector<16xf32>,
        %add3A_304 = arith.constant 0 : i32
        %add3A_305 = arith.addi %add3A_299, %add3A_304 : i32
        %get3A_306 = arith.index_cast %add3A_305 : i32 to index
        %get3A_307 = tpu.vector_load %arg11[%get3A_306] {strides = array<i32>} : memref<20480xf32, #tpu.memory_space<vmem>>, vector<16xf32>,
        %add3A_308 = arith.addf %get3A_303, %get3A_307 : vector<16xf32>
        %add3A_309 = arith.constant 0 : i32
        %add3A_310 = arith.addi %mul3A_290, %add3A_309 : i32
        %swap3A_311 = arith.index_cast %add3A_310 : i32 to index
        %swap3A_312 = tpu.vector_load %arg12[%swap3A_311] {strides = array<i32>} : memref<33280xf32, #tpu.memory_space<vmem>>, vector<16xf32>,
        tpu.vector_store %arg12[%swap3A_311], %add3A_308 {strides = array<i32>} : memref<33280xf32, #tpu.memory_space<vmem>>, vector<16xf32>,
        %add3A_313 = arith.constant 16 : i32
        %add3A_314 = arith.addi %mul3A_290, %add3A_313 : i32
        %get3A_315 = arith.index_cast %add3A_314 : i32 to index
        %get3A_316 = tpu.vector_load %arg12[%get3A_315] {strides = array<i32>} : memref<33280xf32, #tpu.memory_space<vmem>>, vector<16xf32>,
        %add3A_317 = arith.constant 16 : i32
        %add3A_318 = arith.addi %add3A_299, %add3A_317 : i32
        %get3A_319 = arith.index_cast %add3A_318 : i32 to index
        %get3A_320 = tpu.vector_load %arg11[%get3A_319] {strides = array<i32>} : memref<20480xf32, #tpu.memory_space<vmem>>, vector<16xf32>,
        %add3A_321 = arith.addf %get3A_316, %get3A_320 : vector<16xf32>
        %add3A_322 = arith.constant 16 : i32
        %add3A_323 = arith.addi %mul3A_290, %add3A_322 : i32
        %swap3A_324 = arith.index_cast %add3A_323 : i32 to index
        %swap3A_325 = tpu.vector_load %arg12[%swap3A_324] {strides = array<i32>} : memref<33280xf32, #tpu.memory_space<vmem>>, vector<16xf32>,
        tpu.vector_store %arg12[%swap3A_324], %add3A_321 {strides = array<i32>} : memref<33280xf32, #tpu.memory_space<vmem>>, vector<16xf32>,
        %slice3A_326 = vector.extract_strided_slice %get3A_172 {offsets = [4], sizes = [1], strides = [1]} : vector<16xi32> to vector<1xi32>
        %squeeze3A_327 = vector.extract %slice3A_326[0] : i32 from vector<1xi32>
        %mul3A_328 = arith.constant 32 : i32
        %mul3A_329 = arith.muli %squeeze3A_327, %mul3A_328 : i32
        %mul3A_330 = arith.constant 16 : i32
        %mul3A_331 = arith.muli %scan3A_166, %mul3A_330 : i32
        %add3A_332 = arith.constant 4 : i32
        %add3A_333 = arith.addi %mul3A_331, %add3A_332 : i32
        %mul3A_334 = arith.constant 64 : i32
        %mul3A_335 = arith.muli %add3A_333, %mul3A_334 : i32
        %add3A_336 = arith.addi %mul3A_160, %mul3A_335 : i32
        %add3A_337 = arith.constant 32 : i32
        %add3A_338 = arith.addi %add3A_336, %add3A_337 : i32
        %add3A_339 = arith.constant 0 : i32
        %add3A_340 = arith.addi %mul3A_329, %add3A_339 : i32
        %get3A_341 = arith.index_cast %add3A_340 : i32 to index
        %get3A_342 = tpu.vector_load %arg12[%get3A_341] {strides = array<i32>} : memref<33280xf32, #tpu.memory_space<vmem>>, vector<16xf32>,
        %add3A_343 = arith.constant 0 : i32
        %add3A_344 = arith.addi %add3A_338, %add3A_343 : i32
        %get3A_345 = arith.index_cast %add3A_344 : i32 to index
        %get3A_346 = tpu.vector_load %arg11[%get3A_345] {strides = array<i32>} : memref<20480xf32, #tpu.memory_space<vmem>>, vector<16xf32>,
        %add3A_347 = arith.addf %get3A_342, %get3A_346 : vector<16xf32>
        %add3A_348 = arith.constant 0 : i32
        %add3A_349 = arith.addi %mul3A_329, %add3A_348 : i32
        %swap3A_350 = arith.index_cast %add3A_349 : i32 to index
        %swap3A_351 = tpu.vector_load %arg12[%swap3A_350] {strides = array<i32>} : memref<33280xf32, #tpu.memory_space<vmem>>, vector<16xf32>,
        tpu.vector_store %arg12[%swap3A_350], %add3A_347 {strides = array<i32>} : memref<33280xf32, #tpu.memory_space<vmem>>, vector<16xf32>,
        %add3A_352 = arith.constant 16 : i32
        %add3A_353 = arith.addi %mul3A_329, %add3A_352 : i32
        %get3A_354 = arith.index_cast %add3A_353 : i32 to index
        %get3A_355 = tpu.vector_load %arg12[%get3A_354] {strides = array<i32>} : memref<33280xf32, #tpu.memory_space<vmem>>, vector<16xf32>,
        %add3A_356 = arith.constant 16 : i32
        %add3A_357 = arith.addi %add3A_338, %add3A_356 : i32
        %get3A_358 = arith.index_cast %add3A_357 : i32 to index
        %get3A_359 = tpu.vector_load %arg11[%get3A_358] {strides = array<i32>} : memref<20480xf32, #tpu.memory_space<vmem>>, vector<16xf32>,
        %add3A_360 = arith.addf %get3A_355, %get3A_359 : vector<16xf32>
        %add3A_361 = arith.constant 16 : i32
        %add3A_362 = arith.addi %mul3A_329, %add3A_361 : i32
        %swap3A_363 = arith.index_cast %add3A_362 : i32 to index
        %swap3A_364 = tpu.vector_load %arg12[%swap3A_363] {strides = array<i32>} : memref<33280xf32, #tpu.memory_space<vmem>>, vector<16xf32>,
        tpu.vector_store %arg12[%swap3A_363], %add3A_360 {strides = array<i32>} : memref<33280xf32, #tpu.memory_space<vmem>>, vector<16xf32>,
        %slice3A_365 = vector.extract_strided_slice %get3A_172 {offsets = [5], sizes = [1], strides = [1]} : vector<16xi32> to vector<1xi32>
        %squeeze3A_366 = vector.extract %slice3A_365[0] : i32 from vector<1xi32>
        %mul3A_367 = arith.constant 32 : i32
        %mul3A_368 = arith.muli %squeeze3A_366, %mul3A_367 : i32
        %mul3A_369 = arith.constant 16 : i32
        %mul3A_370 = arith.muli %scan3A_166, %mul3A_369 : i32
        %add3A_371 = arith.constant 5 : i32
        %add3A_372 = arith.addi %mul3A_370, %add3A_371 : i32
        %mul3A_373 = arith.constant 64 : i32
        %mul3A_374 = arith.muli %add3A_372, %mul3A_373 : i32
        %add3A_375 = arith.addi %mul3A_160, %mul3A_374 : i32
        %add3A_376 = arith.constant 32 : i32
        %add3A_377 = arith.addi %add3A_375, %add3A_376 : i32
        %add3A_378 = arith.constant 0 : i32
        %add3A_379 = arith.addi %mul3A_368, %add3A_378 : i32
        %get3A_380 = arith.index_cast %add3A_379 : i32 to index
        %get3A_381 = tpu.vector_load %arg12[%get3A_380] {strides = array<i32>} : memref<33280xf32, #tpu.memory_space<vmem>>, vector<16xf32>,
        %add3A_382 = arith.constant 0 : i32
        %add3A_383 = arith.addi %add3A_377, %add3A_382 : i32
        %get3A_384 = arith.index_cast %add3A_383 : i32 to index
        %get3A_385 = tpu.vector_load %arg11[%get3A_384] {strides = array<i32>} : memref<20480xf32, #tpu.memory_space<vmem>>, vector<16xf32>,
        %add3A_386 = arith.addf %get3A_381, %get3A_385 : vector<16xf32>
        %add3A_387 = arith.constant 0 : i32
        %add3A_388 = arith.addi %mul3A_368, %add3A_387 : i32
        %swap3A_389 = arith.index_cast %add3A_388 : i32 to index
        %swap3A_390 = tpu.vector_load %arg12[%swap3A_389] {strides = array<i32>} : memref<33280xf32, #tpu.memory_space<vmem>>, vector<16xf32>,
        tpu.vector_store %arg12[%swap3A_389], %add3A_386 {strides = array<i32>} : memref<33280xf32, #tpu.memory_space<vmem>>, vector<16xf32>,
        %add3A_391 = arith.constant 16 : i32
        %add3A_392 = arith.addi %mul3A_368, %add3A_391 : i32
        %get3A_393 = arith.index_cast %add3A_392 : i32 to index
        %get3A_394 = tpu.vector_load %arg12[%get3A_393] {strides = array<i32>} : memref<33280xf32, #tpu.memory_space<vmem>>, vector<16xf32>,
        %add3A_395 = arith.constant 16 : i32
        %add3A_396 = arith.addi %add3A_377, %add3A_395 : i32
        %get3A_397 = arith.index_cast %add3A_396 : i32 to index
        %get3A_398 = tpu.vector_load %arg11[%get3A_397] {strides = array<i32>} : memref<20480xf32, #tpu.memory_space<vmem>>, vector<16xf32>,
        %add3A_399 = arith.addf %get3A_394, %get3A_398 : vector<16xf32>
        %add3A_400 = arith.constant 16 : i32
        %add3A_401 = arith.addi %mul3A_368, %add3A_400 : i32
        %swap3A_402 = arith.index_cast %add3A_401 : i32 to index
        %swap3A_403 = tpu.vector_load %arg12[%swap3A_402] {strides = array<i32>} : memref<33280xf32, #tpu.memory_space<vmem>>, vector<16xf32>,
        tpu.vector_store %arg12[%swap3A_402], %add3A_399 {strides = array<i32>} : memref<33280xf32, #tpu.memory_space<vmem>>, vector<16xf32>,
        %slice3A_404 = vector.extract_strided_slice %get3A_172 {offsets = [6], sizes = [1], strides = [1]} : vector<16xi32> to vector<1xi32>
        %squeeze3A_405 = vector.extract %slice3A_404[0] : i32 from vector<1xi32>
        %mul3A_406 = arith.constant 32 : i32
        %mul3A_407 = arith.muli %squeeze3A_405, %mul3A_406 : i32
        %mul3A_408 = arith.constant 16 : i32
        %mul3A_409 = arith.muli %scan3A_166, %mul3A_408 : i32
        %add3A_410 = arith.constant 6 : i32
        %add3A_411 = arith.addi %mul3A_409, %add3A_410 : i32
        %mul3A_412 = arith.constant 64 : i32
        %mul3A_413 = arith.muli %add3A_411, %mul3A_412 : i32
        %add3A_414 = arith.addi %mul3A_160, %mul3A_413 : i32
        %add3A_415 = arith.constant 32 : i32
        %add3A_416 = arith.addi %add3A_414, %add3A_415 : i32
        %add3A_417 = arith.constant 0 : i32
        %add3A_418 = arith.addi %mul3A_407, %add3A_417 : i32
        %get3A_419 = arith.index_cast %add3A_418 : i32 to index
        %get3A_420 = tpu.vector_load %arg12[%get3A_419] {strides = array<i32>} : memref<33280xf32, #tpu.memory_space<vmem>>, vector<16xf32>,
        %add3A_421 = arith.constant 0 : i32
        %add3A_422 = arith.addi %add3A_416, %add3A_421 : i32
        %get3A_423 = arith.index_cast %add3A_422 : i32 to index
        %get3A_424 = tpu.vector_load %arg11[%get3A_423] {strides = array<i32>} : memref<20480xf32, #tpu.memory_space<vmem>>, vector<16xf32>,
        %add3A_425 = arith.addf %get3A_420, %get3A_424 : vector<16xf32>
        %add3A_426 = arith.constant 0 : i32
        %add3A_427 = arith.addi %mul3A_407, %add3A_426 : i32
        %swap3A_428 = arith.index_cast %add3A_427 : i32 to index
        %swap3A_429 = tpu.vector_load %arg12[%swap3A_428] {strides = array<i32>} : memref<33280xf32, #tpu.memory_space<vmem>>, vector<16xf32>,
        tpu.vector_store %arg12[%swap3A_428], %add3A_425 {strides = array<i32>} : memref<33280xf32, #tpu.memory_space<vmem>>, vector<16xf32>,
        %add3A_430 = arith.constant 16 : i32
        %add3A_431 = arith.addi %mul3A_407, %add3A_430 : i32
        %get3A_432 = arith.index_cast %add3A_431 : i32 to index
        %get3A_433 = tpu.vector_load %arg12[%get3A_432] {strides = array<i32>} : memref<33280xf32, #tpu.memory_space<vmem>>, vector<16xf32>,
        %add3A_434 = arith.constant 16 : i32
        %add3A_435 = arith.addi %add3A_416, %add3A_434 : i32
        %get3A_436 = arith.index_cast %add3A_435 : i32 to index
        %get3A_437 = tpu.vector_load %arg11[%get3A_436] {strides = array<i32>} : memref<20480xf32, #tpu.memory_space<vmem>>, vector<16xf32>,
        %add3A_438 = arith.addf %get3A_433, %get3A_437 : vector<16xf32>
        %add3A_439 = arith.constant 16 : i32
        %add3A_440 = arith.addi %mul3A_407, %add3A_439 : i32
        %swap3A_441 = arith.index_cast %add3A_440 : i32 to index
        %swap3A_442 = tpu.vector_load %arg12[%swap3A_441] {strides = array<i32>} : memref<33280xf32, #tpu.memory_space<vmem>>, vector<16xf32>,
        tpu.vector_store %arg12[%swap3A_441], %add3A_438 {strides = array<i32>} : memref<33280xf32, #tpu.memory_space<vmem>>, vector<16xf32>,
        %slice3A_443 = vector.extract_strided_slice %get3A_172 {offsets = [7], sizes = [1], strides = [1]} : vector<16xi32> to vector<1xi32>
        %squeeze3A_444 = vector.extract %slice3A_443[0] : i32 from vector<1xi32>
        %mul3A_445 = arith.constant 32 : i32
        %mul3A_446 = arith.muli %squeeze3A_444, %mul3A_445 : i32
        %mul3A_447 = arith.constant 16 : i32
        %mul3A_448 = arith.muli %scan3A_166, %mul3A_447 : i32
        %add3A_449 = arith.constant 7 : i32
        %add3A_450 = arith.addi %mul3A_448, %add3A_449 : i32
        %mul3A_451 = arith.constant 64 : i32
        %mul3A_452 = arith.muli %add3A_450, %mul3A_451 : i32
        %add3A_453 = arith.addi %mul3A_160, %mul3A_452 : i32
        %add3A_454 = arith.constant 32 : i32
        %add3A_455 = arith.addi %add3A_453, %add3A_454 : i32
        %add3A_456 = arith.constant 0 : i32
        %add3A_457 = arith.addi %mul3A_446, %add3A_456 : i32
        %get3A_458 = arith.index_cast %add3A_457 : i32 to index
        %get3A_459 = tpu.vector_load %arg12[%get3A_458] {strides = array<i32>} : memref<33280xf32, #tpu.memory_space<vmem>>, vector<16xf32>,
        %add3A_460 = arith.constant 0 : i32
        %add3A_461 = arith.addi %add3A_455, %add3A_460 : i32
        %get3A_462 = arith.index_cast %add3A_461 : i32 to index
        %get3A_463 = tpu.vector_load %arg11[%get3A_462] {strides = array<i32>} : memref<20480xf32, #tpu.memory_space<vmem>>, vector<16xf32>,
        %add3A_464 = arith.addf %get3A_459, %get3A_463 : vector<16xf32>
        %add3A_465 = arith.constant 0 : i32
        %add3A_466 = arith.addi %mul3A_446, %add3A_465 : i32
        %swap3A_467 = arith.index_cast %add3A_466 : i32 to index
        %swap3A_468 = tpu.vector_load %arg12[%swap3A_467] {strides = array<i32>} : memref<33280xf32, #tpu.memory_space<vmem>>, vector<16xf32>,
        tpu.vector_store %arg12[%swap3A_467], %add3A_464 {strides = array<i32>} : memref<33280xf32, #tpu.memory_space<vmem>>, vector<16xf32>,
        %add3A_469 = arith.constant 16 : i32
        %add3A_470 = arith.addi %mul3A_446, %add3A_469 : i32
        %get3A_471 = arith.index_cast %add3A_470 : i32 to index
        %get3A_472 = tpu.vector_load %arg12[%get3A_471] {strides = array<i32>} : memref<33280xf32, #tpu.memory_space<vmem>>, vector<16xf32>,
        %add3A_473 = arith.constant 16 : i32
        %add3A_474 = arith.addi %add3A_455, %add3A_473 : i32
        %get3A_475 = arith.index_cast %add3A_474 : i32 to index
        %get3A_476 = tpu.vector_load %arg11[%get3A_475] {strides = array<i32>} : memref<20480xf32, #tpu.memory_space<vmem>>, vector<16xf32>,
        %add3A_477 = arith.addf %get3A_472, %get3A_476 : vector<16xf32>
        %add3A_478 = arith.constant 16 : i32
        %add3A_479 = arith.addi %mul3A_446, %add3A_478 : i32
        %swap3A_480 = arith.index_cast %add3A_479 : i32 to index
        %swap3A_481 = tpu.vector_load %arg12[%swap3A_480] {strides = array<i32>} : memref<33280xf32, #tpu.memory_space<vmem>>, vector<16xf32>,
        tpu.vector_store %arg12[%swap3A_480], %add3A_477 {strides = array<i32>} : memref<33280xf32, #tpu.memory_space<vmem>>, vector<16xf32>,
        %slice3A_482 = vector.extract_strided_slice %get3A_172 {offsets = [8], sizes = [1], strides = [1]} : vector<16xi32> to vector<1xi32>
        %squeeze3A_483 = vector.extract %slice3A_482[0] : i32 from vector<1xi32>
        %mul3A_484 = arith.constant 32 : i32
        %mul3A_485 = arith.muli %squeeze3A_483, %mul3A_484 : i32
        %mul3A_486 = arith.constant 16 : i32
        %mul3A_487 = arith.muli %scan3A_166, %mul3A_486 : i32
        %add3A_488 = arith.constant 8 : i32
        %add3A_489 = arith.addi %mul3A_487, %add3A_488 : i32
        %mul3A_490 = arith.constant 64 : i32
        %mul3A_491 = arith.muli %add3A_489, %mul3A_490 : i32
        %add3A_492 = arith.addi %mul3A_160, %mul3A_491 : i32
        %add3A_493 = arith.constant 32 : i32
        %add3A_494 = arith.addi %add3A_492, %add3A_493 : i32
        %add3A_495 = arith.constant 0 : i32
        %add3A_496 = arith.addi %mul3A_485, %add3A_495 : i32
        %get3A_497 = arith.index_cast %add3A_496 : i32 to index
        %get3A_498 = tpu.vector_load %arg12[%get3A_497] {strides = array<i32>} : memref<33280xf32, #tpu.memory_space<vmem>>, vector<16xf32>,
        %add3A_499 = arith.constant 0 : i32
        %add3A_500 = arith.addi %add3A_494, %add3A_499 : i32
        %get3A_501 = arith.index_cast %add3A_500 : i32 to index
        %get3A_502 = tpu.vector_load %arg11[%get3A_501] {strides = array<i32>} : memref<20480xf32, #tpu.memory_space<vmem>>, vector<16xf32>,
        %add3A_503 = arith.addf %get3A_498, %get3A_502 : vector<16xf32>
        %add3A_504 = arith.constant 0 : i32
        %add3A_505 = arith.addi %mul3A_485, %add3A_504 : i32
        %swap3A_506 = arith.index_cast %add3A_505 : i32 to index
        %swap3A_507 = tpu.vector_load %arg12[%swap3A_506] {strides = array<i32>} : memref<33280xf32, #tpu.memory_space<vmem>>, vector<16xf32>,
        tpu.vector_store %arg12[%swap3A_506], %add3A_503 {strides = array<i32>} : memref<33280xf32, #tpu.memory_space<vmem>>, vector<16xf32>,
        %add3A_508 = arith.constant 16 : i32
        %add3A_509 = arith.addi %mul3A_485, %add3A_508 : i32
        %get3A_510 = arith.index_cast %add3A_509 : i32 to index
        %get3A_511 = tpu.vector_load %arg12[%get3A_510] {strides = array<i32>} : memref<33280xf32, #tpu.memory_space<vmem>>, vector<16xf32>,
        %add3A_512 = arith.constant 16 : i32
        %add3A_513 = arith.addi %add3A_494, %add3A_512 : i32
        %get3A_514 = arith.index_cast %add3A_513 : i32 to index
        %get3A_515 = tpu.vector_load %arg11[%get3A_514] {strides = array<i32>} : memref<20480xf32, #tpu.memory_space<vmem>>, vector<16xf32>,
        %add3A_516 = arith.addf %get3A_511, %get3A_515 : vector<16xf32>
        %add3A_517 = arith.constant 16 : i32
        %add3A_518 = arith.addi %mul3A_485, %add3A_517 : i32
        %swap3A_519 = arith.index_cast %add3A_518 : i32 to index
        %swap3A_520 = tpu.vector_load %arg12[%swap3A_519] {strides = array<i32>} : memref<33280xf32, #tpu.memory_space<vmem>>, vector<16xf32>,
        tpu.vector_store %arg12[%swap3A_519], %add3A_516 {strides = array<i32>} : memref<33280xf32, #tpu.memory_space<vmem>>, vector<16xf32>,
        %slice3A_521 = vector.extract_strided_slice %get3A_172 {offsets = [9], sizes = [1], strides = [1]} : vector<16xi32> to vector<1xi32>
        %squeeze3A_522 = vector.extract %slice3A_521[0] : i32 from vector<1xi32>
        %mul3A_523 = arith.constant 32 : i32
        %mul3A_524 = arith.muli %squeeze3A_522, %mul3A_523 : i32
        %mul3A_525 = arith.constant 16 : i32
        %mul3A_526 = arith.muli %scan3A_166, %mul3A_525 : i32
        %add3A_527 = arith.constant 9 : i32
        %add3A_528 = arith.addi %mul3A_526, %add3A_527 : i32
        %mul3A_529 = arith.constant 64 : i32
        %mul3A_530 = arith.muli %add3A_528, %mul3A_529 : i32
        %add3A_531 = arith.addi %mul3A_160, %mul3A_530 : i32
        %add3A_532 = arith.constant 32 : i32
        %add3A_533 = arith.addi %add3A_531, %add3A_532 : i32
        %add3A_534 = arith.constant 0 : i32
        %add3A_535 = arith.addi %mul3A_524, %add3A_534 : i32
        %get3A_536 = arith.index_cast %add3A_535 : i32 to index
        %get3A_537 = tpu.vector_load %arg12[%get3A_536] {strides = array<i32>} : memref<33280xf32, #tpu.memory_space<vmem>>, vector<16xf32>,
        %add3A_538 = arith.constant 0 : i32
        %add3A_539 = arith.addi %add3A_533, %add3A_538 : i32
        %get3A_540 = arith.index_cast %add3A_539 : i32 to index
        %get3A_541 = tpu.vector_load %arg11[%get3A_540] {strides = array<i32>} : memref<20480xf32, #tpu.memory_space<vmem>>, vector<16xf32>,
        %add3A_542 = arith.addf %get3A_537, %get3A_541 : vector<16xf32>
        %add3A_543 = arith.constant 0 : i32
        %add3A_544 = arith.addi %mul3A_524, %add3A_543 : i32
        %swap3A_545 = arith.index_cast %add3A_544 : i32 to index
        %swap3A_546 = tpu.vector_load %arg12[%swap3A_545] {strides = array<i32>} : memref<33280xf32, #tpu.memory_space<vmem>>, vector<16xf32>,
        tpu.vector_store %arg12[%swap3A_545], %add3A_542 {strides = array<i32>} : memref<33280xf32, #tpu.memory_space<vmem>>, vector<16xf32>,
        %add3A_547 = arith.constant 16 : i32
        %add3A_548 = arith.addi %mul3A_524, %add3A_547 : i32
        %get3A_549 = arith.index_cast %add3A_548 : i32 to index
        %get3A_550 = tpu.vector_load %arg12[%get3A_549] {strides = array<i32>} : memref<33280xf32, #tpu.memory_space<vmem>>, vector<16xf32>,
        %add3A_551 = arith.constant 16 : i32
        %add3A_552 = arith.addi %add3A_533, %add3A_551 : i32
        %get3A_553 = arith.index_cast %add3A_552 : i32 to index
        %get3A_554 = tpu.vector_load %arg11[%get3A_553] {strides = array<i32>} : memref<20480xf32, #tpu.memory_space<vmem>>, vector<16xf32>,
        %add3A_555 = arith.addf %get3A_550, %get3A_554 : vector<16xf32>
        %add3A_556 = arith.constant 16 : i32
        %add3A_557 = arith.addi %mul3A_524, %add3A_556 : i32
        %swap3A_558 = arith.index_cast %add3A_557 : i32 to index
        %swap3A_559 = tpu.vector_load %arg12[%swap3A_558] {strides = array<i32>} : memref<33280xf32, #tpu.memory_space<vmem>>, vector<16xf32>,
        tpu.vector_store %arg12[%swap3A_558], %add3A_555 {strides = array<i32>} : memref<33280xf32, #tpu.memory_space<vmem>>, vector<16xf32>,
        %slice3A_560 = vector.extract_strided_slice %get3A_172 {offsets = [10], sizes = [1], strides = [1]} : vector<16xi32> to vector<1xi32>
        %squeeze3A_561 = vector.extract %slice3A_560[0] : i32 from vector<1xi32>
        %mul3A_562 = arith.constant 32 : i32
        %mul3A_563 = arith.muli %squeeze3A_561, %mul3A_562 : i32
        %mul3A_564 = arith.constant 16 : i32
        %mul3A_565 = arith.muli %scan3A_166, %mul3A_564 : i32
        %add3A_566 = arith.constant 10 : i32
        %add3A_567 = arith.addi %mul3A_565, %add3A_566 : i32
        %mul3A_568 = arith.constant 64 : i32
        %mul3A_569 = arith.muli %add3A_567, %mul3A_568 : i32
        %add3A_570 = arith.addi %mul3A_160, %mul3A_569 : i32
        %add3A_571 = arith.constant 32 : i32
        %add3A_572 = arith.addi %add3A_570, %add3A_571 : i32
        %add3A_573 = arith.constant 0 : i32
        %add3A_574 = arith.addi %mul3A_563, %add3A_573 : i32
        %get3A_575 = arith.index_cast %add3A_574 : i32 to index
        %get3A_576 = tpu.vector_load %arg12[%get3A_575] {strides = array<i32>} : memref<33280xf32, #tpu.memory_space<vmem>>, vector<16xf32>,
        %add3A_577 = arith.constant 0 : i32
        %add3A_578 = arith.addi %add3A_572, %add3A_577 : i32
        %get3A_579 = arith.index_cast %add3A_578 : i32 to index
        %get3A_580 = tpu.vector_load %arg11[%get3A_579] {strides = array<i32>} : memref<20480xf32, #tpu.memory_space<vmem>>, vector<16xf32>,
        %add3A_581 = arith.addf %get3A_576, %get3A_580 : vector<16xf32>
        %add3A_582 = arith.constant 0 : i32
        %add3A_583 = arith.addi %mul3A_563, %add3A_582 : i32
        %swap3A_584 = arith.index_cast %add3A_583 : i32 to index
        %swap3A_585 = tpu.vector_load %arg12[%swap3A_584] {strides = array<i32>} : memref<33280xf32, #tpu.memory_space<vmem>>, vector<16xf32>,
        tpu.vector_store %arg12[%swap3A_584], %add3A_581 {strides = array<i32>} : memref<33280xf32, #tpu.memory_space<vmem>>, vector<16xf32>,
        %add3A_586 = arith.constant 16 : i32
        %add3A_587 = arith.addi %mul3A_563, %add3A_586 : i32
        %get3A_588 = arith.index_cast %add3A_587 : i32 to index
        %get3A_589 = tpu.vector_load %arg12[%get3A_588] {strides = array<i32>} : memref<33280xf32, #tpu.memory_space<vmem>>, vector<16xf32>,
        %add3A_590 = arith.constant 16 : i32
        %add3A_591 = arith.addi %add3A_572, %add3A_590 : i32
        %get3A_592 = arith.index_cast %add3A_591 : i32 to index
        %get3A_593 = tpu.vector_load %arg11[%get3A_592] {strides = array<i32>} : memref<20480xf32, #tpu.memory_space<vmem>>, vector<16xf32>,
        %add3A_594 = arith.addf %get3A_589, %get3A_593 : vector<16xf32>
        %add3A_595 = arith.constant 16 : i32
        %add3A_596 = arith.addi %mul3A_563, %add3A_595 : i32
        %swap3A_597 = arith.index_cast %add3A_596 : i32 to index
        %swap3A_598 = tpu.vector_load %arg12[%swap3A_597] {strides = array<i32>} : memref<33280xf32, #tpu.memory_space<vmem>>, vector<16xf32>,
        tpu.vector_store %arg12[%swap3A_597], %add3A_594 {strides = array<i32>} : memref<33280xf32, #tpu.memory_space<vmem>>, vector<16xf32>,
        %slice3A_599 = vector.extract_strided_slice %get3A_172 {offsets = [11], sizes = [1], strides = [1]} : vector<16xi32> to vector<1xi32>
        %squeeze3A_600 = vector.extract %slice3A_599[0] : i32 from vector<1xi32>
        %mul3A_601 = arith.constant 32 : i32
        %mul3A_602 = arith.muli %squeeze3A_600, %mul3A_601 : i32
        %mul3A_603 = arith.constant 16 : i32
        %mul3A_604 = arith.muli %scan3A_166, %mul3A_603 : i32
        %add3A_605 = arith.constant 11 : i32
        %add3A_606 = arith.addi %mul3A_604, %add3A_605 : i32
        %mul3A_607 = arith.constant 64 : i32
        %mul3A_608 = arith.muli %add3A_606, %mul3A_607 : i32
        %add3A_609 = arith.addi %mul3A_160, %mul3A_608 : i32
        %add3A_610 = arith.constant 32 : i32
        %add3A_611 = arith.addi %add3A_609, %add3A_610 : i32
        %add3A_612 = arith.constant 0 : i32
        %add3A_613 = arith.addi %mul3A_602, %add3A_612 : i32
        %get3A_614 = arith.index_cast %add3A_613 : i32 to index
        %get3A_615 = tpu.vector_load %arg12[%get3A_614] {strides = array<i32>} : memref<33280xf32, #tpu.memory_space<vmem>>, vector<16xf32>,
        %add3A_616 = arith.constant 0 : i32
        %add3A_617 = arith.addi %add3A_611, %add3A_616 : i32
        %get3A_618 = arith.index_cast %add3A_617 : i32 to index
        %get3A_619 = tpu.vector_load %arg11[%get3A_618] {strides = array<i32>} : memref<20480xf32, #tpu.memory_space<vmem>>, vector<16xf32>,
        %add3A_620 = arith.addf %get3A_615, %get3A_619 : vector<16xf32>
        %add3A_621 = arith.constant 0 : i32
        %add3A_622 = arith.addi %mul3A_602, %add3A_621 : i32
        %swap3A_623 = arith.index_cast %add3A_622 : i32 to index
        %swap3A_624 = tpu.vector_load %arg12[%swap3A_623] {strides = array<i32>} : memref<33280xf32, #tpu.memory_space<vmem>>, vector<16xf32>,
        tpu.vector_store %arg12[%swap3A_623], %add3A_620 {strides = array<i32>} : memref<33280xf32, #tpu.memory_space<vmem>>, vector<16xf32>,
        %add3A_625 = arith.constant 16 : i32
        %add3A_626 = arith.addi %mul3A_602, %add3A_625 : i32
        %get3A_627 = arith.index_cast %add3A_626 : i32 to index
        %get3A_628 = tpu.vector_load %arg12[%get3A_627] {strides = array<i32>} : memref<33280xf32, #tpu.memory_space<vmem>>, vector<16xf32>,
        %add3A_629 = arith.constant 16 : i32
        %add3A_630 = arith.addi %add3A_611, %add3A_629 : i32
        %get3A_631 = arith.index_cast %add3A_630 : i32 to index
        %get3A_632 = tpu.vector_load %arg11[%get3A_631] {strides = array<i32>} : memref<20480xf32, #tpu.memory_space<vmem>>, vector<16xf32>,
        %add3A_633 = arith.addf %get3A_628, %get3A_632 : vector<16xf32>
        %add3A_634 = arith.constant 16 : i32
        %add3A_635 = arith.addi %mul3A_602, %add3A_634 : i32
        %swap3A_636 = arith.index_cast %add3A_635 : i32 to index
        %swap3A_637 = tpu.vector_load %arg12[%swap3A_636] {strides = array<i32>} : memref<33280xf32, #tpu.memory_space<vmem>>, vector<16xf32>,
        tpu.vector_store %arg12[%swap3A_636], %add3A_633 {strides = array<i32>} : memref<33280xf32, #tpu.memory_space<vmem>>, vector<16xf32>,
        %slice3A_638 = vector.extract_strided_slice %get3A_172 {offsets = [12], sizes = [1], strides = [1]} : vector<16xi32> to vector<1xi32>
        %squeeze3A_639 = vector.extract %slice3A_638[0] : i32 from vector<1xi32>
        %mul3A_640 = arith.constant 32 : i32
        %mul3A_641 = arith.muli %squeeze3A_639, %mul3A_640 : i32
        %mul3A_642 = arith.constant 16 : i32
        %mul3A_643 = arith.muli %scan3A_166, %mul3A_642 : i32
        %add3A_644 = arith.constant 12 : i32
        %add3A_645 = arith.addi %mul3A_643, %add3A_644 : i32
        %mul3A_646 = arith.constant 64 : i32
        %mul3A_647 = arith.muli %add3A_645, %mul3A_646 : i32
        %add3A_648 = arith.addi %mul3A_160, %mul3A_647 : i32
        %add3A_649 = arith.constant 32 : i32
        %add3A_650 = arith.addi %add3A_648, %add3A_649 : i32
        %add3A_651 = arith.constant 0 : i32
        %add3A_652 = arith.addi %mul3A_641, %add3A_651 : i32
        %get3A_653 = arith.index_cast %add3A_652 : i32 to index
        %get3A_654 = tpu.vector_load %arg12[%get3A_653] {strides = array<i32>} : memref<33280xf32, #tpu.memory_space<vmem>>, vector<16xf32>,
        %add3A_655 = arith.constant 0 : i32
        %add3A_656 = arith.addi %add3A_650, %add3A_655 : i32
        %get3A_657 = arith.index_cast %add3A_656 : i32 to index
        %get3A_658 = tpu.vector_load %arg11[%get3A_657] {strides = array<i32>} : memref<20480xf32, #tpu.memory_space<vmem>>, vector<16xf32>,
        %add3A_659 = arith.addf %get3A_654, %get3A_658 : vector<16xf32>
        %add3A_660 = arith.constant 0 : i32
        %add3A_661 = arith.addi %mul3A_641, %add3A_660 : i32
        %swap3A_662 = arith.index_cast %add3A_661 : i32 to index
        %swap3A_663 = tpu.vector_load %arg12[%swap3A_662] {strides = array<i32>} : memref<33280xf32, #tpu.memory_space<vmem>>, vector<16xf32>,
        tpu.vector_store %arg12[%swap3A_662], %add3A_659 {strides = array<i32>} : memref<33280xf32, #tpu.memory_space<vmem>>, vector<16xf32>,
        %add3A_664 = arith.constant 16 : i32
        %add3A_665 = arith.addi %mul3A_641, %add3A_664 : i32
        %get3A_666 = arith.index_cast %add3A_665 : i32 to index
        %get3A_667 = tpu.vector_load %arg12[%get3A_666] {strides = array<i32>} : memref<33280xf32, #tpu.memory_space<vmem>>, vector<16xf32>,
        %add3A_668 = arith.constant 16 : i32
        %add3A_669 = arith.addi %add3A_650, %add3A_668 : i32
        %get3A_670 = arith.index_cast %add3A_669 : i32 to index
        %get3A_671 = tpu.vector_load %arg11[%get3A_670] {strides = array<i32>} : memref<20480xf32, #tpu.memory_space<vmem>>, vector<16xf32>,
        %add3A_672 = arith.addf %get3A_667, %get3A_671 : vector<16xf32>
        %add3A_673 = arith.constant 16 : i32
        %add3A_674 = arith.addi %mul3A_641, %add3A_673 : i32
        %swap3A_675 = arith.index_cast %add3A_674 : i32 to index
        %swap3A_676 = tpu.vector_load %arg12[%swap3A_675] {strides = array<i32>} : memref<33280xf32, #tpu.memory_space<vmem>>, vector<16xf32>,
        tpu.vector_store %arg12[%swap3A_675], %add3A_672 {strides = array<i32>} : memref<33280xf32, #tpu.memory_space<vmem>>, vector<16xf32>,
        %slice3A_677 = vector.extract_strided_slice %get3A_172 {offsets = [13], sizes = [1], strides = [1]} : vector<16xi32> to vector<1xi32>
        %squeeze3A_678 = vector.extract %slice3A_677[0] : i32 from vector<1xi32>
        %mul3A_679 = arith.constant 32 : i32
        %mul3A_680 = arith.muli %squeeze3A_678, %mul3A_679 : i32
        %mul3A_681 = arith.constant 16 : i32
        %mul3A_682 = arith.muli %scan3A_166, %mul3A_681 : i32
        %add3A_683 = arith.constant 13 : i32
        %add3A_684 = arith.addi %mul3A_682, %add3A_683 : i32
        %mul3A_685 = arith.constant 64 : i32
        %mul3A_686 = arith.muli %add3A_684, %mul3A_685 : i32
        %add3A_687 = arith.addi %mul3A_160, %mul3A_686 : i32
        %add3A_688 = arith.constant 32 : i32
        %add3A_689 = arith.addi %add3A_687, %add3A_688 : i32
        %add3A_690 = arith.constant 0 : i32
        %add3A_691 = arith.addi %mul3A_680, %add3A_690 : i32
        %get3A_692 = arith.index_cast %add3A_691 : i32 to index
        %get3A_693 = tpu.vector_load %arg12[%get3A_692] {strides = array<i32>} : memref<33280xf32, #tpu.memory_space<vmem>>, vector<16xf32>,
        %add3A_694 = arith.constant 0 : i32
        %add3A_695 = arith.addi %add3A_689, %add3A_694 : i32
        %get3A_696 = arith.index_cast %add3A_695 : i32 to index
        %get3A_697 = tpu.vector_load %arg11[%get3A_696] {strides = array<i32>} : memref<20480xf32, #tpu.memory_space<vmem>>, vector<16xf32>,
        %add3A_698 = arith.addf %get3A_693, %get3A_697 : vector<16xf32>
        %add3A_699 = arith.constant 0 : i32
        %add3A_700 = arith.addi %mul3A_680, %add3A_699 : i32
        %swap3A_701 = arith.index_cast %add3A_700 : i32 to index
        %swap3A_702 = tpu.vector_load %arg12[%swap3A_701] {strides = array<i32>} : memref<33280xf32, #tpu.memory_space<vmem>>, vector<16xf32>,
        tpu.vector_store %arg12[%swap3A_701], %add3A_698 {strides = array<i32>} : memref<33280xf32, #tpu.memory_space<vmem>>, vector<16xf32>,
        %add3A_703 = arith.constant 16 : i32
        %add3A_704 = arith.addi %mul3A_680, %add3A_703 : i32
        %get3A_705 = arith.index_cast %add3A_704 : i32 to index
        %get3A_706 = tpu.vector_load %arg12[%get3A_705] {strides = array<i32>} : memref<33280xf32, #tpu.memory_space<vmem>>, vector<16xf32>,
        %add3A_707 = arith.constant 16 : i32
        %add3A_708 = arith.addi %add3A_689, %add3A_707 : i32
        %get3A_709 = arith.index_cast %add3A_708 : i32 to index
        %get3A_710 = tpu.vector_load %arg11[%get3A_709] {strides = array<i32>} : memref<20480xf32, #tpu.memory_space<vmem>>, vector<16xf32>,
        %add3A_711 = arith.addf %get3A_706, %get3A_710 : vector<16xf32>
        %add3A_712 = arith.constant 16 : i32
        %add3A_713 = arith.addi %mul3A_680, %add3A_712 : i32
        %swap3A_714 = arith.index_cast %add3A_713 : i32 to index
        %swap3A_715 = tpu.vector_load %arg12[%swap3A_714] {strides = array<i32>} : memref<33280xf32, #tpu.memory_space<vmem>>, vector<16xf32>,
        tpu.vector_store %arg12[%swap3A_714], %add3A_711 {strides = array<i32>} : memref<33280xf32, #tpu.memory_space<vmem>>, vector<16xf32>,
        %slice3A_716 = vector.extract_strided_slice %get3A_172 {offsets = [14], sizes = [1], strides = [1]} : vector<16xi32> to vector<1xi32>
        %squeeze3A_717 = vector.extract %slice3A_716[0] : i32 from vector<1xi32>
        %mul3A_718 = arith.constant 32 : i32
        %mul3A_719 = arith.muli %squeeze3A_717, %mul3A_718 : i32
        %mul3A_720 = arith.constant 16 : i32
        %mul3A_721 = arith.muli %scan3A_166, %mul3A_720 : i32
        %add3A_722 = arith.constant 14 : i32
        %add3A_723 = arith.addi %mul3A_721, %add3A_722 : i32
        %mul3A_724 = arith.constant 64 : i32
        %mul3A_725 = arith.muli %add3A_723, %mul3A_724 : i32
        %add3A_726 = arith.addi %mul3A_160, %mul3A_725 : i32
        %add3A_727 = arith.constant 32 : i32
        %add3A_728 = arith.addi %add3A_726, %add3A_727 : i32
        %add3A_729 = arith.constant 0 : i32
        %add3A_730 = arith.addi %mul3A_719, %add3A_729 : i32
        %get3A_731 = arith.index_cast %add3A_730 : i32 to index
        %get3A_732 = tpu.vector_load %arg12[%get3A_731] {strides = array<i32>} : memref<33280xf32, #tpu.memory_space<vmem>>, vector<16xf32>,
        %add3A_733 = arith.constant 0 : i32
        %add3A_734 = arith.addi %add3A_728, %add3A_733 : i32
        %get3A_735 = arith.index_cast %add3A_734 : i32 to index
        %get3A_736 = tpu.vector_load %arg11[%get3A_735] {strides = array<i32>} : memref<20480xf32, #tpu.memory_space<vmem>>, vector<16xf32>,
        %add3A_737 = arith.addf %get3A_732, %get3A_736 : vector<16xf32>
        %add3A_738 = arith.constant 0 : i32
        %add3A_739 = arith.addi %mul3A_719, %add3A_738 : i32
        %swap3A_740 = arith.index_cast %add3A_739 : i32 to index
        %swap3A_741 = tpu.vector_load %arg12[%swap3A_740] {strides = array<i32>} : memref<33280xf32, #tpu.memory_space<vmem>>, vector<16xf32>,
        tpu.vector_store %arg12[%swap3A_740], %add3A_737 {strides = array<i32>} : memref<33280xf32, #tpu.memory_space<vmem>>, vector<16xf32>,
        %add3A_742 = arith.constant 16 : i32
        %add3A_743 = arith.addi %mul3A_719, %add3A_742 : i32
        %get3A_744 = arith.index_cast %add3A_743 : i32 to index
        %get3A_745 = tpu.vector_load %arg12[%get3A_744] {strides = array<i32>} : memref<33280xf32, #tpu.memory_space<vmem>>, vector<16xf32>,
        %add3A_746 = arith.constant 16 : i32
        %add3A_747 = arith.addi %add3A_728, %add3A_746 : i32
        %get3A_748 = arith.index_cast %add3A_747 : i32 to index
        %get3A_749 = tpu.vector_load %arg11[%get3A_748] {strides = array<i32>} : memref<20480xf32, #tpu.memory_space<vmem>>, vector<16xf32>,
        %add3A_750 = arith.addf %get3A_745, %get3A_749 : vector<16xf32>
        %add3A_751 = arith.constant 16 : i32
        %add3A_752 = arith.addi %mul3A_719, %add3A_751 : i32
        %swap3A_753 = arith.index_cast %add3A_752 : i32 to index
        %swap3A_754 = tpu.vector_load %arg12[%swap3A_753] {strides = array<i32>} : memref<33280xf32, #tpu.memory_space<vmem>>, vector<16xf32>,
        tpu.vector_store %arg12[%swap3A_753], %add3A_750 {strides = array<i32>} : memref<33280xf32, #tpu.memory_space<vmem>>, vector<16xf32>,
        %slice3A_755 = vector.extract_strided_slice %get3A_172 {offsets = [15], sizes = [1], strides = [1]} : vector<16xi32> to vector<1xi32>
        %squeeze3A_756 = vector.extract %slice3A_755[0] : i32 from vector<1xi32>
        %mul3A_757 = arith.constant 32 : i32
        %mul3A_758 = arith.muli %squeeze3A_756, %mul3A_757 : i32
        %mul3A_759 = arith.constant 16 : i32
        %mul3A_760 = arith.muli %scan3A_166, %mul3A_759 : i32
        %add3A_761 = arith.constant 15 : i32
        %add3A_762 = arith.addi %mul3A_760, %add3A_761 : i32
        %mul3A_763 = arith.constant 64 : i32
        %mul3A_764 = arith.muli %add3A_762, %mul3A_763 : i32
        %add3A_765 = arith.addi %mul3A_160, %mul3A_764 : i32
        %add3A_766 = arith.constant 32 : i32
        %add3A_767 = arith.addi %add3A_765, %add3A_766 : i32
        %add3A_768 = arith.constant 0 : i32
        %add3A_769 = arith.addi %mul3A_758, %add3A_768 : i32
        %get3A_770 = arith.index_cast %add3A_769 : i32 to index
        %get3A_771 = tpu.vector_load %arg12[%get3A_770] {strides = array<i32>} : memref<33280xf32, #tpu.memory_space<vmem>>, vector<16xf32>,
        %add3A_772 = arith.constant 0 : i32
        %add3A_773 = arith.addi %add3A_767, %add3A_772 : i32
        %get3A_774 = arith.index_cast %add3A_773 : i32 to index
        %get3A_775 = tpu.vector_load %arg11[%get3A_774] {strides = array<i32>} : memref<20480xf32, #tpu.memory_space<vmem>>, vector<16xf32>,
        %add3A_776 = arith.addf %get3A_771, %get3A_775 : vector<16xf32>
        %add3A_777 = arith.constant 0 : i32
        %add3A_778 = arith.addi %mul3A_758, %add3A_777 : i32
        %swap3A_779 = arith.index_cast %add3A_778 : i32 to index
        %swap3A_780 = tpu.vector_load %arg12[%swap3A_779] {strides = array<i32>} : memref<33280xf32, #tpu.memory_space<vmem>>, vector<16xf32>,
        tpu.vector_store %arg12[%swap3A_779], %add3A_776 {strides = array<i32>} : memref<33280xf32, #tpu.memory_space<vmem>>, vector<16xf32>,
        %add3A_781 = arith.constant 16 : i32
        %add3A_782 = arith.addi %mul3A_758, %add3A_781 : i32
        %get3A_783 = arith.index_cast %add3A_782 : i32 to index
        %get3A_784 = tpu.vector_load %arg12[%get3A_783] {strides = array<i32>} : memref<33280xf32, #tpu.memory_space<vmem>>, vector<16xf32>,
        %add3A_785 = arith.constant 16 : i32
        %add3A_786 = arith.addi %add3A_767, %add3A_785 : i32
        %get3A_787 = arith.index_cast %add3A_786 : i32 to index
        %get3A_788 = tpu.vector_load %arg11[%get3A_787] {strides = array<i32>} : memref<20480xf32, #tpu.memory_space<vmem>>, vector<16xf32>,
        %add3A_789 = arith.addf %get3A_784, %get3A_788 : vector<16xf32>
        %add3A_790 = arith.constant 16 : i32
        %add3A_791 = arith.addi %mul3A_758, %add3A_790 : i32
        %swap3A_792 = arith.index_cast %add3A_791 : i32 to index
        %swap3A_793 = tpu.vector_load %arg12[%swap3A_792] {strides = array<i32>} : memref<33280xf32, #tpu.memory_space<vmem>>, vector<16xf32>,
        tpu.vector_store %arg12[%swap3A_792], %add3A_789 {strides = array<i32>} : memref<33280xf32, #tpu.memory_space<vmem>>, vector<16xf32>,
      }
      %scan3A_165 = arith.constant 10 : i32
    }
    %eq3A_116 = arith.constant 15 : i32
    %eq3A_117 = arith.cmpi eq, %arg1, %eq3A_116 : i32
    %convert_element_type3A_118 = arith.extui %eq3A_117 : i1 to i32
    %cond3A_119 = arith.constant 0 : i32
    %cond3A_120 = arith.cmpi ne, %convert_element_type3A_118, %cond3A_119 : i32
    scf.if %cond3A_120 {
      "tpu.region"() ({
        %run_scoped3A = tpu.sem_alloc : memref<!tpu.dma_semaphore, #tpu.memory_space<semaphore_mem>>
        %dma_start3A = arith.constant 32640 : i32
        %dma_start3A_138 = tpu.memref_slice %arg12[%dma_start3A] : memref<33280xf32, #tpu.memory_space<vmem>> -> memref<128xf32, #tpu.memory_space<vmem>>
        %dma_start3A_139 = arith.constant 32640 : i32
        %dma_start3A_140 = tpu.memref_slice %arg12[%dma_start3A_139] : memref<33280xf32, #tpu.memory_space<vmem>> -> memref<128xf32, #tpu.memory_space<vmem>>
        tpu.enqueue_dma source(%dma_start3A_140 : memref<128xf32, #tpu.memory_space<vmem>>) target(%arg14 : memref<128xf32, #tpu.memory_space<vmem_shared>>) target_semaphore(%run_scoped3A : memref<!tpu.dma_semaphore, #tpu.memory_space<semaphore_mem>>)
        %dma_wait3A = arith.constant 32640 : i32
        %dma_wait3A_141 = tpu.memref_slice %arg12[%dma_wait3A] : memref<33280xf32, #tpu.memory_space<vmem>> -> memref<128xf32, #tpu.memory_space<vmem>>
        %dma_wait3A_142 = arith.constant 32640 : i32
        %dma_wait3A_143 = tpu.memref_slice %arg12[%dma_wait3A_142] : memref<33280xf32, #tpu.memory_space<vmem>> -> memref<128xf32, #tpu.memory_space<vmem>>
        tpu.wait_dma2 semaphore(%run_scoped3A : memref<!tpu.dma_semaphore, #tpu.memory_space<semaphore_mem>>) src(%dma_wait3A_143 : memref<128xf32, #tpu.memory_space<vmem>>) dst(%arg14 : memref<128xf32, #tpu.memory_space<vmem_shared>>)
        tpu.yield
      }) : () -> ()
    } else {
    }
    %barrier3A_121 = arith.constant 0 : index
    tpu.barrier barrier_id(%barrier3A_121)
    %eq3A_122 = arith.constant 14 : i32
    %eq3A_123 = arith.cmpi eq, %arg1, %eq3A_122 : i32
    %convert_element_type3A_124 = arith.extui %eq3A_123 : i1 to i32
    %cond3A_125 = arith.constant 0 : i32
    %cond3A_126 = arith.cmpi ne, %convert_element_type3A_124, %cond3A_125 : i32
    scf.if %cond3A_126 {
      "tpu.region"() ({
        %run_scoped3A = tpu.sem_alloc : memref<!tpu.dma_semaphore, #tpu.memory_space<semaphore_mem>>
        tpu.enqueue_dma source(%arg14 : memref<128xf32, #tpu.memory_space<vmem_shared>>) target(%arg13 : memref<128xf32, #tpu.memory_space<vmem>>) target_semaphore(%run_scoped3A : memref<!tpu.dma_semaphore, #tpu.memory_space<semaphore_mem>>)
        tpu.wait_dma2 semaphore(%run_scoped3A : memref<!tpu.dma_semaphore, #tpu.memory_space<semaphore_mem>>) src(%arg14 : memref<128xf32, #tpu.memory_space<vmem_shared>>) dst(%arg13 : memref<128xf32, #tpu.memory_space<vmem>>)
        tpu.yield
      }) : () -> ()
      %scan3A_138 = arith.constant 0 : i32
      %scan3A_139 = arith.constant 0 : i32
      %scan3A_140 = arith.constant 8 : i32
      %scan3A_141 = arith.addi %scan3A_139, %scan3A_140 : i32
      %scan3A_142 = arith.constant 1 : i32
      scf.for %scan3A_144 = %scan3A_139 to %scan3A_141 step %scan3A_142  : i32 {
        %mul3A_145 = arith.constant 16 : i32
        %mul3A_146 = arith.muli %scan3A_144, %mul3A_145 : i32
        %add3A_147 = arith.constant 32640 : i32
        %add3A_148 = arith.addi %add3A_147, %mul3A_146 : i32
        %get3A = arith.index_cast %add3A_148 : i32 to index
        %get3A_149 = tpu.vector_load %arg12[%get3A] {strides = array<i32>} : memref<33280xf32, #tpu.memory_space<vmem>>, vector<16xf32>,
        %mul3A_150 = arith.constant 16 : i32
        %mul3A_151 = arith.muli %scan3A_144, %mul3A_150 : i32
        %get3A_152 = arith.index_cast %mul3A_151 : i32 to index
        %get3A_153 = tpu.vector_load %arg13[%get3A_152] {strides = array<i32>} : memref<128xf32, #tpu.memory_space<vmem>>, vector<16xf32>,
        %add3A_154 = arith.addf %get3A_149, %get3A_153 : vector<16xf32>
        %mul3A_155 = arith.constant 16 : i32
        %mul3A_156 = arith.muli %scan3A_144, %mul3A_155 : i32
        %add3A_157 = arith.constant 32640 : i32
        %add3A_158 = arith.addi %add3A_157, %mul3A_156 : i32
        %swap3A = arith.index_cast %add3A_158 : i32 to index
        %swap3A_159 = tpu.vector_load %arg12[%swap3A] {strides = array<i32>} : memref<33280xf32, #tpu.memory_space<vmem>>, vector<16xf32>,
        tpu.vector_store %arg12[%swap3A], %add3A_154 {strides = array<i32>} : memref<33280xf32, #tpu.memory_space<vmem>>, vector<16xf32>,
      }
      %scan3A_143 = arith.constant 8 : i32
    } else {
    }
    %barrier3A_127 = arith.constant 0 : index
    tpu.barrier barrier_id(%barrier3A_127)
    %lt3A_128 = arith.constant 15 : i32
    %lt3A_129 = arith.cmpi slt, %arg1, %lt3A_128 : i32
    %convert_element_type3A_130 = arith.extui %lt3A_129 : i1 to i32
    %cond3A_131 = arith.constant 0 : i32
    %cond3A_132 = arith.cmpi ne, %convert_element_type3A_130, %cond3A_131 : i32
    scf.if %cond3A_132 {
      %run_scoped3A = arith.constant 1 : i32
      "tpu.region"() ({
        %run_scoped3A_138 = tpu.sem_alloc : memref<!tpu.dma_semaphore, #tpu.memory_space<semaphore_mem>>
        %dma_start3A = arith.constant 0 : i32
        %dma_start3A_139 = tpu.memref_slice %arg12[%dma_start3A] : memref<33280xf32, #tpu.memory_space<vmem>> -> memref<32768xf32, #tpu.memory_space<vmem>>
        %dma_start3A_140 = arith.constant 0 : i32
        %dma_start3A_141 = tpu.memref_slice %arg6[%run_scoped3A, %arg0, %arg1, %dma_start3A_140] : memref<2x2x15x32768xf32, #tpu.memory_space<hbm>> -> memref<1x1x1x32768xf32, #tpu.memory_space<hbm>>
        %dma_start3A_142 = tpu.memref_squeeze %dma_start3A_141 : memref<1x1x1x32768xf32, #tpu.memory_space<hbm>> -> memref<32768xf32, #tpu.memory_space<hbm>>
        %dma_start3A_143 = arith.constant 0 : i32
        %dma_start3A_144 = tpu.memref_slice %arg6[%run_scoped3A, %arg0, %arg1, %dma_start3A_143] : memref<2x2x15x32768xf32, #tpu.memory_space<hbm>> -> memref<1x1x1x32768xf32, #tpu.memory_space<hbm>>
        %dma_start3A_145 = tpu.memref_squeeze %dma_start3A_144 : memref<1x1x1x32768xf32, #tpu.memory_space<hbm>> -> memref<32768xf32, #tpu.memory_space<hbm>>
        %dma_start3A_146 = arith.constant 0 : i32
        %dma_start3A_147 = tpu.memref_slice %arg12[%dma_start3A_146] : memref<33280xf32, #tpu.memory_space<vmem>> -> memref<32768xf32, #tpu.memory_space<vmem>>
        tpu.enqueue_dma source(%dma_start3A_147 : memref<32768xf32, #tpu.memory_space<vmem>>) target(%dma_start3A_145 : memref<32768xf32, #tpu.memory_space<hbm>>) target_semaphore(%run_scoped3A_138 : memref<!tpu.dma_semaphore, #tpu.memory_space<semaphore_mem>>)
        %dma_wait3A = arith.constant 0 : i32
        %dma_wait3A_148 = tpu.memref_slice %arg12[%dma_wait3A] : memref<33280xf32, #tpu.memory_space<vmem>> -> memref<32768xf32, #tpu.memory_space<vmem>>
        %dma_wait3A_149 = arith.constant 0 : i32
        %dma_wait3A_150 = tpu.memref_slice %arg6[%run_scoped3A, %arg0, %arg1, %dma_wait3A_149] : memref<2x2x15x32768xf32, #tpu.memory_space<hbm>> -> memref<1x1x1x32768xf32, #tpu.memory_space<hbm>>
        %dma_wait3A_151 = tpu.memref_squeeze %dma_wait3A_150 : memref<1x1x1x32768xf32, #tpu.memory_space<hbm>> -> memref<32768xf32, #tpu.memory_space<hbm>>
        %dma_wait3A_152 = arith.constant 0 : i32
        %dma_wait3A_153 = tpu.memref_slice %arg6[%run_scoped3A, %arg0, %arg1, %dma_wait3A_152] : memref<2x2x15x32768xf32, #tpu.memory_space<hbm>> -> memref<1x1x1x32768xf32, #tpu.memory_space<hbm>>
        %dma_wait3A_154 = tpu.memref_squeeze %dma_wait3A_153 : memref<1x1x1x32768xf32, #tpu.memory_space<hbm>> -> memref<32768xf32, #tpu.memory_space<hbm>>
        %dma_wait3A_155 = arith.constant 0 : i32
        %dma_wait3A_156 = tpu.memref_slice %arg12[%dma_wait3A_155] : memref<33280xf32, #tpu.memory_space<vmem>> -> memref<32768xf32, #tpu.memory_space<vmem>>
        tpu.wait_dma2 semaphore(%run_scoped3A_138 : memref<!tpu.dma_semaphore, #tpu.memory_space<semaphore_mem>>) src(%dma_wait3A_156 : memref<32768xf32, #tpu.memory_space<vmem>>) dst(%dma_wait3A_154 : memref<32768xf32, #tpu.memory_space<hbm>>)
        tpu.yield
      }) : () -> ()
    } else {
    }
    %eq3A_133 = arith.constant 15 : i32
    %eq3A_134 = arith.cmpi eq, %arg1, %eq3A_133 : i32
    %convert_element_type3A_135 = arith.extui %eq3A_134 : i1 to i32
    %cond3A_136 = arith.constant 0 : i32
    %cond3A_137 = arith.cmpi ne, %convert_element_type3A_135, %cond3A_136 : i32
    scf.if %cond3A_137 {
      %run_scoped3A = arith.constant 1 : i32
      "tpu.region"() ({
        %run_scoped3A_138 = tpu.sem_alloc : memref<!tpu.dma_semaphore, #tpu.memory_space<semaphore_mem>>
        %dma_start3A = arith.constant 0 : i32
        %dma_start3A_139 = tpu.memref_slice %arg12[%dma_start3A] : memref<33280xf32, #tpu.memory_space<vmem>> -> memref<32640xf32, #tpu.memory_space<vmem>>
        %dma_start3A_140 = arith.constant 0 : i32
        %dma_start3A_141 = tpu.memref_slice %arg7[%run_scoped3A, %arg0, %dma_start3A_140] : memref<2x2x32640xf32, #tpu.memory_space<hbm>> -> memref<1x1x32640xf32, #tpu.memory_space<hbm>>
        %dma_start3A_142 = tpu.memref_squeeze %dma_start3A_141 : memref<1x1x32640xf32, #tpu.memory_space<hbm>> -> memref<32640xf32, #tpu.memory_space<hbm>>
        %dma_start3A_143 = arith.constant 0 : i32
        %dma_start3A_144 = tpu.memref_slice %arg7[%run_scoped3A, %arg0, %dma_start3A_143] : memref<2x2x32640xf32, #tpu.memory_space<hbm>> -> memref<1x1x32640xf32, #tpu.memory_space<hbm>>
        %dma_start3A_145 = tpu.memref_squeeze %dma_start3A_144 : memref<1x1x32640xf32, #tpu.memory_space<hbm>> -> memref<32640xf32, #tpu.memory_space<hbm>>
        %dma_start3A_146 = arith.constant 0 : i32
        %dma_start3A_147 = tpu.memref_slice %arg12[%dma_start3A_146] : memref<33280xf32, #tpu.memory_space<vmem>> -> memref<32640xf32, #tpu.memory_space<vmem>>
        tpu.enqueue_dma source(%dma_start3A_147 : memref<32640xf32, #tpu.memory_space<vmem>>) target(%dma_start3A_145 : memref<32640xf32, #tpu.memory_space<hbm>>) target_semaphore(%run_scoped3A_138 : memref<!tpu.dma_semaphore, #tpu.memory_space<semaphore_mem>>)
        %dma_wait3A = arith.constant 0 : i32
        %dma_wait3A_148 = tpu.memref_slice %arg12[%dma_wait3A] : memref<33280xf32, #tpu.memory_space<vmem>> -> memref<32640xf32, #tpu.memory_space<vmem>>
        %dma_wait3A_149 = arith.constant 0 : i32
        %dma_wait3A_150 = tpu.memref_slice %arg7[%run_scoped3A, %arg0, %dma_wait3A_149] : memref<2x2x32640xf32, #tpu.memory_space<hbm>> -> memref<1x1x32640xf32, #tpu.memory_space<hbm>>
        %dma_wait3A_151 = tpu.memref_squeeze %dma_wait3A_150 : memref<1x1x32640xf32, #tpu.memory_space<hbm>> -> memref<32640xf32, #tpu.memory_space<hbm>>
        %dma_wait3A_152 = arith.constant 0 : i32
        %dma_wait3A_153 = tpu.memref_slice %arg7[%run_scoped3A, %arg0, %dma_wait3A_152] : memref<2x2x32640xf32, #tpu.memory_space<hbm>> -> memref<1x1x32640xf32, #tpu.memory_space<hbm>>
        %dma_wait3A_154 = tpu.memref_squeeze %dma_wait3A_153 : memref<1x1x32640xf32, #tpu.memory_space<hbm>> -> memref<32640xf32, #tpu.memory_space<hbm>>
        %dma_wait3A_155 = arith.constant 0 : i32
        %dma_wait3A_156 = tpu.memref_slice %arg12[%dma_wait3A_155] : memref<33280xf32, #tpu.memory_space<vmem>> -> memref<32640xf32, #tpu.memory_space<vmem>>
        tpu.wait_dma2 semaphore(%run_scoped3A_138 : memref<!tpu.dma_semaphore, #tpu.memory_space<semaphore_mem>>) src(%dma_wait3A_156 : memref<32640xf32, #tpu.memory_space<vmem>>) dst(%dma_wait3A_154 : memref<32640xf32, #tpu.memory_space<hbm>>)
        tpu.yield
      }) : () -> ()
    } else {
    }
    return
  }
}

module attributes {stable_mosaic.version = 14 : i64} {
  func.func @_prefix_kernel(%arg0: memref<32x1040xi32, #tpu.memory_space<vmem>>, %arg1: memref<32x1040xi32, #tpu.memory_space<vmem>>) attributes {dimension_semantics = [], scalar_prefetch = 0 : i64, scratch_operands = 0 : i64, tpu.core_type = #tpu.core_type<tc>} {
    %get3A = arith.constant 0 : index
    %get3A_0 = arith.constant 0 : index
    %get3A_1 = vector.load %arg0[%get3A, %get3A_0] : memref<32x1040xi32, #tpu.memory_space<vmem>>, vector<32x1040xi32>
    %convert_element_type3A = arith.sitofp %get3A_1 : vector<32x1040xi32> to vector<32x1040xf32>
    %iota3A = tpu.iota {dimensions = array<i32: 0>} : vector<32x32xi32>
    %iota3A_2 = tpu.iota {dimensions = array<i32: 1>} : vector<32x32xi32>
    %gt3A = arith.cmpi sgt, %iota3A, %iota3A_2 : vector<32x32xi32>
    %convert_element_type3A_3 = arith.extui %gt3A : vector<32x32xi1> to vector<32x32xi32>
    %convert_element_type3A_4 = arith.sitofp %convert_element_type3A_3 : vector<32x32xi32> to vector<32x32xf32>
    %dot_general3A = arith.constant dense<0.000000e+00> : vector<32x1040xf32>
    %dot_general3A_5 = tpu.matmul %convert_element_type3A_4, %convert_element_type3A, %dot_general3A {dimension_numbers = #tpu.dot_dimension_numbers<[1], [0], [0], [1], [0, 0, 1, 1], [], []>, transpose_lhs_hint = false} : vector<32x32xf32>, vector<32x1040xf32>, vector<32x1040xf32> -> vector<32x1040xf32>
    %convert_element_type3A_6 = arith.fptosi %dot_general3A_5 : vector<32x1040xf32> to vector<32x1040xi32>
    %swap3A = arith.constant 0 : index
    %swap3A_7 = arith.constant 0 : index
    %swap3A_8 = vector.load %arg1[%swap3A, %swap3A_7] : memref<32x1040xi32, #tpu.memory_space<vmem>>, vector<32x1040xi32>
    tpu.vector_store %arg1[%swap3A, %swap3A_7], %convert_element_type3A_6 {strides = array<i32>} : memref<32x1040xi32, #tpu.memory_space<vmem>>, vector<32x1040xi32>,
    return
  }
}

module attributes {stable_mosaic.version = 14 : i64} {
  func.func @_mlp_kernel(%arg0: memref<1024x64xf32, #tpu.memory_space<vmem>>, %arg1: memref<1024x4xi32, #tpu.memory_space<vmem>>, %arg2: memref<2x2x15x1024x32xf32, #tpu.memory_space<vmem>>, %arg3: memref<2x2x1020x32xf32, #tpu.memory_space<vmem>>, %arg4: memref<32x1040xi32, #tpu.memory_space<vmem>>, %arg5: memref<128x128xf32, #tpu.memory_space<vmem>>, %arg6: memref<1x128xf32, #tpu.memory_space<vmem>>, %arg7: memref<128x64xf32, #tpu.memory_space<vmem>>, %arg8: memref<1x64xf32, #tpu.memory_space<vmem>>, %arg9: memref<1024x64xf32, #tpu.memory_space<vmem>>) attributes {dimension_semantics = [], scalar_prefetch = 0 : i64, scratch_operands = 0 : i64, tpu.core_type = #tpu.core_type<tc>} {
    %get3A = arith.constant 0 : index
    %get3A_0 = arith.constant 0 : index
    %get3A_1 = vector.load %arg1[%get3A, %get3A_0] : memref<1024x4xi32, #tpu.memory_space<vmem>>, vector<1024x4xi32>
    %reduce_sum3A = arith.constant dense<0> : vector<1024xi32>
    %reduce_sum3A_2 = vector.multi_reduction <add>, %get3A_1, %reduce_sum3A [1] : vector<1024x4xi32> to vector<1024xi32>
    %jit3A = arith.constant 1024 : i32
    %eq3A = arith.constant 0 : i32
    %eq3A_3 = arith.cmpi eq, %jit3A, %eq3A : i32
    %jit3A_4 = arith.constant 1 : i32
    %select_n3A = arith.select %eq3A_3, %jit3A_4, %jit3A : i32
    %rem3A = vector.broadcast %select_n3A : i32 to vector<1024xi32>
    %rem3A_5 = arith.remsi %reduce_sum3A_2, %rem3A : vector<1024xi32>
    %ne3A = arith.constant 0 : i32
    %ne3A_6 = vector.broadcast %ne3A : i32 to vector<1024xi32>
    %ne3A_7 = arith.cmpi ne, %rem3A_5, %ne3A_6 : vector<1024xi32>
    %lt3A = arith.constant 0 : i32
    %lt3A_8 = vector.broadcast %lt3A : i32 to vector<1024xi32>
    %lt3A_9 = arith.cmpi slt, %rem3A_5, %lt3A_8 : vector<1024xi32>
    %lt3A_10 = arith.constant 0 : i32
    %lt3A_11 = arith.cmpi slt, %select_n3A, %lt3A_10 : i32
    %ne3A_12 = vector.broadcast %lt3A_11 : i1 to vector<1024xi1>
    %ne3A_13 = vector.broadcast %ne3A_12 : vector<1024xi1> to vector<1024xi1>
    %ne3A_14 = arith.xori %lt3A_9, %ne3A_13 : vector<1024xi1>
    %and3A = arith.andi %ne3A_14, %ne3A_7 : vector<1024xi1>
    %add3A = vector.broadcast %select_n3A : i32 to vector<1024xi32>
    %add3A_15 = arith.addi %rem3A_5, %add3A : vector<1024xi32>
    %select_n3A_16 = arith.select %and3A, %add3A_15, %rem3A_5 : vector<1024xi1>, vector<1024xi32>
    %iota3A = tpu.iota {dimensions = array<i32: 1>} : vector<1024x1024xi32>
    %broadcast_in_dim3A = vector.shape_cast %select_n3A_16 : vector<1024xi32> to vector<1024x1xi32>
    %eq3A_17 = vector.broadcast %broadcast_in_dim3A : vector<1024x1xi32> to vector<1024x1024xi32>
    %eq3A_18 = arith.cmpi eq, %eq3A_17, %iota3A : vector<1024x1024xi32>
    %convert_element_type3A = arith.extui %eq3A_18 : vector<1024x1024xi1> to vector<1024x1024xi32>
    %convert_element_type3A_19 = arith.sitofp %convert_element_type3A : vector<1024x1024xi32> to vector<1024x1024xf32>
    %get3A_20 = arith.constant 0 : index
    %get3A_21 = arith.constant 0 : index
    %get3A_22 = arith.constant 0 : index
    %get3A_23 = arith.constant 0 : index
    %get3A_24 = arith.constant 0 : index
    %get3A_25 = vector.load %arg2[%get3A_20, %get3A_21, %get3A_22, %get3A_23, %get3A_24] : memref<2x2x15x1024x32xf32, #tpu.memory_space<vmem>>, vector<1x2x15x1024x32xf32>
    %get3A_26 = vector.shape_cast %get3A_25 : vector<1x2x15x1024x32xf32> to vector<2x15x1024x32xf32>
    %reduce_sum3A_27 = arith.constant dense<0.000000e+00> : vector<15x1024x32xf32>
    %reduce_sum3A_28 = vector.multi_reduction <add>, %get3A_26, %reduce_sum3A_27 [0] : vector<2x15x1024x32xf32> to vector<15x1024x32xf32>
    %reduce_sum3A_29 = arith.constant dense<0.000000e+00> : vector<1024x32xf32>
    %reduce_sum3A_30 = vector.multi_reduction <add>, %reduce_sum3A_28, %reduce_sum3A_29 [0] : vector<15x1024x32xf32> to vector<1024x32xf32>
    %get3A_31 = arith.constant 0 : index
    %get3A_32 = arith.constant 0 : index
    %get3A_33 = arith.constant 0 : index
    %get3A_34 = arith.constant 0 : index
    %get3A_35 = vector.load %arg3[%get3A_31, %get3A_32, %get3A_33, %get3A_34] : memref<2x2x1020x32xf32, #tpu.memory_space<vmem>>, vector<1x1x1020x32xf32>
    %get3A_36 = vector.shape_cast %get3A_35 : vector<1x1x1020x32xf32> to vector<1020x32xf32>
    %get3A_37 = arith.constant 0 : index
    %get3A_38 = arith.constant 1 : index
    %get3A_39 = arith.constant 0 : index
    %get3A_40 = arith.constant 0 : index
    %get3A_41 = vector.load %arg3[%get3A_37, %get3A_38, %get3A_39, %get3A_40] : memref<2x2x1020x32xf32, #tpu.memory_space<vmem>>, vector<1x1x1020x32xf32>
    %get3A_42 = vector.shape_cast %get3A_41 : vector<1x1x1020x32xf32> to vector<1020x32xf32>
    %add3A_43 = arith.addf %get3A_36, %get3A_42 : vector<1020x32xf32>
    %broadcast_in_dim3A_44 = arith.constant 0.000000e+00 : f32
    %broadcast_in_dim3A_45 = vector.broadcast %broadcast_in_dim3A_44 : f32 to vector<4x32xf32>
    %concatenate3A = tpu.concatenate %add3A_43, %broadcast_in_dim3A_45 in 0 : vector<1020x32xf32>, vector<4x32xf32> -> vector<1024x32xf32>
    %add3A_46 = arith.addf %reduce_sum3A_30, %concatenate3A : vector<1024x32xf32>
    %get3A_47 = arith.constant 1 : index
    %get3A_48 = arith.constant 0 : index
    %get3A_49 = arith.constant 0 : index
    %get3A_50 = arith.constant 0 : index
    %get3A_51 = arith.constant 0 : index
    %get3A_52 = vector.load %arg2[%get3A_47, %get3A_48, %get3A_49, %get3A_50, %get3A_51] : memref<2x2x15x1024x32xf32, #tpu.memory_space<vmem>>, vector<1x2x15x1024x32xf32>
    %get3A_53 = vector.shape_cast %get3A_52 : vector<1x2x15x1024x32xf32> to vector<2x15x1024x32xf32>
    %reduce_sum3A_54 = arith.constant dense<0.000000e+00> : vector<15x1024x32xf32>
    %reduce_sum3A_55 = vector.multi_reduction <add>, %get3A_53, %reduce_sum3A_54 [0] : vector<2x15x1024x32xf32> to vector<15x1024x32xf32>
    %reduce_sum3A_56 = arith.constant dense<0.000000e+00> : vector<1024x32xf32>
    %reduce_sum3A_57 = vector.multi_reduction <add>, %reduce_sum3A_55, %reduce_sum3A_56 [0] : vector<15x1024x32xf32> to vector<1024x32xf32>
    %get3A_58 = arith.constant 1 : index
    %get3A_59 = arith.constant 0 : index
    %get3A_60 = arith.constant 0 : index
    %get3A_61 = arith.constant 0 : index
    %get3A_62 = vector.load %arg3[%get3A_58, %get3A_59, %get3A_60, %get3A_61] : memref<2x2x1020x32xf32, #tpu.memory_space<vmem>>, vector<1x1x1020x32xf32>
    %get3A_63 = vector.shape_cast %get3A_62 : vector<1x1x1020x32xf32> to vector<1020x32xf32>
    %get3A_64 = arith.constant 1 : index
    %get3A_65 = arith.constant 1 : index
    %get3A_66 = arith.constant 0 : index
    %get3A_67 = arith.constant 0 : index
    %get3A_68 = vector.load %arg3[%get3A_64, %get3A_65, %get3A_66, %get3A_67] : memref<2x2x1020x32xf32, #tpu.memory_space<vmem>>, vector<1x1x1020x32xf32>
    %get3A_69 = vector.shape_cast %get3A_68 : vector<1x1x1020x32xf32> to vector<1020x32xf32>
    %add3A_70 = arith.addf %get3A_63, %get3A_69 : vector<1020x32xf32>
    %broadcast_in_dim3A_71 = arith.constant 0.000000e+00 : f32
    %broadcast_in_dim3A_72 = vector.broadcast %broadcast_in_dim3A_71 : f32 to vector<4x32xf32>
    %concatenate3A_73 = tpu.concatenate %add3A_70, %broadcast_in_dim3A_72 in 0 : vector<1020x32xf32>, vector<4x32xf32> -> vector<1024x32xf32>
    %add3A_74 = arith.addf %reduce_sum3A_57, %concatenate3A_73 : vector<1024x32xf32>
    %concatenate3A_75 = tpu.concatenate %add3A_46, %add3A_74 in 1 : vector<1024x32xf32>, vector<1024x32xf32> -> vector<1024x64xf32>
    %dot_general3A = arith.constant dense<0.000000e+00> : vector<1024x64xf32>
    %dot_general3A_76 = tpu.matmul %convert_element_type3A_19, %concatenate3A_75, %dot_general3A {dimension_numbers = #tpu.dot_dimension_numbers<[1], [0], [0], [1], [0, 0, 1, 1], [], []>, transpose_lhs_hint = false} : vector<1024x1024xf32>, vector<1024x64xf32>, vector<1024x64xf32> -> vector<1024x64xf32>
    %get3A_77 = arith.constant 0 : index
    %get3A_78 = arith.constant 0 : index
    %get3A_79 = vector.load %arg4[%get3A_77, %get3A_78] : memref<32x1040xi32, #tpu.memory_space<vmem>>, vector<32x1040xi32>
    %slice3A = vector.extract_strided_slice %get3A_79 {offsets = [0, 0], sizes = [32, 1024], strides = [1, 1]} : vector<32x1040xi32> to vector<32x1024xi32>
    %convert_element_type3A_80 = arith.sitofp %slice3A : vector<32x1024xi32> to vector<32x1024xf32>
    %reduce_sum3A_81 = arith.constant dense<0.000000e+00> : vector<1024xf32>
    %reduce_sum3A_82 = vector.multi_reduction <add>, %convert_element_type3A_80, %reduce_sum3A_81 [0] : vector<32x1024xf32> to vector<1024xf32>
    %broadcast_in_dim3A_83 = vector.shape_cast %reduce_sum3A_82 : vector<1024xf32> to vector<1x1024xf32>
    %dot_general3A_84 = arith.constant dense<0.000000e+00> : vector<1024x1xf32>
    %dot_general3A_85 = tpu.matmul %convert_element_type3A_19, %broadcast_in_dim3A_83, %dot_general3A_84 {dimension_numbers = #tpu.dot_dimension_numbers<[1], [1], [0], [0], [0, 0, 1, 0], [], []>, transpose_lhs_hint = false} : vector<1024x1024xf32>, vector<1x1024xf32>, vector<1024x1xf32> -> vector<1024x1xf32>
    %min3A = arith.constant 2.560000e+02 : f32
    %min3A_86 = vector.broadcast %min3A : f32 to vector<1024x1xf32>
    %min3A_87 = arith.minimumf %dot_general3A_85, %min3A_86 : vector<1024x1xf32>
    %max3A = arith.constant 1.000000e+00 : f32
    %max3A_88 = vector.broadcast %max3A : f32 to vector<1024x1xf32>
    %max3A_89 = arith.maximumf %min3A_87, %max3A_88 : vector<1024x1xf32>
    %div3A = arith.constant 1.000000e+00 : f32
    %div3A_90 = vector.broadcast %div3A : f32 to vector<1024x1xf32>
    %div3A_91 = arith.divf %div3A_90, %max3A_89 : vector<1024x1xf32>
    %mul3A = vector.broadcast %div3A_91 : vector<1024x1xf32> to vector<1024x64xf32>
    %mul3A_92 = arith.mulf %dot_general3A_76, %mul3A : vector<1024x64xf32>
    %get3A_93 = arith.constant 0 : index
    %get3A_94 = arith.constant 0 : index
    %get3A_95 = vector.load %arg5[%get3A_93, %get3A_94] : memref<128x128xf32, #tpu.memory_space<vmem>>, vector<128x128xf32>
    %get3A_96 = arith.constant 0 : index
    %get3A_97 = arith.constant 0 : index
    %get3A_98 = vector.load %arg0[%get3A_96, %get3A_97] : memref<1024x64xf32, #tpu.memory_space<vmem>>, vector<1024x64xf32>
    %slice3A_99 = vector.extract_strided_slice %get3A_95 {offsets = [0, 0], sizes = [64, 128], strides = [1, 1]} : vector<128x128xf32> to vector<64x128xf32>
    %dot_general3A_100 = arith.constant dense<0.000000e+00> : vector<1024x128xf32>
    %dot_general3A_101 = tpu.matmul %get3A_98, %slice3A_99, %dot_general3A_100 {dimension_numbers = #tpu.dot_dimension_numbers<[1], [0], [0], [1], [0, 0, 1, 1], [], []>, transpose_lhs_hint = false} : vector<1024x64xf32>, vector<64x128xf32>, vector<1024x128xf32> -> vector<1024x128xf32>
    %slice3A_102 = vector.extract_strided_slice %get3A_95 {offsets = [64, 0], sizes = [64, 128], strides = [1, 1]} : vector<128x128xf32> to vector<64x128xf32>
    %dot_general3A_103 = arith.constant dense<0.000000e+00> : vector<1024x128xf32>
    %dot_general3A_104 = tpu.matmul %mul3A_92, %slice3A_102, %dot_general3A_103 {dimension_numbers = #tpu.dot_dimension_numbers<[1], [0], [0], [1], [0, 0, 1, 1], [], []>, transpose_lhs_hint = false} : vector<1024x64xf32>, vector<64x128xf32>, vector<1024x128xf32> -> vector<1024x128xf32>
    %add3A_105 = arith.addf %dot_general3A_101, %dot_general3A_104 : vector<1024x128xf32>
    %get3A_106 = arith.constant 0 : index
    %get3A_107 = arith.constant 0 : index
    %get3A_108 = vector.load %arg6[%get3A_106, %get3A_107] : memref<1x128xf32, #tpu.memory_space<vmem>>, vector<1x128xf32>
    %add3A_109 = vector.broadcast %get3A_108 : vector<1x128xf32> to vector<1024x128xf32>
    %add3A_110 = arith.addf %add3A_105, %add3A_109 : vector<1024x128xf32>
    %max3A_111 = arith.constant 0.000000e+00 : f32
    %max3A_112 = vector.broadcast %max3A_111 : f32 to vector<1024x128xf32>
    %max3A_113 = arith.maximumf %add3A_110, %max3A_112 : vector<1024x128xf32>
    %get3A_114 = arith.constant 0 : index
    %get3A_115 = arith.constant 0 : index
    %get3A_116 = vector.load %arg7[%get3A_114, %get3A_115] : memref<128x64xf32, #tpu.memory_space<vmem>>, vector<128x64xf32>
    %dot_general3A_117 = arith.constant dense<0.000000e+00> : vector<1024x64xf32>
    %dot_general3A_118 = tpu.matmul %max3A_113, %get3A_116, %dot_general3A_117 {dimension_numbers = #tpu.dot_dimension_numbers<[1], [0], [0], [1], [0, 0, 1, 1], [], []>, transpose_lhs_hint = false} : vector<1024x128xf32>, vector<128x64xf32>, vector<1024x64xf32> -> vector<1024x64xf32>
    %get3A_119 = arith.constant 0 : index
    %get3A_120 = arith.constant 0 : index
    %get3A_121 = vector.load %arg8[%get3A_119, %get3A_120] : memref<1x64xf32, #tpu.memory_space<vmem>>, vector<1x64xf32>
    %add3A_122 = vector.broadcast %get3A_121 : vector<1x64xf32> to vector<1024x64xf32>
    %add3A_123 = arith.addf %dot_general3A_118, %add3A_122 : vector<1024x64xf32>
    %swap3A = arith.constant 0 : index
    %swap3A_124 = arith.constant 0 : index
    %swap3A_125 = vector.load %arg9[%swap3A, %swap3A_124] : memref<1024x64xf32, #tpu.memory_space<vmem>>, vector<1024x64xf32>
    tpu.vector_store %arg9[%swap3A, %swap3A_124], %add3A_123 {strides = array<i32>} : memref<1024x64xf32, #tpu.memory_space<vmem>>, vector<1024x64xf32>,
    return
  }
}

</mosaic_0001>

<sc_bundles>
// kernel: kernel.6.cloned.1.call-start
scs
__scs_entry_jumppad:
0x0: {  	(pc) =	sbr.rel $0x88, $3  }
0x1: {  	(tag) =	ssettag $0x0;
	lr =	simm.s32 $0x1  }
0x2: {  	[smem:$0x3F99] =	sst lr;
	_ =	strace $0xD0000000  }
0x3: {  	_ = 	snop  }
0x4: {  	_ = 	snop  }
0x5: {  	_ = 	snop  }
0x6: {  	_ = 	snop  }
0x7: {  	_ = 	snop  }
__scs_overlays_trampoline_lowered:
0x8: {  	[smem:$0x3FA8] =	sst s0  }
0x9: {  	[smem:$0x3FA9] =	sst s1  }
0xa: {  	[smem:$0x3FAA] =	sst s2  }
0xb: {  	[smem:$0x3FAB] =	sst s3  }
0xc: {  	[smem:$0x3FAC] =	sst s4  }
0xd: {  	[smem:$0x3FAD] =	sst s5  }
0xe: {  	[smem:$0x3FAE] =	sst s6  }
0xf: {  	[smem:$0x3FAF] =	sst s7  }
0x10: {  	[smem:$0x3FB0] =	sst s8  }
0x11: {  	[smem:$0x3FB1] =	sst s9;
	s0 =	simm.s32 @!p0 $0x0  }
0x12: {  	s1 =	sld [smem:$0x3F97];
	s0 =	simm.s32 @p0 $0x1  }
0x13: {  	[smem:$0x3FB2] =	sst s0;
	s0 =	simm.s32 @!p1 $0x0  }
0x14: {  	s2 =	sld [smem:$0x3F96];
	s0 =	simm.s32 @p1 $0x1  }
0x15: {  	[smem:$0x3FB3] =	sst s0;
	s0 =	simm.s32 @!p2 $0x0  }
0x16: {  	s3 =	sld [smem:$0x3FDB];
	s0 =	simm.s32 @p2 $0x1  }
0x17: {  	s4 =	simm.s32 $0x1BF5;
	[smem:$0x3FB5] =	sst s0  }
0x18: {  	s0 =	sld [smem:$0x3F98];
	_ =	swait.ge [sflag:s4], $0x0  }
0x19: {  	s7 =	sld [smem:$0x3F99]  }
0x1a: {  	s8 =	sadd.s32 $0xFFFFE003, lr  }
0x1b: {  	s9 =	sadd.s32 $0xFFFFFEF7, lr;
	s5 =	simm.s32 $0xFFFFFFFF;
	p2 =	slt.u32 s8, $0xFFFFF086  }
0x1c: {  	p1 =	slt.u32 s9, $0xF7A;
	s5 =	simm.s32 @!p2 $0x0  }
0x1d: {  	s5 =	simm.s32 @p1 $0x1;
	p0 =	seq.s32 s7, s2  }
0x1e: {  	s7 =	smul.u32 @!p0 $0xF7A, s2;
	p2 =	seq.s32 @!p0 s5, $0x0  }
0x1f: {  	s9 =	smul.u32 $0xF7A, s1;
	s8 =	simm.s32 @!p0 $0x1BF5;
	p2 =	por !p2, p0  }
0x20: {  	[sflag:s8] =	ssyncset.s32 @!p0 $0xFFFFF086;
	s6 =	sadd.s32 @!p0 s3, s7;
	s7 =	simm.s32 @!p0 $0x108  }
0x21: {  	s3 =	sadd.s32 s3, s9;
	s6 =	sadd.s32 @!p0 $0x88, s6;
	s7 =	simm.s32 @p2 $0x1082  }
0x22: {  	[simem:s7], [sflag:s8] =	dma.local @!p0 [hbm:s6], $0xF7A  }
0x23: {  	s9 =	sor.u32 $0xD0000000, s2;
	s6 =	simm.s32 $0x108;
	_ =	swait.ge @!p0 [sflag:s8], $0x0  }
0x24: {  	s3 =	sadd.s32 $0x88, s3;
	s6 =	simm.s32 @!p1 $0x1082;
	[sflag:s4] =	ssyncset.s32 $0xFFFFF086  }
0x25: {  	[simem:s6], [sflag:s4] =	dma.local [hbm:s3], $0xF7A  }
0x26: {  	[smem:$0x3F99] =	sst s1;
	(tag) =	ssettag s2;
	_ =	strace s9  }
0x27: {  	s1 =	sld [smem:$0x3FA9]  }
0x28: {  	s2 =	sld [smem:$0x3FAA]  }
0x29: {  	s4 =	sld [smem:$0x3FAC]  }
0x2a: {  	p0 =	seq.s32 s5, $0x0;
	s5 =	sld [smem:$0x3FAD]  }
0x2b: {  	s6 =	sld [smem:$0x3FAE]  }
0x2c: {  	s7 =	sld [smem:$0x3FAF]  }
0x2d: {  	s3 =	simm.s32 $0x108;
	s8 =	sld [smem:$0x3FB0]  }
0x2e: {  	s3 =	simm.s32 @!p0 $0x1082;
	s9 =	sld [smem:$0x3FB1]  }
0x2f: {  	lr =	sadd.s32 s0, s3;
	s0 =	sld [smem:$0x3FA8]  }
0x30: {  	s3 =	sld [smem:$0x3FAB]  }
0x31: {  	[smem:$0x3FB4] =	sst s10  }
0x32: {  	s10 =	sld [smem:$0x3FB2];
	_ =	sdelay $0x3  }
0x33: {  	p0 =	seq.s32 s10, $0x1;
	s10 =	sld [smem:$0x3FB4];
	_ =	sdelay $0x3  }
0x34: {  	[smem:$0x3FB4] =	sst s10  }
0x35: {  	s10 =	sld [smem:$0x3FB3];
	_ =	sdelay $0x3  }
0x36: {  	p1 =	seq.s32 s10, $0x1;
	s10 =	sld [smem:$0x3FB4];
	_ =	sdelay $0x3  }
0x37: {  	[smem:$0x3FB4] =	sst s10  }
0x38: {  	s10 =	sld [smem:$0x3FB5]  }
0x39: {  	_ = 	snop;
	(pc) =	sbr.ind lr, $3  }
0x3a: {  	_ = 	snop  }
0x3b: {  	_ = 	snop  }
0x3c: {  	p2 =	seq.s32 s10, $0x1;
	s10 =	sld [smem:$0x3FB4]  }
0x3d: {  	_ =	shalt  }
0x3e: {  	_ =	shalt  }
0x3f: {  	_ =	shalt  }
0x40: {  	_ =	shalt  }
0x41: {  	_ =	shalt  }
0x42: {  	_ =	shalt  }
0x43: {  	_ =	shalt  }
0x44: {  	_ =	shalt  }
0x45: {  	_ =	shalt  }
0x46: {  	_ =	shalt  }
0x47: {  	_ =	shalt  }
0x48: {  	_ =	shalt  }
0x49: {  	_ =	shalt  }
0x4a: {  	_ =	shalt  }
0x4b: {  	_ =	shalt  }
0x4c: {  	_ =	shalt  }
0x4d: {  	_ =	shalt  }
0x4e: {  	_ =	shalt  }
0x4f: {  	_ =	shalt  }
0x50: {  	_ =	shalt  }
0x51: {  	_ =	shalt  }
0x52: {  	_ =	shalt  }
0x53: {  	_ =	shalt  }
0x54: {  	_ =	shalt  }
0x55: {  	_ =	shalt  }
0x56: {  	_ =	shalt  }
0x57: {  	_ =	shalt  }
0x58: {  	_ =	shalt  }
0x59: {  	_ =	shalt  }
0x5a: {  	_ =	shalt  }
0x5b: {  	_ =	shalt  }
0x5c: {  	_ =	shalt  }
0x5d: {  	_ =	shalt  }
0x5e: {  	_ =	shalt  }
0x5f: {  	_ =	shalt  }
0x60: {  	_ =	shalt  }
0x61: {  	_ =	shalt  }
0x62: {  	_ =	shalt  }
0x63: {  	_ =	shalt  }
0x64: {  	_ =	shalt  }
0x65: {  	_ =	shalt  }
0x66: {  	_ =	shalt  }
0x67: {  	_ =	shalt  }
0x68: {  	_ =	shalt  }
0x69: {  	_ =	shalt  }
0x6a: {  	_ =	shalt  }
0x6b: {  	_ =	shalt  }
0x6c: {  	_ =	shalt  }
0x6d: {  	_ =	shalt  }
0x6e: {  	_ =	shalt  }
0x6f: {  	_ =	shalt  }
0x70: {  	_ =	shalt  }
0x71: {  	_ =	shalt  }
0x72: {  	_ =	shalt  }
0x73: {  	_ =	shalt  }
0x74: {  	_ =	shalt  }
0x75: {  	_ =	shalt  }
0x76: {  	_ =	shalt  }
0x77: {  	_ =	shalt  }
0x78: {  	_ =	shalt  }
0x79: {  	_ =	shalt  }
0x7a: {  	_ =	shalt  }
0x7b: {  	_ =	shalt  }
0x7c: {  	_ =	shalt  }
0x7d: {  	_ =	shalt  }
0x7e: {  	_ =	shalt  }
0x7f: {  	_ =	shalt  }
0x80: {  	_ =	shalt  }
0x81: {  	_ =	shalt  }
0x82: {  	_ =	shalt  }
0x83: {  	_ =	shalt  }
0x84: {  	_ =	shalt  }
0x85: {  	_ =	shalt  }
0x86: {  	_ =	shalt  }
0x87: {  	_ =	shalt  }
.Lfunc_end0:
.L_simem_size_0:
called_computation_lowered:
.L_overlay_start_0:
0x88: {  	s2 =	sld [smem:$0x3FD9]  }
0x89: {  	s3 =	sld [smem:$0x3FFE];
	_ =	sdelay $0x1  }
0x8a: {  	s1 =	srdreg.scid  }
0x8b: {  	s0 =	sand.u32 $0x1, s1  }
0x8c: {  	s17 =	sshll.u32 s0, $0xA;
	s2 =	sadd.s32 s3, s2  }
0x8d: {  	s2 =	sadd.s32 s2, s17  }
0x8e: {  	[smem:$0x3FC0] =	sst s2  }
0x8f: {  	_ = 	snop  }
0x90: {  	s2 =	sld [smem:$0x3FD0];
	(tm) =	ssettm $0x1  }
0x91: {  	s18 =	sld [smem:$0x3FFB];
	_ =	sdelay $0x3  }
0x92: {  	_ =	strace s18  }
0x93: {  	s3 =	sld [smem:$0x3FFC];
	_ =	sdelay $0x3  }
0x94: {  	_ =	strace s3  }
0x95: {  	s3 =	sld [smem:$0x3FFD];
	_ =	sdelay $0x3  }
0x96: {  	_ =	strace s3  }
0x97: {  	_ =	strace $0x8FFFFFFF  }
0x98: {  	s19 =	sld [smem:$0x3FDB];
	_ =	sdelay $0x1  }
0x99: {  	s4 =	simm.s32 $_scs_section_size  }
0x9a: {  	s5 =	simm.s32 $_size__tile_overlayer_lowered;
	s6 =	simm.s32 $_tile_overlayer_lowered  }
0x9b: {  	s22 =	simm.s32 $0x1BFF;
	s21 =	sshll.u32 s6, $0x1;
	s3 =	sadd.s32 s4, s19  }
0x9c: {  	s7 =	simm.s32 $0x0;
	s20 =	sshll.u32 s5, $0x1;
	s5 =	sadd.s32 s21, s3  }
0x9d: {  	[timem:s7], [sflag:s22] =	dma.local [hbm:s5], s20  }
0x9e: {  	_ =	swait.ge [sflag:s22], s20  }
0x9f: {  	s4 =	ssub.s32 $0x0, s20;
	[sflag:s22] =	ssyncset.done $0x0  }
0xa0: {  	[sflag:s22] =	ssyncadd.s32 s4;
	_ =	sdelay $0x1  }
0xa1: {  	s23 =	simm.s32 $0x1B8B  }
0xa2: {  	_ =	swait.ge [sflag:s23], $0x1  }
0xa3: {  	[sflag:s23] =	ssyncset.done $0x0  }
0xa4: {  	s25 =	simm.s32 $0x1B8E;
	s24 =	sld [smem:$0x3FFE];
	[sflag:s23] =	ssyncadd.s32 $0xFFFFFFFF  }
0xa5: {  	s26 =	simm.s32 $execute0_lowered;
	[smem:$0x3FD2] =	sst s25  }
0xa6: {  	s5 =	sshll.u32 s26, $0x1;
	_ =	strace $0x80000046;
	[dreg:$0x1] =	wrdreg $0xFFFFFFFF  }
0xa7: {  	s28 =	simm.s32 $_size_execute0_lowered;
	s3 =	sadd.s32 s3, s5;
	[dreg:$0x0] =	wrdreg $0x0  }
0xa8: {  	s5 =	sshll.u32 s28, $0x1;
	[dreg:$0x2] =	wrdreg s3  }
0xa9: {  	[dreg:$0x3] =	wrdreg s5  }
0xaa: {  	[dreg:$0x4] =	wrdreg $0xC0  }
0xab: {  	_ =	task [dreg:s7], $0x5FFFF  }
0xac: {  	[dreg:$0x1] =	wrdreg $0xFFFFFFFF  }
0xad: {  	[dreg:$0x0] =	wrdreg $0x60  }
0xae: {  	[dreg:$0x2] =	wrdreg s24  }
0xaf: {  	[dreg:$0x3] =	wrdreg s2  }
0xb0: {  	[dreg:$0x4] =	wrdreg $0x9  }
0xb1: {  	_ =	task.clear_ibuf [dreg:s7], $0x5FFFF;
	_ =	strace $0x90000046  }
0xb2: {  	s29 =	simm.s32 $0x9;
	_ =	strace $0x80000048  }
0xb3: {  	_ =	swait.ge [sflag:s29], $0x1  }
0xb4: {  	[sflag:s29] =	ssyncadd.s32 $0xFFFFFFFF  }
0xb5: {  	_ =	strace $0x90000048  }
0xb6: {  	_ =	sfence  }
0xb7: {  	s30 =	sld [smem:$0x0];
	_ =	sdelay $0x2  }
0xb8: {  	s31 =	sshll.u32 s1, $0xD;
	s1 =	sshrl.u32 s1, $0x2  }
0xb9: {  	s3 =	sand.u32 $0x4000, s31;
	s1 =	sadd.s32 s1, s30  }
0xba: {  	s0 =	sor.u32 s3, s0;
	s1 =	sshll.u32 s1, $0x11  }
0xbb: {  	s0 =	sor.u32 s1, s0  }
0xbc: {  	s0 =	sadd.s32 $0x8F2B, s0  }
0xbd: {  	[sflag:s0] =	ssyncadd.remote.s32 $0x1  }
0xbe: {  	_ =	sfence.sel $0xFFFF  }
0xbf: {  	[dreg:$0x0] =	wrdreg $0xFFFFFFFF;
	(pc) =	sbr.abs _section_cstart, $3  }
0xc0: {  	[dreg:$0x1] =	wrdreg $0xFFFFFFFF  }
0xc1: {  	_ =	task.clear_ibuf [dreg:s7], $0x2FFFF;
	_ =	strace $0x9FFFFFFF  }
0xc2: {  	(tm) =	ssettm $0x7FFFFFFF  }
0xc3: {  	_ =	shalt  }
tec
execute0_lowered:
.L_overlay_start_1:
0x0: {  	(tag) =	ssettag $0x1  }
0x1: {  	s3 =	rddreg [dreg:$0x0]  }
0x2: {  	s7 =	rddreg [dreg:$0x1];
	s2 =	srdreg.scid  }
0x3: {  	s1 =	stileid.u32;
	s0 =	rddreg [dreg:$0x2];
	s12 =	simm.s32 $0x80  }
0x4: {  	s13 =	simm.s32 $0x400;
	s14 =	simm.s32 $0x3200;
	s15 =	simm.s32 $0x0  }
0x5: {  	s4 =	sand.u32 $0x1, s2;
	s5 =	sshll.u32 s1, $0x1;
	s6 =	sshrl.u32 s1, $0x2  }
0x6: {  	s2 =	simm.s32 $0x0;
	s5 =	sor.u32 s4, s5;
	s9 =	smul.u32 $0x6400, s6  }
0x7: {  	[smem:$0x7FF] =	sst s2;
	s4 =	ssub.s32 $0x2, s4;
	s6 =	smul.u32 $0x2400, s6  }
0x8: {  	s8 =	sshll.u32 s5, $0x7;
	s10 =	smul.u32 $0x640, s5;
	s11 =	sshrl.u32 s4, $0x1  }
0x9: {  	_ =	strace $0x80000047;
	s8 =	sand.u32 $0x380, s8;
	s11 =	ssub.s32 s4, s11  }
0xa: {  	s9 =	sor.u32 s9, s8;
	s10 =	sadd.s32 s10, s3;
	s8 =	sor.u32 s6, s8  }
0xb: {  	s9 =	sshrl.u32 s9, $0x3;
	s4 =	sadd.s32 $0x3E00, s10;
	s8 =	sshrl.u32 s8, $0x3  }
0xc: {  	s10 =	simm.s32 $0x4B00;
	s9 =	sadd.s32 s9, s3;
	s3 =	smul.u32 $0xC80, s5  }
0xd: {  	v0 =	vlaneseq.u32;
	v1 =	vimm.s32 $0x0;
	vm0 =	vcmask $0x3F3C;
	s7 =	sadd.s32 s7, s8;
	s8 =	smax.u32 s11, $0x1;
	s11 =	simm.s32 $0x3E80  }
0xe: {  	v2 =	vmul.u32 $0x4, v0;
	v3 =	vor.u32 $0x80000000, v0;
	v4 =	vadd.s32 $0x1, v0;
	s5 =	sadd.s32 $0x10600, s9;
	s6 =	sadd.s32 $0x13800, s9;
	s9 =	simm.s32 $0x1  }
.LBB2_1:
0xf: {  	[tilespmem:s2], [sflag:$0x1] =	stream.linear.gather [hbm4b:s4+s2], $0x3200, $0x38;
	[tilespmem:$0x5080] =	vst v63  }
0x10: {  	_ =	swait.ge [sflag:s9], $0x3200  }
0x11: {  	[sflag:s9] =	ssyncset.done $0x0  }
0x12: {  	s16 =	simm.s32 $0x0;
	[sflag:s9] =	ssyncadd.s32 $0xFFFFCE00  }
.LBB2_2:
0x13: {  	p0 =	sne.s32 s16, $0x1000  }
.Ltmp0:
0x14: {  	_ = 	snop;
	(pc) =	sbr.rel @p0 .LBB2_2-.Ltmp0, $3  }
0x15: {  	_ =	sdelay $0x1  }
0x16: {  	s17 =	sshra.s32 s16, $0x2  }
0x17: {  	s16 =	sadd.s32 $0x40, s16;
	[tilespmem:s17+$0x4B00] =	vst v1  }
0x18: {  	s18 =	simm.s32 $0x0  }
0x19: {  	v5 =	vmov s18  }
0x1a: {  	v5 =	vshll.u32 v5, $0x2  }
0x1b: {  	v5 =	vor.u32 v2, v5  }
0x1c: {  	v6 =	vor.u32 $0x1, v5  }
0x1d: {  	v7 =	vor.u32 $0x2, v5  }
0x1e: {  	v8 =	vor.u32 $0x3, v5;
	_ =	sdelay $0x1  }
0x1f: {  	v5 =	vld.idx.msk [tilespmem:v5+s2+$0x0], $0xffff  }
0x20: {  	v6 =	vld.idx.msk [tilespmem:v6+s2+$0x0], $0xffff  }
0x21: {  	v7 =	vld.idx.msk [tilespmem:v7+s2+$0x0], $0xffff  }
0x22: {  	v8 =	vld.idx.msk [tilespmem:v8+s2+$0x0], $0xffff;
	_ =	sdelay $0x2  }
0x23: {  	v5 =	vadd.s32 v5, v6  }
0x24: {  	v5 =	vadd.s32 v7, v5  }
0x25: {  	s16 =	sadd.s32 $0x0, s3;
	v5 =	vadd.s32 v8, v5  }
0x26: {  	p0 =	slt.u32 s16, $0x186A0;
	v5 =	vand.u32 $0x3FF, v5  }
0x27: {  	v5 =	vpsel !p0, $0x400, v5  }
0x28: {  	v6 =	vor.u32 $0x80000000, v5  }
0x29: {  	(xrf1) =	vsort.ascd.msk.u32 $0xffff, v6, v0;
	_ =	sdelay $0xd  }
0x2a: {  	s16 =	simm.s32 $0x3200;
	v6, v7, _ =	vpop (xrf1)  }
0x2b: {  	[tilespmem:s16+$0x0] =	vst v5;
	v11 =	vxor.u32 $0x80000000, v6  }
0x2c: {  	[tilespmem:$0x4F80] =	vst v11  }
0x2d: {  	[tilespmem:$0x4F81] =	vst v11  }
0x2e: {  	v5 =	vld [tilespmem:$0x4F80];
	_ =	sdelay $0x2  }
0x2f: {  	[tilespmem:$0x5001] =	vst v11  }
0x30: {  	[tilespmem:$0x5000] =	vst v11  }
0x31: {  	v6 =	vld [tilespmem:$0x5001];
	vm1 =	veq.s32 v11, v5  }
0x32: {  	v5 =	vsel vm1, $0x80000000, v3  }
0x33: {  	(xrf0) =	vmax.scan.msk.u32 $0xffff, v5;
	_ =	sdelay $0x2  }
0x34: {  	v8 =	vld.idx.msk [tilespmem:v11+s10+$0x0], $0xffff;
	vm1 =	vne.s32 v11, v6  }
0x35: {  	vm1 =	vmor vm1, vm0  }
0x36: {  	s17 =	simm.s32 $0x10  }
0x37: {  	v5 =	vmov s17;
	v6, _, _ =	vpop (xrf0)  }
0x38: {  	v7 =	vadd.s32 s18, v7;
	v5 =	vshll.u32 v5, $0x2;
	v6 =	vxor.u32 $0x80000000, v6  }
0x39: {  	v5 =	vor.u32 v2, v5;
	v10 =	vsub.s32 v8, v6  }
0x3a: {  	v6 =	vor.u32 $0x1, v5;
	v12 =	vadd.s32 v4, v10  }
0x3b: {  	s18 =	simm.s32 $0x20;
	v9 =	vor.u32 $0x3, v5;
	v8 =	vor.u32 $0x2, v5;
	v10 =	vadd.s32 v0, v10;
	[tilespmem:v11+s10+$0x0] =	vst.idx.msk vm1, v12  }
.LBB2_4:
0x3c: {  	p0 =	sne.s32 s18, $0xC70  }
0x3d: {  	[tilespmem:v7+s11+$0x0] =	vst.idx.msk $0xffff, v10;
	s16 =	sadd.s32 $0x10, s16;
	s19 =	smov.u32 s18;
	s18 =	sadd.s32 $0x10, s18  }
0x3e: {  	v5 =	vld.idx.msk [tilespmem:v5+s2+$0x0], $0xffff  }
0x3f: {  	v6 =	vld.idx.msk [tilespmem:v6+s2+$0x0], $0xffff  }
0x40: {  	v7 =	vld.idx.msk [tilespmem:v8+s2+$0x0], $0xffff  }
0x41: {  	v8 =	vld.idx.msk [tilespmem:v9+s2+$0x0], $0xffff;
	_ =	sdelay $0x3  }
0x42: {  	v5 =	vadd.s32 v5, v6  }
0x43: {  	v5 =	vadd.s32 v7, v5  }
0x44: {  	s20 =	sadd.s32 s3, s17;
	v5 =	vadd.s32 v8, v5  }
0x45: {  	p1 =	slt.u32 s20, $0x186A0;
	v5 =	vand.u32 $0x3FF, v5  }
0x46: {  	v5 =	vpsel !p1, $0x400, v5  }
0x47: {  	v6 =	vor.u32 $0x80000000, v5  }
0x48: {  	(xrf1) =	vsort.ascd.msk.u32 $0xffff, v6, v0;
	_ =	sdelay $0xd  }
0x49: {  	v6, v7, _ =	vpop (xrf1)  }
0x4a: {  	[tilespmem:s16+$0x0] =	vst v5;
	v11 =	vxor.u32 $0x80000000, v6  }
0x4b: {  	[tilespmem:$0x4F80] =	vst v11  }
0x4c: {  	[tilespmem:$0x4F81] =	vst v11  }
0x4d: {  	v5 =	vld [tilespmem:$0x4F80];
	[tilespmem:$0x5001] =	vst v11  }
0x4e: {  	[tilespmem:$0x5000] =	vst v11  }
0x4f: {  	v9 =	vld.idx.msk [tilespmem:v11+s10+$0x0], $0xffff;
	_ =	sdelay $0x2  }
0x50: {  	v6 =	vld [tilespmem:$0x5001];
	vm1 =	veq.s32 v11, v5  }
0x51: {  	v5 =	vsel vm1, $0x80000000, v3  }
0x52: {  	(xrf0) =	vmax.scan.msk.u32 $0xffff, v5;
	_ =	sdelay $0x2  }
0x53: {  	vm1 =	vne.s32 v11, v6  }
0x54: {  	vm1 =	vmor vm1, vm0  }
0x55: {  	v5 =	vmov s19  }
.Ltmp1:
0x56: {  	v7 =	vadd.s32 s17, v7;
	s17 =	smov.u32 s19;
	v5 =	vshll.u32 v5, $0x2;
	v6, _, _ =	vpop (xrf0);
	(pc) =	sbr.rel @p0 .LBB2_4-.Ltmp1, $4  }
0x57: {  	v5 =	vor.u32 v2, v5;
	v10 =	vxor.u32 $0x80000000, v6  }
0x58: {  	v8 =	vor.u32 $0x2, v5;
	v6 =	vor.u32 $0x1, v5;
	v10 =	vsub.s32 v9, v10  }
0x59: {  	v9 =	vor.u32 $0x3, v5;
	v12 =	vadd.s32 v4, v10  }
0x5a: {  	v10 =	vadd.s32 v0, v10;
	[tilespmem:v11+s10+$0x0] =	vst.idx.msk vm1, v12  }
0x5b: {  	_ =	sdelay $0x3  }
0x5c: {  	[tilespmem:v7+s11+$0x0] =	vst.idx.msk $0xffff, v10  }
0x5d: {  	v5 =	vld.idx.msk [tilespmem:v5+s2+$0x0], $0xffff  }
0x5e: {  	v6 =	vld.idx.msk [tilespmem:v6+s2+$0x0], $0xffff  }
0x5f: {  	v7 =	vld.idx.msk [tilespmem:v8+s2+$0x0], $0xffff  }
0x60: {  	v61 =	vld.idx.msk [tilespmem:v9+s2+$0x0], $0xffff;
	_ =	sdelay $0x2  }
0x61: {  	v5 =	vadd.s32 v5, v6  }
0x62: {  	v5 =	vadd.s32 v7, v5  }
0x63: {  	s18 =	sadd.s32 s3, s17;
	v5 =	vadd.s32 v61, v5  }
0x64: {  	p0 =	slt.u32 s18, $0x186A0;
	v5 =	vand.u32 $0x3FF, v5  }
0x65: {  	v5 =	vpsel !p0, $0x400, v5  }
0x66: {  	v6 =	vor.u32 $0x80000000, v5  }
0x67: {  	(xrf1) =	vsort.ascd.msk.u32 $0xffff, v6, v0;
	_ =	sdelay $0xd  }
0x68: {  	s16 =	sadd.s32 $0x10, s16;
	v6, v7, _ =	vpop (xrf1)  }
0x69: {  	[tilespmem:s16+$0x0] =	vst v5;
	v5 =	vxor.u32 $0x80000000, v6  }
0x6a: {  	[tilespmem:$0x4F80] =	vst v5  }
0x6b: {  	[tilespmem:$0x4F81] =	vst v5  }
0x6c: {  	v6 =	vld [tilespmem:$0x4F80];
	_ =	sdelay $0x2  }
0x6d: {  	[tilespmem:$0x5001] =	vst v5  }
0x6e: {  	[tilespmem:$0x5000] =	vst v5  }
0x6f: {  	v62 =	vld [tilespmem:$0x5001];
	vm1 =	veq.s32 v5, v6  }
0x70: {  	v6 =	vsel vm1, $0x80000000, v3  }
0x71: {  	(xrf0) =	vmax.scan.msk.u32 $0xffff, v6;
	_ =	sdelay $0x2  }
0x72: {  	vm1 =	vne.s32 v5, v62;
	v6 =	vld.idx.msk [tilespmem:v5+s10+$0x0], $0xffff  }
0x73: {  	vm1 =	vmor vm1, vm0;
	_ =	sdelay $0x1  }
0x74: {  	v7 =	vadd.s32 s17, v7;
	v63, _, _ =	vpop (xrf0)  }
0x75: {  	v8 =	vxor.u32 $0x80000000, v63  }
0x76: {  	v6 =	vsub.s32 v6, v8  }
0x77: {  	v8 =	vadd.s32 v4, v6  }
0x78: {  	v6 =	vadd.s32 v0, v6;
	[tilespmem:v5+s10+$0x0] =	vst.idx.msk vm1, v8  }
0x79: {  	[tilespmem:v7+s11+$0x0] =	vst.idx.msk $0xffff, v6  }
0x7a: {  	[hbm4b:s5+s12] =	stream.strided.scatter [tilespmem:s14], [sflag:$0x1], $0xC80, s13, s12, $0x38;
	[tilespmem:$0x5080] =	vst v63  }
0x7b: {  	_ =	swait.ge [sflag:s9], $0xC80  }
0x7c: {  	[sflag:s9] =	ssyncset.done $0x0  }
0x7d: {  	[sflag:s9] =	ssyncadd.s32 $0xFFFFF380  }
0x7e: {  	[hbm4b:s6+s12] =	stream.strided.scatter [tilespmem:s11], [sflag:$0x1], $0xC80, s13, s12, $0x38;
	[tilespmem:$0x5080] =	vst v63  }
0x7f: {  	s15 =	sadd.s32 $0x1, s15;
	_ =	swait.ge [sflag:s9], $0xC80  }
0x80: {  	p0 =	sne.s32 s15, s8;
	[sflag:s9] =	ssyncset.done $0x0  }
.Ltmp2:
0x81: {  	[sflag:s9] =	ssyncadd.s32 $0xFFFFF380;
	(pc) =	sbr.rel @p0 .LBB2_1-.Ltmp2, $4  }
0x82: {  	[hbm4b:s7+s12] =	stream.strided.scatter [tilespmem:s10], [sflag:$0x1], $0x480, s13, s12, $0x38;
	[tilespmem:$0x5080] =	vst v63  }
0x83: {  	_ =	swait.ge [sflag:s9], $0x480  }
0x84: {  	[sflag:s9] =	ssyncset.done $0x0  }
0x85: {  	[sflag:s9] =	ssyncadd.s32 $0xFFFFFB80  }
0x86: {  	_ =	sfence.sel $0x180000  }
0x87: {  	[bflag:$0x0] =	sbarrier.arrive $0xFFFF  }
0x88: {  	p0 =	sne.s32 s1, $0x0;
	_ =	strace $0x90000047  }
0x89: {  	s0 =	sadd.s32 @!p0 $0x100000, s0;
	[bflag:$0x2] =	sbarrier.arrive $0xFFFF  }
0x8a: {  	[sflag:s0] =	ssyncadd.tile.s32 @!p0 $0x1;
	_ =	shalt  }
.Lfunc_end2:
_tile_overlayer_lowered:
.L_overlay_start_2:
0x8b: {  	(tag) =	ssettag $0x2  }
0x8c: {  	s0 =	rddreg [dreg:$0x0];
	s2 =	stileid.u32  }
0x8d: {  	s1 =	rddreg [dreg:$0x1];
	p0 =	sne.s32 s2, $0x0  }
0x8e: {  	s3 =	rddreg [dreg:$0x2];
	[bflag:$0x3] =	sbarrier.arrive $0xFFFF;
	s2 =	simm.s32 @!p0 $0x1C01  }
0x8f: {  	[timem:s3], [sflag:s2] =	dma.local @!p0 [hbm:s0], s1  }
0x90: {  	s0 =	simm.s32 @!p0 $0x1  }
0x91: {  	_ =	swait.ge @!p0 [sflag:s0], s1  }
0x92: {  	s1 =	ssub.s32 @!p0 $0x0, s1;
	[sflag:s0] =	ssyncset.done @!p0 $0x0  }
0x93: {  	[sflag:s0] =	ssyncadd.s32 @!p0 s1  }
0x94: {  	[bflag:$0x3] =	sbarrier.arrive $0xFFFF  }
0x95: {  	_ =	shalt  }

// kernel: kernel.9.cloned.1.call-start
scs
__scs_entry_jumppad:
0x0: {  	(pc) =	sbr.rel $0x88, $3  }
0x1: {  	(tag) =	ssettag $0x0;
	lr =	simm.s32 $0x1  }
0x2: {  	[smem:$0x3F99] =	sst lr;
	_ =	strace $0xD0000000  }
0x3: {  	_ = 	snop  }
0x4: {  	_ = 	snop  }
0x5: {  	_ = 	snop  }
0x6: {  	_ = 	snop  }
0x7: {  	_ = 	snop  }
__scs_overlays_trampoline_lowered:
0x8: {  	[smem:$0x3FA8] =	sst s0  }
0x9: {  	[smem:$0x3FA9] =	sst s1  }
0xa: {  	[smem:$0x3FAA] =	sst s2  }
0xb: {  	[smem:$0x3FAB] =	sst s3  }
0xc: {  	[smem:$0x3FAC] =	sst s4  }
0xd: {  	[smem:$0x3FAD] =	sst s5  }
0xe: {  	[smem:$0x3FAE] =	sst s6  }
0xf: {  	[smem:$0x3FAF] =	sst s7  }
0x10: {  	[smem:$0x3FB0] =	sst s8  }
0x11: {  	[smem:$0x3FB1] =	sst s9;
	s0 =	simm.s32 @!p0 $0x0  }
0x12: {  	s1 =	sld [smem:$0x3F97];
	s0 =	simm.s32 @p0 $0x1  }
0x13: {  	[smem:$0x3FB2] =	sst s0;
	s0 =	simm.s32 @!p1 $0x0  }
0x14: {  	s2 =	sld [smem:$0x3F96];
	s0 =	simm.s32 @p1 $0x1  }
0x15: {  	[smem:$0x3FB3] =	sst s0;
	s0 =	simm.s32 @!p2 $0x0  }
0x16: {  	s3 =	sld [smem:$0x3FDB];
	s0 =	simm.s32 @p2 $0x1  }
0x17: {  	s4 =	simm.s32 $0x1BF5;
	[smem:$0x3FB5] =	sst s0  }
0x18: {  	s0 =	sld [smem:$0x3F98];
	_ =	swait.ge [sflag:s4], $0x0  }
0x19: {  	s7 =	sld [smem:$0x3F99]  }
0x1a: {  	s8 =	sadd.s32 $0xFFFFE003, lr  }
0x1b: {  	s9 =	sadd.s32 $0xFFFFFEF7, lr;
	s5 =	simm.s32 $0xFFFFFFFF;
	p2 =	slt.u32 s8, $0xFFFFF086  }
0x1c: {  	p1 =	slt.u32 s9, $0xF7A;
	s5 =	simm.s32 @!p2 $0x0  }
0x1d: {  	s5 =	simm.s32 @p1 $0x1;
	p0 =	seq.s32 s7, s2  }
0x1e: {  	s7 =	smul.u32 @!p0 $0xF7A, s2;
	p2 =	seq.s32 @!p0 s5, $0x0  }
0x1f: {  	s9 =	smul.u32 $0xF7A, s1;
	s8 =	simm.s32 @!p0 $0x1BF5;
	p2 =	por !p2, p0  }
0x20: {  	[sflag:s8] =	ssyncset.s32 @!p0 $0xFFFFF086;
	s6 =	sadd.s32 @!p0 s3, s7;
	s7 =	simm.s32 @!p0 $0x108  }
0x21: {  	s3 =	sadd.s32 s3, s9;
	s6 =	sadd.s32 @!p0 $0x88, s6;
	s7 =	simm.s32 @p2 $0x1082  }
0x22: {  	[simem:s7], [sflag:s8] =	dma.local @!p0 [hbm:s6], $0xF7A  }
0x23: {  	s9 =	sor.u32 $0xD0000000, s2;
	s6 =	simm.s32 $0x108;
	_ =	swait.ge @!p0 [sflag:s8], $0x0  }
0x24: {  	s3 =	sadd.s32 $0x88, s3;
	s6 =	simm.s32 @!p1 $0x1082;
	[sflag:s4] =	ssyncset.s32 $0xFFFFF086  }
0x25: {  	[simem:s6], [sflag:s4] =	dma.local [hbm:s3], $0xF7A  }
0x26: {  	[smem:$0x3F99] =	sst s1;
	(tag) =	ssettag s2;
	_ =	strace s9  }
0x27: {  	s1 =	sld [smem:$0x3FA9]  }
0x28: {  	s2 =	sld [smem:$0x3FAA]  }
0x29: {  	s4 =	sld [smem:$0x3FAC]  }
0x2a: {  	p0 =	seq.s32 s5, $0x0;
	s5 =	sld [smem:$0x3FAD]  }
0x2b: {  	s6 =	sld [smem:$0x3FAE]  }
0x2c: {  	s7 =	sld [smem:$0x3FAF]  }
0x2d: {  	s3 =	simm.s32 $0x108;
	s8 =	sld [smem:$0x3FB0]  }
0x2e: {  	s3 =	simm.s32 @!p0 $0x1082;
	s9 =	sld [smem:$0x3FB1]  }
0x2f: {  	lr =	sadd.s32 s0, s3;
	s0 =	sld [smem:$0x3FA8]  }
0x30: {  	s3 =	sld [smem:$0x3FAB]  }
0x31: {  	[smem:$0x3FB4] =	sst s10  }
0x32: {  	s10 =	sld [smem:$0x3FB2];
	_ =	sdelay $0x3  }
0x33: {  	p0 =	seq.s32 s10, $0x1;
	s10 =	sld [smem:$0x3FB4];
	_ =	sdelay $0x3  }
0x34: {  	[smem:$0x3FB4] =	sst s10  }
0x35: {  	s10 =	sld [smem:$0x3FB3];
	_ =	sdelay $0x3  }
0x36: {  	p1 =	seq.s32 s10, $0x1;
	s10 =	sld [smem:$0x3FB4];
	_ =	sdelay $0x3  }
0x37: {  	[smem:$0x3FB4] =	sst s10  }
0x38: {  	s10 =	sld [smem:$0x3FB5]  }
0x39: {  	_ = 	snop;
	(pc) =	sbr.ind lr, $3  }
0x3a: {  	_ = 	snop  }
0x3b: {  	_ = 	snop  }
0x3c: {  	p2 =	seq.s32 s10, $0x1;
	s10 =	sld [smem:$0x3FB4]  }
0x3d: {  	_ =	shalt  }
0x3e: {  	_ =	shalt  }
0x3f: {  	_ =	shalt  }
0x40: {  	_ =	shalt  }
0x41: {  	_ =	shalt  }
0x42: {  	_ =	shalt  }
0x43: {  	_ =	shalt  }
0x44: {  	_ =	shalt  }
0x45: {  	_ =	shalt  }
0x46: {  	_ =	shalt  }
0x47: {  	_ =	shalt  }
0x48: {  	_ =	shalt  }
0x49: {  	_ =	shalt  }
0x4a: {  	_ =	shalt  }
0x4b: {  	_ =	shalt  }
0x4c: {  	_ =	shalt  }
0x4d: {  	_ =	shalt  }
0x4e: {  	_ =	shalt  }
0x4f: {  	_ =	shalt  }
0x50: {  	_ =	shalt  }
0x51: {  	_ =	shalt  }
0x52: {  	_ =	shalt  }
0x53: {  	_ =	shalt  }
0x54: {  	_ =	shalt  }
0x55: {  	_ =	shalt  }
0x56: {  	_ =	shalt  }
0x57: {  	_ =	shalt  }
0x58: {  	_ =	shalt  }
0x59: {  	_ =	shalt  }
0x5a: {  	_ =	shalt  }
0x5b: {  	_ =	shalt  }
0x5c: {  	_ =	shalt  }
0x5d: {  	_ =	shalt  }
0x5e: {  	_ =	shalt  }
0x5f: {  	_ =	shalt  }
0x60: {  	_ =	shalt  }
0x61: {  	_ =	shalt  }
0x62: {  	_ =	shalt  }
0x63: {  	_ =	shalt  }
0x64: {  	_ =	shalt  }
0x65: {  	_ =	shalt  }
0x66: {  	_ =	shalt  }
0x67: {  	_ =	shalt  }
0x68: {  	_ =	shalt  }
0x69: {  	_ =	shalt  }
0x6a: {  	_ =	shalt  }
0x6b: {  	_ =	shalt  }
0x6c: {  	_ =	shalt  }
0x6d: {  	_ =	shalt  }
0x6e: {  	_ =	shalt  }
0x6f: {  	_ =	shalt  }
0x70: {  	_ =	shalt  }
0x71: {  	_ =	shalt  }
0x72: {  	_ =	shalt  }
0x73: {  	_ =	shalt  }
0x74: {  	_ =	shalt  }
0x75: {  	_ =	shalt  }
0x76: {  	_ =	shalt  }
0x77: {  	_ =	shalt  }
0x78: {  	_ =	shalt  }
0x79: {  	_ =	shalt  }
0x7a: {  	_ =	shalt  }
0x7b: {  	_ =	shalt  }
0x7c: {  	_ =	shalt  }
0x7d: {  	_ =	shalt  }
0x7e: {  	_ =	shalt  }
0x7f: {  	_ =	shalt  }
0x80: {  	_ =	shalt  }
0x81: {  	_ =	shalt  }
0x82: {  	_ =	shalt  }
0x83: {  	_ =	shalt  }
0x84: {  	_ =	shalt  }
0x85: {  	_ =	shalt  }
0x86: {  	_ =	shalt  }
0x87: {  	_ =	shalt  }
.Lfunc_end0:
.L_simem_size_0:
called_computation.1_lowered:
.L_overlay_start_0:
0x88: {  	s2 =	sld [smem:$0x3FD9]  }
0x89: {  	s3 =	sld [smem:$0x3FFE];
	_ =	sdelay $0x1  }
0x8a: {  	s1 =	srdreg.scid  }
0x8b: {  	s0 =	sand.u32 $0x1, s1  }
0x8c: {  	s17 =	sshll.u32 s0, $0xA;
	s2 =	sadd.s32 s3, s2  }
0x8d: {  	s2 =	sadd.s32 s2, s17  }
0x8e: {  	[smem:$0x3FC0] =	sst s2  }
0x8f: {  	_ = 	snop  }
0x90: {  	s2 =	sld [smem:$0x3FD0];
	(tm) =	ssettm $0x1  }
0x91: {  	s18 =	sld [smem:$0x3FFB];
	_ =	sdelay $0x3  }
0x92: {  	_ =	strace s18  }
0x93: {  	s3 =	sld [smem:$0x3FFC];
	_ =	sdelay $0x3  }
0x94: {  	_ =	strace s3  }
0x95: {  	s3 =	sld [smem:$0x3FFD];
	_ =	sdelay $0x3  }
0x96: {  	_ =	strace s3  }
0x97: {  	_ =	strace $0x8FFFFFFF  }
0x98: {  	s19 =	sld [smem:$0x3FDB];
	_ =	sdelay $0x1  }
0x99: {  	s4 =	simm.s32 $_scs_section_size  }
0x9a: {  	s5 =	simm.s32 $_size__tile_overlayer_lowered;
	s6 =	simm.s32 $_tile_overlayer_lowered  }
0x9b: {  	s22 =	simm.s32 $0x1BFF;
	s21 =	sshll.u32 s6, $0x1;
	s3 =	sadd.s32 s4, s19  }
0x9c: {  	s7 =	simm.s32 $0x0;
	s20 =	sshll.u32 s5, $0x1;
	s5 =	sadd.s32 s21, s3  }
0x9d: {  	[timem:s7], [sflag:s22] =	dma.local [hbm:s5], s20  }
0x9e: {  	_ =	swait.ge [sflag:s22], s20  }
0x9f: {  	s4 =	ssub.s32 $0x0, s20;
	[sflag:s22] =	ssyncset.done $0x0  }
0xa0: {  	[sflag:s22] =	ssyncadd.s32 s4;
	_ =	sdelay $0x1  }
0xa1: {  	s23 =	simm.s32 $0x1B8B  }
0xa2: {  	_ =	swait.ge [sflag:s23], $0x1  }
0xa3: {  	[sflag:s23] =	ssyncset.done $0x0  }
0xa4: {  	s25 =	simm.s32 $0x1B8E;
	s24 =	sld [smem:$0x3FFE];
	[sflag:s23] =	ssyncadd.s32 $0xFFFFFFFF  }
0xa5: {  	s26 =	simm.s32 $execute0_lowered;
	[smem:$0x3FD2] =	sst s25  }
0xa6: {  	s5 =	sshll.u32 s26, $0x1;
	_ =	strace $0x80000049;
	[dreg:$0x1] =	wrdreg $0xFFFFFFFF  }
0xa7: {  	s28 =	simm.s32 $_size_execute0_lowered;
	s3 =	sadd.s32 s3, s5;
	[dreg:$0x0] =	wrdreg $0x0  }
0xa8: {  	s5 =	sshll.u32 s28, $0x1;
	[dreg:$0x2] =	wrdreg s3  }
0xa9: {  	[dreg:$0x3] =	wrdreg s5  }
0xaa: {  	[dreg:$0x4] =	wrdreg $0xC0  }
0xab: {  	_ =	task [dreg:s7], $0x5FFFF  }
0xac: {  	[dreg:$0x1] =	wrdreg $0xFFFFFFFF  }
0xad: {  	[dreg:$0x0] =	wrdreg $0x60  }
0xae: {  	[dreg:$0x2] =	wrdreg s24  }
0xaf: {  	[dreg:$0x3] =	wrdreg s2  }
0xb0: {  	[dreg:$0x4] =	wrdreg $0xF0000  }
0xb1: {  	[dreg:$0x5] =	wrdreg $0x9  }
0xb2: {  	_ =	task.clear_ibuf [dreg:s7], $0x6FFFF;
	_ =	strace $0x90000049  }
0xb3: {  	s29 =	simm.s32 $0x9;
	_ =	strace $0x8000004B  }
0xb4: {  	_ =	swait.ge [sflag:s29], $0x1  }
0xb5: {  	[sflag:s29] =	ssyncadd.s32 $0xFFFFFFFF  }
0xb6: {  	_ =	strace $0x9000004B  }
0xb7: {  	_ =	sfence  }
0xb8: {  	s30 =	sld [smem:$0x0];
	_ =	sdelay $0x2  }
0xb9: {  	s31 =	sshll.u32 s1, $0xD;
	s1 =	sshrl.u32 s1, $0x2  }
0xba: {  	s3 =	sand.u32 $0x4000, s31;
	s1 =	sadd.s32 s1, s30  }
0xbb: {  	s0 =	sor.u32 s3, s0;
	s1 =	sshll.u32 s1, $0x11  }
0xbc: {  	s0 =	sor.u32 s1, s0  }
0xbd: {  	s0 =	sadd.s32 $0x8F2B, s0  }
0xbe: {  	[sflag:s0] =	ssyncadd.remote.s32 $0x1  }
0xbf: {  	_ =	sfence.sel $0xFFFF  }
0xc0: {  	[dreg:$0x0] =	wrdreg $0xFFFFFFFF;
	(pc) =	sbr.abs _section_cstart, $3  }
0xc1: {  	[dreg:$0x1] =	wrdreg $0xFFFFFFFF  }
0xc2: {  	_ =	task.clear_ibuf [dreg:s7], $0x2FFFF;
	_ =	strace $0x9FFFFFFF  }
0xc3: {  	(tm) =	ssettm $0x7FFFFFFF  }
tec
execute0_lowered:
.L_overlay_start_1:
0x0: {  	(tag) =	ssettag $0x1  }
0x1: {  	s0 =	srdreg.scid;
	s3 =	rddreg [dreg:$0x0]  }
0x2: {  	s19 =	stileid.u32;
	s8 =	rddreg [dreg:$0x1]  }
0x3: {  	s2 =	rddreg [dreg:$0x2];
	s9 =	simm.s32 $0x0;
	s17 =	simm.s32 $0x80  }
0x4: {  	s18 =	simm.s32 $0x400;
	s20 =	simm.s32 $0x2;
	s22 =	simm.s32 $0x1D80  }
0x5: {  	s23 =	simm.s32 $0x1;
	s0 =	sand.u32 $0x1, s0;
	s1 =	sshll.u32 s19, $0x1  }
0x6: {  	s6 =	sshrl.u32 s19, $0x2;
	[smem:$0x7FF] =	sst s9;
	s29 =	smul.u32 $0xFFFFE700, s19  }
0x7: {  	s30 =	sshll.u32 s19, $0xC;
	s31 =	sshll.u32 s19, $0x4;
	p0 =	seq.s32 s19, $0xE  }
0x8: {  	p1 =	sne.s32 s19, $0xF;
	p3 =	seq.s32 s19, $0xF;
	s1 =	sor.u32 s0, s1  }
0x9: {  	s5 =	smul.u32 $0x6400, s6;
	_ =	strace $0x8000004A;
	s10 =	sshll.u32 s0, $0x10  }
0xa: {  	s11 =	sshll.u32 s0, $0x4;
	s12 =	ssub.s32 $0x2, s0;
	s6 =	smul.u32 $0x2400, s6  }
0xb: {  	s0 =	smul.u32 $0xFFFFF380, s0;
	p2 =	sne.s32 @p1 s19, $0xE;
	s4 =	sshll.u32 s1, $0x7  }
0xc: {  	s10 =	sadd.s32 s10, s3;
	s13 =	sshrl.u32 s12, $0x1;
	p2 =	por p2, !p1  }
0xd: {  	s7 =	sand.u32 $0x380, s4;
	s16 =	ssub.s32 s12, s13;
	s0 =	sadd.s32 s29, s0  }
0xe: {  	s12 =	sand.u32 $0x70, s31;
	s4 =	sor.u32 s5, s7;
	s5 =	smul.u32 $0xC80, s1  }
0xf: {  	s6 =	sor.u32 s6, s7;
	s1 =	smul.u32 $0x6400, s1;
	s0 =	sadd.s32 $0x186A0, s0  }
0x10: {  	s16 =	smax.u32 s16, $0x1;
	s4 =	sshrl.u32 s4, $0x3;
	s6 =	sshrl.u32 s6, $0x3  }
0x11: {  	s0 =	smulhi.u32 $0xCCCCCCCD, s0;
	s24 =	sadd.s32 s4, s3;
	s4 =	sadd.s32 $0x19D400, s3  }
0x12: {  	s14 =	ssub.s32 $0x186A0, s5;
	s3 =	sadd.s32 s11, s3;
	s6 =	sadd.s32 s8, s6  }
0x13: {  	s25 =	smulhi.u32 $0x199999A, s14;
	s26 =	sadd.s32 $0x10600, s24;
	s28 =	sadd.s32 $0x13800, s24  }
0x14: {  	[dreg:$0x6] =	wrdreg s6;
	s6 =	sand.u32 $0x8000, s30;
	s0 =	sshrl.u32 s0, $0x7  }
0x15: {  	s14 =	sadd.s32 $0x5DE0, s3;
	s24 =	simm.s32 $0x0;
	[dreg:$0x4] =	wrdreg s26  }
0x16: {  	[dreg:$0x5] =	wrdreg s28;
	s6 =	sadd.s32 s6, s10;
	s10 =	sadd.s32 s4, s1  }
0x17: {  	s15 =	smin.u32 s0, $0x14;
	s9 =	smin.u32 s25, $0x14;
	s6 =	sadd.s32 s12, s6  }
0x18: {  	v0 =	vimm.f32 $0.0e+00;
	s12 =	sadd.s32 $0x3E00, s3;
	s11 =	sadd.s32 $0x16A00, s6;
	s13 =	sadd.s32 $0x36A00, s6  }
.LBB2_1:
0x19: {  	s0 =	rddreg [dreg:$0x4];
	s1 =	simm.s32 $0x480  }
0x1a: {  	[tilespmem:s1], [sflag:$0x2] =	stream.strided.gather [hbm4b:s0+s17], $0xC80, s18, s17, $0x38;
	[tilespmem:$0xF008] =	vst v63  }
0x1b: {  	_ =	swait.ge [sflag:s20], $0xC80  }
0x1c: {  	[sflag:s20] =	ssyncset.done $0x0  }
0x1d: {  	s29 =	simm.s32 $0x1100;
	s28 =	rddreg [dreg:$0x5];
	[sflag:s20] =	ssyncadd.s32 $0xFFFFF380  }
0x1e: {  	[tilespmem:s29], [sflag:$0x2] =	stream.strided.gather [hbm4b:s28+s17], $0xC80, s18, s17, $0x38;
	[tilespmem:$0xF008] =	vst v63  }
0x1f: {  	_ =	swait.ge [sflag:s20], $0xC80  }
0x20: {  	[sflag:s20] =	ssyncset.done $0x0  }
0x21: {  	s30 =	simm.s32 $0x0;
	s31 =	rddreg [dreg:$0x6];
	[sflag:s20] =	ssyncadd.s32 $0xFFFFF380  }
0x22: {  	[tilespmem:s30], [sflag:$0x2] =	stream.strided.gather [hbm4b:s31+s17], $0x480, s18, s17, $0x38;
	[tilespmem:$0xF008] =	vst v63  }
0x23: {  	_ =	swait.ge [sflag:s20], $0x480  }
0x24: {  	[sflag:s20] =	ssyncset.done $0x0  }
0x25: {  	s0 =	simm.s32 $0x0;
	s1 =	simm.s32 $0x40;
	[sflag:s20] =	ssyncadd.s32 $0xFFFFFB80  }
.LBB2_2:
0x26: {  	p4 =	sne.s32 s1, $0x31C0;
	v1 =	vld [tilespmem:s0+$0x480];
	_ =	sdelay $0x6  }
0x27: {  	s3 =	simm.s32 $0x0  }
0x28: {  	v2 =	vld.idx.msk [tilespmem:v1+s3+$0x0], $0xffff  }
0x29: {  	v3 =	vld [tilespmem:s0+$0x1100];
	_ =	sdelay $0x3  }
.Ltmp0:
0x2a: {  	(pc) =	sbr.rel @p4 .LBB2_2-.Ltmp0, $4  }
0x2b: {  	v2 =	vadd.s32 v3, v2  }
0x2c: {  	vm0 =	vlt.s32 v2, $0x100  }
0x2d: {  	v1 =	vnsel vm0, $0x400, v1  }
0x2e: {  	[tilespmem:s0+$0x480] =	vst v1;
	s0 =	sshra.s32 s1, $0x2;
	s1 =	sadd.s32 $0x40, s1  }
0x2f: {  	v1 =	vld [tilespmem:s0+$0x480];
	_ =	sdelay $0x6  }
0x30: {  	v3 =	vld [tilespmem:s0+$0x1100]  }
0x31: {  	v2 =	vld.idx.msk [tilespmem:v1+s3+$0x0], $0xffff;
	_ =	sdelay $0x4  }
0x32: {  	v2 =	vadd.s32 v3, v2  }
0x33: {  	vm0 =	vlt.s32 v2, $0x100  }
0x34: {  	v1 =	vnsel vm0, $0x400, v1  }
0x35: {  	s1 =	simm.s32 $0x0;
	[tilespmem:s0+$0x480] =	vst v1;
	s0 =	simm.s32 $0x40  }
.LBB2_4:
0x36: {  	p4 =	sne.s32 s0, $0x207C0;
	[tilespmem:s1+$0x6D80] =	vst v0;
	s1 =	smov.u32 s0;
	s0 =	sadd.s32 $0x40, s0  }
.Ltmp1:
0x37: {  	(pc) =	sbr.rel @p4 .LBB2_4-.Ltmp1, $2  }
0x38: {  	_ =	sdelay $0x2  }
0x39: {  	s1 =	sshra.s32 s1, $0x2  }
0x3a: {  	[tilespmem:s1+$0x6D80] =	vst v0;
	s25 =	simm.s32 $0x0;
	s26 =	simm.s32 $0x480  }
0x3b: {  	[tilespmem:s22], [sflag:$0x1] =	stream.linear.gather [hbm4b:s10+s25], $0x2800, $0x38;
	[tilespmem:$0xF008] =	vst v63  }
.LBB2_7:
0x3c: {  	s0 =	smov.u32 s25;
	s25 =	sadd.s32 $0x1, s25  }
0x3d: {  	p4 =	sge.u32 s25, s9  }
0x3e: {  	s1 =	smul.u32 @!p4 $0xA0, s25;
	_ =	sdelay $0x1  }
0x3f: {  	s3 =	sand.u32 @!p4 $0x1, s25;
	s1 =	sadd.s32 @!p4 s5, s1  }
0x40: {  	p5 =	seq.s32 @!p4 s3, $0x1;
	s1 =	sshll.u32 @!p4 s1, $0x3  }
0x41: {  	s3 =	simm.s32 @!p4 $0x4580;
	p5 =	por !p5, p4;
	s1 =	sand.u32 @!p4 $0x1FFFFF00, s1  }
0x42: {  	s6 =	simm.s32 @!p4 $0x0;
	s3 =	simm.s32 @p5 $0x1D80;
	s1 =	sadd.s32 @!p4 s4, s1  }
0x43: {  	[tilespmem:s3], [sflag:$0x1] =	stream.linear.gather @!p4 [hbm4b:s1+s6], $0x2800, $0x38;
	[tilespmem:$0xF008] =	vst v63  }
0x44: {  	_ =	swait.ge [sflag:s23], $0x2800  }
0x45: {  	[sflag:s23] =	ssyncset.done $0x0  }
0x46: {  	[sflag:s23] =	ssyncadd.s32 $0xFFFFD800  }
0x47: {  	v1 =	vld [tilespmem:s26+$0x0];
	_ =	sdelay $0x4  }
0x48: {  	v1 =	vshll.u32 v1, $0x7  }
0x49: {  	v1 =	vshra.s32 v1, $0x2  }
0x4a: {  	(v2sf) =	vpush v1, $0x0;
	_ =	sdelay $0xa  }
0x4b: {  	s0 =	sand.u32 $0x1, s0  }
0x4c: {  	s28 =	simm.s32 $0x2800;
	p4 =	seq.s32 s0, $0x1  }
0x4d: {  	s28 =	simm.s32 @!p4 $0x0  }
0x4e: {  	s29 =	sadd.s32 $0x1F80, s28  }
0x4f: {  	v2 =	vld [tilespmem:s29+$0xFFFFFE00];
	s3 =	spop (v2sf)  }
0x50: {  	(v2sf) =	vpush v1, $0x1;
	v3 =	vld [tilespmem:s3+$0x6D80];
	_ =	sdelay $0x4  }
0x51: {  	v2 =	vadd.f32 v2, v3;
	_ =	sdelay $0x1  }
0x52: {  	[tilespmem:s3+$0x6D80] =	vst v2;
	v2 =	vld [tilespmem:s3+$0x6D90]  }
0x53: {  	v3 =	vld [tilespmem:s29+$0xFFFFFE10];
	_ =	sdelay $0x4  }
0x54: {  	v2 =	vadd.f32 v3, v2;
	_ =	sdelay $0x1  }
0x55: {  	s6 =	spop (v2sf);
	[tilespmem:s3+$0x6D90] =	vst v2  }
0x56: {  	v2 =	vld [tilespmem:s6+$0x6D80]  }
0x57: {  	(v2sf) =	vpush v1, $0x2;
	v3 =	vld [tilespmem:s29+$0xFFFFFE40];
	_ =	sdelay $0x4  }
0x58: {  	s0 =	sadd.s32 $0x0, s28;
	v2 =	vadd.f32 v3, v2  }
0x59: {  	s7 =	sadd.s32 $0x40, s0  }
0x5a: {  	s3 =	sor.u32 $0x50, s7;
	[tilespmem:s6+$0x6D80] =	vst v2;
	v2 =	vld [tilespmem:s6+$0x6D90]  }
0x5b: {  	v3 =	vld [tilespmem:s3+$0x1D80];
	_ =	sdelay $0x4  }
0x5c: {  	v2 =	vadd.f32 v3, v2;
	_ =	sdelay $0x1  }
0x5d: {  	s8 =	spop (v2sf);
	[tilespmem:s6+$0x6D90] =	vst v2  }
0x5e: {  	v2 =	vld [tilespmem:s8+$0x6D80]  }
0x5f: {  	(v2sf) =	vpush v1, $0x3;
	v3 =	vld [tilespmem:s29+$0xFFFFFE80];
	_ =	sdelay $0x4  }
0x60: {  	v2 =	vadd.f32 v3, v2;
	_ =	sdelay $0x1  }
0x61: {  	[tilespmem:s8+$0x6D80] =	vst v2;
	v2 =	vld [tilespmem:s8+$0x6D90]  }
0x62: {  	v3 =	vld [tilespmem:s29+$0xFFFFFE90];
	_ =	sdelay $0x4  }
0x63: {  	v2 =	vadd.f32 v3, v2;
	_ =	sdelay $0x1  }
0x64: {  	s19 =	spop (v2sf);
	[tilespmem:s8+$0x6D90] =	vst v2  }
0x65: {  	v2 =	vld [tilespmem:s19+$0x6D80]  }
0x66: {  	(v2sf) =	vpush v1, $0x4;
	v3 =	vld [tilespmem:s29+$0xFFFFFEC0];
	_ =	sdelay $0x4  }
0x67: {  	v2 =	vadd.f32 v3, v2  }
0x68: {  	s21 =	sadd.s32 $0xC0, s0  }
0x69: {  	s3 =	sor.u32 $0x50, s21;
	[tilespmem:s19+$0x6D80] =	vst v2;
	v2 =	vld [tilespmem:s19+$0x6D90]  }
0x6a: {  	v3 =	vld [tilespmem:s3+$0x1D80];
	_ =	sdelay $0x4  }
0x6b: {  	v2 =	vadd.f32 v3, v2;
	_ =	sdelay $0x1  }
0x6c: {  	s3 =	spop (v2sf);
	[tilespmem:s19+$0x6D90] =	vst v2  }
0x6d: {  	v2 =	vld [tilespmem:s3+$0x6D80]  }
0x6e: {  	(v2sf) =	vpush v1, $0x5;
	v3 =	vld [tilespmem:s29+$0xFFFFFF00];
	_ =	sdelay $0x4  }
0x6f: {  	v2 =	vadd.f32 v3, v2;
	_ =	sdelay $0x1  }
0x70: {  	[tilespmem:s3+$0x6D80] =	vst v2;
	v2 =	vld [tilespmem:s3+$0x6D90]  }
0x71: {  	v3 =	vld [tilespmem:s29+$0xFFFFFF10];
	_ =	sdelay $0x4  }
0x72: {  	v2 =	vadd.f32 v3, v2;
	_ =	sdelay $0x1  }
0x73: {  	s6 =	spop (v2sf);
	[tilespmem:s3+$0x6D90] =	vst v2  }
0x74: {  	v2 =	vld [tilespmem:s6+$0x6D80]  }
0x75: {  	(v2sf) =	vpush v1, $0x6;
	v3 =	vld [tilespmem:s29+$0xFFFFFF40];
	_ =	sdelay $0x4  }
0x76: {  	v2 =	vadd.f32 v3, v2  }
0x77: {  	s7 =	sadd.s32 $0x140, s0  }
0x78: {  	s3 =	sor.u32 $0x50, s7;
	[tilespmem:s6+$0x6D80] =	vst v2;
	v2 =	vld [tilespmem:s6+$0x6D90]  }
0x79: {  	v3 =	vld [tilespmem:s3+$0x1D80];
	_ =	sdelay $0x4  }
0x7a: {  	v2 =	vadd.f32 v3, v2;
	_ =	sdelay $0x1  }
0x7b: {  	s8 =	spop (v2sf);
	[tilespmem:s6+$0x6D90] =	vst v2  }
0x7c: {  	v2 =	vld [tilespmem:s8+$0x6D80]  }
0x7d: {  	(v2sf) =	vpush v1, $0x7;
	v3 =	vld [tilespmem:s29+$0xFFFFFF80];
	_ =	sdelay $0x4  }
0x7e: {  	v2 =	vadd.f32 v3, v2;
	_ =	sdelay $0x1  }
0x7f: {  	[tilespmem:s8+$0x6D80] =	vst v2;
	v2 =	vld [tilespmem:s8+$0x6D90]  }
0x80: {  	v3 =	vld [tilespmem:s29+$0xFFFFFF90];
	_ =	sdelay $0x4  }
0x81: {  	v2 =	vadd.f32 v3, v2;
	_ =	sdelay $0x1  }
0x82: {  	s19 =	spop (v2sf);
	[tilespmem:s8+$0x6D90] =	vst v2  }
0x83: {  	v2 =	vld [tilespmem:s19+$0x6D80]  }
0x84: {  	(v2sf) =	vpush v1, $0x8;
	v3 =	vld [tilespmem:s29+$0xFFFFFFC0];
	_ =	sdelay $0x4  }
0x85: {  	v2 =	vadd.f32 v3, v2  }
0x86: {  	s21 =	sadd.s32 $0x1C0, s0  }
0x87: {  	s3 =	sor.u32 $0x50, s21;
	[tilespmem:s19+$0x6D80] =	vst v2;
	v2 =	vld [tilespmem:s19+$0x6D90]  }
0x88: {  	v3 =	vld [tilespmem:s3+$0x1D80];
	_ =	sdelay $0x4  }
0x89: {  	v2 =	vadd.f32 v3, v2;
	_ =	sdelay $0x1  }
0x8a: {  	s6 =	spop (v2sf);
	[tilespmem:s19+$0x6D90] =	vst v2  }
0x8b: {  	v2 =	vld [tilespmem:s6+$0x6D80]  }
0x8c: {  	(v2sf) =	vpush v1, $0x9;
	v3 =	vld [tilespmem:s29+$0x0];
	_ =	sdelay $0x4  }
0x8d: {  	v2 =	vadd.f32 v3, v2;
	_ =	sdelay $0x1  }
0x8e: {  	[tilespmem:s6+$0x6D80] =	vst v2;
	v2 =	vld [tilespmem:s6+$0x6D90]  }
0x8f: {  	v3 =	vld [tilespmem:s29+$0x10];
	_ =	sdelay $0x4  }
0x90: {  	v2 =	vadd.f32 v3, v2;
	_ =	sdelay $0x1  }
0x91: {  	s7 =	spop (v2sf);
	[tilespmem:s6+$0x6D90] =	vst v2  }
0x92: {  	v2 =	vld [tilespmem:s7+$0x6D80]  }
0x93: {  	(v2sf) =	vpush v1, $0xA;
	v3 =	vld [tilespmem:s29+$0x40];
	_ =	sdelay $0x4  }
0x94: {  	v2 =	vadd.f32 v3, v2  }
0x95: {  	s8 =	sadd.s32 $0x240, s0  }
0x96: {  	s3 =	sor.u32 $0x50, s8;
	v3 =	vld [tilespmem:s7+$0x6D90];
	[tilespmem:s7+$0x6D80] =	vst v2  }
0x97: {  	v2 =	vld [tilespmem:s3+$0x1D80];
	_ =	sdelay $0x4  }
0x98: {  	v2 =	vadd.f32 v2, v3;
	_ =	sdelay $0x1  }
0x99: {  	s19 =	spop (v2sf);
	[tilespmem:s7+$0x6D90] =	vst v2  }
0x9a: {  	v2 =	vld [tilespmem:s19+$0x6D80]  }
0x9b: {  	(v2sf) =	vpush v1, $0xB;
	v3 =	vld [tilespmem:s29+$0x80];
	_ =	sdelay $0x4  }
0x9c: {  	v2 =	vadd.f32 v3, v2;
	_ =	sdelay $0x1  }
0x9d: {  	v3 =	vld [tilespmem:s19+$0x6D90];
	[tilespmem:s19+$0x6D80] =	vst v2  }
0x9e: {  	v2 =	vld [tilespmem:s29+$0x90];
	_ =	sdelay $0x4  }
0x9f: {  	v2 =	vadd.f32 v2, v3;
	_ =	sdelay $0x1  }
0xa0: {  	s21 =	spop (v2sf);
	[tilespmem:s19+$0x6D90] =	vst v2  }
0xa1: {  	v2 =	vld [tilespmem:s21+$0x6D80]  }
0xa2: {  	(v2sf) =	vpush v1, $0xC;
	v3 =	vld [tilespmem:s29+$0xC0];
	_ =	sdelay $0x4  }
0xa3: {  	v2 =	vadd.f32 v3, v2  }
0xa4: {  	s6 =	sadd.s32 $0x2C0, s0  }
0xa5: {  	s3 =	sor.u32 $0x50, s6;
	v3 =	vld [tilespmem:s21+$0x6D90];
	[tilespmem:s21+$0x6D80] =	vst v2  }
0xa6: {  	v2 =	vld [tilespmem:s3+$0x1D80];
	_ =	sdelay $0x4  }
0xa7: {  	v2 =	vadd.f32 v2, v3;
	_ =	sdelay $0x1  }
0xa8: {  	s7 =	spop (v2sf);
	[tilespmem:s21+$0x6D90] =	vst v2  }
0xa9: {  	v2 =	vld [tilespmem:s7+$0x6D80]  }
0xaa: {  	(v2sf) =	vpush v1, $0xD;
	v3 =	vld [tilespmem:s29+$0x100];
	_ =	sdelay $0x4  }
0xab: {  	v2 =	vadd.f32 v3, v2;
	_ =	sdelay $0x1  }
0xac: {  	v3 =	vld [tilespmem:s7+$0x6D90];
	[tilespmem:s7+$0x6D80] =	vst v2  }
0xad: {  	v2 =	vld [tilespmem:s29+$0x110];
	_ =	sdelay $0x4  }
0xae: {  	v2 =	vadd.f32 v2, v3;
	_ =	sdelay $0x1  }
0xaf: {  	s8 =	spop (v2sf);
	[tilespmem:s7+$0x6D90] =	vst v2  }
0xb0: {  	v2 =	vld [tilespmem:s8+$0x6D80]  }
0xb1: {  	(v2sf) =	vpush v1, $0xE;
	v3 =	vld [tilespmem:s29+$0x140];
	_ =	sdelay $0x4  }
0xb2: {  	v2 =	vadd.f32 v3, v2  }
0xb3: {  	s19 =	sadd.s32 $0x340, s0  }
0xb4: {  	s3 =	sor.u32 $0x50, s19;
	v3 =	vld [tilespmem:s8+$0x6D90];
	[tilespmem:s8+$0x6D80] =	vst v2  }
0xb5: {  	v2 =	vld [tilespmem:s3+$0x1D80];
	_ =	sdelay $0x4  }
0xb6: {  	v2 =	vadd.f32 v2, v3;
	_ =	sdelay $0x1  }
0xb7: {  	s21 =	spop (v2sf);
	[tilespmem:s8+$0x6D90] =	vst v2  }
0xb8: {  	v2 =	vld [tilespmem:s21+$0x6D80]  }
0xb9: {  	v3 =	vld [tilespmem:s29+$0x180]  }
0xba: {  	(v2sf) =	vpush v1, $0xF;
	_ =	sdelay $0x3  }
0xbb: {  	v2 =	vadd.f32 v3, v2;
	_ =	sdelay $0x1  }
0xbc: {  	v3 =	vld [tilespmem:s21+$0x6D90];
	[tilespmem:s21+$0x6D80] =	vst v2  }
0xbd: {  	v2 =	vld [tilespmem:s29+$0x190];
	_ =	sdelay $0x4  }
0xbe: {  	v2 =	vadd.f32 v2, v3;
	_ =	sdelay $0x1  }
0xbf: {  	s30 =	simm.s32 $0x400;
	s31 =	smov.u32 s26;
	s1 =	sadd.s32 $0x3C0, s0;
	[tilespmem:s21+$0x6D90] =	vst v2  }
.LBB2_8:
0xc0: {  	v1 =	vld [tilespmem:s29+$0x1C0];
	s31 =	sadd.s32 $0x10, s31;
	s29 =	sadd.s32 $0x400, s29;
	s3 =	spop (v2sf)  }
0xc1: {  	p4 =	seq.s32 s30, $0x2400;
	s0 =	smov.u32 s30;
	s30 =	sadd.s32 $0x400, s30;
	v2 =	vld [tilespmem:s3+$0x6D80]  }
0xc2: {  	_ =	sdelay $0x3  }
0xc3: {  	v1 =	vadd.f32 v1, v2;
	_ =	sdelay $0x1  }
0xc4: {  	s1 =	sor.u32 $0x50, s1;
	[tilespmem:s3+$0x6D80] =	vst v1;
	v1 =	vld [tilespmem:s3+$0x6D90]  }
0xc5: {  	v2 =	vld [tilespmem:s1+$0x1D80];
	_ =	sdelay $0x4  }
0xc6: {  	v1 =	vadd.f32 v2, v1;
	_ =	sdelay $0x1  }
0xc7: {  	[tilespmem:s3+$0x6D90] =	vst v1  }
0xc8: {  	v1 =	vld [tilespmem:s31+$0x0];
	_ =	sdelay $0x4  }
0xc9: {  	v1 =	vshll.u32 v1, $0x7  }
0xca: {  	v1 =	vshra.s32 v1, $0x2  }
0xcb: {  	(v2sf) =	vpush v1, $0x0;
	_ =	sdelay $0xe  }
0xcc: {  	v2 =	vld [tilespmem:s29+$0xFFFFFE00];
	s1 =	spop (v2sf)  }
0xcd: {  	v3 =	vld [tilespmem:s1+$0x6D80];
	(v2sf) =	vpush v1, $0x1;
	_ =	sdelay $0x4  }
0xce: {  	v2 =	vadd.f32 v2, v3;
	_ =	sdelay $0x1  }
0xcf: {  	[tilespmem:s1+$0x6D80] =	vst v2;
	v2 =	vld [tilespmem:s1+$0x6D90]  }
0xd0: {  	v3 =	vld [tilespmem:s29+$0xFFFFFE10];
	_ =	sdelay $0x4  }
0xd1: {  	v2 =	vadd.f32 v3, v2;
	_ =	sdelay $0x1  }
0xd2: {  	[tilespmem:s1+$0x6D90] =	vst v2;
	s3 =	spop (v2sf)  }
0xd3: {  	v2 =	vld [tilespmem:s3+$0x6D80]  }
0xd4: {  	v3 =	vld [tilespmem:s29+$0xFFFFFE40];
	(v2sf) =	vpush v1, $0x2;
	_ =	sdelay $0x4  }
0xd5: {  	s21 =	sadd.s32 s0, s28;
	v2 =	vadd.f32 v3, v2  }
0xd6: {  	s0 =	sadd.s32 $0x40, s21;
	s6 =	sadd.s32 $0xC0, s21;
	s19 =	sadd.s32 $0x2C0, s21  }
0xd7: {  	s7 =	sor.u32 $0x50, s0;
	s0 =	sadd.s32 $0x340, s21;
	s1 =	sadd.s32 $0x3C0, s21;
	[tilespmem:s3+$0x6D80] =	vst v2;
	v2 =	vld [tilespmem:s3+$0x6D90]  }
0xd8: {  	v3 =	vld [tilespmem:s7+$0x1D80];
	_ =	sdelay $0x4  }
0xd9: {  	v2 =	vadd.f32 v3, v2;
	_ =	sdelay $0x1  }
0xda: {  	[tilespmem:s3+$0x6D90] =	vst v2;
	s3 =	spop (v2sf)  }
0xdb: {  	v2 =	vld [tilespmem:s3+$0x6D80]  }
0xdc: {  	v3 =	vld [tilespmem:s29+$0xFFFFFE80];
	(v2sf) =	vpush v1, $0x3;
	_ =	sdelay $0x4  }
0xdd: {  	v2 =	vadd.f32 v3, v2;
	_ =	sdelay $0x1  }
0xde: {  	[tilespmem:s3+$0x6D80] =	vst v2;
	v2 =	vld [tilespmem:s3+$0x6D90]  }
0xdf: {  	v3 =	vld [tilespmem:s29+$0xFFFFFE90];
	_ =	sdelay $0x4  }
0xe0: {  	v2 =	vadd.f32 v3, v2;
	_ =	sdelay $0x1  }
0xe1: {  	[tilespmem:s3+$0x6D90] =	vst v2;
	s3 =	spop (v2sf)  }
0xe2: {  	v2 =	vld [tilespmem:s3+$0x6D80]  }
0xe3: {  	v3 =	vld [tilespmem:s29+$0xFFFFFEC0];
	(v2sf) =	vpush v1, $0x4;
	_ =	sdelay $0x4  }
0xe4: {  	v2 =	vadd.f32 v3, v2;
	_ =	sdelay $0x1  }
0xe5: {  	s6 =	sor.u32 $0x50, s6;
	[tilespmem:s3+$0x6D80] =	vst v2;
	v2 =	vld [tilespmem:s3+$0x6D90]  }
0xe6: {  	v3 =	vld [tilespmem:s6+$0x1D80];
	_ =	sdelay $0x4  }
0xe7: {  	v2 =	vadd.f32 v3, v2;
	_ =	sdelay $0x1  }
0xe8: {  	[tilespmem:s3+$0x6D90] =	vst v2;
	s3 =	spop (v2sf)  }
0xe9: {  	v2 =	vld [tilespmem:s3+$0x6D80]  }
0xea: {  	v3 =	vld [tilespmem:s29+$0xFFFFFF00];
	(v2sf) =	vpush v1, $0x5;
	_ =	sdelay $0x4  }
0xeb: {  	v2 =	vadd.f32 v3, v2;
	_ =	sdelay $0x1  }
0xec: {  	[tilespmem:s3+$0x6D80] =	vst v2;
	v2 =	vld [tilespmem:s3+$0x6D90]  }
0xed: {  	v3 =	vld [tilespmem:s29+$0xFFFFFF10];
	_ =	sdelay $0x4  }
0xee: {  	v2 =	vadd.f32 v3, v2;
	_ =	sdelay $0x1  }
0xef: {  	[tilespmem:s3+$0x6D90] =	vst v2;
	s3 =	spop (v2sf)  }
0xf0: {  	v2 =	vld [tilespmem:s3+$0x6D80]  }
0xf1: {  	v3 =	vld [tilespmem:s29+$0xFFFFFF40];
	(v2sf) =	vpush v1, $0x6;
	_ =	sdelay $0x4  }
0xf2: {  	v2 =	vadd.f32 v3, v2  }
0xf3: {  	s6 =	sadd.s32 $0x140, s21  }
0xf4: {  	s6 =	sor.u32 $0x50, s6;
	[tilespmem:s3+$0x6D80] =	vst v2;
	v2 =	vld [tilespmem:s3+$0x6D90]  }
0xf5: {  	v3 =	vld [tilespmem:s6+$0x1D80];
	_ =	sdelay $0x4  }
0xf6: {  	v2 =	vadd.f32 v3, v2;
	_ =	sdelay $0x1  }
0xf7: {  	[tilespmem:s3+$0x6D90] =	vst v2;
	s3 =	spop (v2sf)  }
0xf8: {  	v2 =	vld [tilespmem:s3+$0x6D80]  }
0xf9: {  	v3 =	vld [tilespmem:s29+$0xFFFFFF80];
	(v2sf) =	vpush v1, $0x7;
	_ =	sdelay $0x4  }
0xfa: {  	v2 =	vadd.f32 v3, v2;
	_ =	sdelay $0x1  }
0xfb: {  	[tilespmem:s3+$0x6D80] =	vst v2;
	v2 =	vld [tilespmem:s3+$0x6D90]  }
0xfc: {  	v3 =	vld [tilespmem:s29+$0xFFFFFF90];
	_ =	sdelay $0x4  }
0xfd: {  	v2 =	vadd.f32 v3, v2;
	_ =	sdelay $0x1  }
0xfe: {  	[tilespmem:s3+$0x6D90] =	vst v2;
	s3 =	spop (v2sf)  }
0xff: {  	v2 =	vld [tilespmem:s3+$0x6D80]  }
0x100: {  	v3 =	vld [tilespmem:s29+$0xFFFFFFC0];
	(v2sf) =	vpush v1, $0x8;
	_ =	sdelay $0x4  }
0x101: {  	v2 =	vadd.f32 v3, v2  }
0x102: {  	s6 =	sadd.s32 $0x1C0, s21  }
0x103: {  	s6 =	sor.u32 $0x50, s6;
	[tilespmem:s3+$0x6D80] =	vst v2;
	v2 =	vld [tilespmem:s3+$0x6D90]  }
0x104: {  	v3 =	vld [tilespmem:s6+$0x1D80];
	_ =	sdelay $0x4  }
0x105: {  	v2 =	vadd.f32 v3, v2;
	_ =	sdelay $0x1  }
0x106: {  	[tilespmem:s3+$0x6D90] =	vst v2;
	s3 =	spop (v2sf)  }
0x107: {  	v2 =	vld [tilespmem:s3+$0x6D80]  }
0x108: {  	v3 =	vld [tilespmem:s29+$0x0];
	(v2sf) =	vpush v1, $0x9;
	_ =	sdelay $0x4  }
0x109: {  	v2 =	vadd.f32 v3, v2;
	_ =	sdelay $0x1  }
0x10a: {  	[tilespmem:s3+$0x6D80] =	vst v2;
	v2 =	vld [tilespmem:s3+$0x6D90]  }
0x10b: {  	v3 =	vld [tilespmem:s29+$0x10];
	_ =	sdelay $0x4  }
0x10c: {  	v2 =	vadd.f32 v3, v2;
	_ =	sdelay $0x1  }
0x10d: {  	[tilespmem:s3+$0x6D90] =	vst v2;
	s3 =	spop (v2sf)  }
0x10e: {  	v2 =	vld [tilespmem:s3+$0x6D80]  }
0x10f: {  	v3 =	vld [tilespmem:s29+$0x40];
	(v2sf) =	vpush v1, $0xA  }
0x110: {  	v4 =	vld [tilespmem:s3+$0x6D90];
	_ =	sdelay $0x3  }
0x111: {  	v2 =	vadd.f32 v3, v2  }
0x112: {  	s6 =	sadd.s32 $0x240, s21  }
0x113: {  	s6 =	sor.u32 $0x50, s6;
	[tilespmem:s3+$0x6D80] =	vst v2  }
0x114: {  	v2 =	vld [tilespmem:s6+$0x1D80];
	_ =	sdelay $0x4  }
0x115: {  	v2 =	vadd.f32 v2, v4;
	_ =	sdelay $0x1  }
0x116: {  	[tilespmem:s3+$0x6D90] =	vst v2;
	s3 =	spop (v2sf)  }
0x117: {  	v2 =	vld [tilespmem:s3+$0x6D80]  }
0x118: {  	v3 =	vld [tilespmem:s29+$0x80];
	(v2sf) =	vpush v1, $0xB  }
0x119: {  	v4 =	vld [tilespmem:s3+$0x6D90];
	_ =	sdelay $0x3  }
0x11a: {  	v2 =	vadd.f32 v3, v2;
	_ =	sdelay $0x1  }
0x11b: {  	[tilespmem:s3+$0x6D80] =	vst v2  }
0x11c: {  	v2 =	vld [tilespmem:s29+$0x90];
	_ =	sdelay $0x4  }
0x11d: {  	v2 =	vadd.f32 v2, v4;
	_ =	sdelay $0x1  }
0x11e: {  	[tilespmem:s3+$0x6D90] =	vst v2;
	s3 =	spop (v2sf)  }
0x11f: {  	v2 =	vld [tilespmem:s3+$0x6D80]  }
0x120: {  	v3 =	vld [tilespmem:s29+$0xC0];
	(v2sf) =	vpush v1, $0xC  }
0x121: {  	v4 =	vld [tilespmem:s3+$0x6D90];
	_ =	sdelay $0x3  }
0x122: {  	v2 =	vadd.f32 v3, v2;
	_ =	sdelay $0x1  }
0x123: {  	s6 =	sor.u32 $0x50, s19;
	[tilespmem:s3+$0x6D80] =	vst v2  }
0x124: {  	v2 =	vld [tilespmem:s6+$0x1D80];
	_ =	sdelay $0x4  }
0x125: {  	v2 =	vadd.f32 v2, v4;
	_ =	sdelay $0x1  }
0x126: {  	[tilespmem:s3+$0x6D90] =	vst v2;
	s3 =	spop (v2sf)  }
0x127: {  	v2 =	vld [tilespmem:s3+$0x6D80]  }
0x128: {  	v3 =	vld [tilespmem:s29+$0x100];
	(v2sf) =	vpush v1, $0xD  }
0x129: {  	v4 =	vld [tilespmem:s3+$0x6D90];
	_ =	sdelay $0x3  }
0x12a: {  	v2 =	vadd.f32 v3, v2;
	_ =	sdelay $0x1  }
0x12b: {  	[tilespmem:s3+$0x6D80] =	vst v2  }
0x12c: {  	v2 =	vld [tilespmem:s29+$0x110];
	_ =	sdelay $0x4  }
0x12d: {  	v2 =	vadd.f32 v2, v4;
	_ =	sdelay $0x1  }
0x12e: {  	[tilespmem:s3+$0x6D90] =	vst v2;
	s3 =	spop (v2sf)  }
0x12f: {  	v2 =	vld [tilespmem:s3+$0x6D80]  }
0x130: {  	v3 =	vld [tilespmem:s29+$0x140];
	(v2sf) =	vpush v1, $0xE  }
0x131: {  	v4 =	vld [tilespmem:s3+$0x6D90];
	_ =	sdelay $0x3  }
0x132: {  	v2 =	vadd.f32 v3, v2;
	_ =	sdelay $0x1  }
0x133: {  	s0 =	sor.u32 $0x50, s0;
	[tilespmem:s3+$0x6D80] =	vst v2  }
0x134: {  	v2 =	vld [tilespmem:s0+$0x1D80];
	_ =	sdelay $0x4  }
0x135: {  	v2 =	vadd.f32 v2, v4;
	_ =	sdelay $0x1  }
0x136: {  	[tilespmem:s3+$0x6D90] =	vst v2;
	s0 =	spop (v2sf)  }
0x137: {  	v2 =	vld [tilespmem:s0+$0x6D80]  }
0x138: {  	v3 =	vld [tilespmem:s29+$0x180]  }
0x139: {  	v4 =	vld [tilespmem:s0+$0x6D90];
	(v2sf) =	vpush v1, $0xF;
	_ =	sdelay $0x3  }
0x13a: {  	v1 =	vadd.f32 v3, v2;
	_ =	sdelay $0x1  }
0x13b: {  	[tilespmem:s0+$0x6D80] =	vst v1  }
0x13c: {  	v1 =	vld [tilespmem:s29+$0x190];
	_ =	sdelay $0x2  }
.Ltmp2:
0x13d: {  	(pc) =	sbr.rel @!p4 .LBB2_8-.Ltmp2, $3  }
0x13e: {  	_ = 	snop  }
0x13f: {  	v1 =	vadd.f32 v1, v4;
	_ =	sdelay $0x1  }
0x140: {  	[tilespmem:s0+$0x6D90] =	vst v1  }
0x141: {  	v1 =	vld [tilespmem:s29+$0x1C0];
	s0 =	spop (v2sf)  }
0x142: {  	v2 =	vld [tilespmem:s0+$0x6D80];
	_ =	sdelay $0x4  }
0x143: {  	v1 =	vadd.f32 v1, v2;
	_ =	sdelay $0x1  }
0x144: {  	s1 =	sor.u32 $0x50, s1;
	[tilespmem:s0+$0x6D80] =	vst v1;
	v1 =	vld [tilespmem:s0+$0x6D90]  }
0x145: {  	v2 =	vld [tilespmem:s1+$0x1D80];
	_ =	sdelay $0x4  }
0x146: {  	v1 =	vadd.f32 v2, v1;
	_ =	sdelay $0x1  }
0x147: {  	[tilespmem:s0+$0x6D90] =	vst v1  }
0x148: {  	p4 =	seq.s32 s25, s15  }
.Ltmp3:
0x149: {  	_ = 	snop;
	(pc) =	sbr.rel @!p4 .LBB2_7-.Ltmp3, $2  }
0x14a: {  	_ =	sdelay $0x2  }
0x14b: {  	s26 =	sadd.s32 $0xA0, s26  }
0x14c: {  	[bflag:$0x0] =	sbarrier.arrive @p1 $0xFFFF;
	s0 =	simm.s32 @!p2 $0xEF80  }
0x14d: {  	[tilespmem:s0], [sflag:$0x2] =	stream.linear.gather @!p2 [spmem:s2], $0x80, $0x38;
	[tilespmem:$0xF008] =	vst v63  }
0x14e: {  	s0 =	simm.s32 @!p2 $0x2  }
0x14f: {  	_ =	swait.ge @!p2 [sflag:s0], $0x80  }
0x150: {  	[sflag:s0] =	ssyncset.done @!p2 $0x0  }
0x151: {  	[sflag:s0] =	ssyncadd.s32 @!p2 $0xFFFFFF80  }
0x152: {  	v1 =	vld @!p2 [tilespmem:$0xED00]  }
0x153: {  	v2 =	vld @!p2 [tilespmem:$0xEF80]  }
0x154: {  	v3 =	vld @!p2 [tilespmem:$0xED10]  }
0x155: {  	v4 =	vld @!p2 [tilespmem:$0xEF90]  }
0x156: {  	v5 =	vld @!p2 [tilespmem:$0xED20]  }
0x157: {  	v6 =	vld @!p2 [tilespmem:$0xEFA0]  }
0x158: {  	v7 =	vld @!p2 [tilespmem:$0xED30]  }
0x159: {  	v8 =	vld @!p2 [tilespmem:$0xEFB0]  }
0x15a: {  	v9 =	vld @!p2 [tilespmem:$0xED40]  }
0x15b: {  	v10 =	vld @!p2 [tilespmem:$0xEFC0]  }
0x15c: {  	v11 =	vld @!p2 [tilespmem:$0xED50]  }
0x15d: {  	v12 =	vld @!p2 [tilespmem:$0xEFD0]  }
0x15e: {  	v13 =	vld @!p2 [tilespmem:$0xED60]  }
0x15f: {  	v1 =	vadd.f32 @!p2 v2, v1;
	v2 =	vld @!p2 [tilespmem:$0xEFE0]  }
0x160: {  	v3 =	vadd.f32 @!p2 v4, v3;
	v4 =	vld @!p2 [tilespmem:$0xED70]  }
0x161: {  	[tilespmem:$0xED00] =	vst @!p2 v1;
	v1 =	vadd.f32 @!p2 v6, v5;
	v5 =	vld @!p2 [tilespmem:$0xEFF0]  }
0x162: {  	[tilespmem:$0xED10] =	vst @!p2 v3;
	v3 =	vadd.f32 @!p2 v8, v7  }
0x163: {  	[tilespmem:$0xED20] =	vst @!p2 v1;
	v1 =	vadd.f32 @!p2 v10, v9  }
0x164: {  	[tilespmem:$0xED30] =	vst @!p2 v3;
	v3 =	vadd.f32 @!p2 v12, v11  }
0x165: {  	[tilespmem:$0xED40] =	vst @!p2 v1;
	v1 =	vadd.f32 @!p2 v2, v13  }
0x166: {  	[tilespmem:$0xED50] =	vst @!p2 v3;
	v2 =	vadd.f32 @!p2 v5, v4  }
0x167: {  	[tilespmem:$0xED60] =	vst @!p2 v1  }
0x168: {  	s1 =	simm.s32 @p1 $0x400;
	[tilespmem:$0xED70] =	vst @!p2 v2  }
0x169: {  	s3 =	simm.s32 @p1 $0x6D80;
	s0 =	simm.s32 @p1 $0x80;
	[bflag:$0x0] =	sbarrier.arrive @p1 $0xFFFF  }
0x16a: {  	[hbm4b:s11+s0] =	stream.strided.scatter @p1 [tilespmem:s3], [sflag:$0x2], $0x8000, s1, s0, $0x38;
	[tilespmem:$0xF008] =	vst v63  }
0x16b: {  	s0 =	simm.s32 @p1 $0x2  }
0x16c: {  	_ =	swait.ge @p1 [sflag:s0], $0x8000  }
0x16d: {  	[sflag:s0] =	ssyncset.done @p1 $0x0  }
0x16e: {  	[sflag:s0] =	ssyncadd.s32 @p1 $0xFFFF8000;
	s0 =	simm.s32 @!p1 $0xED00  }
0x16f: {  	[spmem:s2] =	stream.linear.scatter @!p1 [tilespmem:s0], [sflag:$0x2], $0x80, $0x38;
	[tilespmem:$0xF008] =	vst v63  }
0x170: {  	s0 =	simm.s32 @!p1 $0x2  }
0x171: {  	_ =	swait.ge @!p1 [sflag:s0], $0x80  }
0x172: {  	[sflag:s0] =	ssyncset.done @!p1 $0x0  }
0x173: {  	[sflag:s0] =	ssyncadd.s32 @!p1 $0xFFFFFF80  }
0x174: {  	s6 =	simm.s32 @!p1 $0x6D80;
	[bflag:$0x0] =	sbarrier.arrive @!p1 $0xFFFF  }
0x175: {  	s1 =	simm.s32 @!p1 $0x80;
	s3 =	simm.s32 @!p1 $0x100;
	[bflag:$0x0] =	sbarrier.arrive @!p1 $0xFFFF  }
0x176: {  	[hbm4b:s12+s1] =	stream.strided.scatter @!p1 [tilespmem:s6], [sflag:$0x2], $0x7F80, s3, s1, $0x38;
	[tilespmem:$0xF008] =	vst v63  }
0x177: {  	p5 =	por @!p1 $0x0, $0x0;
	p4 =	por p0, p0;
	_ =	swait.ge @!p1 [sflag:s0], $0x7F80  }
0x178: {  	p4 =	por @!p1 p5, p5;
	[sflag:s0] =	ssyncset.done @!p1 $0x0  }
0x179: {  	s1 =	simm.s32 $0x0;
	[sflag:s0] =	ssyncadd.s32 @!p1 $0xFFFF8080;
	s0 =	simm.s32 $0x40  }
.LBB2_11:
0x17a: {  	p5 =	sne.s32 s0, $0x207C0;
	[tilespmem:s1+$0x6D80] =	vst v0;
	s1 =	smov.u32 s0;
	s0 =	sadd.s32 $0x40, s0  }
.Ltmp4:
0x17b: {  	(pc) =	sbr.rel @p5 .LBB2_11-.Ltmp4, $2  }
0x17c: {  	_ =	sdelay $0x2  }
0x17d: {  	s1 =	sshra.s32 s1, $0x2  }
0x17e: {  	[tilespmem:s1+$0x6D80] =	vst v0;
	s25 =	simm.s32 $0x0;
	s26 =	simm.s32 $0x480  }
0x17f: {  	[tilespmem:s22], [sflag:$0x1] =	stream.linear.gather [hbm4b:s10+s25], $0x2800, $0x38;
	[tilespmem:$0xF008] =	vst v63  }
.LBB2_14:
0x180: {  	s0 =	smov.u32 s25;
	s25 =	sadd.s32 $0x1, s25  }
0x181: {  	p5 =	sge.u32 s25, s9  }
0x182: {  	s1 =	smul.u32 @!p5 $0xA0, s25;
	_ =	sdelay $0x1  }
0x183: {  	s3 =	sand.u32 @!p5 $0x1, s25;
	s1 =	sadd.s32 @!p5 s5, s1  }
0x184: {  	p6 =	seq.s32 @!p5 s3, $0x1;
	s1 =	sshll.u32 @!p5 s1, $0x3  }
0x185: {  	s3 =	simm.s32 @!p5 $0x4580;
	p6 =	por !p6, p5;
	s1 =	sand.u32 @!p5 $0x1FFFFF00, s1  }
0x186: {  	s6 =	simm.s32 @!p5 $0x0;
	s3 =	simm.s32 @p6 $0x1D80;
	s1 =	sadd.s32 @!p5 s4, s1  }
0x187: {  	[tilespmem:s3], [sflag:$0x1] =	stream.linear.gather @!p5 [hbm4b:s1+s6], $0x2800, $0x38;
	[tilespmem:$0xF008] =	vst v63  }
0x188: {  	_ =	swait.ge [sflag:s23], $0x2800  }
0x189: {  	[sflag:s23] =	ssyncset.done $0x0  }
0x18a: {  	[sflag:s23] =	ssyncadd.s32 $0xFFFFD800  }
0x18b: {  	v1 =	vld [tilespmem:s26+$0x0];
	_ =	sdelay $0x4  }
0x18c: {  	v1 =	vshll.u32 v1, $0x7  }
0x18d: {  	v1 =	vshra.s32 v1, $0x2  }
0x18e: {  	(v2sf) =	vpush v1, $0x0;
	_ =	sdelay $0xa  }
0x18f: {  	s0 =	sand.u32 $0x1, s0  }
0x190: {  	s28 =	simm.s32 $0x2800;
	p5 =	seq.s32 s0, $0x1  }
0x191: {  	s28 =	simm.s32 @!p5 $0x0  }
0x192: {  	s29 =	sadd.s32 $0x1FA0, s28  }
0x193: {  	v2 =	vld [tilespmem:s29+$0xFFFFFE00];
	s3 =	spop (v2sf)  }
0x194: {  	(v2sf) =	vpush v1, $0x1;
	v3 =	vld [tilespmem:s3+$0x6D80];
	_ =	sdelay $0x4  }
0x195: {  	v2 =	vadd.f32 v2, v3;
	_ =	sdelay $0x1  }
0x196: {  	[tilespmem:s3+$0x6D80] =	vst v2;
	v2 =	vld [tilespmem:s3+$0x6D90]  }
0x197: {  	v3 =	vld [tilespmem:s29+$0xFFFFFE10];
	_ =	sdelay $0x4  }
0x198: {  	v2 =	vadd.f32 v3, v2;
	_ =	sdelay $0x1  }
0x199: {  	s6 =	spop (v2sf);
	[tilespmem:s3+$0x6D90] =	vst v2  }
0x19a: {  	v2 =	vld [tilespmem:s6+$0x6D80]  }
0x19b: {  	(v2sf) =	vpush v1, $0x2;
	v3 =	vld [tilespmem:s29+$0xFFFFFE40];
	_ =	sdelay $0x4  }
0x19c: {  	v2 =	vadd.f32 v3, v2;
	_ =	sdelay $0x1  }
0x19d: {  	[tilespmem:s6+$0x6D80] =	vst v2;
	v2 =	vld [tilespmem:s6+$0x6D90]  }
0x19e: {  	v3 =	vld [tilespmem:s29+$0xFFFFFE50];
	_ =	sdelay $0x4  }
0x19f: {  	v2 =	vadd.f32 v3, v2;
	_ =	sdelay $0x1  }
0x1a0: {  	s7 =	spop (v2sf);
	[tilespmem:s6+$0x6D90] =	vst v2  }
0x1a1: {  	v2 =	vld [tilespmem:s7+$0x6D80]  }
0x1a2: {  	(v2sf) =	vpush v1, $0x3;
	v3 =	vld [tilespmem:s29+$0xFFFFFE80];
	_ =	sdelay $0x4  }
0x1a3: {  	v2 =	vadd.f32 v3, v2;
	_ =	sdelay $0x1  }
0x1a4: {  	[tilespmem:s7+$0x6D80] =	vst v2;
	v2 =	vld [tilespmem:s7+$0x6D90]  }
0x1a5: {  	v3 =	vld [tilespmem:s29+$0xFFFFFE90];
	_ =	sdelay $0x4  }
0x1a6: {  	v2 =	vadd.f32 v3, v2  }
0x1a7: {  	s0 =	sadd.s32 $0x0, s28  }
0x1a8: {  	s8 =	sadd.s32 $0xC0, s0;
	s19 =	spop (v2sf);
	[tilespmem:s7+$0x6D90] =	vst v2  }
0x1a9: {  	s21 =	sor.u32 $0x60, s8;
	v2 =	vld [tilespmem:s19+$0x6D80]  }
0x1aa: {  	(v2sf) =	vpush v1, $0x4;
	v3 =	vld [tilespmem:s21+$0x1D80];
	_ =	sdelay $0x4  }
0x1ab: {  	v2 =	vadd.f32 v3, v2;
	_ =	sdelay $0x1  }
0x1ac: {  	s1 =	sor.u32 $0x70, s8;
	[tilespmem:s19+$0x6D80] =	vst v2;
	v2 =	vld [tilespmem:s19+$0x6D90]  }
0x1ad: {  	v3 =	vld [tilespmem:s1+$0x1D80];
	_ =	sdelay $0x4  }
0x1ae: {  	v2 =	vadd.f32 v3, v2;
	_ =	sdelay $0x1  }
0x1af: {  	s7 =	spop (v2sf);
	[tilespmem:s19+$0x6D90] =	vst v2  }
0x1b0: {  	v2 =	vld [tilespmem:s7+$0x6D80]  }
0x1b1: {  	(v2sf) =	vpush v1, $0x5;
	v3 =	vld [tilespmem:s29+$0xFFFFFF00];
	_ =	sdelay $0x4  }
0x1b2: {  	v2 =	vadd.f32 v3, v2;
	_ =	sdelay $0x1  }
0x1b3: {  	[tilespmem:s7+$0x6D80] =	vst v2;
	v2 =	vld [tilespmem:s7+$0x6D90]  }
0x1b4: {  	v3 =	vld [tilespmem:s29+$0xFFFFFF10];
	_ =	sdelay $0x4  }
0x1b5: {  	v2 =	vadd.f32 v3, v2;
	_ =	sdelay $0x1  }
0x1b6: {  	s8 =	sadd.s32 $0x140, s0;
	s19 =	spop (v2sf);
	[tilespmem:s7+$0x6D90] =	vst v2  }
0x1b7: {  	s21 =	sor.u32 $0x60, s8;
	v2 =	vld [tilespmem:s19+$0x6D80]  }
0x1b8: {  	(v2sf) =	vpush v1, $0x6;
	v3 =	vld [tilespmem:s21+$0x1D80];
	_ =	sdelay $0x4  }
0x1b9: {  	v2 =	vadd.f32 v3, v2;
	_ =	sdelay $0x1  }
0x1ba: {  	s3 =	sor.u32 $0x70, s8;
	[tilespmem:s19+$0x6D80] =	vst v2;
	v2 =	vld [tilespmem:s19+$0x6D90]  }
0x1bb: {  	v3 =	vld [tilespmem:s3+$0x1D80];
	_ =	sdelay $0x4  }
0x1bc: {  	v2 =	vadd.f32 v3, v2;
	_ =	sdelay $0x1  }
0x1bd: {  	s7 =	spop (v2sf);
	[tilespmem:s19+$0x6D90] =	vst v2  }
0x1be: {  	v2 =	vld [tilespmem:s7+$0x6D80]  }
0x1bf: {  	(v2sf) =	vpush v1, $0x7;
	v3 =	vld [tilespmem:s29+$0xFFFFFF80];
	_ =	sdelay $0x4  }
0x1c0: {  	v2 =	vadd.f32 v3, v2;
	_ =	sdelay $0x1  }
0x1c1: {  	[tilespmem:s7+$0x6D80] =	vst v2;
	v2 =	vld [tilespmem:s7+$0x6D90]  }
0x1c2: {  	v3 =	vld [tilespmem:s29+$0xFFFFFF90];
	_ =	sdelay $0x4  }
0x1c3: {  	v2 =	vadd.f32 v3, v2;
	_ =	sdelay $0x1  }
0x1c4: {  	s8 =	sadd.s32 $0x1C0, s0;
	s19 =	spop (v2sf);
	[tilespmem:s7+$0x6D90] =	vst v2  }
0x1c5: {  	s21 =	sor.u32 $0x60, s8;
	v2 =	vld [tilespmem:s19+$0x6D80]  }
0x1c6: {  	(v2sf) =	vpush v1, $0x8;
	v3 =	vld [tilespmem:s21+$0x1D80];
	_ =	sdelay $0x4  }
0x1c7: {  	v2 =	vadd.f32 v3, v2;
	_ =	sdelay $0x1  }
0x1c8: {  	s1 =	sor.u32 $0x70, s8;
	[tilespmem:s19+$0x6D80] =	vst v2;
	v2 =	vld [tilespmem:s19+$0x6D90]  }
0x1c9: {  	v3 =	vld [tilespmem:s1+$0x1D80];
	_ =	sdelay $0x4  }
0x1ca: {  	v2 =	vadd.f32 v3, v2;
	_ =	sdelay $0x1  }
0x1cb: {  	s7 =	spop (v2sf);
	[tilespmem:s19+$0x6D90] =	vst v2  }
0x1cc: {  	v2 =	vld [tilespmem:s7+$0x6D80]  }
0x1cd: {  	(v2sf) =	vpush v1, $0x9;
	v3 =	vld [tilespmem:s29+$0x0];
	_ =	sdelay $0x4  }
0x1ce: {  	v2 =	vadd.f32 v3, v2;
	_ =	sdelay $0x1  }
0x1cf: {  	[tilespmem:s7+$0x6D80] =	vst v2;
	v2 =	vld [tilespmem:s7+$0x6D90]  }
0x1d0: {  	v3 =	vld [tilespmem:s29+$0x10];
	_ =	sdelay $0x4  }
0x1d1: {  	v2 =	vadd.f32 v3, v2;
	_ =	sdelay $0x1  }
0x1d2: {  	s8 =	sadd.s32 $0x240, s0;
	s19 =	spop (v2sf);
	[tilespmem:s7+$0x6D90] =	vst v2  }
0x1d3: {  	s21 =	sor.u32 $0x60, s8;
	v2 =	vld [tilespmem:s19+$0x6D80]  }
0x1d4: {  	(v2sf) =	vpush v1, $0xA;
	v3 =	vld [tilespmem:s21+$0x1D80];
	_ =	sdelay $0x4  }
0x1d5: {  	v2 =	vadd.f32 v3, v2;
	_ =	sdelay $0x1  }
0x1d6: {  	s3 =	sor.u32 $0x70, s8;
	v3 =	vld [tilespmem:s19+$0x6D90];
	[tilespmem:s19+$0x6D80] =	vst v2  }
0x1d7: {  	v2 =	vld [tilespmem:s3+$0x1D80];
	_ =	sdelay $0x4  }
0x1d8: {  	v2 =	vadd.f32 v2, v3;
	_ =	sdelay $0x1  }
0x1d9: {  	s7 =	spop (v2sf);
	[tilespmem:s19+$0x6D90] =	vst v2  }
0x1da: {  	v2 =	vld [tilespmem:s7+$0x6D80]  }
0x1db: {  	(v2sf) =	vpush v1, $0xB;
	v3 =	vld [tilespmem:s29+$0x80];
	_ =	sdelay $0x4  }
0x1dc: {  	v2 =	vadd.f32 v3, v2;
	_ =	sdelay $0x1  }
0x1dd: {  	v3 =	vld [tilespmem:s7+$0x6D90];
	[tilespmem:s7+$0x6D80] =	vst v2  }
0x1de: {  	v2 =	vld [tilespmem:s29+$0x90];
	_ =	sdelay $0x4  }
0x1df: {  	v2 =	vadd.f32 v2, v3;
	_ =	sdelay $0x1  }
0x1e0: {  	s8 =	sadd.s32 $0x2C0, s0;
	s19 =	spop (v2sf);
	[tilespmem:s7+$0x6D90] =	vst v2  }
0x1e1: {  	s21 =	sor.u32 $0x60, s8;
	v2 =	vld [tilespmem:s19+$0x6D80]  }
0x1e2: {  	(v2sf) =	vpush v1, $0xC;
	v3 =	vld [tilespmem:s21+$0x1D80];
	_ =	sdelay $0x4  }
0x1e3: {  	v2 =	vadd.f32 v3, v2;
	_ =	sdelay $0x1  }
0x1e4: {  	s3 =	sor.u32 $0x70, s8;
	v3 =	vld [tilespmem:s19+$0x6D90];
	[tilespmem:s19+$0x6D80] =	vst v2  }
0x1e5: {  	v2 =	vld [tilespmem:s3+$0x1D80];
	_ =	sdelay $0x4  }
0x1e6: {  	v2 =	vadd.f32 v2, v3;
	_ =	sdelay $0x1  }
0x1e7: {  	s6 =	spop (v2sf);
	[tilespmem:s19+$0x6D90] =	vst v2  }
0x1e8: {  	v2 =	vld [tilespmem:s6+$0x6D80]  }
0x1e9: {  	(v2sf) =	vpush v1, $0xD;
	v3 =	vld [tilespmem:s29+$0x100];
	_ =	sdelay $0x4  }
0x1ea: {  	v2 =	vadd.f32 v3, v2;
	_ =	sdelay $0x1  }
0x1eb: {  	v3 =	vld [tilespmem:s6+$0x6D90];
	[tilespmem:s6+$0x6D80] =	vst v2  }
0x1ec: {  	v2 =	vld [tilespmem:s29+$0x110];
	_ =	sdelay $0x4  }
0x1ed: {  	v2 =	vadd.f32 v2, v3;
	_ =	sdelay $0x1  }
0x1ee: {  	s7 =	sadd.s32 $0x340, s0;
	s8 =	spop (v2sf);
	[tilespmem:s6+$0x6D90] =	vst v2  }
0x1ef: {  	s19 =	sor.u32 $0x60, s7;
	v2 =	vld [tilespmem:s8+$0x6D80]  }
0x1f0: {  	(v2sf) =	vpush v1, $0xE;
	v3 =	vld [tilespmem:s19+$0x1D80];
	_ =	sdelay $0x4  }
0x1f1: {  	v2 =	vadd.f32 v3, v2;
	_ =	sdelay $0x1  }
0x1f2: {  	s3 =	sor.u32 $0x70, s7;
	v3 =	vld [tilespmem:s8+$0x6D90];
	[tilespmem:s8+$0x6D80] =	vst v2  }
0x1f3: {  	v2 =	vld [tilespmem:s3+$0x1D80];
	_ =	sdelay $0x4  }
0x1f4: {  	v2 =	vadd.f32 v2, v3;
	_ =	sdelay $0x1  }
0x1f5: {  	s21 =	spop (v2sf);
	[tilespmem:s8+$0x6D90] =	vst v2  }
0x1f6: {  	v2 =	vld [tilespmem:s21+$0x6D80]  }
0x1f7: {  	v3 =	vld [tilespmem:s29+$0x180]  }
0x1f8: {  	(v2sf) =	vpush v1, $0xF;
	_ =	sdelay $0x3  }
0x1f9: {  	v2 =	vadd.f32 v3, v2;
	_ =	sdelay $0x1  }
0x1fa: {  	v3 =	vld [tilespmem:s21+$0x6D90];
	[tilespmem:s21+$0x6D80] =	vst v2  }
0x1fb: {  	v2 =	vld [tilespmem:s29+$0x190];
	_ =	sdelay $0x4  }
0x1fc: {  	v2 =	vadd.f32 v2, v3  }
0x1fd: {  	s1 =	sadd.s32 $0x3C0, s0  }
0x1fe: {  	s30 =	simm.s32 $0x400;
	s31 =	smov.u32 s26;
	s0 =	sor.u32 $0x60, s1;
	[tilespmem:s21+$0x6D90] =	vst v2  }
.LBB2_15:
0x1ff: {  	v1 =	vld [tilespmem:s0+$0x1D80];
	s31 =	sadd.s32 $0x10, s31;
	s29 =	sadd.s32 $0x400, s29;
	s3 =	spop (v2sf)  }
0x200: {  	p5 =	seq.s32 s30, $0x2400;
	s0 =	smov.u32 s30;
	s30 =	sadd.s32 $0x400, s30;
	v2 =	vld [tilespmem:s3+$0x6D80]  }
0x201: {  	_ =	sdelay $0x3  }
0x202: {  	v1 =	vadd.f32 v1, v2  }
0x203: {  	s1 =	sor.u32 $0x70, s1  }
0x204: {  	[tilespmem:s3+$0x6D80] =	vst v1;
	v1 =	vld [tilespmem:s3+$0x6D90]  }
0x205: {  	v2 =	vld [tilespmem:s1+$0x1D80];
	_ =	sdelay $0x4  }
0x206: {  	v1 =	vadd.f32 v2, v1;
	_ =	sdelay $0x1  }
0x207: {  	[tilespmem:s3+$0x6D90] =	vst v1  }
0x208: {  	v1 =	vld [tilespmem:s31+$0x0];
	_ =	sdelay $0x4  }
0x209: {  	v1 =	vshll.u32 v1, $0x7  }
0x20a: {  	v1 =	vshra.s32 v1, $0x2  }
0x20b: {  	(v2sf) =	vpush v1, $0x0;
	_ =	sdelay $0xe  }
0x20c: {  	v2 =	vld [tilespmem:s29+$0xFFFFFE00];
	s1 =	spop (v2sf)  }
0x20d: {  	v3 =	vld [tilespmem:s1+$0x6D80];
	(v2sf) =	vpush v1, $0x1;
	_ =	sdelay $0x4  }
0x20e: {  	v2 =	vadd.f32 v2, v3;
	_ =	sdelay $0x1  }
0x20f: {  	[tilespmem:s1+$0x6D80] =	vst v2;
	v2 =	vld [tilespmem:s1+$0x6D90]  }
0x210: {  	v3 =	vld [tilespmem:s29+$0xFFFFFE10];
	_ =	sdelay $0x4  }
0x211: {  	v2 =	vadd.f32 v3, v2;
	_ =	sdelay $0x1  }
0x212: {  	[tilespmem:s1+$0x6D90] =	vst v2;
	s1 =	spop (v2sf)  }
0x213: {  	v2 =	vld [tilespmem:s1+$0x6D80]  }
0x214: {  	v3 =	vld [tilespmem:s29+$0xFFFFFE40];
	(v2sf) =	vpush v1, $0x2;
	_ =	sdelay $0x4  }
0x215: {  	v2 =	vadd.f32 v3, v2;
	_ =	sdelay $0x1  }
0x216: {  	[tilespmem:s1+$0x6D80] =	vst v2;
	v2 =	vld [tilespmem:s1+$0x6D90]  }
0x217: {  	v3 =	vld [tilespmem:s29+$0xFFFFFE50];
	_ =	sdelay $0x4  }
0x218: {  	v2 =	vadd.f32 v3, v2;
	_ =	sdelay $0x1  }
0x219: {  	[tilespmem:s1+$0x6D90] =	vst v2;
	s1 =	spop (v2sf)  }
0x21a: {  	v2 =	vld [tilespmem:s1+$0x6D80]  }
0x21b: {  	v3 =	vld [tilespmem:s29+$0xFFFFFE80];
	(v2sf) =	vpush v1, $0x3;
	_ =	sdelay $0x4  }
0x21c: {  	v2 =	vadd.f32 v3, v2;
	_ =	sdelay $0x1  }
0x21d: {  	[tilespmem:s1+$0x6D80] =	vst v2;
	v2 =	vld [tilespmem:s1+$0x6D90]  }
0x21e: {  	v3 =	vld [tilespmem:s29+$0xFFFFFE90];
	_ =	sdelay $0x4  }
0x21f: {  	v2 =	vadd.f32 v3, v2  }
0x220: {  	s3 =	sadd.s32 s0, s28  }
0x221: {  	s7 =	sadd.s32 $0xC0, s3;
	s6 =	sadd.s32 $0x140, s3;
	[tilespmem:s1+$0x6D90] =	vst v2;
	s8 =	spop (v2sf)  }
0x222: {  	s21 =	sadd.s32 $0x240, s3;
	s19 =	sadd.s32 $0x2C0, s3;
	s0 =	sor.u32 $0x60, s7;
	v2 =	vld [tilespmem:s8+$0x6D80]  }
0x223: {  	s1 =	sadd.s32 $0x3C0, s3;
	v3 =	vld [tilespmem:s0+$0x1D80];
	s0 =	sadd.s32 $0x340, s3;
	(v2sf) =	vpush v1, $0x4;
	_ =	sdelay $0x4  }
0x224: {  	v2 =	vadd.f32 v3, v2;
	_ =	sdelay $0x1  }
0x225: {  	s7 =	sor.u32 $0x70, s7;
	[tilespmem:s8+$0x6D80] =	vst v2;
	v2 =	vld [tilespmem:s8+$0x6D90]  }
0x226: {  	v3 =	vld [tilespmem:s7+$0x1D80];
	_ =	sdelay $0x4  }
0x227: {  	v2 =	vadd.f32 v3, v2;
	_ =	sdelay $0x1  }
0x228: {  	[tilespmem:s8+$0x6D90] =	vst v2;
	s7 =	spop (v2sf)  }
0x229: {  	v2 =	vld [tilespmem:s7+$0x6D80]  }
0x22a: {  	v3 =	vld [tilespmem:s29+$0xFFFFFF00];
	(v2sf) =	vpush v1, $0x5;
	_ =	sdelay $0x4  }
0x22b: {  	v2 =	vadd.f32 v3, v2;
	_ =	sdelay $0x1  }
0x22c: {  	[tilespmem:s7+$0x6D80] =	vst v2;
	v2 =	vld [tilespmem:s7+$0x6D90]  }
0x22d: {  	v3 =	vld [tilespmem:s29+$0xFFFFFF10];
	_ =	sdelay $0x4  }
0x22e: {  	v2 =	vadd.f32 v3, v2;
	_ =	sdelay $0x1  }
0x22f: {  	[tilespmem:s7+$0x6D90] =	vst v2;
	s7 =	spop (v2sf)  }
0x230: {  	s8 =	sor.u32 $0x60, s6;
	v2 =	vld [tilespmem:s7+$0x6D80]  }
0x231: {  	v3 =	vld [tilespmem:s8+$0x1D80];
	(v2sf) =	vpush v1, $0x6;
	_ =	sdelay $0x4  }
0x232: {  	v2 =	vadd.f32 v3, v2;
	_ =	sdelay $0x1  }
0x233: {  	s6 =	sor.u32 $0x70, s6;
	[tilespmem:s7+$0x6D80] =	vst v2;
	v2 =	vld [tilespmem:s7+$0x6D90]  }
0x234: {  	v3 =	vld [tilespmem:s6+$0x1D80];
	_ =	sdelay $0x4  }
0x235: {  	v2 =	vadd.f32 v3, v2;
	_ =	sdelay $0x1  }
0x236: {  	[tilespmem:s7+$0x6D90] =	vst v2;
	s6 =	spop (v2sf)  }
0x237: {  	v2 =	vld [tilespmem:s6+$0x6D80]  }
0x238: {  	v3 =	vld [tilespmem:s29+$0xFFFFFF80];
	(v2sf) =	vpush v1, $0x7;
	_ =	sdelay $0x4  }
0x239: {  	v2 =	vadd.f32 v3, v2;
	_ =	sdelay $0x1  }
0x23a: {  	[tilespmem:s6+$0x6D80] =	vst v2;
	v2 =	vld [tilespmem:s6+$0x6D90]  }
0x23b: {  	v3 =	vld [tilespmem:s29+$0xFFFFFF90];
	_ =	sdelay $0x4  }
0x23c: {  	v2 =	vadd.f32 v3, v2;
	_ =	sdelay $0x1  }
0x23d: {  	s3 =	sadd.s32 $0x1C0, s3;
	[tilespmem:s6+$0x6D90] =	vst v2;
	s6 =	spop (v2sf)  }
0x23e: {  	s7 =	sor.u32 $0x60, s3;
	v2 =	vld [tilespmem:s6+$0x6D80]  }
0x23f: {  	v3 =	vld [tilespmem:s7+$0x1D80];
	(v2sf) =	vpush v1, $0x8;
	_ =	sdelay $0x4  }
0x240: {  	v2 =	vadd.f32 v3, v2;
	_ =	sdelay $0x1  }
0x241: {  	s3 =	sor.u32 $0x70, s3;
	[tilespmem:s6+$0x6D80] =	vst v2;
	v2 =	vld [tilespmem:s6+$0x6D90]  }
0x242: {  	v3 =	vld [tilespmem:s3+$0x1D80];
	_ =	sdelay $0x4  }
0x243: {  	v2 =	vadd.f32 v3, v2;
	_ =	sdelay $0x1  }
0x244: {  	[tilespmem:s6+$0x6D90] =	vst v2;
	s3 =	spop (v2sf)  }
0x245: {  	v2 =	vld [tilespmem:s3+$0x6D80]  }
0x246: {  	v3 =	vld [tilespmem:s29+$0x0];
	(v2sf) =	vpush v1, $0x9;
	_ =	sdelay $0x4  }
0x247: {  	v2 =	vadd.f32 v3, v2;
	_ =	sdelay $0x1  }
0x248: {  	[tilespmem:s3+$0x6D80] =	vst v2;
	v2 =	vld [tilespmem:s3+$0x6D90]  }
0x249: {  	v3 =	vld [tilespmem:s29+$0x10];
	_ =	sdelay $0x4  }
0x24a: {  	v2 =	vadd.f32 v3, v2;
	_ =	sdelay $0x1  }
0x24b: {  	[tilespmem:s3+$0x6D90] =	vst v2;
	s3 =	spop (v2sf)  }
0x24c: {  	s6 =	sor.u32 $0x60, s21;
	v2 =	vld [tilespmem:s3+$0x6D80]  }
0x24d: {  	v3 =	vld [tilespmem:s6+$0x1D80];
	(v2sf) =	vpush v1, $0xA  }
0x24e: {  	v4 =	vld [tilespmem:s3+$0x6D90];
	_ =	sdelay $0x3  }
0x24f: {  	v2 =	vadd.f32 v3, v2;
	_ =	sdelay $0x1  }
0x250: {  	s6 =	sor.u32 $0x70, s21;
	[tilespmem:s3+$0x6D80] =	vst v2  }
0x251: {  	v2 =	vld [tilespmem:s6+$0x1D80];
	_ =	sdelay $0x4  }
0x252: {  	v2 =	vadd.f32 v2, v4;
	_ =	sdelay $0x1  }
0x253: {  	[tilespmem:s3+$0x6D90] =	vst v2;
	s3 =	spop (v2sf)  }
0x254: {  	v2 =	vld [tilespmem:s3+$0x6D80]  }
0x255: {  	v3 =	vld [tilespmem:s29+$0x80];
	(v2sf) =	vpush v1, $0xB  }
0x256: {  	v4 =	vld [tilespmem:s3+$0x6D90];
	_ =	sdelay $0x3  }
0x257: {  	v2 =	vadd.f32 v3, v2;
	_ =	sdelay $0x1  }
0x258: {  	[tilespmem:s3+$0x6D80] =	vst v2  }
0x259: {  	v2 =	vld [tilespmem:s29+$0x90];
	_ =	sdelay $0x4  }
0x25a: {  	v2 =	vadd.f32 v2, v4;
	_ =	sdelay $0x1  }
0x25b: {  	[tilespmem:s3+$0x6D90] =	vst v2;
	s3 =	spop (v2sf)  }
0x25c: {  	s6 =	sor.u32 $0x60, s19;
	v2 =	vld [tilespmem:s3+$0x6D80]  }
0x25d: {  	v3 =	vld [tilespmem:s6+$0x1D80];
	(v2sf) =	vpush v1, $0xC  }
0x25e: {  	v4 =	vld [tilespmem:s3+$0x6D90];
	_ =	sdelay $0x3  }
0x25f: {  	v2 =	vadd.f32 v3, v2;
	_ =	sdelay $0x1  }
0x260: {  	s6 =	sor.u32 $0x70, s19;
	[tilespmem:s3+$0x6D80] =	vst v2  }
0x261: {  	v2 =	vld [tilespmem:s6+$0x1D80];
	_ =	sdelay $0x4  }
0x262: {  	v2 =	vadd.f32 v2, v4;
	_ =	sdelay $0x1  }
0x263: {  	[tilespmem:s3+$0x6D90] =	vst v2;
	s3 =	spop (v2sf)  }
0x264: {  	v2 =	vld [tilespmem:s3+$0x6D80]  }
0x265: {  	v3 =	vld [tilespmem:s29+$0x100];
	(v2sf) =	vpush v1, $0xD  }
0x266: {  	v4 =	vld [tilespmem:s3+$0x6D90];
	_ =	sdelay $0x3  }
0x267: {  	v2 =	vadd.f32 v3, v2;
	_ =	sdelay $0x1  }
0x268: {  	[tilespmem:s3+$0x6D80] =	vst v2  }
0x269: {  	v2 =	vld [tilespmem:s29+$0x110];
	_ =	sdelay $0x4  }
0x26a: {  	v2 =	vadd.f32 v2, v4;
	_ =	sdelay $0x1  }
0x26b: {  	[tilespmem:s3+$0x6D90] =	vst v2;
	s3 =	spop (v2sf)  }
0x26c: {  	s6 =	sor.u32 $0x60, s0;
	v2 =	vld [tilespmem:s3+$0x6D80]  }
0x26d: {  	v3 =	vld [tilespmem:s6+$0x1D80];
	(v2sf) =	vpush v1, $0xE  }
0x26e: {  	v4 =	vld [tilespmem:s3+$0x6D90];
	_ =	sdelay $0x3  }
0x26f: {  	v2 =	vadd.f32 v3, v2;
	_ =	sdelay $0x1  }
0x270: {  	s0 =	sor.u32 $0x70, s0;
	[tilespmem:s3+$0x6D80] =	vst v2  }
0x271: {  	v2 =	vld [tilespmem:s0+$0x1D80];
	_ =	sdelay $0x4  }
0x272: {  	v2 =	vadd.f32 v2, v4;
	_ =	sdelay $0x1  }
0x273: {  	[tilespmem:s3+$0x6D90] =	vst v2;
	s0 =	spop (v2sf)  }
0x274: {  	v2 =	vld [tilespmem:s0+$0x6D80]  }
0x275: {  	v3 =	vld [tilespmem:s29+$0x180]  }
0x276: {  	v4 =	vld [tilespmem:s0+$0x6D90];
	(v2sf) =	vpush v1, $0xF;
	_ =	sdelay $0x3  }
0x277: {  	v1 =	vadd.f32 v3, v2;
	_ =	sdelay $0x1  }
0x278: {  	[tilespmem:s0+$0x6D80] =	vst v1  }
0x279: {  	v1 =	vld [tilespmem:s29+$0x190];
	_ =	sdelay $0x2  }
.Ltmp5:
0x27a: {  	(pc) =	sbr.rel @!p5 .LBB2_15-.Ltmp5, $3  }
0x27b: {  	_ = 	snop  }
0x27c: {  	v1 =	vadd.f32 v1, v4;
	_ =	sdelay $0x1  }
0x27d: {  	[tilespmem:s0+$0x6D90] =	vst v1;
	s0 =	sor.u32 $0x60, s1  }
0x27e: {  	v1 =	vld [tilespmem:s0+$0x1D80];
	s31 =	spop (v2sf)  }
0x27f: {  	v2 =	vld [tilespmem:s31+$0x6D80];
	_ =	sdelay $0x4  }
0x280: {  	v1 =	vadd.f32 v1, v2;
	_ =	sdelay $0x1  }
0x281: {  	s1 =	sor.u32 $0x70, s1;
	[tilespmem:s31+$0x6D80] =	vst v1;
	v1 =	vld [tilespmem:s31+$0x6D90]  }
0x282: {  	v2 =	vld [tilespmem:s1+$0x1D80];
	_ =	sdelay $0x4  }
0x283: {  	v1 =	vadd.f32 v2, v1;
	_ =	sdelay $0x1  }
0x284: {  	[tilespmem:s31+$0x6D90] =	vst v1  }
0x285: {  	p5 =	seq.s32 s25, s15  }
.Ltmp6:
0x286: {  	_ = 	snop;
	(pc) =	sbr.rel @!p5 .LBB2_14-.Ltmp6, $2  }
0x287: {  	_ =	sdelay $0x2  }
0x288: {  	s26 =	sadd.s32 $0xA0, s26  }
0x289: {  	s0 =	simm.s32 @!p1 $0xED00  }
0x28a: {  	[spmem:s2] =	stream.linear.scatter @!p1 [tilespmem:s0], [sflag:$0x2], $0x80, $0x38;
	[tilespmem:$0xF008] =	vst v63  }
0x28b: {  	s0 =	simm.s32 @!p1 $0x2  }
0x28c: {  	_ =	swait.ge @!p1 [sflag:s0], $0x80  }
0x28d: {  	[sflag:s0] =	ssyncset.done @!p1 $0x0  }
0x28e: {  	[sflag:s0] =	ssyncadd.s32 @!p1 $0xFFFFFF80  }
0x28f: {  	s0 =	simm.s32 @p4 $0xEF80;
	[bflag:$0x0] =	sbarrier.arrive $0xFFFF  }
0x290: {  	[tilespmem:s0], [sflag:$0x2] =	stream.linear.gather @p4 [spmem:s2], $0x80, $0x38;
	[tilespmem:$0xF008] =	vst v63  }
0x291: {  	s0 =	simm.s32 @p4 $0x2  }
0x292: {  	_ =	swait.ge @p4 [sflag:s0], $0x80  }
0x293: {  	[sflag:s0] =	ssyncset.done @p4 $0x0  }
0x294: {  	[sflag:s0] =	ssyncadd.s32 @p4 $0xFFFFFF80  }
0x295: {  	v1 =	vld @p4 [tilespmem:$0xED00]  }
0x296: {  	v2 =	vld @p4 [tilespmem:$0xEF80]  }
0x297: {  	v3 =	vld @p4 [tilespmem:$0xED10]  }
0x298: {  	v4 =	vld @p4 [tilespmem:$0xEF90]  }
0x299: {  	v5 =	vld @p4 [tilespmem:$0xED20]  }
0x29a: {  	v6 =	vld @p4 [tilespmem:$0xEFA0]  }
0x29b: {  	v7 =	vld @p4 [tilespmem:$0xED30]  }
0x29c: {  	v8 =	vld @p4 [tilespmem:$0xEFB0]  }
0x29d: {  	v9 =	vld @p4 [tilespmem:$0xED40]  }
0x29e: {  	v10 =	vld @p4 [tilespmem:$0xEFC0]  }
0x29f: {  	v11 =	vld @p4 [tilespmem:$0xED50]  }
0x2a0: {  	v12 =	vld @p4 [tilespmem:$0xEFD0]  }
0x2a1: {  	v13 =	vld @p4 [tilespmem:$0xED60]  }
0x2a2: {  	v1 =	vadd.f32 @p4 v2, v1;
	v2 =	vld @p4 [tilespmem:$0xEFE0]  }
0x2a3: {  	v3 =	vadd.f32 @p4 v4, v3;
	v4 =	vld @p4 [tilespmem:$0xED70]  }
0x2a4: {  	[tilespmem:$0xED00] =	vst @p4 v1;
	v1 =	vadd.f32 @p4 v6, v5;
	v5 =	vld @p4 [tilespmem:$0xEFF0]  }
0x2a5: {  	[tilespmem:$0xED10] =	vst @p4 v3;
	v3 =	vadd.f32 @p4 v8, v7  }
0x2a6: {  	[tilespmem:$0xED20] =	vst @p4 v1;
	v1 =	vadd.f32 @p4 v10, v9  }
0x2a7: {  	[tilespmem:$0xED30] =	vst @p4 v3;
	v3 =	vadd.f32 @p4 v12, v11  }
0x2a8: {  	[tilespmem:$0xED40] =	vst @p4 v1;
	v1 =	vadd.f32 @p4 v2, v13  }
0x2a9: {  	[tilespmem:$0xED50] =	vst @p4 v3;
	v2 =	vadd.f32 @p4 v5, v4  }
0x2aa: {  	[tilespmem:$0xED60] =	vst @p4 v1  }
0x2ab: {  	s1 =	simm.s32 @p3 $0x100;
	[tilespmem:$0xED70] =	vst @p4 v2  }
0x2ac: {  	s3 =	simm.s32 @p3 $0x6D80;
	s0 =	simm.s32 @p3 $0x80;
	[bflag:$0x0] =	sbarrier.arrive $0xFFFF  }
0x2ad: {  	[hbm4b:s14+s0] =	stream.strided.scatter @p3 [tilespmem:s3], [sflag:$0x2], $0x7F80, s1, s0, $0x38;
	[tilespmem:$0xF008] =	vst v63  }
0x2ae: {  	s0 =	simm.s32 @p3 $0x2  }
0x2af: {  	s24 =	sadd.s32 $0x1, s24;
	_ =	swait.ge @p3 [sflag:s0], $0x7F80  }
0x2b0: {  	p4 =	sne.s32 s24, s16;
	s1 =	simm.s32 @!p3 $0x400;
	[sflag:s0] =	ssyncset.done @p3 $0x0  }
0x2b1: {  	s3 =	simm.s32 @!p3 $0x6D80;
	[sflag:s0] =	ssyncadd.s32 @p3 $0xFFFF8080;
	s0 =	simm.s32 @!p3 $0x80  }
0x2b2: {  	[hbm4b:s13+s0] =	stream.strided.scatter @!p3 [tilespmem:s3], [sflag:$0x2], $0x8000, s1, s0, $0x38;
	[tilespmem:$0xF008] =	vst v63  }
.Ltmp7:
0x2b3: {  	_ = 	snop;
	(pc) =	sbr.rel @p4 .LBB2_1-.Ltmp7, $4  }
0x2b4: {  	s0 =	simm.s32 @!p3 $0x2  }
0x2b5: {  	_ =	swait.ge @!p3 [sflag:s0], $0x8000  }
0x2b6: {  	[sflag:s0] =	ssyncset.done @!p3 $0x0  }
0x2b7: {  	[sflag:s0] =	ssyncadd.s32 @!p3 $0xFFFF8000  }
0x2b8: {  	_ =	sfence.sel $0x180000  }
0x2b9: {  	[bflag:$0x0] =	sbarrier.arrive $0xFFFF  }
0x2ba: {  	_ =	strace $0x9000004A  }
0x2bb: {  	s0 =	stileid.u32;
	[bflag:$0x2] =	sbarrier.arrive $0xFFFF  }
0x2bc: {  	p0 =	sne.s32 s0, $0x0;
	s0 =	rddreg [dreg:$0x3]  }
0x2bd: {  	s0 =	sadd.s32 @!p0 $0x100000, s0  }
0x2be: {  	[sflag:s0] =	ssyncadd.tile.s32 @!p0 $0x1;
	_ =	shalt  }
.Lfunc_end2:
_tile_overlayer_lowered:
.L_overlay_start_2:
0x2bf: {  	(tag) =	ssettag $0x2  }
0x2c0: {  	s0 =	rddreg [dreg:$0x0];
	s2 =	stileid.u32  }
0x2c1: {  	s1 =	rddreg [dreg:$0x1];
	p0 =	sne.s32 s2, $0x0  }
0x2c2: {  	s3 =	rddreg [dreg:$0x2];
	[bflag:$0x3] =	sbarrier.arrive $0xFFFF;
	s2 =	simm.s32 @!p0 $0x1C02  }
0x2c3: {  	[timem:s3], [sflag:s2] =	dma.local @!p0 [hbm:s0], s1  }
0x2c4: {  	s0 =	simm.s32 @!p0 $0x2  }
0x2c5: {  	_ =	swait.ge @!p0 [sflag:s0], s1  }
0x2c6: {  	s1 =	ssub.s32 @!p0 $0x0, s1;
	[sflag:s0] =	ssyncset.done @!p0 $0x0  }
0x2c7: {  	[sflag:s0] =	ssyncadd.s32 @!p0 s1  }
0x2c8: {  	[bflag:$0x3] =	sbarrier.arrive $0xFFFF  }
0x2c9: {  	_ =	shalt  }

</sc_bundles>
